<compile_context>
chip_gen: v7x
topology: tpu7x:2x2x1
jax: 0.10.2.dev20260603
libtpu: 0.0.44.dev20260713+nightly
codegen_flags: <defaults>
</compile_context>

<pallas_src>
import functools

import jax
import jax.numpy as jnp
from jax import lax
from jax.experimental import pallas as pl
from jax.experimental.pallas import tpu as pltpu
from jax.experimental.pallas import tpu_sc as plsc

_B = 256
_H = 512
_W = 512
_NPX = 256
_NC, _NS = 2, 16
_NW = _NC * _NS
_BPW = _B // _NW
_WAVE = 128
_NWAVES = _BPW * _NPX // _WAVE
_LANES = 16
_GRAN = 128
_DEPTH = 4
_GWAVE = 64
_GNWAVES = _BPW * _NPX // _GWAVE

_mesh = plsc.VectorSubcoreMesh(core_axis_name="c", subcore_axis_name="s")


@functools.partial(
    pl.kernel,
    mesh=_mesh,
    out_type=jax.ShapeDtypeStruct((_B, _NPX), jnp.float32),
    scratch_types=[
        pltpu.VMEM((_NPX,), jnp.int32),
        pltpu.VMEM((_NPX,), jnp.int32),
        [pltpu.VMEM((_WAVE,), jnp.int32) for _ in range(_DEPTH)],
        [pltpu.VMEM((_WAVE, _GRAN), jnp.float32) for _ in range(_DEPTH)],
        pltpu.VMEM((_GWAVE, _W), jnp.float32),
        pltpu.VMEM((_BPW, _NPX), jnp.float32),
        [pltpu.SemaphoreType.DMA for _ in range(_DEPTH)],
    ],
    compiler_params=pltpu.CompilerParams(needs_layout_passes=False),
)
def _sc_gather(img_hbm, px_hbm, out_hbm, row_pat_v, col_v, row_ring,
               gran_ring, rows_v, out_v, sem_ring):
    wid = lax.axis_index("s") * _NC + lax.axis_index("c")
    pltpu.sync_copy(px_hbm, row_pat_v)
    lane_iota = lax.iota(jnp.int32, _LANES)

    cmin = jnp.full((_LANES,), _W - 1, jnp.int32)
    cmax = jnp.zeros((_LANES,), jnp.int32)
    for k in range(_NPX // _LANES):
        sl = pl.ds(k * _LANES, _LANES)
        px = row_pat_v[sl]
        col = px & (_W - 1)
        cmin = jnp.minimum(cmin, col)
        cmax = jnp.maximum(cmax, col)
        col_v[sl] = col
        row_pat_v[sl] = px >> 9
    cmin_s = jnp.min(cmin, axis=0)
    cmax_s = jnp.max(cmax, axis=0)
    win0 = pl.multiple_of((cmin_s >> 7) << 7, _GRAN)
    one_window = (cmax_s >> 7) == (cmin_s >> 7)

    @pl.when(one_window)
    def _fast():
        base_b = wid * _BPW

        def _build_and_fire(w, slot):
            b = w >> 1
            j0 = (w & 1) * _WAVE
            row_base = (base_b + b) * _H
            rv = row_ring[slot]
            for k in range(_WAVE // _LANES):
                sl = pl.ds(k * _LANES, _LANES)
                rv[sl] = row_pat_v[pl.ds(j0 + k * _LANES, _LANES)] + row_base
            pltpu.async_copy(
                img_hbm.at[rv, pl.ds(win0, _GRAN)],
                gran_ring[slot],
                sem_ring[slot],
            )

        def _drain_and_pick(w, slot):
            b = w >> 1
            j0 = (w & 1) * _WAVE
            pltpu.make_async_copy(
                img_hbm.at[row_ring[slot], pl.ds(win0, _GRAN)],
                gran_ring[slot],
                sem_ring[slot],
            ).wait()
            for k in range(_WAVE // _LANES):
                lane = col_v[pl.ds(j0 + k * _LANES, _LANES)] - win0
                vals = plsc.load_gather(
                    gran_ring[slot], [lane_iota + k * _LANES, lane]
                )
                out_v[b, pl.ds(j0 + k * _LANES, _LANES)] = vals

        for s in range(_DEPTH - 1):
            _build_and_fire(jnp.int32(s), s)

        @pl.loop(0, _NWAVES, step=_DEPTH)
        def _wave(w0):
            for s in range(_DEPTH):
                w = w0 + s

                @pl.when(w + _DEPTH - 1 < _NWAVES)
                def _fire_next():
                    _build_and_fire(w + _DEPTH - 1, (s + _DEPTH - 1) % _DEPTH)

                _drain_and_pick(w, s)

        pltpu.sync_copy(out_v, out_hbm.at[pl.ds(base_b, _BPW)])

    @pl.when(jnp.logical_not(one_window))
    def _general():
        base_b = wid * _BPW

        @pl.loop(0, _GNWAVES)
        def _wave(w):
            b = w >> 2
            j0 = (w & 3) * _GWAVE
            row_base = (base_b + b) * _H
            rv = row_ring[0]
            for k in range(_GWAVE // _LANES):
                sl = pl.ds(k * _LANES, _LANES)
                rv[sl] = row_pat_v[pl.ds(j0 + k * _LANES, _LANES)] + row_base
            pltpu.async_copy(
                img_hbm.at[rv.at[pl.ds(0, _GWAVE)]], rows_v, sem_ring[0]
            ).wait()
            for k in range(_GWAVE // _LANES):
                vals = plsc.load_gather(
                    rows_v,
                    [lane_iota + k * _LANES, col_v[pl.ds(j0 + k * _LANES, _LANES)]],
                )
                out_v[b, pl.ds(j0 + k * _LANES, _LANES)] = vals

        pltpu.sync_copy(out_v, out_hbm.at[pl.ds(base_b, _BPW)])


def kernel(img, px_ind):
    img2 = img.reshape(_B * _H, _W)
    return _sc_gather(img2, px_ind)

# --- scband reference (transcript-rebuilt; emitter-appended) ---
"""Pipeline reference for scband-image2-tensor-91199335563390 (READ-ONLY COPY).

The authoritative reference and input builder live on the scoring server;
editing this copy changes nothing except your own understanding.
"""

import jax, jax.numpy as jnp
import numpy as np


def setup_inputs(seed: int = 0) -> dict:
    key = jax.random.key(seed)
    img = jax.random.normal(jax.random.fold_in(key, 0), (256, 1, 512, 512), dtype=jnp.float32)
    # buffer px_ind: strided pixel indices into the flattened 512x512 image
    px_ind = jnp.arange(256, dtype=jnp.int32) * 1024
    return {"img": img, "px_ind": px_ind}


def reference(img, px_ind):
    batch_size = img.shape[0]
    img_flat = img.reshape(batch_size, -1)
    # img_flat[:, px_ind]  -> gather along axis 1
    return jnp.take(img_flat, px_ind, axis=1)

if __name__ == "__main__":
    import jax
    _d = setup_inputs()
    print(jax.jit(kernel)(*tuple(_d.values())))

</pallas_src>

<mosaic_0001>
#map = affine_map<(d0, d1) -> (0, 0)>
#map1 = affine_map<(d0, d1) -> (0)>
module attributes {stable_mosaic.version = 14 : i64} {
  func.func @_sc_gather(%arg0: i32, %arg1: i32, %arg2: memref<131072x512xf32, #tpu.memory_space<hbm>>, %arg3: memref<256xi32, #tpu.memory_space<hbm>>, %arg4: memref<256x256xf32, #tpu.memory_space<hbm>>, %arg5: memref<256xi32, #tpu.memory_space<vmem>>, %arg6: memref<256xi32, #tpu.memory_space<vmem>>, %arg7: memref<128xi32, #tpu.memory_space<vmem>>, %arg8: memref<128xi32, #tpu.memory_space<vmem>>, %arg9: memref<128xi32, #tpu.memory_space<vmem>>, %arg10: memref<128xi32, #tpu.memory_space<vmem>>, %arg11: memref<128x128xf32, #tpu.memory_space<vmem>>, %arg12: memref<128x128xf32, #tpu.memory_space<vmem>>, %arg13: memref<128x128xf32, #tpu.memory_space<vmem>>, %arg14: memref<128x128xf32, #tpu.memory_space<vmem>>, %arg15: memref<64x512xf32, #tpu.memory_space<vmem>>, %arg16: memref<8x256xf32, #tpu.memory_space<vmem>>, %arg17: memref<!tpu.dma_semaphore, #tpu.memory_space<semaphore_mem>>, %arg18: memref<!tpu.dma_semaphore, #tpu.memory_space<semaphore_mem>>, %arg19: memref<!tpu.dma_semaphore, #tpu.memory_space<semaphore_mem>>, %arg20: memref<!tpu.dma_semaphore, #tpu.memory_space<semaphore_mem>>) attributes {dimension_semantics = [#tpu.dimension_semantics<core_parallel>, #tpu.dimension_semantics<subcore_parallel>], iteration_bounds = array<i64: 2, 16>, scalar_prefetch = 0 : i64, scratch_operands = 16 : i64, tpu.core_type = #tpu.core_type<sc_vector_subcore>, window_params = [{transform_indices = #map}, {transform_indices = #map1}, {transform_indices = #map}]} {
    %mul3A = arith.constant 2 : i32
    %mul3A_0 = arith.muli %arg1, %mul3A : i32
    %add3A = arith.addi %mul3A_0, %arg0 : i32
    "tpu.region"() ({
      %run_scoped3A = tpu.sem_alloc : memref<!tpu.dma_semaphore, #tpu.memory_space<semaphore_mem>>
      tpu.enqueue_dma source(%arg3 : memref<256xi32, #tpu.memory_space<hbm>>) target(%arg5 : memref<256xi32, #tpu.memory_space<vmem>>) target_semaphore(%run_scoped3A : memref<!tpu.dma_semaphore, #tpu.memory_space<semaphore_mem>>)
      tpu.wait_dma2 semaphore(%run_scoped3A : memref<!tpu.dma_semaphore, #tpu.memory_space<semaphore_mem>>) src(%arg3 : memref<256xi32, #tpu.memory_space<hbm>>) dst(%arg5 : memref<256xi32, #tpu.memory_space<vmem>>)
      tpu.yield
    }) : () -> ()
    %iota3A = tpu.iota {dimensions = array<i32: 0>} : vector<16xi32>
    %broadcast_in_dim3A = arith.constant 511 : i32
    %broadcast_in_dim3A_1 = vector.broadcast %broadcast_in_dim3A : i32 to vector<16xi32>
    %broadcast_in_dim3A_2 = arith.constant 0 : i32
    %broadcast_in_dim3A_3 = vector.broadcast %broadcast_in_dim3A_2 : i32 to vector<16xi32>
    %get3A = arith.constant 0 : index
    %get3A_4 = tpu.vector_load %arg5[%get3A] {strides = array<i32>} : memref<256xi32, #tpu.memory_space<vmem>>, vector<16xi32>,
    %and3A = arith.constant 511 : i32
    %and3A_5 = vector.broadcast %and3A : i32 to vector<16xi32>
    %and3A_6 = arith.andi %get3A_4, %and3A_5 : vector<16xi32>
    %min3A = arith.minsi %broadcast_in_dim3A_1, %and3A_6 : vector<16xi32>
    %max3A = arith.maxsi %broadcast_in_dim3A_3, %and3A_6 : vector<16xi32>
    %swap3A = arith.constant 0 : index
    %swap3A_7 = tpu.vector_load %arg6[%swap3A] {strides = array<i32>} : memref<256xi32, #tpu.memory_space<vmem>>, vector<16xi32>,
    tpu.vector_store %arg6[%swap3A], %and3A_6 {strides = array<i32>} : memref<256xi32, #tpu.memory_space<vmem>>, vector<16xi32>,
    %shift_right_arithmetic3A = arith.constant 9 : i32
    %shift_right_arithmetic3A_8 = vector.broadcast %shift_right_arithmetic3A : i32 to vector<16xi32>
    %shift_right_arithmetic3A_9 = arith.shrsi %get3A_4, %shift_right_arithmetic3A_8 : vector<16xi32>
    %swap3A_10 = arith.constant 0 : index
    %swap3A_11 = tpu.vector_load %arg5[%swap3A_10] {strides = array<i32>} : memref<256xi32, #tpu.memory_space<vmem>>, vector<16xi32>,
    tpu.vector_store %arg5[%swap3A_10], %shift_right_arithmetic3A_9 {strides = array<i32>} : memref<256xi32, #tpu.memory_space<vmem>>, vector<16xi32>,
    %get3A_12 = arith.constant 16 : index
    %get3A_13 = tpu.vector_load %arg5[%get3A_12] {strides = array<i32>} : memref<256xi32, #tpu.memory_space<vmem>>, vector<16xi32>,
    %and3A_14 = arith.constant 511 : i32
    %and3A_15 = vector.broadcast %and3A_14 : i32 to vector<16xi32>
    %and3A_16 = arith.andi %get3A_13, %and3A_15 : vector<16xi32>
    %min3A_17 = arith.minsi %min3A, %and3A_16 : vector<16xi32>
    %max3A_18 = arith.maxsi %max3A, %and3A_16 : vector<16xi32>
    %swap3A_19 = arith.constant 16 : index
    %swap3A_20 = tpu.vector_load %arg6[%swap3A_19] {strides = array<i32>} : memref<256xi32, #tpu.memory_space<vmem>>, vector<16xi32>,
    tpu.vector_store %arg6[%swap3A_19], %and3A_16 {strides = array<i32>} : memref<256xi32, #tpu.memory_space<vmem>>, vector<16xi32>,
    %shift_right_arithmetic3A_21 = arith.constant 9 : i32
    %shift_right_arithmetic3A_22 = vector.broadcast %shift_right_arithmetic3A_21 : i32 to vector<16xi32>
    %shift_right_arithmetic3A_23 = arith.shrsi %get3A_13, %shift_right_arithmetic3A_22 : vector<16xi32>
    %swap3A_24 = arith.constant 16 : index
    %swap3A_25 = tpu.vector_load %arg5[%swap3A_24] {strides = array<i32>} : memref<256xi32, #tpu.memory_space<vmem>>, vector<16xi32>,
    tpu.vector_store %arg5[%swap3A_24], %shift_right_arithmetic3A_23 {strides = array<i32>} : memref<256xi32, #tpu.memory_space<vmem>>, vector<16xi32>,
    %get3A_26 = arith.constant 32 : index
    %get3A_27 = tpu.vector_load %arg5[%get3A_26] {strides = array<i32>} : memref<256xi32, #tpu.memory_space<vmem>>, vector<16xi32>,
    %and3A_28 = arith.constant 511 : i32
    %and3A_29 = vector.broadcast %and3A_28 : i32 to vector<16xi32>
    %and3A_30 = arith.andi %get3A_27, %and3A_29 : vector<16xi32>
    %min3A_31 = arith.minsi %min3A_17, %and3A_30 : vector<16xi32>
    %max3A_32 = arith.maxsi %max3A_18, %and3A_30 : vector<16xi32>
    %swap3A_33 = arith.constant 32 : index
    %swap3A_34 = tpu.vector_load %arg6[%swap3A_33] {strides = array<i32>} : memref<256xi32, #tpu.memory_space<vmem>>, vector<16xi32>,
    tpu.vector_store %arg6[%swap3A_33], %and3A_30 {strides = array<i32>} : memref<256xi32, #tpu.memory_space<vmem>>, vector<16xi32>,
    %shift_right_arithmetic3A_35 = arith.constant 9 : i32
    %shift_right_arithmetic3A_36 = vector.broadcast %shift_right_arithmetic3A_35 : i32 to vector<16xi32>
    %shift_right_arithmetic3A_37 = arith.shrsi %get3A_27, %shift_right_arithmetic3A_36 : vector<16xi32>
    %swap3A_38 = arith.constant 32 : index
    %swap3A_39 = tpu.vector_load %arg5[%swap3A_38] {strides = array<i32>} : memref<256xi32, #tpu.memory_space<vmem>>, vector<16xi32>,
    tpu.vector_store %arg5[%swap3A_38], %shift_right_arithmetic3A_37 {strides = array<i32>} : memref<256xi32, #tpu.memory_space<vmem>>, vector<16xi32>,
    %get3A_40 = arith.constant 48 : index
    %get3A_41 = tpu.vector_load %arg5[%get3A_40] {strides = array<i32>} : memref<256xi32, #tpu.memory_space<vmem>>, vector<16xi32>,
    %and3A_42 = arith.constant 511 : i32
    %and3A_43 = vector.broadcast %and3A_42 : i32 to vector<16xi32>
    %and3A_44 = arith.andi %get3A_41, %and3A_43 : vector<16xi32>
    %min3A_45 = arith.minsi %min3A_31, %and3A_44 : vector<16xi32>
    %max3A_46 = arith.maxsi %max3A_32, %and3A_44 : vector<16xi32>
    %swap3A_47 = arith.constant 48 : index
    %swap3A_48 = tpu.vector_load %arg6[%swap3A_47] {strides = array<i32>} : memref<256xi32, #tpu.memory_space<vmem>>, vector<16xi32>,
    tpu.vector_store %arg6[%swap3A_47], %and3A_44 {strides = array<i32>} : memref<256xi32, #tpu.memory_space<vmem>>, vector<16xi32>,
    %shift_right_arithmetic3A_49 = arith.constant 9 : i32
    %shift_right_arithmetic3A_50 = vector.broadcast %shift_right_arithmetic3A_49 : i32 to vector<16xi32>
    %shift_right_arithmetic3A_51 = arith.shrsi %get3A_41, %shift_right_arithmetic3A_50 : vector<16xi32>
    %swap3A_52 = arith.constant 48 : index
    %swap3A_53 = tpu.vector_load %arg5[%swap3A_52] {strides = array<i32>} : memref<256xi32, #tpu.memory_space<vmem>>, vector<16xi32>,
    tpu.vector_store %arg5[%swap3A_52], %shift_right_arithmetic3A_51 {strides = array<i32>} : memref<256xi32, #tpu.memory_space<vmem>>, vector<16xi32>,
    %get3A_54 = arith.constant 64 : index
    %get3A_55 = tpu.vector_load %arg5[%get3A_54] {strides = array<i32>} : memref<256xi32, #tpu.memory_space<vmem>>, vector<16xi32>,
    %and3A_56 = arith.constant 511 : i32
    %and3A_57 = vector.broadcast %and3A_56 : i32 to vector<16xi32>
    %and3A_58 = arith.andi %get3A_55, %and3A_57 : vector<16xi32>
    %min3A_59 = arith.minsi %min3A_45, %and3A_58 : vector<16xi32>
    %max3A_60 = arith.maxsi %max3A_46, %and3A_58 : vector<16xi32>
    %swap3A_61 = arith.constant 64 : index
    %swap3A_62 = tpu.vector_load %arg6[%swap3A_61] {strides = array<i32>} : memref<256xi32, #tpu.memory_space<vmem>>, vector<16xi32>,
    tpu.vector_store %arg6[%swap3A_61], %and3A_58 {strides = array<i32>} : memref<256xi32, #tpu.memory_space<vmem>>, vector<16xi32>,
    %shift_right_arithmetic3A_63 = arith.constant 9 : i32
    %shift_right_arithmetic3A_64 = vector.broadcast %shift_right_arithmetic3A_63 : i32 to vector<16xi32>
    %shift_right_arithmetic3A_65 = arith.shrsi %get3A_55, %shift_right_arithmetic3A_64 : vector<16xi32>
    %swap3A_66 = arith.constant 64 : index
    %swap3A_67 = tpu.vector_load %arg5[%swap3A_66] {strides = array<i32>} : memref<256xi32, #tpu.memory_space<vmem>>, vector<16xi32>,
    tpu.vector_store %arg5[%swap3A_66], %shift_right_arithmetic3A_65 {strides = array<i32>} : memref<256xi32, #tpu.memory_space<vmem>>, vector<16xi32>,
    %get3A_68 = arith.constant 80 : index
    %get3A_69 = tpu.vector_load %arg5[%get3A_68] {strides = array<i32>} : memref<256xi32, #tpu.memory_space<vmem>>, vector<16xi32>,
    %and3A_70 = arith.constant 511 : i32
    %and3A_71 = vector.broadcast %and3A_70 : i32 to vector<16xi32>
    %and3A_72 = arith.andi %get3A_69, %and3A_71 : vector<16xi32>
    %min3A_73 = arith.minsi %min3A_59, %and3A_72 : vector<16xi32>
    %max3A_74 = arith.maxsi %max3A_60, %and3A_72 : vector<16xi32>
    %swap3A_75 = arith.constant 80 : index
    %swap3A_76 = tpu.vector_load %arg6[%swap3A_75] {strides = array<i32>} : memref<256xi32, #tpu.memory_space<vmem>>, vector<16xi32>,
    tpu.vector_store %arg6[%swap3A_75], %and3A_72 {strides = array<i32>} : memref<256xi32, #tpu.memory_space<vmem>>, vector<16xi32>,
    %shift_right_arithmetic3A_77 = arith.constant 9 : i32
    %shift_right_arithmetic3A_78 = vector.broadcast %shift_right_arithmetic3A_77 : i32 to vector<16xi32>
    %shift_right_arithmetic3A_79 = arith.shrsi %get3A_69, %shift_right_arithmetic3A_78 : vector<16xi32>
    %swap3A_80 = arith.constant 80 : index
    %swap3A_81 = tpu.vector_load %arg5[%swap3A_80] {strides = array<i32>} : memref<256xi32, #tpu.memory_space<vmem>>, vector<16xi32>,
    tpu.vector_store %arg5[%swap3A_80], %shift_right_arithmetic3A_79 {strides = array<i32>} : memref<256xi32, #tpu.memory_space<vmem>>, vector<16xi32>,
    %get3A_82 = arith.constant 96 : index
    %get3A_83 = tpu.vector_load %arg5[%get3A_82] {strides = array<i32>} : memref<256xi32, #tpu.memory_space<vmem>>, vector<16xi32>,
    %and3A_84 = arith.constant 511 : i32
    %and3A_85 = vector.broadcast %and3A_84 : i32 to vector<16xi32>
    %and3A_86 = arith.andi %get3A_83, %and3A_85 : vector<16xi32>
    %min3A_87 = arith.minsi %min3A_73, %and3A_86 : vector<16xi32>
    %max3A_88 = arith.maxsi %max3A_74, %and3A_86 : vector<16xi32>
    %swap3A_89 = arith.constant 96 : index
    %swap3A_90 = tpu.vector_load %arg6[%swap3A_89] {strides = array<i32>} : memref<256xi32, #tpu.memory_space<vmem>>, vector<16xi32>,
    tpu.vector_store %arg6[%swap3A_89], %and3A_86 {strides = array<i32>} : memref<256xi32, #tpu.memory_space<vmem>>, vector<16xi32>,
    %shift_right_arithmetic3A_91 = arith.constant 9 : i32
    %shift_right_arithmetic3A_92 = vector.broadcast %shift_right_arithmetic3A_91 : i32 to vector<16xi32>
    %shift_right_arithmetic3A_93 = arith.shrsi %get3A_83, %shift_right_arithmetic3A_92 : vector<16xi32>
    %swap3A_94 = arith.constant 96 : index
    %swap3A_95 = tpu.vector_load %arg5[%swap3A_94] {strides = array<i32>} : memref<256xi32, #tpu.memory_space<vmem>>, vector<16xi32>,
    tpu.vector_store %arg5[%swap3A_94], %shift_right_arithmetic3A_93 {strides = array<i32>} : memref<256xi32, #tpu.memory_space<vmem>>, vector<16xi32>,
    %get3A_96 = arith.constant 112 : index
    %get3A_97 = tpu.vector_load %arg5[%get3A_96] {strides = array<i32>} : memref<256xi32, #tpu.memory_space<vmem>>, vector<16xi32>,
    %and3A_98 = arith.constant 511 : i32
    %and3A_99 = vector.broadcast %and3A_98 : i32 to vector<16xi32>
    %and3A_100 = arith.andi %get3A_97, %and3A_99 : vector<16xi32>
    %min3A_101 = arith.minsi %min3A_87, %and3A_100 : vector<16xi32>
    %max3A_102 = arith.maxsi %max3A_88, %and3A_100 : vector<16xi32>
    %swap3A_103 = arith.constant 112 : index
    %swap3A_104 = tpu.vector_load %arg6[%swap3A_103] {strides = array<i32>} : memref<256xi32, #tpu.memory_space<vmem>>, vector<16xi32>,
    tpu.vector_store %arg6[%swap3A_103], %and3A_100 {strides = array<i32>} : memref<256xi32, #tpu.memory_space<vmem>>, vector<16xi32>,
    %shift_right_arithmetic3A_105 = arith.constant 9 : i32
    %shift_right_arithmetic3A_106 = vector.broadcast %shift_right_arithmetic3A_105 : i32 to vector<16xi32>
    %shift_right_arithmetic3A_107 = arith.shrsi %get3A_97, %shift_right_arithmetic3A_106 : vector<16xi32>
    %swap3A_108 = arith.constant 112 : index
    %swap3A_109 = tpu.vector_load %arg5[%swap3A_108] {strides = array<i32>} : memref<256xi32, #tpu.memory_space<vmem>>, vector<16xi32>,
    tpu.vector_store %arg5[%swap3A_108], %shift_right_arithmetic3A_107 {strides = array<i32>} : memref<256xi32, #tpu.memory_space<vmem>>, vector<16xi32>,
    %get3A_110 = arith.constant 128 : index
    %get3A_111 = tpu.vector_load %arg5[%get3A_110] {strides = array<i32>} : memref<256xi32, #tpu.memory_space<vmem>>, vector<16xi32>,
    %and3A_112 = arith.constant 511 : i32
    %and3A_113 = vector.broadcast %and3A_112 : i32 to vector<16xi32>
    %and3A_114 = arith.andi %get3A_111, %and3A_113 : vector<16xi32>
    %min3A_115 = arith.minsi %min3A_101, %and3A_114 : vector<16xi32>
    %max3A_116 = arith.maxsi %max3A_102, %and3A_114 : vector<16xi32>
    %swap3A_117 = arith.constant 128 : index
    %swap3A_118 = tpu.vector_load %arg6[%swap3A_117] {strides = array<i32>} : memref<256xi32, #tpu.memory_space<vmem>>, vector<16xi32>,
    tpu.vector_store %arg6[%swap3A_117], %and3A_114 {strides = array<i32>} : memref<256xi32, #tpu.memory_space<vmem>>, vector<16xi32>,
    %shift_right_arithmetic3A_119 = arith.constant 9 : i32
    %shift_right_arithmetic3A_120 = vector.broadcast %shift_right_arithmetic3A_119 : i32 to vector<16xi32>
    %shift_right_arithmetic3A_121 = arith.shrsi %get3A_111, %shift_right_arithmetic3A_120 : vector<16xi32>
    %swap3A_122 = arith.constant 128 : index
    %swap3A_123 = tpu.vector_load %arg5[%swap3A_122] {strides = array<i32>} : memref<256xi32, #tpu.memory_space<vmem>>, vector<16xi32>,
    tpu.vector_store %arg5[%swap3A_122], %shift_right_arithmetic3A_121 {strides = array<i32>} : memref<256xi32, #tpu.memory_space<vmem>>, vector<16xi32>,
    %get3A_124 = arith.constant 144 : index
    %get3A_125 = tpu.vector_load %arg5[%get3A_124] {strides = array<i32>} : memref<256xi32, #tpu.memory_space<vmem>>, vector<16xi32>,
    %and3A_126 = arith.constant 511 : i32
    %and3A_127 = vector.broadcast %and3A_126 : i32 to vector<16xi32>
    %and3A_128 = arith.andi %get3A_125, %and3A_127 : vector<16xi32>
    %min3A_129 = arith.minsi %min3A_115, %and3A_128 : vector<16xi32>
    %max3A_130 = arith.maxsi %max3A_116, %and3A_128 : vector<16xi32>
    %swap3A_131 = arith.constant 144 : index
    %swap3A_132 = tpu.vector_load %arg6[%swap3A_131] {strides = array<i32>} : memref<256xi32, #tpu.memory_space<vmem>>, vector<16xi32>,
    tpu.vector_store %arg6[%swap3A_131], %and3A_128 {strides = array<i32>} : memref<256xi32, #tpu.memory_space<vmem>>, vector<16xi32>,
    %shift_right_arithmetic3A_133 = arith.constant 9 : i32
    %shift_right_arithmetic3A_134 = vector.broadcast %shift_right_arithmetic3A_133 : i32 to vector<16xi32>
    %shift_right_arithmetic3A_135 = arith.shrsi %get3A_125, %shift_right_arithmetic3A_134 : vector<16xi32>
    %swap3A_136 = arith.constant 144 : index
    %swap3A_137 = tpu.vector_load %arg5[%swap3A_136] {strides = array<i32>} : memref<256xi32, #tpu.memory_space<vmem>>, vector<16xi32>,
    tpu.vector_store %arg5[%swap3A_136], %shift_right_arithmetic3A_135 {strides = array<i32>} : memref<256xi32, #tpu.memory_space<vmem>>, vector<16xi32>,
    %get3A_138 = arith.constant 160 : index
    %get3A_139 = tpu.vector_load %arg5[%get3A_138] {strides = array<i32>} : memref<256xi32, #tpu.memory_space<vmem>>, vector<16xi32>,
    %and3A_140 = arith.constant 511 : i32
    %and3A_141 = vector.broadcast %and3A_140 : i32 to vector<16xi32>
    %and3A_142 = arith.andi %get3A_139, %and3A_141 : vector<16xi32>
    %min3A_143 = arith.minsi %min3A_129, %and3A_142 : vector<16xi32>
    %max3A_144 = arith.maxsi %max3A_130, %and3A_142 : vector<16xi32>
    %swap3A_145 = arith.constant 160 : index
    %swap3A_146 = tpu.vector_load %arg6[%swap3A_145] {strides = array<i32>} : memref<256xi32, #tpu.memory_space<vmem>>, vector<16xi32>,
    tpu.vector_store %arg6[%swap3A_145], %and3A_142 {strides = array<i32>} : memref<256xi32, #tpu.memory_space<vmem>>, vector<16xi32>,
    %shift_right_arithmetic3A_147 = arith.constant 9 : i32
    %shift_right_arithmetic3A_148 = vector.broadcast %shift_right_arithmetic3A_147 : i32 to vector<16xi32>
    %shift_right_arithmetic3A_149 = arith.shrsi %get3A_139, %shift_right_arithmetic3A_148 : vector<16xi32>
    %swap3A_150 = arith.constant 160 : index
    %swap3A_151 = tpu.vector_load %arg5[%swap3A_150] {strides = array<i32>} : memref<256xi32, #tpu.memory_space<vmem>>, vector<16xi32>,
    tpu.vector_store %arg5[%swap3A_150], %shift_right_arithmetic3A_149 {strides = array<i32>} : memref<256xi32, #tpu.memory_space<vmem>>, vector<16xi32>,
    %get3A_152 = arith.constant 176 : index
    %get3A_153 = tpu.vector_load %arg5[%get3A_152] {strides = array<i32>} : memref<256xi32, #tpu.memory_space<vmem>>, vector<16xi32>,
    %and3A_154 = arith.constant 511 : i32
    %and3A_155 = vector.broadcast %and3A_154 : i32 to vector<16xi32>
    %and3A_156 = arith.andi %get3A_153, %and3A_155 : vector<16xi32>
    %min3A_157 = arith.minsi %min3A_143, %and3A_156 : vector<16xi32>
    %max3A_158 = arith.maxsi %max3A_144, %and3A_156 : vector<16xi32>
    %swap3A_159 = arith.constant 176 : index
    %swap3A_160 = tpu.vector_load %arg6[%swap3A_159] {strides = array<i32>} : memref<256xi32, #tpu.memory_space<vmem>>, vector<16xi32>,
    tpu.vector_store %arg6[%swap3A_159], %and3A_156 {strides = array<i32>} : memref<256xi32, #tpu.memory_space<vmem>>, vector<16xi32>,
    %shift_right_arithmetic3A_161 = arith.constant 9 : i32
    %shift_right_arithmetic3A_162 = vector.broadcast %shift_right_arithmetic3A_161 : i32 to vector<16xi32>
    %shift_right_arithmetic3A_163 = arith.shrsi %get3A_153, %shift_right_arithmetic3A_162 : vector<16xi32>
    %swap3A_164 = arith.constant 176 : index
    %swap3A_165 = tpu.vector_load %arg5[%swap3A_164] {strides = array<i32>} : memref<256xi32, #tpu.memory_space<vmem>>, vector<16xi32>,
    tpu.vector_store %arg5[%swap3A_164], %shift_right_arithmetic3A_163 {strides = array<i32>} : memref<256xi32, #tpu.memory_space<vmem>>, vector<16xi32>,
    %get3A_166 = arith.constant 192 : index
    %get3A_167 = tpu.vector_load %arg5[%get3A_166] {strides = array<i32>} : memref<256xi32, #tpu.memory_space<vmem>>, vector<16xi32>,
    %and3A_168 = arith.constant 511 : i32
    %and3A_169 = vector.broadcast %and3A_168 : i32 to vector<16xi32>
    %and3A_170 = arith.andi %get3A_167, %and3A_169 : vector<16xi32>
    %min3A_171 = arith.minsi %min3A_157, %and3A_170 : vector<16xi32>
    %max3A_172 = arith.maxsi %max3A_158, %and3A_170 : vector<16xi32>
    %swap3A_173 = arith.constant 192 : index
    %swap3A_174 = tpu.vector_load %arg6[%swap3A_173] {strides = array<i32>} : memref<256xi32, #tpu.memory_space<vmem>>, vector<16xi32>,
    tpu.vector_store %arg6[%swap3A_173], %and3A_170 {strides = array<i32>} : memref<256xi32, #tpu.memory_space<vmem>>, vector<16xi32>,
    %shift_right_arithmetic3A_175 = arith.constant 9 : i32
    %shift_right_arithmetic3A_176 = vector.broadcast %shift_right_arithmetic3A_175 : i32 to vector<16xi32>
    %shift_right_arithmetic3A_177 = arith.shrsi %get3A_167, %shift_right_arithmetic3A_176 : vector<16xi32>
    %swap3A_178 = arith.constant 192 : index
    %swap3A_179 = tpu.vector_load %arg5[%swap3A_178] {strides = array<i32>} : memref<256xi32, #tpu.memory_space<vmem>>, vector<16xi32>,
    tpu.vector_store %arg5[%swap3A_178], %shift_right_arithmetic3A_177 {strides = array<i32>} : memref<256xi32, #tpu.memory_space<vmem>>, vector<16xi32>,
    %get3A_180 = arith.constant 208 : index
    %get3A_181 = tpu.vector_load %arg5[%get3A_180] {strides = array<i32>} : memref<256xi32, #tpu.memory_space<vmem>>, vector<16xi32>,
    %and3A_182 = arith.constant 511 : i32
    %and3A_183 = vector.broadcast %and3A_182 : i32 to vector<16xi32>
    %and3A_184 = arith.andi %get3A_181, %and3A_183 : vector<16xi32>
    %min3A_185 = arith.minsi %min3A_171, %and3A_184 : vector<16xi32>
    %max3A_186 = arith.maxsi %max3A_172, %and3A_184 : vector<16xi32>
    %swap3A_187 = arith.constant 208 : index
    %swap3A_188 = tpu.vector_load %arg6[%swap3A_187] {strides = array<i32>} : memref<256xi32, #tpu.memory_space<vmem>>, vector<16xi32>,
    tpu.vector_store %arg6[%swap3A_187], %and3A_184 {strides = array<i32>} : memref<256xi32, #tpu.memory_space<vmem>>, vector<16xi32>,
    %shift_right_arithmetic3A_189 = arith.constant 9 : i32
    %shift_right_arithmetic3A_190 = vector.broadcast %shift_right_arithmetic3A_189 : i32 to vector<16xi32>
    %shift_right_arithmetic3A_191 = arith.shrsi %get3A_181, %shift_right_arithmetic3A_190 : vector<16xi32>
    %swap3A_192 = arith.constant 208 : index
    %swap3A_193 = tpu.vector_load %arg5[%swap3A_192] {strides = array<i32>} : memref<256xi32, #tpu.memory_space<vmem>>, vector<16xi32>,
    tpu.vector_store %arg5[%swap3A_192], %shift_right_arithmetic3A_191 {strides = array<i32>} : memref<256xi32, #tpu.memory_space<vmem>>, vector<16xi32>,
    %get3A_194 = arith.constant 224 : index
    %get3A_195 = tpu.vector_load %arg5[%get3A_194] {strides = array<i32>} : memref<256xi32, #tpu.memory_space<vmem>>, vector<16xi32>,
    %and3A_196 = arith.constant 511 : i32
    %and3A_197 = vector.broadcast %and3A_196 : i32 to vector<16xi32>
    %and3A_198 = arith.andi %get3A_195, %and3A_197 : vector<16xi32>
    %min3A_199 = arith.minsi %min3A_185, %and3A_198 : vector<16xi32>
    %max3A_200 = arith.maxsi %max3A_186, %and3A_198 : vector<16xi32>
    %swap3A_201 = arith.constant 224 : index
    %swap3A_202 = tpu.vector_load %arg6[%swap3A_201] {strides = array<i32>} : memref<256xi32, #tpu.memory_space<vmem>>, vector<16xi32>,
    tpu.vector_store %arg6[%swap3A_201], %and3A_198 {strides = array<i32>} : memref<256xi32, #tpu.memory_space<vmem>>, vector<16xi32>,
    %shift_right_arithmetic3A_203 = arith.constant 9 : i32
    %shift_right_arithmetic3A_204 = vector.broadcast %shift_right_arithmetic3A_203 : i32 to vector<16xi32>
    %shift_right_arithmetic3A_205 = arith.shrsi %get3A_195, %shift_right_arithmetic3A_204 : vector<16xi32>
    %swap3A_206 = arith.constant 224 : index
    %swap3A_207 = tpu.vector_load %arg5[%swap3A_206] {strides = array<i32>} : memref<256xi32, #tpu.memory_space<vmem>>, vector<16xi32>,
    tpu.vector_store %arg5[%swap3A_206], %shift_right_arithmetic3A_205 {strides = array<i32>} : memref<256xi32, #tpu.memory_space<vmem>>, vector<16xi32>,
    %get3A_208 = arith.constant 240 : index
    %get3A_209 = tpu.vector_load %arg5[%get3A_208] {strides = array<i32>} : memref<256xi32, #tpu.memory_space<vmem>>, vector<16xi32>,
    %and3A_210 = arith.constant 511 : i32
    %and3A_211 = vector.broadcast %and3A_210 : i32 to vector<16xi32>
    %and3A_212 = arith.andi %get3A_209, %and3A_211 : vector<16xi32>
    %min3A_213 = arith.minsi %min3A_199, %and3A_212 : vector<16xi32>
    %max3A_214 = arith.maxsi %max3A_200, %and3A_212 : vector<16xi32>
    %swap3A_215 = arith.constant 240 : index
    %swap3A_216 = tpu.vector_load %arg6[%swap3A_215] {strides = array<i32>} : memref<256xi32, #tpu.memory_space<vmem>>, vector<16xi32>,
    tpu.vector_store %arg6[%swap3A_215], %and3A_212 {strides = array<i32>} : memref<256xi32, #tpu.memory_space<vmem>>, vector<16xi32>,
    %shift_right_arithmetic3A_217 = arith.constant 9 : i32
    %shift_right_arithmetic3A_218 = vector.broadcast %shift_right_arithmetic3A_217 : i32 to vector<16xi32>
    %shift_right_arithmetic3A_219 = arith.shrsi %get3A_209, %shift_right_arithmetic3A_218 : vector<16xi32>
    %swap3A_220 = arith.constant 240 : index
    %swap3A_221 = tpu.vector_load %arg5[%swap3A_220] {strides = array<i32>} : memref<256xi32, #tpu.memory_space<vmem>>, vector<16xi32>,
    tpu.vector_store %arg5[%swap3A_220], %shift_right_arithmetic3A_219 {strides = array<i32>} : memref<256xi32, #tpu.memory_space<vmem>>, vector<16xi32>,
    %reduce_min3A = arith.constant true
    %reduce_min3A_222 = vector.broadcast %reduce_min3A : i1 to vector<16xi1>
    %reduce_min3A_223 = arith.constant -2147483648 : i32
    %reduce_min3A_224 = vector.broadcast %reduce_min3A_223 : i32 to vector<16xi32>
    %reduce_min3A_225 = arith.xori %min3A_213, %reduce_min3A_224 : vector<16xi32>
    %reduce_min3A_226 = tpu.scan <min>, %reduce_min3A_225 masked %reduce_min3A_222 : vector<16xi32>, vector<16xi1> -> vector<16xi32>
    %reduce_min3A_227 = arith.xori %reduce_min3A_226, %reduce_min3A_224 : vector<16xi32>
    %reduce_min3A_228 = vector.extract %reduce_min3A_227[15] : i32 from vector<16xi32>
    %reduce_max3A = arith.constant true
    %reduce_max3A_229 = vector.broadcast %reduce_max3A : i1 to vector<16xi1>
    %reduce_max3A_230 = arith.constant -2147483648 : i32
    %reduce_max3A_231 = vector.broadcast %reduce_max3A_230 : i32 to vector<16xi32>
    %reduce_max3A_232 = arith.xori %max3A_214, %reduce_max3A_231 : vector<16xi32>
    %reduce_max3A_233 = tpu.scan <max>, %reduce_max3A_232 masked %reduce_max3A_229 : vector<16xi32>, vector<16xi1> -> vector<16xi32>
    %reduce_max3A_234 = arith.xori %reduce_max3A_233, %reduce_max3A_231 : vector<16xi32>
    %reduce_max3A_235 = vector.extract %reduce_max3A_234[15] : i32 from vector<16xi32>
    %shift_right_arithmetic3A_236 = arith.constant 7 : i32
    %shift_right_arithmetic3A_237 = arith.shrsi %reduce_min3A_228, %shift_right_arithmetic3A_236 : i32
    %shift_left3A = arith.constant 7 : i32
    %shift_left3A_238 = arith.shli %shift_right_arithmetic3A_237, %shift_left3A : i32
    %multiple_of3A = tpu.assume_multiple %shift_left3A_238, 128 : i32
    %shift_right_arithmetic3A_239 = arith.constant 7 : i32
    %shift_right_arithmetic3A_240 = arith.shrsi %reduce_max3A_235, %shift_right_arithmetic3A_239 : i32
    %shift_right_arithmetic3A_241 = arith.constant 7 : i32
    %shift_right_arithmetic3A_242 = arith.shrsi %reduce_min3A_228, %shift_right_arithmetic3A_241 : i32
    %eq3A = arith.cmpi eq, %shift_right_arithmetic3A_240, %shift_right_arithmetic3A_242 : i32
    %convert_element_type3A = arith.extui %eq3A : i1 to i32
    %cond3A = arith.constant 0 : i32
    %cond3A_243 = arith.cmpi ne, %convert_element_type3A, %cond3A : i32
    scf.if %cond3A_243 {
      %mul3A_248 = arith.constant 8 : i32
      %mul3A_249 = arith.muli %add3A, %mul3A_248 : i32
      %shift_right_arithmetic3A_250 = arith.constant 0 : i32
      %shift_right_arithmetic3A_251 = arith.constant 1 : i32
      %shift_right_arithmetic3A_252 = arith.shrsi %shift_right_arithmetic3A_250, %shift_right_arithmetic3A_251 : i32
      %and3A_253 = arith.constant 0 : i32
      %and3A_254 = arith.constant 1 : i32
      %and3A_255 = arith.andi %and3A_253, %and3A_254 : i32
      %mul3A_256 = arith.constant 128 : i32
      %mul3A_257 = arith.muli %and3A_255, %mul3A_256 : i32
      %add3A_258 = arith.addi %mul3A_249, %shift_right_arithmetic3A_252 : i32
      %mul3A_259 = arith.constant 512 : i32
      %mul3A_260 = arith.muli %add3A_258, %mul3A_259 : i32
      %add3A_261 = arith.constant 0 : i32
      %add3A_262 = arith.addi %mul3A_257, %add3A_261 : i32
      %get3A_263 = arith.index_cast %add3A_262 : i32 to index
      %get3A_264 = tpu.vector_load %arg5[%get3A_263] {strides = array<i32>} : memref<256xi32, #tpu.memory_space<vmem>>, vector<16xi32>,
      %add3A_265 = vector.broadcast %mul3A_260 : i32 to vector<16xi32>
      %add3A_266 = arith.addi %get3A_264, %add3A_265 : vector<16xi32>
      %swap3A_267 = arith.constant 0 : index
      %swap3A_268 = tpu.vector_load %arg7[%swap3A_267] {strides = array<i32>} : memref<128xi32, #tpu.memory_space<vmem>>, vector<16xi32>,
      tpu.vector_store %arg7[%swap3A_267], %add3A_266 {strides = array<i32>} : memref<128xi32, #tpu.memory_space<vmem>>, vector<16xi32>,
      %add3A_269 = arith.constant 16 : i32
      %add3A_270 = arith.addi %mul3A_257, %add3A_269 : i32
      %get3A_271 = arith.index_cast %add3A_270 : i32 to index
      %get3A_272 = tpu.vector_load %arg5[%get3A_271] {strides = array<i32>} : memref<256xi32, #tpu.memory_space<vmem>>, vector<16xi32>,
      %add3A_273 = vector.broadcast %mul3A_260 : i32 to vector<16xi32>
      %add3A_274 = arith.addi %get3A_272, %add3A_273 : vector<16xi32>
      %swap3A_275 = arith.constant 16 : index
      %swap3A_276 = tpu.vector_load %arg7[%swap3A_275] {strides = array<i32>} : memref<128xi32, #tpu.memory_space<vmem>>, vector<16xi32>,
      tpu.vector_store %arg7[%swap3A_275], %add3A_274 {strides = array<i32>} : memref<128xi32, #tpu.memory_space<vmem>>, vector<16xi32>,
      %add3A_277 = arith.constant 32 : i32
      %add3A_278 = arith.addi %mul3A_257, %add3A_277 : i32
      %get3A_279 = arith.index_cast %add3A_278 : i32 to index
      %get3A_280 = tpu.vector_load %arg5[%get3A_279] {strides = array<i32>} : memref<256xi32, #tpu.memory_space<vmem>>, vector<16xi32>,
      %add3A_281 = vector.broadcast %mul3A_260 : i32 to vector<16xi32>
      %add3A_282 = arith.addi %get3A_280, %add3A_281 : vector<16xi32>
      %swap3A_283 = arith.constant 32 : index
      %swap3A_284 = tpu.vector_load %arg7[%swap3A_283] {strides = array<i32>} : memref<128xi32, #tpu.memory_space<vmem>>, vector<16xi32>,
      tpu.vector_store %arg7[%swap3A_283], %add3A_282 {strides = array<i32>} : memref<128xi32, #tpu.memory_space<vmem>>, vector<16xi32>,
      %add3A_285 = arith.constant 48 : i32
      %add3A_286 = arith.addi %mul3A_257, %add3A_285 : i32
      %get3A_287 = arith.index_cast %add3A_286 : i32 to index
      %get3A_288 = tpu.vector_load %arg5[%get3A_287] {strides = array<i32>} : memref<256xi32, #tpu.memory_space<vmem>>, vector<16xi32>,
      %add3A_289 = vector.broadcast %mul3A_260 : i32 to vector<16xi32>
      %add3A_290 = arith.addi %get3A_288, %add3A_289 : vector<16xi32>
      %swap3A_291 = arith.constant 48 : index
      %swap3A_292 = tpu.vector_load %arg7[%swap3A_291] {strides = array<i32>} : memref<128xi32, #tpu.memory_space<vmem>>, vector<16xi32>,
      tpu.vector_store %arg7[%swap3A_291], %add3A_290 {strides = array<i32>} : memref<128xi32, #tpu.memory_space<vmem>>, vector<16xi32>,
      %add3A_293 = arith.constant 64 : i32
      %add3A_294 = arith.addi %mul3A_257, %add3A_293 : i32
      %get3A_295 = arith.index_cast %add3A_294 : i32 to index
      %get3A_296 = tpu.vector_load %arg5[%get3A_295] {strides = array<i32>} : memref<256xi32, #tpu.memory_space<vmem>>, vector<16xi32>,
      %add3A_297 = vector.broadcast %mul3A_260 : i32 to vector<16xi32>
      %add3A_298 = arith.addi %get3A_296, %add3A_297 : vector<16xi32>
      %swap3A_299 = arith.constant 64 : index
      %swap3A_300 = tpu.vector_load %arg7[%swap3A_299] {strides = array<i32>} : memref<128xi32, #tpu.memory_space<vmem>>, vector<16xi32>,
      tpu.vector_store %arg7[%swap3A_299], %add3A_298 {strides = array<i32>} : memref<128xi32, #tpu.memory_space<vmem>>, vector<16xi32>,
      %add3A_301 = arith.constant 80 : i32
      %add3A_302 = arith.addi %mul3A_257, %add3A_301 : i32
      %get3A_303 = arith.index_cast %add3A_302 : i32 to index
      %get3A_304 = tpu.vector_load %arg5[%get3A_303] {strides = array<i32>} : memref<256xi32, #tpu.memory_space<vmem>>, vector<16xi32>,
      %add3A_305 = vector.broadcast %mul3A_260 : i32 to vector<16xi32>
      %add3A_306 = arith.addi %get3A_304, %add3A_305 : vector<16xi32>
      %swap3A_307 = arith.constant 80 : index
      %swap3A_308 = tpu.vector_load %arg7[%swap3A_307] {strides = array<i32>} : memref<128xi32, #tpu.memory_space<vmem>>, vector<16xi32>,
      tpu.vector_store %arg7[%swap3A_307], %add3A_306 {strides = array<i32>} : memref<128xi32, #tpu.memory_space<vmem>>, vector<16xi32>,
      %add3A_309 = arith.constant 96 : i32
      %add3A_310 = arith.addi %mul3A_257, %add3A_309 : i32
      %get3A_311 = arith.index_cast %add3A_310 : i32 to index
      %get3A_312 = tpu.vector_load %arg5[%get3A_311] {strides = array<i32>} : memref<256xi32, #tpu.memory_space<vmem>>, vector<16xi32>,
      %add3A_313 = vector.broadcast %mul3A_260 : i32 to vector<16xi32>
      %add3A_314 = arith.addi %get3A_312, %add3A_313 : vector<16xi32>
      %swap3A_315 = arith.constant 96 : index
      %swap3A_316 = tpu.vector_load %arg7[%swap3A_315] {strides = array<i32>} : memref<128xi32, #tpu.memory_space<vmem>>, vector<16xi32>,
      tpu.vector_store %arg7[%swap3A_315], %add3A_314 {strides = array<i32>} : memref<128xi32, #tpu.memory_space<vmem>>, vector<16xi32>,
      %add3A_317 = arith.constant 112 : i32
      %add3A_318 = arith.addi %mul3A_257, %add3A_317 : i32
      %get3A_319 = arith.index_cast %add3A_318 : i32 to index
      %get3A_320 = tpu.vector_load %arg5[%get3A_319] {strides = array<i32>} : memref<256xi32, #tpu.memory_space<vmem>>, vector<16xi32>,
      %add3A_321 = vector.broadcast %mul3A_260 : i32 to vector<16xi32>
      %add3A_322 = arith.addi %get3A_320, %add3A_321 : vector<16xi32>
      %swap3A_323 = arith.constant 112 : index
      %swap3A_324 = tpu.vector_load %arg7[%swap3A_323] {strides = array<i32>} : memref<128xi32, #tpu.memory_space<vmem>>, vector<16xi32>,
      tpu.vector_store %arg7[%swap3A_323], %add3A_322 {strides = array<i32>} : memref<128xi32, #tpu.memory_space<vmem>>, vector<16xi32>,
      %dma_start3A = arith.constant 0 : i32
      %dma_start3A_325 = tpu.memref_slice %arg2[%dma_start3A, %multiple_of3A] : memref<131072x512xf32, #tpu.memory_space<hbm>> -> memref<131072x128xf32, #tpu.memory_space<hbm>>
      tpu.enqueue_indirect_dma source(%dma_start3A_325 : memref<131072x128xf32, #tpu.memory_space<hbm>>) target(%arg11 : memref<128x128xf32, #tpu.memory_space<vmem>>) offsets(%arg7 : memref<128xi32, #tpu.memory_space<vmem>>) semaphore(%arg17 : memref<!tpu.dma_semaphore, #tpu.memory_space<semaphore_mem>>)
      %shift_right_arithmetic3A_326 = arith.constant 1 : i32
      %shift_right_arithmetic3A_327 = arith.constant 1 : i32
      %shift_right_arithmetic3A_328 = arith.shrsi %shift_right_arithmetic3A_326, %shift_right_arithmetic3A_327 : i32
      %and3A_329 = arith.constant 1 : i32
      %and3A_330 = arith.constant 1 : i32
      %and3A_331 = arith.andi %and3A_329, %and3A_330 : i32
      %mul3A_332 = arith.constant 128 : i32
      %mul3A_333 = arith.muli %and3A_331, %mul3A_332 : i32
      %add3A_334 = arith.addi %mul3A_249, %shift_right_arithmetic3A_328 : i32
      %mul3A_335 = arith.constant 512 : i32
      %mul3A_336 = arith.muli %add3A_334, %mul3A_335 : i32
      %add3A_337 = arith.constant 0 : i32
      %add3A_338 = arith.addi %mul3A_333, %add3A_337 : i32
      %get3A_339 = arith.index_cast %add3A_338 : i32 to index
      %get3A_340 = tpu.vector_load %arg5[%get3A_339] {strides = array<i32>} : memref<256xi32, #tpu.memory_space<vmem>>, vector<16xi32>,
      %add3A_341 = vector.broadcast %mul3A_336 : i32 to vector<16xi32>
      %add3A_342 = arith.addi %get3A_340, %add3A_341 : vector<16xi32>
      %swap3A_343 = arith.constant 0 : index
      %swap3A_344 = tpu.vector_load %arg8[%swap3A_343] {strides = array<i32>} : memref<128xi32, #tpu.memory_space<vmem>>, vector<16xi32>,
      tpu.vector_store %arg8[%swap3A_343], %add3A_342 {strides = array<i32>} : memref<128xi32, #tpu.memory_space<vmem>>, vector<16xi32>,
      %add3A_345 = arith.constant 16 : i32
      %add3A_346 = arith.addi %mul3A_333, %add3A_345 : i32
      %get3A_347 = arith.index_cast %add3A_346 : i32 to index
      %get3A_348 = tpu.vector_load %arg5[%get3A_347] {strides = array<i32>} : memref<256xi32, #tpu.memory_space<vmem>>, vector<16xi32>,
      %add3A_349 = vector.broadcast %mul3A_336 : i32 to vector<16xi32>
      %add3A_350 = arith.addi %get3A_348, %add3A_349 : vector<16xi32>
      %swap3A_351 = arith.constant 16 : index
      %swap3A_352 = tpu.vector_load %arg8[%swap3A_351] {strides = array<i32>} : memref<128xi32, #tpu.memory_space<vmem>>, vector<16xi32>,
      tpu.vector_store %arg8[%swap3A_351], %add3A_350 {strides = array<i32>} : memref<128xi32, #tpu.memory_space<vmem>>, vector<16xi32>,
      %add3A_353 = arith.constant 32 : i32
      %add3A_354 = arith.addi %mul3A_333, %add3A_353 : i32
      %get3A_355 = arith.index_cast %add3A_354 : i32 to index
      %get3A_356 = tpu.vector_load %arg5[%get3A_355] {strides = array<i32>} : memref<256xi32, #tpu.memory_space<vmem>>, vector<16xi32>,
      %add3A_357 = vector.broadcast %mul3A_336 : i32 to vector<16xi32>
      %add3A_358 = arith.addi %get3A_356, %add3A_357 : vector<16xi32>
      %swap3A_359 = arith.constant 32 : index
      %swap3A_360 = tpu.vector_load %arg8[%swap3A_359] {strides = array<i32>} : memref<128xi32, #tpu.memory_space<vmem>>, vector<16xi32>,
      tpu.vector_store %arg8[%swap3A_359], %add3A_358 {strides = array<i32>} : memref<128xi32, #tpu.memory_space<vmem>>, vector<16xi32>,
      %add3A_361 = arith.constant 48 : i32
      %add3A_362 = arith.addi %mul3A_333, %add3A_361 : i32
      %get3A_363 = arith.index_cast %add3A_362 : i32 to index
      %get3A_364 = tpu.vector_load %arg5[%get3A_363] {strides = array<i32>} : memref<256xi32, #tpu.memory_space<vmem>>, vector<16xi32>,
      %add3A_365 = vector.broadcast %mul3A_336 : i32 to vector<16xi32>
      %add3A_366 = arith.addi %get3A_364, %add3A_365 : vector<16xi32>
      %swap3A_367 = arith.constant 48 : index
      %swap3A_368 = tpu.vector_load %arg8[%swap3A_367] {strides = array<i32>} : memref<128xi32, #tpu.memory_space<vmem>>, vector<16xi32>,
      tpu.vector_store %arg8[%swap3A_367], %add3A_366 {strides = array<i32>} : memref<128xi32, #tpu.memory_space<vmem>>, vector<16xi32>,
      %add3A_369 = arith.constant 64 : i32
      %add3A_370 = arith.addi %mul3A_333, %add3A_369 : i32
      %get3A_371 = arith.index_cast %add3A_370 : i32 to index
      %get3A_372 = tpu.vector_load %arg5[%get3A_371] {strides = array<i32>} : memref<256xi32, #tpu.memory_space<vmem>>, vector<16xi32>,
      %add3A_373 = vector.broadcast %mul3A_336 : i32 to vector<16xi32>
      %add3A_374 = arith.addi %get3A_372, %add3A_373 : vector<16xi32>
      %swap3A_375 = arith.constant 64 : index
      %swap3A_376 = tpu.vector_load %arg8[%swap3A_375] {strides = array<i32>} : memref<128xi32, #tpu.memory_space<vmem>>, vector<16xi32>,
      tpu.vector_store %arg8[%swap3A_375], %add3A_374 {strides = array<i32>} : memref<128xi32, #tpu.memory_space<vmem>>, vector<16xi32>,
      %add3A_377 = arith.constant 80 : i32
      %add3A_378 = arith.addi %mul3A_333, %add3A_377 : i32
      %get3A_379 = arith.index_cast %add3A_378 : i32 to index
      %get3A_380 = tpu.vector_load %arg5[%get3A_379] {strides = array<i32>} : memref<256xi32, #tpu.memory_space<vmem>>, vector<16xi32>,
      %add3A_381 = vector.broadcast %mul3A_336 : i32 to vector<16xi32>
      %add3A_382 = arith.addi %get3A_380, %add3A_381 : vector<16xi32>
      %swap3A_383 = arith.constant 80 : index
      %swap3A_384 = tpu.vector_load %arg8[%swap3A_383] {strides = array<i32>} : memref<128xi32, #tpu.memory_space<vmem>>, vector<16xi32>,
      tpu.vector_store %arg8[%swap3A_383], %add3A_382 {strides = array<i32>} : memref<128xi32, #tpu.memory_space<vmem>>, vector<16xi32>,
      %add3A_385 = arith.constant 96 : i32
      %add3A_386 = arith.addi %mul3A_333, %add3A_385 : i32
      %get3A_387 = arith.index_cast %add3A_386 : i32 to index
      %get3A_388 = tpu.vector_load %arg5[%get3A_387] {strides = array<i32>} : memref<256xi32, #tpu.memory_space<vmem>>, vector<16xi32>,
      %add3A_389 = vector.broadcast %mul3A_336 : i32 to vector<16xi32>
      %add3A_390 = arith.addi %get3A_388, %add3A_389 : vector<16xi32>
      %swap3A_391 = arith.constant 96 : index
      %swap3A_392 = tpu.vector_load %arg8[%swap3A_391] {strides = array<i32>} : memref<128xi32, #tpu.memory_space<vmem>>, vector<16xi32>,
      tpu.vector_store %arg8[%swap3A_391], %add3A_390 {strides = array<i32>} : memref<128xi32, #tpu.memory_space<vmem>>, vector<16xi32>,
      %add3A_393 = arith.constant 112 : i32
      %add3A_394 = arith.addi %mul3A_333, %add3A_393 : i32
      %get3A_395 = arith.index_cast %add3A_394 : i32 to index
      %get3A_396 = tpu.vector_load %arg5[%get3A_395] {strides = array<i32>} : memref<256xi32, #tpu.memory_space<vmem>>, vector<16xi32>,
      %add3A_397 = vector.broadcast %mul3A_336 : i32 to vector<16xi32>
      %add3A_398 = arith.addi %get3A_396, %add3A_397 : vector<16xi32>
      %swap3A_399 = arith.constant 112 : index
      %swap3A_400 = tpu.vector_load %arg8[%swap3A_399] {strides = array<i32>} : memref<128xi32, #tpu.memory_space<vmem>>, vector<16xi32>,
      tpu.vector_store %arg8[%swap3A_399], %add3A_398 {strides = array<i32>} : memref<128xi32, #tpu.memory_space<vmem>>, vector<16xi32>,
      %dma_start3A_401 = arith.constant 0 : i32
      %dma_start3A_402 = tpu.memref_slice %arg2[%dma_start3A_401, %multiple_of3A] : memref<131072x512xf32, #tpu.memory_space<hbm>> -> memref<131072x128xf32, #tpu.memory_space<hbm>>
      tpu.enqueue_indirect_dma source(%dma_start3A_402 : memref<131072x128xf32, #tpu.memory_space<hbm>>) target(%arg12 : memref<128x128xf32, #tpu.memory_space<vmem>>) offsets(%arg8 : memref<128xi32, #tpu.memory_space<vmem>>) semaphore(%arg18 : memref<!tpu.dma_semaphore, #tpu.memory_space<semaphore_mem>>)
      %shift_right_arithmetic3A_403 = arith.constant 2 : i32
      %shift_right_arithmetic3A_404 = arith.constant 1 : i32
      %shift_right_arithmetic3A_405 = arith.shrsi %shift_right_arithmetic3A_403, %shift_right_arithmetic3A_404 : i32
      %and3A_406 = arith.constant 2 : i32
      %and3A_407 = arith.constant 1 : i32
      %and3A_408 = arith.andi %and3A_406, %and3A_407 : i32
      %mul3A_409 = arith.constant 128 : i32
      %mul3A_410 = arith.muli %and3A_408, %mul3A_409 : i32
      %add3A_411 = arith.addi %mul3A_249, %shift_right_arithmetic3A_405 : i32
      %mul3A_412 = arith.constant 512 : i32
      %mul3A_413 = arith.muli %add3A_411, %mul3A_412 : i32
      %add3A_414 = arith.constant 0 : i32
      %add3A_415 = arith.addi %mul3A_410, %add3A_414 : i32
      %get3A_416 = arith.index_cast %add3A_415 : i32 to index
      %get3A_417 = tpu.vector_load %arg5[%get3A_416] {strides = array<i32>} : memref<256xi32, #tpu.memory_space<vmem>>, vector<16xi32>,
      %add3A_418 = vector.broadcast %mul3A_413 : i32 to vector<16xi32>
      %add3A_419 = arith.addi %get3A_417, %add3A_418 : vector<16xi32>
      %swap3A_420 = arith.constant 0 : index
      %swap3A_421 = tpu.vector_load %arg9[%swap3A_420] {strides = array<i32>} : memref<128xi32, #tpu.memory_space<vmem>>, vector<16xi32>,
      tpu.vector_store %arg9[%swap3A_420], %add3A_419 {strides = array<i32>} : memref<128xi32, #tpu.memory_space<vmem>>, vector<16xi32>,
      %add3A_422 = arith.constant 16 : i32
      %add3A_423 = arith.addi %mul3A_410, %add3A_422 : i32
      %get3A_424 = arith.index_cast %add3A_423 : i32 to index
      %get3A_425 = tpu.vector_load %arg5[%get3A_424] {strides = array<i32>} : memref<256xi32, #tpu.memory_space<vmem>>, vector<16xi32>,
      %add3A_426 = vector.broadcast %mul3A_413 : i32 to vector<16xi32>
      %add3A_427 = arith.addi %get3A_425, %add3A_426 : vector<16xi32>
      %swap3A_428 = arith.constant 16 : index
      %swap3A_429 = tpu.vector_load %arg9[%swap3A_428] {strides = array<i32>} : memref<128xi32, #tpu.memory_space<vmem>>, vector<16xi32>,
      tpu.vector_store %arg9[%swap3A_428], %add3A_427 {strides = array<i32>} : memref<128xi32, #tpu.memory_space<vmem>>, vector<16xi32>,
      %add3A_430 = arith.constant 32 : i32
      %add3A_431 = arith.addi %mul3A_410, %add3A_430 : i32
      %get3A_432 = arith.index_cast %add3A_431 : i32 to index
      %get3A_433 = tpu.vector_load %arg5[%get3A_432] {strides = array<i32>} : memref<256xi32, #tpu.memory_space<vmem>>, vector<16xi32>,
      %add3A_434 = vector.broadcast %mul3A_413 : i32 to vector<16xi32>
      %add3A_435 = arith.addi %get3A_433, %add3A_434 : vector<16xi32>
      %swap3A_436 = arith.constant 32 : index
      %swap3A_437 = tpu.vector_load %arg9[%swap3A_436] {strides = array<i32>} : memref<128xi32, #tpu.memory_space<vmem>>, vector<16xi32>,
      tpu.vector_store %arg9[%swap3A_436], %add3A_435 {strides = array<i32>} : memref<128xi32, #tpu.memory_space<vmem>>, vector<16xi32>,
      %add3A_438 = arith.constant 48 : i32
      %add3A_439 = arith.addi %mul3A_410, %add3A_438 : i32
      %get3A_440 = arith.index_cast %add3A_439 : i32 to index
      %get3A_441 = tpu.vector_load %arg5[%get3A_440] {strides = array<i32>} : memref<256xi32, #tpu.memory_space<vmem>>, vector<16xi32>,
      %add3A_442 = vector.broadcast %mul3A_413 : i32 to vector<16xi32>
      %add3A_443 = arith.addi %get3A_441, %add3A_442 : vector<16xi32>
      %swap3A_444 = arith.constant 48 : index
      %swap3A_445 = tpu.vector_load %arg9[%swap3A_444] {strides = array<i32>} : memref<128xi32, #tpu.memory_space<vmem>>, vector<16xi32>,
      tpu.vector_store %arg9[%swap3A_444], %add3A_443 {strides = array<i32>} : memref<128xi32, #tpu.memory_space<vmem>>, vector<16xi32>,
      %add3A_446 = arith.constant 64 : i32
      %add3A_447 = arith.addi %mul3A_410, %add3A_446 : i32
      %get3A_448 = arith.index_cast %add3A_447 : i32 to index
      %get3A_449 = tpu.vector_load %arg5[%get3A_448] {strides = array<i32>} : memref<256xi32, #tpu.memory_space<vmem>>, vector<16xi32>,
      %add3A_450 = vector.broadcast %mul3A_413 : i32 to vector<16xi32>
      %add3A_451 = arith.addi %get3A_449, %add3A_450 : vector<16xi32>
      %swap3A_452 = arith.constant 64 : index
      %swap3A_453 = tpu.vector_load %arg9[%swap3A_452] {strides = array<i32>} : memref<128xi32, #tpu.memory_space<vmem>>, vector<16xi32>,
      tpu.vector_store %arg9[%swap3A_452], %add3A_451 {strides = array<i32>} : memref<128xi32, #tpu.memory_space<vmem>>, vector<16xi32>,
      %add3A_454 = arith.constant 80 : i32
      %add3A_455 = arith.addi %mul3A_410, %add3A_454 : i32
      %get3A_456 = arith.index_cast %add3A_455 : i32 to index
      %get3A_457 = tpu.vector_load %arg5[%get3A_456] {strides = array<i32>} : memref<256xi32, #tpu.memory_space<vmem>>, vector<16xi32>,
      %add3A_458 = vector.broadcast %mul3A_413 : i32 to vector<16xi32>
      %add3A_459 = arith.addi %get3A_457, %add3A_458 : vector<16xi32>
      %swap3A_460 = arith.constant 80 : index
      %swap3A_461 = tpu.vector_load %arg9[%swap3A_460] {strides = array<i32>} : memref<128xi32, #tpu.memory_space<vmem>>, vector<16xi32>,
      tpu.vector_store %arg9[%swap3A_460], %add3A_459 {strides = array<i32>} : memref<128xi32, #tpu.memory_space<vmem>>, vector<16xi32>,
      %add3A_462 = arith.constant 96 : i32
      %add3A_463 = arith.addi %mul3A_410, %add3A_462 : i32
      %get3A_464 = arith.index_cast %add3A_463 : i32 to index
      %get3A_465 = tpu.vector_load %arg5[%get3A_464] {strides = array<i32>} : memref<256xi32, #tpu.memory_space<vmem>>, vector<16xi32>,
      %add3A_466 = vector.broadcast %mul3A_413 : i32 to vector<16xi32>
      %add3A_467 = arith.addi %get3A_465, %add3A_466 : vector<16xi32>
      %swap3A_468 = arith.constant 96 : index
      %swap3A_469 = tpu.vector_load %arg9[%swap3A_468] {strides = array<i32>} : memref<128xi32, #tpu.memory_space<vmem>>, vector<16xi32>,
      tpu.vector_store %arg9[%swap3A_468], %add3A_467 {strides = array<i32>} : memref<128xi32, #tpu.memory_space<vmem>>, vector<16xi32>,
      %add3A_470 = arith.constant 112 : i32
      %add3A_471 = arith.addi %mul3A_410, %add3A_470 : i32
      %get3A_472 = arith.index_cast %add3A_471 : i32 to index
      %get3A_473 = tpu.vector_load %arg5[%get3A_472] {strides = array<i32>} : memref<256xi32, #tpu.memory_space<vmem>>, vector<16xi32>,
      %add3A_474 = vector.broadcast %mul3A_413 : i32 to vector<16xi32>
      %add3A_475 = arith.addi %get3A_473, %add3A_474 : vector<16xi32>
      %swap3A_476 = arith.constant 112 : index
      %swap3A_477 = tpu.vector_load %arg9[%swap3A_476] {strides = array<i32>} : memref<128xi32, #tpu.memory_space<vmem>>, vector<16xi32>,
      tpu.vector_store %arg9[%swap3A_476], %add3A_475 {strides = array<i32>} : memref<128xi32, #tpu.memory_space<vmem>>, vector<16xi32>,
      %dma_start3A_478 = arith.constant 0 : i32
      %dma_start3A_479 = tpu.memref_slice %arg2[%dma_start3A_478, %multiple_of3A] : memref<131072x512xf32, #tpu.memory_space<hbm>> -> memref<131072x128xf32, #tpu.memory_space<hbm>>
      tpu.enqueue_indirect_dma source(%dma_start3A_479 : memref<131072x128xf32, #tpu.memory_space<hbm>>) target(%arg13 : memref<128x128xf32, #tpu.memory_space<vmem>>) offsets(%arg9 : memref<128xi32, #tpu.memory_space<vmem>>) semaphore(%arg19 : memref<!tpu.dma_semaphore, #tpu.memory_space<semaphore_mem>>)
      %scan3A = arith.constant 0 : i32
      %scan3A_480 = arith.constant 4 : i32
      %scan3A_481 = arith.addi %scan3A, %scan3A_480 : i32
      %scan3A_482 = arith.constant 1 : i32
      scf.for %scan3A_484 = %scan3A to %scan3A_481 step %scan3A_482  : i32 {
        %mul3A_485 = arith.constant 4 : i32
        %mul3A_486 = arith.muli %scan3A_484, %mul3A_485 : i32
        %add3A_487 = arith.constant 0 : i32
        %add3A_488 = arith.addi %add3A_487, %mul3A_486 : i32
        %add3A_489 = arith.constant 0 : i32
        %add3A_490 = arith.addi %add3A_488, %add3A_489 : i32
        %add3A_491 = arith.constant 4 : i32
        %add3A_492 = arith.addi %add3A_490, %add3A_491 : i32
        %sub3A = arith.constant 1 : i32
        %sub3A_493 = arith.subi %add3A_492, %sub3A : i32
        %lt3A = arith.constant 16 : i32
        %lt3A_494 = arith.cmpi slt, %sub3A_493, %lt3A : i32
        %convert_element_type3A_495 = arith.extui %lt3A_494 : i1 to i32
        %cond3A_496 = arith.constant 0 : i32
        %cond3A_497 = arith.cmpi ne, %convert_element_type3A_495, %cond3A_496 : i32
        scf.if %cond3A_497 {
          %add3A_1041 = arith.constant 4 : i32
          %add3A_1042 = arith.addi %add3A_490, %add3A_1041 : i32
          %sub3A_1043 = arith.constant 1 : i32
          %sub3A_1044 = arith.subi %add3A_1042, %sub3A_1043 : i32
          %shift_right_arithmetic3A_1045 = arith.constant 1 : i32
          %shift_right_arithmetic3A_1046 = arith.shrsi %sub3A_1044, %shift_right_arithmetic3A_1045 : i32
          %and3A_1047 = arith.constant 1 : i32
          %and3A_1048 = arith.andi %sub3A_1044, %and3A_1047 : i32
          %mul3A_1049 = arith.constant 128 : i32
          %mul3A_1050 = arith.muli %and3A_1048, %mul3A_1049 : i32
          %add3A_1051 = arith.addi %mul3A_249, %shift_right_arithmetic3A_1046 : i32
          %mul3A_1052 = arith.constant 512 : i32
          %mul3A_1053 = arith.muli %add3A_1051, %mul3A_1052 : i32
          %add3A_1054 = arith.constant 0 : i32
          %add3A_1055 = arith.addi %mul3A_1050, %add3A_1054 : i32
          %get3A_1056 = arith.index_cast %add3A_1055 : i32 to index
          %get3A_1057 = tpu.vector_load %arg5[%get3A_1056] {strides = array<i32>} : memref<256xi32, #tpu.memory_space<vmem>>, vector<16xi32>,
          %add3A_1058 = vector.broadcast %mul3A_1053 : i32 to vector<16xi32>
          %add3A_1059 = arith.addi %get3A_1057, %add3A_1058 : vector<16xi32>
          %swap3A_1060 = arith.constant 0 : index
          %swap3A_1061 = tpu.vector_load %arg10[%swap3A_1060] {strides = array<i32>} : memref<128xi32, #tpu.memory_space<vmem>>, vector<16xi32>,
          tpu.vector_store %arg10[%swap3A_1060], %add3A_1059 {strides = array<i32>} : memref<128xi32, #tpu.memory_space<vmem>>, vector<16xi32>,
          %add3A_1062 = arith.constant 16 : i32
          %add3A_1063 = arith.addi %mul3A_1050, %add3A_1062 : i32
          %get3A_1064 = arith.index_cast %add3A_1063 : i32 to index
          %get3A_1065 = tpu.vector_load %arg5[%get3A_1064] {strides = array<i32>} : memref<256xi32, #tpu.memory_space<vmem>>, vector<16xi32>,
          %add3A_1066 = vector.broadcast %mul3A_1053 : i32 to vector<16xi32>
          %add3A_1067 = arith.addi %get3A_1065, %add3A_1066 : vector<16xi32>
          %swap3A_1068 = arith.constant 16 : index
          %swap3A_1069 = tpu.vector_load %arg10[%swap3A_1068] {strides = array<i32>} : memref<128xi32, #tpu.memory_space<vmem>>, vector<16xi32>,
          tpu.vector_store %arg10[%swap3A_1068], %add3A_1067 {strides = array<i32>} : memref<128xi32, #tpu.memory_space<vmem>>, vector<16xi32>,
          %add3A_1070 = arith.constant 32 : i32
          %add3A_1071 = arith.addi %mul3A_1050, %add3A_1070 : i32
          %get3A_1072 = arith.index_cast %add3A_1071 : i32 to index
          %get3A_1073 = tpu.vector_load %arg5[%get3A_1072] {strides = array<i32>} : memref<256xi32, #tpu.memory_space<vmem>>, vector<16xi32>,
          %add3A_1074 = vector.broadcast %mul3A_1053 : i32 to vector<16xi32>
          %add3A_1075 = arith.addi %get3A_1073, %add3A_1074 : vector<16xi32>
          %swap3A_1076 = arith.constant 32 : index
          %swap3A_1077 = tpu.vector_load %arg10[%swap3A_1076] {strides = array<i32>} : memref<128xi32, #tpu.memory_space<vmem>>, vector<16xi32>,
          tpu.vector_store %arg10[%swap3A_1076], %add3A_1075 {strides = array<i32>} : memref<128xi32, #tpu.memory_space<vmem>>, vector<16xi32>,
          %add3A_1078 = arith.constant 48 : i32
          %add3A_1079 = arith.addi %mul3A_1050, %add3A_1078 : i32
          %get3A_1080 = arith.index_cast %add3A_1079 : i32 to index
          %get3A_1081 = tpu.vector_load %arg5[%get3A_1080] {strides = array<i32>} : memref<256xi32, #tpu.memory_space<vmem>>, vector<16xi32>,
          %add3A_1082 = vector.broadcast %mul3A_1053 : i32 to vector<16xi32>
          %add3A_1083 = arith.addi %get3A_1081, %add3A_1082 : vector<16xi32>
          %swap3A_1084 = arith.constant 48 : index
          %swap3A_1085 = tpu.vector_load %arg10[%swap3A_1084] {strides = array<i32>} : memref<128xi32, #tpu.memory_space<vmem>>, vector<16xi32>,
          tpu.vector_store %arg10[%swap3A_1084], %add3A_1083 {strides = array<i32>} : memref<128xi32, #tpu.memory_space<vmem>>, vector<16xi32>,
          %add3A_1086 = arith.constant 64 : i32
          %add3A_1087 = arith.addi %mul3A_1050, %add3A_1086 : i32
          %get3A_1088 = arith.index_cast %add3A_1087 : i32 to index
          %get3A_1089 = tpu.vector_load %arg5[%get3A_1088] {strides = array<i32>} : memref<256xi32, #tpu.memory_space<vmem>>, vector<16xi32>,
          %add3A_1090 = vector.broadcast %mul3A_1053 : i32 to vector<16xi32>
          %add3A_1091 = arith.addi %get3A_1089, %add3A_1090 : vector<16xi32>
          %swap3A_1092 = arith.constant 64 : index
          %swap3A_1093 = tpu.vector_load %arg10[%swap3A_1092] {strides = array<i32>} : memref<128xi32, #tpu.memory_space<vmem>>, vector<16xi32>,
          tpu.vector_store %arg10[%swap3A_1092], %add3A_1091 {strides = array<i32>} : memref<128xi32, #tpu.memory_space<vmem>>, vector<16xi32>,
          %add3A_1094 = arith.constant 80 : i32
          %add3A_1095 = arith.addi %mul3A_1050, %add3A_1094 : i32
          %get3A_1096 = arith.index_cast %add3A_1095 : i32 to index
          %get3A_1097 = tpu.vector_load %arg5[%get3A_1096] {strides = array<i32>} : memref<256xi32, #tpu.memory_space<vmem>>, vector<16xi32>,
          %add3A_1098 = vector.broadcast %mul3A_1053 : i32 to vector<16xi32>
          %add3A_1099 = arith.addi %get3A_1097, %add3A_1098 : vector<16xi32>
          %swap3A_1100 = arith.constant 80 : index
          %swap3A_1101 = tpu.vector_load %arg10[%swap3A_1100] {strides = array<i32>} : memref<128xi32, #tpu.memory_space<vmem>>, vector<16xi32>,
          tpu.vector_store %arg10[%swap3A_1100], %add3A_1099 {strides = array<i32>} : memref<128xi32, #tpu.memory_space<vmem>>, vector<16xi32>,
          %add3A_1102 = arith.constant 96 : i32
          %add3A_1103 = arith.addi %mul3A_1050, %add3A_1102 : i32
          %get3A_1104 = arith.index_cast %add3A_1103 : i32 to index
          %get3A_1105 = tpu.vector_load %arg5[%get3A_1104] {strides = array<i32>} : memref<256xi32, #tpu.memory_space<vmem>>, vector<16xi32>,
          %add3A_1106 = vector.broadcast %mul3A_1053 : i32 to vector<16xi32>
          %add3A_1107 = arith.addi %get3A_1105, %add3A_1106 : vector<16xi32>
          %swap3A_1108 = arith.constant 96 : index
          %swap3A_1109 = tpu.vector_load %arg10[%swap3A_1108] {strides = array<i32>} : memref<128xi32, #tpu.memory_space<vmem>>, vector<16xi32>,
          tpu.vector_store %arg10[%swap3A_1108], %add3A_1107 {strides = array<i32>} : memref<128xi32, #tpu.memory_space<vmem>>, vector<16xi32>,
          %add3A_1110 = arith.constant 112 : i32
          %add3A_1111 = arith.addi %mul3A_1050, %add3A_1110 : i32
          %get3A_1112 = arith.index_cast %add3A_1111 : i32 to index
          %get3A_1113 = tpu.vector_load %arg5[%get3A_1112] {strides = array<i32>} : memref<256xi32, #tpu.memory_space<vmem>>, vector<16xi32>,
          %add3A_1114 = vector.broadcast %mul3A_1053 : i32 to vector<16xi32>
          %add3A_1115 = arith.addi %get3A_1113, %add3A_1114 : vector<16xi32>
          %swap3A_1116 = arith.constant 112 : index
          %swap3A_1117 = tpu.vector_load %arg10[%swap3A_1116] {strides = array<i32>} : memref<128xi32, #tpu.memory_space<vmem>>, vector<16xi32>,
          tpu.vector_store %arg10[%swap3A_1116], %add3A_1115 {strides = array<i32>} : memref<128xi32, #tpu.memory_space<vmem>>, vector<16xi32>,
          %dma_start3A_1118 = arith.constant 0 : i32
          %dma_start3A_1119 = tpu.memref_slice %arg2[%dma_start3A_1118, %multiple_of3A] : memref<131072x512xf32, #tpu.memory_space<hbm>> -> memref<131072x128xf32, #tpu.memory_space<hbm>>
          tpu.enqueue_indirect_dma source(%dma_start3A_1119 : memref<131072x128xf32, #tpu.memory_space<hbm>>) target(%arg14 : memref<128x128xf32, #tpu.memory_space<vmem>>) offsets(%arg10 : memref<128xi32, #tpu.memory_space<vmem>>) semaphore(%arg20 : memref<!tpu.dma_semaphore, #tpu.memory_space<semaphore_mem>>)
        } else {
        }
        %shift_right_arithmetic3A_498 = arith.constant 1 : i32
        %shift_right_arithmetic3A_499 = arith.shrsi %add3A_490, %shift_right_arithmetic3A_498 : i32
        %and3A_500 = arith.constant 1 : i32
        %and3A_501 = arith.andi %add3A_490, %and3A_500 : i32
        %mul3A_502 = arith.constant 128 : i32
        %mul3A_503 = arith.muli %and3A_501, %mul3A_502 : i32
        %dma_wait3A = arith.constant 0 : i32
        %dma_wait3A_504 = tpu.memref_slice %arg2[%dma_wait3A, %multiple_of3A] : memref<131072x512xf32, #tpu.memory_space<hbm>> -> memref<131072x128xf32, #tpu.memory_space<hbm>>
        tpu.wait_indirect_dma semaphore(%arg17 : memref<!tpu.dma_semaphore, #tpu.memory_space<semaphore_mem>>) src(%dma_wait3A_504 : memref<131072x128xf32, #tpu.memory_space<hbm>>) dst(%arg11 : memref<128x128xf32, #tpu.memory_space<vmem>>)
        %add3A_505 = arith.constant 0 : i32
        %add3A_506 = arith.addi %mul3A_503, %add3A_505 : i32
        %get3A_507 = arith.index_cast %add3A_506 : i32 to index
        %get3A_508 = tpu.vector_load %arg6[%get3A_507] {strides = array<i32>} : memref<256xi32, #tpu.memory_space<vmem>>, vector<16xi32>,
        %sub3A_509 = vector.broadcast %multiple_of3A : i32 to vector<16xi32>
        %sub3A_510 = arith.subi %get3A_508, %sub3A_509 : vector<16xi32>
        %add3A_511 = arith.constant 0 : i32
        %add3A_512 = vector.broadcast %add3A_511 : i32 to vector<16xi32>
        %add3A_513 = arith.addi %iota3A, %add3A_512 : vector<16xi32>
        %gather3A = tpu.vector_load_idx %arg11[%add3A_513, %sub3A_510] : memref<128x128xf32, #tpu.memory_space<vmem>>[vector<16xi32>, vector<16xi32>], vector<16xf32>,
        %add3A_514 = arith.constant 0 : i32
        %add3A_515 = arith.addi %mul3A_503, %add3A_514 : i32
        %swap3A_516 = arith.index_cast %shift_right_arithmetic3A_499 : i32 to index
        %swap3A_517 = arith.index_cast %add3A_515 : i32 to index
        %swap3A_518 = tpu.vector_load %arg16[%swap3A_516, %swap3A_517] {strides = array<i32>} : memref<8x256xf32, #tpu.memory_space<vmem>>, vector<16xf32>,
        tpu.vector_store %arg16[%swap3A_516, %swap3A_517], %gather3A {strides = array<i32>} : memref<8x256xf32, #tpu.memory_space<vmem>>, vector<16xf32>,
        %add3A_519 = arith.constant 16 : i32
        %add3A_520 = arith.addi %mul3A_503, %add3A_519 : i32
        %get3A_521 = arith.index_cast %add3A_520 : i32 to index
        %get3A_522 = tpu.vector_load %arg6[%get3A_521] {strides = array<i32>} : memref<256xi32, #tpu.memory_space<vmem>>, vector<16xi32>,
        %sub3A_523 = vector.broadcast %multiple_of3A : i32 to vector<16xi32>
        %sub3A_524 = arith.subi %get3A_522, %sub3A_523 : vector<16xi32>
        %add3A_525 = arith.constant 16 : i32
        %add3A_526 = vector.broadcast %add3A_525 : i32 to vector<16xi32>
        %add3A_527 = arith.addi %iota3A, %add3A_526 : vector<16xi32>
        %gather3A_528 = tpu.vector_load_idx %arg11[%add3A_527, %sub3A_524] : memref<128x128xf32, #tpu.memory_space<vmem>>[vector<16xi32>, vector<16xi32>], vector<16xf32>,
        %add3A_529 = arith.constant 16 : i32
        %add3A_530 = arith.addi %mul3A_503, %add3A_529 : i32
        %swap3A_531 = arith.index_cast %shift_right_arithmetic3A_499 : i32 to index
        %swap3A_532 = arith.index_cast %add3A_530 : i32 to index
        %swap3A_533 = tpu.vector_load %arg16[%swap3A_531, %swap3A_532] {strides = array<i32>} : memref<8x256xf32, #tpu.memory_space<vmem>>, vector<16xf32>,
        tpu.vector_store %arg16[%swap3A_531, %swap3A_532], %gather3A_528 {strides = array<i32>} : memref<8x256xf32, #tpu.memory_space<vmem>>, vector<16xf32>,
        %add3A_534 = arith.constant 32 : i32
        %add3A_535 = arith.addi %mul3A_503, %add3A_534 : i32
        %get3A_536 = arith.index_cast %add3A_535 : i32 to index
        %get3A_537 = tpu.vector_load %arg6[%get3A_536] {strides = array<i32>} : memref<256xi32, #tpu.memory_space<vmem>>, vector<16xi32>,
        %sub3A_538 = vector.broadcast %multiple_of3A : i32 to vector<16xi32>
        %sub3A_539 = arith.subi %get3A_537, %sub3A_538 : vector<16xi32>
        %add3A_540 = arith.constant 32 : i32
        %add3A_541 = vector.broadcast %add3A_540 : i32 to vector<16xi32>
        %add3A_542 = arith.addi %iota3A, %add3A_541 : vector<16xi32>
        %gather3A_543 = tpu.vector_load_idx %arg11[%add3A_542, %sub3A_539] : memref<128x128xf32, #tpu.memory_space<vmem>>[vector<16xi32>, vector<16xi32>], vector<16xf32>,
        %add3A_544 = arith.constant 32 : i32
        %add3A_545 = arith.addi %mul3A_503, %add3A_544 : i32
        %swap3A_546 = arith.index_cast %shift_right_arithmetic3A_499 : i32 to index
        %swap3A_547 = arith.index_cast %add3A_545 : i32 to index
        %swap3A_548 = tpu.vector_load %arg16[%swap3A_546, %swap3A_547] {strides = array<i32>} : memref<8x256xf32, #tpu.memory_space<vmem>>, vector<16xf32>,
        tpu.vector_store %arg16[%swap3A_546, %swap3A_547], %gather3A_543 {strides = array<i32>} : memref<8x256xf32, #tpu.memory_space<vmem>>, vector<16xf32>,
        %add3A_549 = arith.constant 48 : i32
        %add3A_550 = arith.addi %mul3A_503, %add3A_549 : i32
        %get3A_551 = arith.index_cast %add3A_550 : i32 to index
        %get3A_552 = tpu.vector_load %arg6[%get3A_551] {strides = array<i32>} : memref<256xi32, #tpu.memory_space<vmem>>, vector<16xi32>,
        %sub3A_553 = vector.broadcast %multiple_of3A : i32 to vector<16xi32>
        %sub3A_554 = arith.subi %get3A_552, %sub3A_553 : vector<16xi32>
        %add3A_555 = arith.constant 48 : i32
        %add3A_556 = vector.broadcast %add3A_555 : i32 to vector<16xi32>
        %add3A_557 = arith.addi %iota3A, %add3A_556 : vector<16xi32>
        %gather3A_558 = tpu.vector_load_idx %arg11[%add3A_557, %sub3A_554] : memref<128x128xf32, #tpu.memory_space<vmem>>[vector<16xi32>, vector<16xi32>], vector<16xf32>,
        %add3A_559 = arith.constant 48 : i32
        %add3A_560 = arith.addi %mul3A_503, %add3A_559 : i32
        %swap3A_561 = arith.index_cast %shift_right_arithmetic3A_499 : i32 to index
        %swap3A_562 = arith.index_cast %add3A_560 : i32 to index
        %swap3A_563 = tpu.vector_load %arg16[%swap3A_561, %swap3A_562] {strides = array<i32>} : memref<8x256xf32, #tpu.memory_space<vmem>>, vector<16xf32>,
        tpu.vector_store %arg16[%swap3A_561, %swap3A_562], %gather3A_558 {strides = array<i32>} : memref<8x256xf32, #tpu.memory_space<vmem>>, vector<16xf32>,
        %add3A_564 = arith.constant 64 : i32
        %add3A_565 = arith.addi %mul3A_503, %add3A_564 : i32
        %get3A_566 = arith.index_cast %add3A_565 : i32 to index
        %get3A_567 = tpu.vector_load %arg6[%get3A_566] {strides = array<i32>} : memref<256xi32, #tpu.memory_space<vmem>>, vector<16xi32>,
        %sub3A_568 = vector.broadcast %multiple_of3A : i32 to vector<16xi32>
        %sub3A_569 = arith.subi %get3A_567, %sub3A_568 : vector<16xi32>
        %add3A_570 = arith.constant 64 : i32
        %add3A_571 = vector.broadcast %add3A_570 : i32 to vector<16xi32>
        %add3A_572 = arith.addi %iota3A, %add3A_571 : vector<16xi32>
        %gather3A_573 = tpu.vector_load_idx %arg11[%add3A_572, %sub3A_569] : memref<128x128xf32, #tpu.memory_space<vmem>>[vector<16xi32>, vector<16xi32>], vector<16xf32>,
        %add3A_574 = arith.constant 64 : i32
        %add3A_575 = arith.addi %mul3A_503, %add3A_574 : i32
        %swap3A_576 = arith.index_cast %shift_right_arithmetic3A_499 : i32 to index
        %swap3A_577 = arith.index_cast %add3A_575 : i32 to index
        %swap3A_578 = tpu.vector_load %arg16[%swap3A_576, %swap3A_577] {strides = array<i32>} : memref<8x256xf32, #tpu.memory_space<vmem>>, vector<16xf32>,
        tpu.vector_store %arg16[%swap3A_576, %swap3A_577], %gather3A_573 {strides = array<i32>} : memref<8x256xf32, #tpu.memory_space<vmem>>, vector<16xf32>,
        %add3A_579 = arith.constant 80 : i32
        %add3A_580 = arith.addi %mul3A_503, %add3A_579 : i32
        %get3A_581 = arith.index_cast %add3A_580 : i32 to index
        %get3A_582 = tpu.vector_load %arg6[%get3A_581] {strides = array<i32>} : memref<256xi32, #tpu.memory_space<vmem>>, vector<16xi32>,
        %sub3A_583 = vector.broadcast %multiple_of3A : i32 to vector<16xi32>
        %sub3A_584 = arith.subi %get3A_582, %sub3A_583 : vector<16xi32>
        %add3A_585 = arith.constant 80 : i32
        %add3A_586 = vector.broadcast %add3A_585 : i32 to vector<16xi32>
        %add3A_587 = arith.addi %iota3A, %add3A_586 : vector<16xi32>
        %gather3A_588 = tpu.vector_load_idx %arg11[%add3A_587, %sub3A_584] : memref<128x128xf32, #tpu.memory_space<vmem>>[vector<16xi32>, vector<16xi32>], vector<16xf32>,
        %add3A_589 = arith.constant 80 : i32
        %add3A_590 = arith.addi %mul3A_503, %add3A_589 : i32
        %swap3A_591 = arith.index_cast %shift_right_arithmetic3A_499 : i32 to index
        %swap3A_592 = arith.index_cast %add3A_590 : i32 to index
        %swap3A_593 = tpu.vector_load %arg16[%swap3A_591, %swap3A_592] {strides = array<i32>} : memref<8x256xf32, #tpu.memory_space<vmem>>, vector<16xf32>,
        tpu.vector_store %arg16[%swap3A_591, %swap3A_592], %gather3A_588 {strides = array<i32>} : memref<8x256xf32, #tpu.memory_space<vmem>>, vector<16xf32>,
        %add3A_594 = arith.constant 96 : i32
        %add3A_595 = arith.addi %mul3A_503, %add3A_594 : i32
        %get3A_596 = arith.index_cast %add3A_595 : i32 to index
        %get3A_597 = tpu.vector_load %arg6[%get3A_596] {strides = array<i32>} : memref<256xi32, #tpu.memory_space<vmem>>, vector<16xi32>,
        %sub3A_598 = vector.broadcast %multiple_of3A : i32 to vector<16xi32>
        %sub3A_599 = arith.subi %get3A_597, %sub3A_598 : vector<16xi32>
        %add3A_600 = arith.constant 96 : i32
        %add3A_601 = vector.broadcast %add3A_600 : i32 to vector<16xi32>
        %add3A_602 = arith.addi %iota3A, %add3A_601 : vector<16xi32>
        %gather3A_603 = tpu.vector_load_idx %arg11[%add3A_602, %sub3A_599] : memref<128x128xf32, #tpu.memory_space<vmem>>[vector<16xi32>, vector<16xi32>], vector<16xf32>,
        %add3A_604 = arith.constant 96 : i32
        %add3A_605 = arith.addi %mul3A_503, %add3A_604 : i32
        %swap3A_606 = arith.index_cast %shift_right_arithmetic3A_499 : i32 to index
        %swap3A_607 = arith.index_cast %add3A_605 : i32 to index
        %swap3A_608 = tpu.vector_load %arg16[%swap3A_606, %swap3A_607] {strides = array<i32>} : memref<8x256xf32, #tpu.memory_space<vmem>>, vector<16xf32>,
        tpu.vector_store %arg16[%swap3A_606, %swap3A_607], %gather3A_603 {strides = array<i32>} : memref<8x256xf32, #tpu.memory_space<vmem>>, vector<16xf32>,
        %add3A_609 = arith.constant 112 : i32
        %add3A_610 = arith.addi %mul3A_503, %add3A_609 : i32
        %get3A_611 = arith.index_cast %add3A_610 : i32 to index
        %get3A_612 = tpu.vector_load %arg6[%get3A_611] {strides = array<i32>} : memref<256xi32, #tpu.memory_space<vmem>>, vector<16xi32>,
        %sub3A_613 = vector.broadcast %multiple_of3A : i32 to vector<16xi32>
        %sub3A_614 = arith.subi %get3A_612, %sub3A_613 : vector<16xi32>
        %add3A_615 = arith.constant 112 : i32
        %add3A_616 = vector.broadcast %add3A_615 : i32 to vector<16xi32>
        %add3A_617 = arith.addi %iota3A, %add3A_616 : vector<16xi32>
        %gather3A_618 = tpu.vector_load_idx %arg11[%add3A_617, %sub3A_614] : memref<128x128xf32, #tpu.memory_space<vmem>>[vector<16xi32>, vector<16xi32>], vector<16xf32>,
        %add3A_619 = arith.constant 112 : i32
        %add3A_620 = arith.addi %mul3A_503, %add3A_619 : i32
        %swap3A_621 = arith.index_cast %shift_right_arithmetic3A_499 : i32 to index
        %swap3A_622 = arith.index_cast %add3A_620 : i32 to index
        %swap3A_623 = tpu.vector_load %arg16[%swap3A_621, %swap3A_622] {strides = array<i32>} : memref<8x256xf32, #tpu.memory_space<vmem>>, vector<16xf32>,
        tpu.vector_store %arg16[%swap3A_621, %swap3A_622], %gather3A_618 {strides = array<i32>} : memref<8x256xf32, #tpu.memory_space<vmem>>, vector<16xf32>,
        %add3A_624 = arith.constant 1 : i32
        %add3A_625 = arith.addi %add3A_488, %add3A_624 : i32
        %add3A_626 = arith.constant 4 : i32
        %add3A_627 = arith.addi %add3A_625, %add3A_626 : i32
        %sub3A_628 = arith.constant 1 : i32
        %sub3A_629 = arith.subi %add3A_627, %sub3A_628 : i32
        %lt3A_630 = arith.constant 16 : i32
        %lt3A_631 = arith.cmpi slt, %sub3A_629, %lt3A_630 : i32
        %convert_element_type3A_632 = arith.extui %lt3A_631 : i1 to i32
        %cond3A_633 = arith.constant 0 : i32
        %cond3A_634 = arith.cmpi ne, %convert_element_type3A_632, %cond3A_633 : i32
        scf.if %cond3A_634 {
          %add3A_1041 = arith.constant 4 : i32
          %add3A_1042 = arith.addi %add3A_625, %add3A_1041 : i32
          %sub3A_1043 = arith.constant 1 : i32
          %sub3A_1044 = arith.subi %add3A_1042, %sub3A_1043 : i32
          %shift_right_arithmetic3A_1045 = arith.constant 1 : i32
          %shift_right_arithmetic3A_1046 = arith.shrsi %sub3A_1044, %shift_right_arithmetic3A_1045 : i32
          %and3A_1047 = arith.constant 1 : i32
          %and3A_1048 = arith.andi %sub3A_1044, %and3A_1047 : i32
          %mul3A_1049 = arith.constant 128 : i32
          %mul3A_1050 = arith.muli %and3A_1048, %mul3A_1049 : i32
          %add3A_1051 = arith.addi %mul3A_249, %shift_right_arithmetic3A_1046 : i32
          %mul3A_1052 = arith.constant 512 : i32
          %mul3A_1053 = arith.muli %add3A_1051, %mul3A_1052 : i32
          %add3A_1054 = arith.constant 0 : i32
          %add3A_1055 = arith.addi %mul3A_1050, %add3A_1054 : i32
          %get3A_1056 = arith.index_cast %add3A_1055 : i32 to index
          %get3A_1057 = tpu.vector_load %arg5[%get3A_1056] {strides = array<i32>} : memref<256xi32, #tpu.memory_space<vmem>>, vector<16xi32>,
          %add3A_1058 = vector.broadcast %mul3A_1053 : i32 to vector<16xi32>
          %add3A_1059 = arith.addi %get3A_1057, %add3A_1058 : vector<16xi32>
          %swap3A_1060 = arith.constant 0 : index
          %swap3A_1061 = tpu.vector_load %arg7[%swap3A_1060] {strides = array<i32>} : memref<128xi32, #tpu.memory_space<vmem>>, vector<16xi32>,
          tpu.vector_store %arg7[%swap3A_1060], %add3A_1059 {strides = array<i32>} : memref<128xi32, #tpu.memory_space<vmem>>, vector<16xi32>,
          %add3A_1062 = arith.constant 16 : i32
          %add3A_1063 = arith.addi %mul3A_1050, %add3A_1062 : i32
          %get3A_1064 = arith.index_cast %add3A_1063 : i32 to index
          %get3A_1065 = tpu.vector_load %arg5[%get3A_1064] {strides = array<i32>} : memref<256xi32, #tpu.memory_space<vmem>>, vector<16xi32>,
          %add3A_1066 = vector.broadcast %mul3A_1053 : i32 to vector<16xi32>
          %add3A_1067 = arith.addi %get3A_1065, %add3A_1066 : vector<16xi32>
          %swap3A_1068 = arith.constant 16 : index
          %swap3A_1069 = tpu.vector_load %arg7[%swap3A_1068] {strides = array<i32>} : memref<128xi32, #tpu.memory_space<vmem>>, vector<16xi32>,
          tpu.vector_store %arg7[%swap3A_1068], %add3A_1067 {strides = array<i32>} : memref<128xi32, #tpu.memory_space<vmem>>, vector<16xi32>,
          %add3A_1070 = arith.constant 32 : i32
          %add3A_1071 = arith.addi %mul3A_1050, %add3A_1070 : i32
          %get3A_1072 = arith.index_cast %add3A_1071 : i32 to index
          %get3A_1073 = tpu.vector_load %arg5[%get3A_1072] {strides = array<i32>} : memref<256xi32, #tpu.memory_space<vmem>>, vector<16xi32>,
          %add3A_1074 = vector.broadcast %mul3A_1053 : i32 to vector<16xi32>
          %add3A_1075 = arith.addi %get3A_1073, %add3A_1074 : vector<16xi32>
          %swap3A_1076 = arith.constant 32 : index
          %swap3A_1077 = tpu.vector_load %arg7[%swap3A_1076] {strides = array<i32>} : memref<128xi32, #tpu.memory_space<vmem>>, vector<16xi32>,
          tpu.vector_store %arg7[%swap3A_1076], %add3A_1075 {strides = array<i32>} : memref<128xi32, #tpu.memory_space<vmem>>, vector<16xi32>,
          %add3A_1078 = arith.constant 48 : i32
          %add3A_1079 = arith.addi %mul3A_1050, %add3A_1078 : i32
          %get3A_1080 = arith.index_cast %add3A_1079 : i32 to index
          %get3A_1081 = tpu.vector_load %arg5[%get3A_1080] {strides = array<i32>} : memref<256xi32, #tpu.memory_space<vmem>>, vector<16xi32>,
          %add3A_1082 = vector.broadcast %mul3A_1053 : i32 to vector<16xi32>
          %add3A_1083 = arith.addi %get3A_1081, %add3A_1082 : vector<16xi32>
          %swap3A_1084 = arith.constant 48 : index
          %swap3A_1085 = tpu.vector_load %arg7[%swap3A_1084] {strides = array<i32>} : memref<128xi32, #tpu.memory_space<vmem>>, vector<16xi32>,
          tpu.vector_store %arg7[%swap3A_1084], %add3A_1083 {strides = array<i32>} : memref<128xi32, #tpu.memory_space<vmem>>, vector<16xi32>,
          %add3A_1086 = arith.constant 64 : i32
          %add3A_1087 = arith.addi %mul3A_1050, %add3A_1086 : i32
          %get3A_1088 = arith.index_cast %add3A_1087 : i32 to index
          %get3A_1089 = tpu.vector_load %arg5[%get3A_1088] {strides = array<i32>} : memref<256xi32, #tpu.memory_space<vmem>>, vector<16xi32>,
          %add3A_1090 = vector.broadcast %mul3A_1053 : i32 to vector<16xi32>
          %add3A_1091 = arith.addi %get3A_1089, %add3A_1090 : vector<16xi32>
          %swap3A_1092 = arith.constant 64 : index
          %swap3A_1093 = tpu.vector_load %arg7[%swap3A_1092] {strides = array<i32>} : memref<128xi32, #tpu.memory_space<vmem>>, vector<16xi32>,
          tpu.vector_store %arg7[%swap3A_1092], %add3A_1091 {strides = array<i32>} : memref<128xi32, #tpu.memory_space<vmem>>, vector<16xi32>,
          %add3A_1094 = arith.constant 80 : i32
          %add3A_1095 = arith.addi %mul3A_1050, %add3A_1094 : i32
          %get3A_1096 = arith.index_cast %add3A_1095 : i32 to index
          %get3A_1097 = tpu.vector_load %arg5[%get3A_1096] {strides = array<i32>} : memref<256xi32, #tpu.memory_space<vmem>>, vector<16xi32>,
          %add3A_1098 = vector.broadcast %mul3A_1053 : i32 to vector<16xi32>
          %add3A_1099 = arith.addi %get3A_1097, %add3A_1098 : vector<16xi32>
          %swap3A_1100 = arith.constant 80 : index
          %swap3A_1101 = tpu.vector_load %arg7[%swap3A_1100] {strides = array<i32>} : memref<128xi32, #tpu.memory_space<vmem>>, vector<16xi32>,
          tpu.vector_store %arg7[%swap3A_1100], %add3A_1099 {strides = array<i32>} : memref<128xi32, #tpu.memory_space<vmem>>, vector<16xi32>,
          %add3A_1102 = arith.constant 96 : i32
          %add3A_1103 = arith.addi %mul3A_1050, %add3A_1102 : i32
          %get3A_1104 = arith.index_cast %add3A_1103 : i32 to index
          %get3A_1105 = tpu.vector_load %arg5[%get3A_1104] {strides = array<i32>} : memref<256xi32, #tpu.memory_space<vmem>>, vector<16xi32>,
          %add3A_1106 = vector.broadcast %mul3A_1053 : i32 to vector<16xi32>
          %add3A_1107 = arith.addi %get3A_1105, %add3A_1106 : vector<16xi32>
          %swap3A_1108 = arith.constant 96 : index
          %swap3A_1109 = tpu.vector_load %arg7[%swap3A_1108] {strides = array<i32>} : memref<128xi32, #tpu.memory_space<vmem>>, vector<16xi32>,
          tpu.vector_store %arg7[%swap3A_1108], %add3A_1107 {strides = array<i32>} : memref<128xi32, #tpu.memory_space<vmem>>, vector<16xi32>,
          %add3A_1110 = arith.constant 112 : i32
          %add3A_1111 = arith.addi %mul3A_1050, %add3A_1110 : i32
          %get3A_1112 = arith.index_cast %add3A_1111 : i32 to index
          %get3A_1113 = tpu.vector_load %arg5[%get3A_1112] {strides = array<i32>} : memref<256xi32, #tpu.memory_space<vmem>>, vector<16xi32>,
          %add3A_1114 = vector.broadcast %mul3A_1053 : i32 to vector<16xi32>
          %add3A_1115 = arith.addi %get3A_1113, %add3A_1114 : vector<16xi32>
          %swap3A_1116 = arith.constant 112 : index
          %swap3A_1117 = tpu.vector_load %arg7[%swap3A_1116] {strides = array<i32>} : memref<128xi32, #tpu.memory_space<vmem>>, vector<16xi32>,
          tpu.vector_store %arg7[%swap3A_1116], %add3A_1115 {strides = array<i32>} : memref<128xi32, #tpu.memory_space<vmem>>, vector<16xi32>,
          %dma_start3A_1118 = arith.constant 0 : i32
          %dma_start3A_1119 = tpu.memref_slice %arg2[%dma_start3A_1118, %multiple_of3A] : memref<131072x512xf32, #tpu.memory_space<hbm>> -> memref<131072x128xf32, #tpu.memory_space<hbm>>
          tpu.enqueue_indirect_dma source(%dma_start3A_1119 : memref<131072x128xf32, #tpu.memory_space<hbm>>) target(%arg11 : memref<128x128xf32, #tpu.memory_space<vmem>>) offsets(%arg7 : memref<128xi32, #tpu.memory_space<vmem>>) semaphore(%arg17 : memref<!tpu.dma_semaphore, #tpu.memory_space<semaphore_mem>>)
        } else {
        }
        %shift_right_arithmetic3A_635 = arith.constant 1 : i32
        %shift_right_arithmetic3A_636 = arith.shrsi %add3A_625, %shift_right_arithmetic3A_635 : i32
        %and3A_637 = arith.constant 1 : i32
        %and3A_638 = arith.andi %add3A_625, %and3A_637 : i32
        %mul3A_639 = arith.constant 128 : i32
        %mul3A_640 = arith.muli %and3A_638, %mul3A_639 : i32
        %dma_wait3A_641 = arith.constant 0 : i32
        %dma_wait3A_642 = tpu.memref_slice %arg2[%dma_wait3A_641, %multiple_of3A] : memref<131072x512xf32, #tpu.memory_space<hbm>> -> memref<131072x128xf32, #tpu.memory_space<hbm>>
        tpu.wait_indirect_dma semaphore(%arg18 : memref<!tpu.dma_semaphore, #tpu.memory_space<semaphore_mem>>) src(%dma_wait3A_642 : memref<131072x128xf32, #tpu.memory_space<hbm>>) dst(%arg12 : memref<128x128xf32, #tpu.memory_space<vmem>>)
        %add3A_643 = arith.constant 0 : i32
        %add3A_644 = arith.addi %mul3A_640, %add3A_643 : i32
        %get3A_645 = arith.index_cast %add3A_644 : i32 to index
        %get3A_646 = tpu.vector_load %arg6[%get3A_645] {strides = array<i32>} : memref<256xi32, #tpu.memory_space<vmem>>, vector<16xi32>,
        %sub3A_647 = vector.broadcast %multiple_of3A : i32 to vector<16xi32>
        %sub3A_648 = arith.subi %get3A_646, %sub3A_647 : vector<16xi32>
        %add3A_649 = arith.constant 0 : i32
        %add3A_650 = vector.broadcast %add3A_649 : i32 to vector<16xi32>
        %add3A_651 = arith.addi %iota3A, %add3A_650 : vector<16xi32>
        %gather3A_652 = tpu.vector_load_idx %arg12[%add3A_651, %sub3A_648] : memref<128x128xf32, #tpu.memory_space<vmem>>[vector<16xi32>, vector<16xi32>], vector<16xf32>,
        %add3A_653 = arith.constant 0 : i32
        %add3A_654 = arith.addi %mul3A_640, %add3A_653 : i32
        %swap3A_655 = arith.index_cast %shift_right_arithmetic3A_636 : i32 to index
        %swap3A_656 = arith.index_cast %add3A_654 : i32 to index
        %swap3A_657 = tpu.vector_load %arg16[%swap3A_655, %swap3A_656] {strides = array<i32>} : memref<8x256xf32, #tpu.memory_space<vmem>>, vector<16xf32>,
        tpu.vector_store %arg16[%swap3A_655, %swap3A_656], %gather3A_652 {strides = array<i32>} : memref<8x256xf32, #tpu.memory_space<vmem>>, vector<16xf32>,
        %add3A_658 = arith.constant 16 : i32
        %add3A_659 = arith.addi %mul3A_640, %add3A_658 : i32
        %get3A_660 = arith.index_cast %add3A_659 : i32 to index
        %get3A_661 = tpu.vector_load %arg6[%get3A_660] {strides = array<i32>} : memref<256xi32, #tpu.memory_space<vmem>>, vector<16xi32>,
        %sub3A_662 = vector.broadcast %multiple_of3A : i32 to vector<16xi32>
        %sub3A_663 = arith.subi %get3A_661, %sub3A_662 : vector<16xi32>
        %add3A_664 = arith.constant 16 : i32
        %add3A_665 = vector.broadcast %add3A_664 : i32 to vector<16xi32>
        %add3A_666 = arith.addi %iota3A, %add3A_665 : vector<16xi32>
        %gather3A_667 = tpu.vector_load_idx %arg12[%add3A_666, %sub3A_663] : memref<128x128xf32, #tpu.memory_space<vmem>>[vector<16xi32>, vector<16xi32>], vector<16xf32>,
        %add3A_668 = arith.constant 16 : i32
        %add3A_669 = arith.addi %mul3A_640, %add3A_668 : i32
        %swap3A_670 = arith.index_cast %shift_right_arithmetic3A_636 : i32 to index
        %swap3A_671 = arith.index_cast %add3A_669 : i32 to index
        %swap3A_672 = tpu.vector_load %arg16[%swap3A_670, %swap3A_671] {strides = array<i32>} : memref<8x256xf32, #tpu.memory_space<vmem>>, vector<16xf32>,
        tpu.vector_store %arg16[%swap3A_670, %swap3A_671], %gather3A_667 {strides = array<i32>} : memref<8x256xf32, #tpu.memory_space<vmem>>, vector<16xf32>,
        %add3A_673 = arith.constant 32 : i32
        %add3A_674 = arith.addi %mul3A_640, %add3A_673 : i32
        %get3A_675 = arith.index_cast %add3A_674 : i32 to index
        %get3A_676 = tpu.vector_load %arg6[%get3A_675] {strides = array<i32>} : memref<256xi32, #tpu.memory_space<vmem>>, vector<16xi32>,
        %sub3A_677 = vector.broadcast %multiple_of3A : i32 to vector<16xi32>
        %sub3A_678 = arith.subi %get3A_676, %sub3A_677 : vector<16xi32>
        %add3A_679 = arith.constant 32 : i32
        %add3A_680 = vector.broadcast %add3A_679 : i32 to vector<16xi32>
        %add3A_681 = arith.addi %iota3A, %add3A_680 : vector<16xi32>
        %gather3A_682 = tpu.vector_load_idx %arg12[%add3A_681, %sub3A_678] : memref<128x128xf32, #tpu.memory_space<vmem>>[vector<16xi32>, vector<16xi32>], vector<16xf32>,
        %add3A_683 = arith.constant 32 : i32
        %add3A_684 = arith.addi %mul3A_640, %add3A_683 : i32
        %swap3A_685 = arith.index_cast %shift_right_arithmetic3A_636 : i32 to index
        %swap3A_686 = arith.index_cast %add3A_684 : i32 to index
        %swap3A_687 = tpu.vector_load %arg16[%swap3A_685, %swap3A_686] {strides = array<i32>} : memref<8x256xf32, #tpu.memory_space<vmem>>, vector<16xf32>,
        tpu.vector_store %arg16[%swap3A_685, %swap3A_686], %gather3A_682 {strides = array<i32>} : memref<8x256xf32, #tpu.memory_space<vmem>>, vector<16xf32>,
        %add3A_688 = arith.constant 48 : i32
        %add3A_689 = arith.addi %mul3A_640, %add3A_688 : i32
        %get3A_690 = arith.index_cast %add3A_689 : i32 to index
        %get3A_691 = tpu.vector_load %arg6[%get3A_690] {strides = array<i32>} : memref<256xi32, #tpu.memory_space<vmem>>, vector<16xi32>,
        %sub3A_692 = vector.broadcast %multiple_of3A : i32 to vector<16xi32>
        %sub3A_693 = arith.subi %get3A_691, %sub3A_692 : vector<16xi32>
        %add3A_694 = arith.constant 48 : i32
        %add3A_695 = vector.broadcast %add3A_694 : i32 to vector<16xi32>
        %add3A_696 = arith.addi %iota3A, %add3A_695 : vector<16xi32>
        %gather3A_697 = tpu.vector_load_idx %arg12[%add3A_696, %sub3A_693] : memref<128x128xf32, #tpu.memory_space<vmem>>[vector<16xi32>, vector<16xi32>], vector<16xf32>,
        %add3A_698 = arith.constant 48 : i32
        %add3A_699 = arith.addi %mul3A_640, %add3A_698 : i32
        %swap3A_700 = arith.index_cast %shift_right_arithmetic3A_636 : i32 to index
        %swap3A_701 = arith.index_cast %add3A_699 : i32 to index
        %swap3A_702 = tpu.vector_load %arg16[%swap3A_700, %swap3A_701] {strides = array<i32>} : memref<8x256xf32, #tpu.memory_space<vmem>>, vector<16xf32>,
        tpu.vector_store %arg16[%swap3A_700, %swap3A_701], %gather3A_697 {strides = array<i32>} : memref<8x256xf32, #tpu.memory_space<vmem>>, vector<16xf32>,
        %add3A_703 = arith.constant 64 : i32
        %add3A_704 = arith.addi %mul3A_640, %add3A_703 : i32
        %get3A_705 = arith.index_cast %add3A_704 : i32 to index
        %get3A_706 = tpu.vector_load %arg6[%get3A_705] {strides = array<i32>} : memref<256xi32, #tpu.memory_space<vmem>>, vector<16xi32>,
        %sub3A_707 = vector.broadcast %multiple_of3A : i32 to vector<16xi32>
        %sub3A_708 = arith.subi %get3A_706, %sub3A_707 : vector<16xi32>
        %add3A_709 = arith.constant 64 : i32
        %add3A_710 = vector.broadcast %add3A_709 : i32 to vector<16xi32>
        %add3A_711 = arith.addi %iota3A, %add3A_710 : vector<16xi32>
        %gather3A_712 = tpu.vector_load_idx %arg12[%add3A_711, %sub3A_708] : memref<128x128xf32, #tpu.memory_space<vmem>>[vector<16xi32>, vector<16xi32>], vector<16xf32>,
        %add3A_713 = arith.constant 64 : i32
        %add3A_714 = arith.addi %mul3A_640, %add3A_713 : i32
        %swap3A_715 = arith.index_cast %shift_right_arithmetic3A_636 : i32 to index
        %swap3A_716 = arith.index_cast %add3A_714 : i32 to index
        %swap3A_717 = tpu.vector_load %arg16[%swap3A_715, %swap3A_716] {strides = array<i32>} : memref<8x256xf32, #tpu.memory_space<vmem>>, vector<16xf32>,
        tpu.vector_store %arg16[%swap3A_715, %swap3A_716], %gather3A_712 {strides = array<i32>} : memref<8x256xf32, #tpu.memory_space<vmem>>, vector<16xf32>,
        %add3A_718 = arith.constant 80 : i32
        %add3A_719 = arith.addi %mul3A_640, %add3A_718 : i32
        %get3A_720 = arith.index_cast %add3A_719 : i32 to index
        %get3A_721 = tpu.vector_load %arg6[%get3A_720] {strides = array<i32>} : memref<256xi32, #tpu.memory_space<vmem>>, vector<16xi32>,
        %sub3A_722 = vector.broadcast %multiple_of3A : i32 to vector<16xi32>
        %sub3A_723 = arith.subi %get3A_721, %sub3A_722 : vector<16xi32>
        %add3A_724 = arith.constant 80 : i32
        %add3A_725 = vector.broadcast %add3A_724 : i32 to vector<16xi32>
        %add3A_726 = arith.addi %iota3A, %add3A_725 : vector<16xi32>
        %gather3A_727 = tpu.vector_load_idx %arg12[%add3A_726, %sub3A_723] : memref<128x128xf32, #tpu.memory_space<vmem>>[vector<16xi32>, vector<16xi32>], vector<16xf32>,
        %add3A_728 = arith.constant 80 : i32
        %add3A_729 = arith.addi %mul3A_640, %add3A_728 : i32
        %swap3A_730 = arith.index_cast %shift_right_arithmetic3A_636 : i32 to index
        %swap3A_731 = arith.index_cast %add3A_729 : i32 to index
        %swap3A_732 = tpu.vector_load %arg16[%swap3A_730, %swap3A_731] {strides = array<i32>} : memref<8x256xf32, #tpu.memory_space<vmem>>, vector<16xf32>,
        tpu.vector_store %arg16[%swap3A_730, %swap3A_731], %gather3A_727 {strides = array<i32>} : memref<8x256xf32, #tpu.memory_space<vmem>>, vector<16xf32>,
        %add3A_733 = arith.constant 96 : i32
        %add3A_734 = arith.addi %mul3A_640, %add3A_733 : i32
        %get3A_735 = arith.index_cast %add3A_734 : i32 to index
        %get3A_736 = tpu.vector_load %arg6[%get3A_735] {strides = array<i32>} : memref<256xi32, #tpu.memory_space<vmem>>, vector<16xi32>,
        %sub3A_737 = vector.broadcast %multiple_of3A : i32 to vector<16xi32>
        %sub3A_738 = arith.subi %get3A_736, %sub3A_737 : vector<16xi32>
        %add3A_739 = arith.constant 96 : i32
        %add3A_740 = vector.broadcast %add3A_739 : i32 to vector<16xi32>
        %add3A_741 = arith.addi %iota3A, %add3A_740 : vector<16xi32>
        %gather3A_742 = tpu.vector_load_idx %arg12[%add3A_741, %sub3A_738] : memref<128x128xf32, #tpu.memory_space<vmem>>[vector<16xi32>, vector<16xi32>], vector<16xf32>,
        %add3A_743 = arith.constant 96 : i32
        %add3A_744 = arith.addi %mul3A_640, %add3A_743 : i32
        %swap3A_745 = arith.index_cast %shift_right_arithmetic3A_636 : i32 to index
        %swap3A_746 = arith.index_cast %add3A_744 : i32 to index
        %swap3A_747 = tpu.vector_load %arg16[%swap3A_745, %swap3A_746] {strides = array<i32>} : memref<8x256xf32, #tpu.memory_space<vmem>>, vector<16xf32>,
        tpu.vector_store %arg16[%swap3A_745, %swap3A_746], %gather3A_742 {strides = array<i32>} : memref<8x256xf32, #tpu.memory_space<vmem>>, vector<16xf32>,
        %add3A_748 = arith.constant 112 : i32
        %add3A_749 = arith.addi %mul3A_640, %add3A_748 : i32
        %get3A_750 = arith.index_cast %add3A_749 : i32 to index
        %get3A_751 = tpu.vector_load %arg6[%get3A_750] {strides = array<i32>} : memref<256xi32, #tpu.memory_space<vmem>>, vector<16xi32>,
        %sub3A_752 = vector.broadcast %multiple_of3A : i32 to vector<16xi32>
        %sub3A_753 = arith.subi %get3A_751, %sub3A_752 : vector<16xi32>
        %add3A_754 = arith.constant 112 : i32
        %add3A_755 = vector.broadcast %add3A_754 : i32 to vector<16xi32>
        %add3A_756 = arith.addi %iota3A, %add3A_755 : vector<16xi32>
        %gather3A_757 = tpu.vector_load_idx %arg12[%add3A_756, %sub3A_753] : memref<128x128xf32, #tpu.memory_space<vmem>>[vector<16xi32>, vector<16xi32>], vector<16xf32>,
        %add3A_758 = arith.constant 112 : i32
        %add3A_759 = arith.addi %mul3A_640, %add3A_758 : i32
        %swap3A_760 = arith.index_cast %shift_right_arithmetic3A_636 : i32 to index
        %swap3A_761 = arith.index_cast %add3A_759 : i32 to index
        %swap3A_762 = tpu.vector_load %arg16[%swap3A_760, %swap3A_761] {strides = array<i32>} : memref<8x256xf32, #tpu.memory_space<vmem>>, vector<16xf32>,
        tpu.vector_store %arg16[%swap3A_760, %swap3A_761], %gather3A_757 {strides = array<i32>} : memref<8x256xf32, #tpu.memory_space<vmem>>, vector<16xf32>,
        %add3A_763 = arith.constant 2 : i32
        %add3A_764 = arith.addi %add3A_488, %add3A_763 : i32
        %add3A_765 = arith.constant 4 : i32
        %add3A_766 = arith.addi %add3A_764, %add3A_765 : i32
        %sub3A_767 = arith.constant 1 : i32
        %sub3A_768 = arith.subi %add3A_766, %sub3A_767 : i32
        %lt3A_769 = arith.constant 16 : i32
        %lt3A_770 = arith.cmpi slt, %sub3A_768, %lt3A_769 : i32
        %convert_element_type3A_771 = arith.extui %lt3A_770 : i1 to i32
        %cond3A_772 = arith.constant 0 : i32
        %cond3A_773 = arith.cmpi ne, %convert_element_type3A_771, %cond3A_772 : i32
        scf.if %cond3A_773 {
          %add3A_1041 = arith.constant 4 : i32
          %add3A_1042 = arith.addi %add3A_764, %add3A_1041 : i32
          %sub3A_1043 = arith.constant 1 : i32
          %sub3A_1044 = arith.subi %add3A_1042, %sub3A_1043 : i32
          %shift_right_arithmetic3A_1045 = arith.constant 1 : i32
          %shift_right_arithmetic3A_1046 = arith.shrsi %sub3A_1044, %shift_right_arithmetic3A_1045 : i32
          %and3A_1047 = arith.constant 1 : i32
          %and3A_1048 = arith.andi %sub3A_1044, %and3A_1047 : i32
          %mul3A_1049 = arith.constant 128 : i32
          %mul3A_1050 = arith.muli %and3A_1048, %mul3A_1049 : i32
          %add3A_1051 = arith.addi %mul3A_249, %shift_right_arithmetic3A_1046 : i32
          %mul3A_1052 = arith.constant 512 : i32
          %mul3A_1053 = arith.muli %add3A_1051, %mul3A_1052 : i32
          %add3A_1054 = arith.constant 0 : i32
          %add3A_1055 = arith.addi %mul3A_1050, %add3A_1054 : i32
          %get3A_1056 = arith.index_cast %add3A_1055 : i32 to index
          %get3A_1057 = tpu.vector_load %arg5[%get3A_1056] {strides = array<i32>} : memref<256xi32, #tpu.memory_space<vmem>>, vector<16xi32>,
          %add3A_1058 = vector.broadcast %mul3A_1053 : i32 to vector<16xi32>
          %add3A_1059 = arith.addi %get3A_1057, %add3A_1058 : vector<16xi32>
          %swap3A_1060 = arith.constant 0 : index
          %swap3A_1061 = tpu.vector_load %arg8[%swap3A_1060] {strides = array<i32>} : memref<128xi32, #tpu.memory_space<vmem>>, vector<16xi32>,
          tpu.vector_store %arg8[%swap3A_1060], %add3A_1059 {strides = array<i32>} : memref<128xi32, #tpu.memory_space<vmem>>, vector<16xi32>,
          %add3A_1062 = arith.constant 16 : i32
          %add3A_1063 = arith.addi %mul3A_1050, %add3A_1062 : i32
          %get3A_1064 = arith.index_cast %add3A_1063 : i32 to index
          %get3A_1065 = tpu.vector_load %arg5[%get3A_1064] {strides = array<i32>} : memref<256xi32, #tpu.memory_space<vmem>>, vector<16xi32>,
          %add3A_1066 = vector.broadcast %mul3A_1053 : i32 to vector<16xi32>
          %add3A_1067 = arith.addi %get3A_1065, %add3A_1066 : vector<16xi32>
          %swap3A_1068 = arith.constant 16 : index
          %swap3A_1069 = tpu.vector_load %arg8[%swap3A_1068] {strides = array<i32>} : memref<128xi32, #tpu.memory_space<vmem>>, vector<16xi32>,
          tpu.vector_store %arg8[%swap3A_1068], %add3A_1067 {strides = array<i32>} : memref<128xi32, #tpu.memory_space<vmem>>, vector<16xi32>,
          %add3A_1070 = arith.constant 32 : i32
          %add3A_1071 = arith.addi %mul3A_1050, %add3A_1070 : i32
          %get3A_1072 = arith.index_cast %add3A_1071 : i32 to index
          %get3A_1073 = tpu.vector_load %arg5[%get3A_1072] {strides = array<i32>} : memref<256xi32, #tpu.memory_space<vmem>>, vector<16xi32>,
          %add3A_1074 = vector.broadcast %mul3A_1053 : i32 to vector<16xi32>
          %add3A_1075 = arith.addi %get3A_1073, %add3A_1074 : vector<16xi32>
          %swap3A_1076 = arith.constant 32 : index
          %swap3A_1077 = tpu.vector_load %arg8[%swap3A_1076] {strides = array<i32>} : memref<128xi32, #tpu.memory_space<vmem>>, vector<16xi32>,
          tpu.vector_store %arg8[%swap3A_1076], %add3A_1075 {strides = array<i32>} : memref<128xi32, #tpu.memory_space<vmem>>, vector<16xi32>,
          %add3A_1078 = arith.constant 48 : i32
          %add3A_1079 = arith.addi %mul3A_1050, %add3A_1078 : i32
          %get3A_1080 = arith.index_cast %add3A_1079 : i32 to index
          %get3A_1081 = tpu.vector_load %arg5[%get3A_1080] {strides = array<i32>} : memref<256xi32, #tpu.memory_space<vmem>>, vector<16xi32>,
          %add3A_1082 = vector.broadcast %mul3A_1053 : i32 to vector<16xi32>
          %add3A_1083 = arith.addi %get3A_1081, %add3A_1082 : vector<16xi32>
          %swap3A_1084 = arith.constant 48 : index
          %swap3A_1085 = tpu.vector_load %arg8[%swap3A_1084] {strides = array<i32>} : memref<128xi32, #tpu.memory_space<vmem>>, vector<16xi32>,
          tpu.vector_store %arg8[%swap3A_1084], %add3A_1083 {strides = array<i32>} : memref<128xi32, #tpu.memory_space<vmem>>, vector<16xi32>,
          %add3A_1086 = arith.constant 64 : i32
          %add3A_1087 = arith.addi %mul3A_1050, %add3A_1086 : i32
          %get3A_1088 = arith.index_cast %add3A_1087 : i32 to index
          %get3A_1089 = tpu.vector_load %arg5[%get3A_1088] {strides = array<i32>} : memref<256xi32, #tpu.memory_space<vmem>>, vector<16xi32>,
          %add3A_1090 = vector.broadcast %mul3A_1053 : i32 to vector<16xi32>
          %add3A_1091 = arith.addi %get3A_1089, %add3A_1090 : vector<16xi32>
          %swap3A_1092 = arith.constant 64 : index
          %swap3A_1093 = tpu.vector_load %arg8[%swap3A_1092] {strides = array<i32>} : memref<128xi32, #tpu.memory_space<vmem>>, vector<16xi32>,
          tpu.vector_store %arg8[%swap3A_1092], %add3A_1091 {strides = array<i32>} : memref<128xi32, #tpu.memory_space<vmem>>, vector<16xi32>,
          %add3A_1094 = arith.constant 80 : i32
          %add3A_1095 = arith.addi %mul3A_1050, %add3A_1094 : i32
          %get3A_1096 = arith.index_cast %add3A_1095 : i32 to index
          %get3A_1097 = tpu.vector_load %arg5[%get3A_1096] {strides = array<i32>} : memref<256xi32, #tpu.memory_space<vmem>>, vector<16xi32>,
          %add3A_1098 = vector.broadcast %mul3A_1053 : i32 to vector<16xi32>
          %add3A_1099 = arith.addi %get3A_1097, %add3A_1098 : vector<16xi32>
          %swap3A_1100 = arith.constant 80 : index
          %swap3A_1101 = tpu.vector_load %arg8[%swap3A_1100] {strides = array<i32>} : memref<128xi32, #tpu.memory_space<vmem>>, vector<16xi32>,
          tpu.vector_store %arg8[%swap3A_1100], %add3A_1099 {strides = array<i32>} : memref<128xi32, #tpu.memory_space<vmem>>, vector<16xi32>,
          %add3A_1102 = arith.constant 96 : i32
          %add3A_1103 = arith.addi %mul3A_1050, %add3A_1102 : i32
          %get3A_1104 = arith.index_cast %add3A_1103 : i32 to index
          %get3A_1105 = tpu.vector_load %arg5[%get3A_1104] {strides = array<i32>} : memref<256xi32, #tpu.memory_space<vmem>>, vector<16xi32>,
          %add3A_1106 = vector.broadcast %mul3A_1053 : i32 to vector<16xi32>
          %add3A_1107 = arith.addi %get3A_1105, %add3A_1106 : vector<16xi32>
          %swap3A_1108 = arith.constant 96 : index
          %swap3A_1109 = tpu.vector_load %arg8[%swap3A_1108] {strides = array<i32>} : memref<128xi32, #tpu.memory_space<vmem>>, vector<16xi32>,
          tpu.vector_store %arg8[%swap3A_1108], %add3A_1107 {strides = array<i32>} : memref<128xi32, #tpu.memory_space<vmem>>, vector<16xi32>,
          %add3A_1110 = arith.constant 112 : i32
          %add3A_1111 = arith.addi %mul3A_1050, %add3A_1110 : i32
          %get3A_1112 = arith.index_cast %add3A_1111 : i32 to index
          %get3A_1113 = tpu.vector_load %arg5[%get3A_1112] {strides = array<i32>} : memref<256xi32, #tpu.memory_space<vmem>>, vector<16xi32>,
          %add3A_1114 = vector.broadcast %mul3A_1053 : i32 to vector<16xi32>
          %add3A_1115 = arith.addi %get3A_1113, %add3A_1114 : vector<16xi32>
          %swap3A_1116 = arith.constant 112 : index
          %swap3A_1117 = tpu.vector_load %arg8[%swap3A_1116] {strides = array<i32>} : memref<128xi32, #tpu.memory_space<vmem>>, vector<16xi32>,
          tpu.vector_store %arg8[%swap3A_1116], %add3A_1115 {strides = array<i32>} : memref<128xi32, #tpu.memory_space<vmem>>, vector<16xi32>,
          %dma_start3A_1118 = arith.constant 0 : i32
          %dma_start3A_1119 = tpu.memref_slice %arg2[%dma_start3A_1118, %multiple_of3A] : memref<131072x512xf32, #tpu.memory_space<hbm>> -> memref<131072x128xf32, #tpu.memory_space<hbm>>
          tpu.enqueue_indirect_dma source(%dma_start3A_1119 : memref<131072x128xf32, #tpu.memory_space<hbm>>) target(%arg12 : memref<128x128xf32, #tpu.memory_space<vmem>>) offsets(%arg8 : memref<128xi32, #tpu.memory_space<vmem>>) semaphore(%arg18 : memref<!tpu.dma_semaphore, #tpu.memory_space<semaphore_mem>>)
        } else {
        }
        %shift_right_arithmetic3A_774 = arith.constant 1 : i32
        %shift_right_arithmetic3A_775 = arith.shrsi %add3A_764, %shift_right_arithmetic3A_774 : i32
        %and3A_776 = arith.constant 1 : i32
        %and3A_777 = arith.andi %add3A_764, %and3A_776 : i32
        %mul3A_778 = arith.constant 128 : i32
        %mul3A_779 = arith.muli %and3A_777, %mul3A_778 : i32
        %dma_wait3A_780 = arith.constant 0 : i32
        %dma_wait3A_781 = tpu.memref_slice %arg2[%dma_wait3A_780, %multiple_of3A] : memref<131072x512xf32, #tpu.memory_space<hbm>> -> memref<131072x128xf32, #tpu.memory_space<hbm>>
        tpu.wait_indirect_dma semaphore(%arg19 : memref<!tpu.dma_semaphore, #tpu.memory_space<semaphore_mem>>) src(%dma_wait3A_781 : memref<131072x128xf32, #tpu.memory_space<hbm>>) dst(%arg13 : memref<128x128xf32, #tpu.memory_space<vmem>>)
        %add3A_782 = arith.constant 0 : i32
        %add3A_783 = arith.addi %mul3A_779, %add3A_782 : i32
        %get3A_784 = arith.index_cast %add3A_783 : i32 to index
        %get3A_785 = tpu.vector_load %arg6[%get3A_784] {strides = array<i32>} : memref<256xi32, #tpu.memory_space<vmem>>, vector<16xi32>,
        %sub3A_786 = vector.broadcast %multiple_of3A : i32 to vector<16xi32>
        %sub3A_787 = arith.subi %get3A_785, %sub3A_786 : vector<16xi32>
        %add3A_788 = arith.constant 0 : i32
        %add3A_789 = vector.broadcast %add3A_788 : i32 to vector<16xi32>
        %add3A_790 = arith.addi %iota3A, %add3A_789 : vector<16xi32>
        %gather3A_791 = tpu.vector_load_idx %arg13[%add3A_790, %sub3A_787] : memref<128x128xf32, #tpu.memory_space<vmem>>[vector<16xi32>, vector<16xi32>], vector<16xf32>,
        %add3A_792 = arith.constant 0 : i32
        %add3A_793 = arith.addi %mul3A_779, %add3A_792 : i32
        %swap3A_794 = arith.index_cast %shift_right_arithmetic3A_775 : i32 to index
        %swap3A_795 = arith.index_cast %add3A_793 : i32 to index
        %swap3A_796 = tpu.vector_load %arg16[%swap3A_794, %swap3A_795] {strides = array<i32>} : memref<8x256xf32, #tpu.memory_space<vmem>>, vector<16xf32>,
        tpu.vector_store %arg16[%swap3A_794, %swap3A_795], %gather3A_791 {strides = array<i32>} : memref<8x256xf32, #tpu.memory_space<vmem>>, vector<16xf32>,
        %add3A_797 = arith.constant 16 : i32
        %add3A_798 = arith.addi %mul3A_779, %add3A_797 : i32
        %get3A_799 = arith.index_cast %add3A_798 : i32 to index
        %get3A_800 = tpu.vector_load %arg6[%get3A_799] {strides = array<i32>} : memref<256xi32, #tpu.memory_space<vmem>>, vector<16xi32>,
        %sub3A_801 = vector.broadcast %multiple_of3A : i32 to vector<16xi32>
        %sub3A_802 = arith.subi %get3A_800, %sub3A_801 : vector<16xi32>
        %add3A_803 = arith.constant 16 : i32
        %add3A_804 = vector.broadcast %add3A_803 : i32 to vector<16xi32>
        %add3A_805 = arith.addi %iota3A, %add3A_804 : vector<16xi32>
        %gather3A_806 = tpu.vector_load_idx %arg13[%add3A_805, %sub3A_802] : memref<128x128xf32, #tpu.memory_space<vmem>>[vector<16xi32>, vector<16xi32>], vector<16xf32>,
        %add3A_807 = arith.constant 16 : i32
        %add3A_808 = arith.addi %mul3A_779, %add3A_807 : i32
        %swap3A_809 = arith.index_cast %shift_right_arithmetic3A_775 : i32 to index
        %swap3A_810 = arith.index_cast %add3A_808 : i32 to index
        %swap3A_811 = tpu.vector_load %arg16[%swap3A_809, %swap3A_810] {strides = array<i32>} : memref<8x256xf32, #tpu.memory_space<vmem>>, vector<16xf32>,
        tpu.vector_store %arg16[%swap3A_809, %swap3A_810], %gather3A_806 {strides = array<i32>} : memref<8x256xf32, #tpu.memory_space<vmem>>, vector<16xf32>,
        %add3A_812 = arith.constant 32 : i32
        %add3A_813 = arith.addi %mul3A_779, %add3A_812 : i32
        %get3A_814 = arith.index_cast %add3A_813 : i32 to index
        %get3A_815 = tpu.vector_load %arg6[%get3A_814] {strides = array<i32>} : memref<256xi32, #tpu.memory_space<vmem>>, vector<16xi32>,
        %sub3A_816 = vector.broadcast %multiple_of3A : i32 to vector<16xi32>
        %sub3A_817 = arith.subi %get3A_815, %sub3A_816 : vector<16xi32>
        %add3A_818 = arith.constant 32 : i32
        %add3A_819 = vector.broadcast %add3A_818 : i32 to vector<16xi32>
        %add3A_820 = arith.addi %iota3A, %add3A_819 : vector<16xi32>
        %gather3A_821 = tpu.vector_load_idx %arg13[%add3A_820, %sub3A_817] : memref<128x128xf32, #tpu.memory_space<vmem>>[vector<16xi32>, vector<16xi32>], vector<16xf32>,
        %add3A_822 = arith.constant 32 : i32
        %add3A_823 = arith.addi %mul3A_779, %add3A_822 : i32
        %swap3A_824 = arith.index_cast %shift_right_arithmetic3A_775 : i32 to index
        %swap3A_825 = arith.index_cast %add3A_823 : i32 to index
        %swap3A_826 = tpu.vector_load %arg16[%swap3A_824, %swap3A_825] {strides = array<i32>} : memref<8x256xf32, #tpu.memory_space<vmem>>, vector<16xf32>,
        tpu.vector_store %arg16[%swap3A_824, %swap3A_825], %gather3A_821 {strides = array<i32>} : memref<8x256xf32, #tpu.memory_space<vmem>>, vector<16xf32>,
        %add3A_827 = arith.constant 48 : i32
        %add3A_828 = arith.addi %mul3A_779, %add3A_827 : i32
        %get3A_829 = arith.index_cast %add3A_828 : i32 to index
        %get3A_830 = tpu.vector_load %arg6[%get3A_829] {strides = array<i32>} : memref<256xi32, #tpu.memory_space<vmem>>, vector<16xi32>,
        %sub3A_831 = vector.broadcast %multiple_of3A : i32 to vector<16xi32>
        %sub3A_832 = arith.subi %get3A_830, %sub3A_831 : vector<16xi32>
        %add3A_833 = arith.constant 48 : i32
        %add3A_834 = vector.broadcast %add3A_833 : i32 to vector<16xi32>
        %add3A_835 = arith.addi %iota3A, %add3A_834 : vector<16xi32>
        %gather3A_836 = tpu.vector_load_idx %arg13[%add3A_835, %sub3A_832] : memref<128x128xf32, #tpu.memory_space<vmem>>[vector<16xi32>, vector<16xi32>], vector<16xf32>,
        %add3A_837 = arith.constant 48 : i32
        %add3A_838 = arith.addi %mul3A_779, %add3A_837 : i32
        %swap3A_839 = arith.index_cast %shift_right_arithmetic3A_775 : i32 to index
        %swap3A_840 = arith.index_cast %add3A_838 : i32 to index
        %swap3A_841 = tpu.vector_load %arg16[%swap3A_839, %swap3A_840] {strides = array<i32>} : memref<8x256xf32, #tpu.memory_space<vmem>>, vector<16xf32>,
        tpu.vector_store %arg16[%swap3A_839, %swap3A_840], %gather3A_836 {strides = array<i32>} : memref<8x256xf32, #tpu.memory_space<vmem>>, vector<16xf32>,
        %add3A_842 = arith.constant 64 : i32
        %add3A_843 = arith.addi %mul3A_779, %add3A_842 : i32
        %get3A_844 = arith.index_cast %add3A_843 : i32 to index
        %get3A_845 = tpu.vector_load %arg6[%get3A_844] {strides = array<i32>} : memref<256xi32, #tpu.memory_space<vmem>>, vector<16xi32>,
        %sub3A_846 = vector.broadcast %multiple_of3A : i32 to vector<16xi32>
        %sub3A_847 = arith.subi %get3A_845, %sub3A_846 : vector<16xi32>
        %add3A_848 = arith.constant 64 : i32
        %add3A_849 = vector.broadcast %add3A_848 : i32 to vector<16xi32>
        %add3A_850 = arith.addi %iota3A, %add3A_849 : vector<16xi32>
        %gather3A_851 = tpu.vector_load_idx %arg13[%add3A_850, %sub3A_847] : memref<128x128xf32, #tpu.memory_space<vmem>>[vector<16xi32>, vector<16xi32>], vector<16xf32>,
        %add3A_852 = arith.constant 64 : i32
        %add3A_853 = arith.addi %mul3A_779, %add3A_852 : i32
        %swap3A_854 = arith.index_cast %shift_right_arithmetic3A_775 : i32 to index
        %swap3A_855 = arith.index_cast %add3A_853 : i32 to index
        %swap3A_856 = tpu.vector_load %arg16[%swap3A_854, %swap3A_855] {strides = array<i32>} : memref<8x256xf32, #tpu.memory_space<vmem>>, vector<16xf32>,
        tpu.vector_store %arg16[%swap3A_854, %swap3A_855], %gather3A_851 {strides = array<i32>} : memref<8x256xf32, #tpu.memory_space<vmem>>, vector<16xf32>,
        %add3A_857 = arith.constant 80 : i32
        %add3A_858 = arith.addi %mul3A_779, %add3A_857 : i32
        %get3A_859 = arith.index_cast %add3A_858 : i32 to index
        %get3A_860 = tpu.vector_load %arg6[%get3A_859] {strides = array<i32>} : memref<256xi32, #tpu.memory_space<vmem>>, vector<16xi32>,
        %sub3A_861 = vector.broadcast %multiple_of3A : i32 to vector<16xi32>
        %sub3A_862 = arith.subi %get3A_860, %sub3A_861 : vector<16xi32>
        %add3A_863 = arith.constant 80 : i32
        %add3A_864 = vector.broadcast %add3A_863 : i32 to vector<16xi32>
        %add3A_865 = arith.addi %iota3A, %add3A_864 : vector<16xi32>
        %gather3A_866 = tpu.vector_load_idx %arg13[%add3A_865, %sub3A_862] : memref<128x128xf32, #tpu.memory_space<vmem>>[vector<16xi32>, vector<16xi32>], vector<16xf32>,
        %add3A_867 = arith.constant 80 : i32
        %add3A_868 = arith.addi %mul3A_779, %add3A_867 : i32
        %swap3A_869 = arith.index_cast %shift_right_arithmetic3A_775 : i32 to index
        %swap3A_870 = arith.index_cast %add3A_868 : i32 to index
        %swap3A_871 = tpu.vector_load %arg16[%swap3A_869, %swap3A_870] {strides = array<i32>} : memref<8x256xf32, #tpu.memory_space<vmem>>, vector<16xf32>,
        tpu.vector_store %arg16[%swap3A_869, %swap3A_870], %gather3A_866 {strides = array<i32>} : memref<8x256xf32, #tpu.memory_space<vmem>>, vector<16xf32>,
        %add3A_872 = arith.constant 96 : i32
        %add3A_873 = arith.addi %mul3A_779, %add3A_872 : i32
        %get3A_874 = arith.index_cast %add3A_873 : i32 to index
        %get3A_875 = tpu.vector_load %arg6[%get3A_874] {strides = array<i32>} : memref<256xi32, #tpu.memory_space<vmem>>, vector<16xi32>,
        %sub3A_876 = vector.broadcast %multiple_of3A : i32 to vector<16xi32>
        %sub3A_877 = arith.subi %get3A_875, %sub3A_876 : vector<16xi32>
        %add3A_878 = arith.constant 96 : i32
        %add3A_879 = vector.broadcast %add3A_878 : i32 to vector<16xi32>
        %add3A_880 = arith.addi %iota3A, %add3A_879 : vector<16xi32>
        %gather3A_881 = tpu.vector_load_idx %arg13[%add3A_880, %sub3A_877] : memref<128x128xf32, #tpu.memory_space<vmem>>[vector<16xi32>, vector<16xi32>], vector<16xf32>,
        %add3A_882 = arith.constant 96 : i32
        %add3A_883 = arith.addi %mul3A_779, %add3A_882 : i32
        %swap3A_884 = arith.index_cast %shift_right_arithmetic3A_775 : i32 to index
        %swap3A_885 = arith.index_cast %add3A_883 : i32 to index
        %swap3A_886 = tpu.vector_load %arg16[%swap3A_884, %swap3A_885] {strides = array<i32>} : memref<8x256xf32, #tpu.memory_space<vmem>>, vector<16xf32>,
        tpu.vector_store %arg16[%swap3A_884, %swap3A_885], %gather3A_881 {strides = array<i32>} : memref<8x256xf32, #tpu.memory_space<vmem>>, vector<16xf32>,
        %add3A_887 = arith.constant 112 : i32
        %add3A_888 = arith.addi %mul3A_779, %add3A_887 : i32
        %get3A_889 = arith.index_cast %add3A_888 : i32 to index
        %get3A_890 = tpu.vector_load %arg6[%get3A_889] {strides = array<i32>} : memref<256xi32, #tpu.memory_space<vmem>>, vector<16xi32>,
        %sub3A_891 = vector.broadcast %multiple_of3A : i32 to vector<16xi32>
        %sub3A_892 = arith.subi %get3A_890, %sub3A_891 : vector<16xi32>
        %add3A_893 = arith.constant 112 : i32
        %add3A_894 = vector.broadcast %add3A_893 : i32 to vector<16xi32>
        %add3A_895 = arith.addi %iota3A, %add3A_894 : vector<16xi32>
        %gather3A_896 = tpu.vector_load_idx %arg13[%add3A_895, %sub3A_892] : memref<128x128xf32, #tpu.memory_space<vmem>>[vector<16xi32>, vector<16xi32>], vector<16xf32>,
        %add3A_897 = arith.constant 112 : i32
        %add3A_898 = arith.addi %mul3A_779, %add3A_897 : i32
        %swap3A_899 = arith.index_cast %shift_right_arithmetic3A_775 : i32 to index
        %swap3A_900 = arith.index_cast %add3A_898 : i32 to index
        %swap3A_901 = tpu.vector_load %arg16[%swap3A_899, %swap3A_900] {strides = array<i32>} : memref<8x256xf32, #tpu.memory_space<vmem>>, vector<16xf32>,
        tpu.vector_store %arg16[%swap3A_899, %swap3A_900], %gather3A_896 {strides = array<i32>} : memref<8x256xf32, #tpu.memory_space<vmem>>, vector<16xf32>,
        %add3A_902 = arith.constant 3 : i32
        %add3A_903 = arith.addi %add3A_488, %add3A_902 : i32
        %add3A_904 = arith.constant 4 : i32
        %add3A_905 = arith.addi %add3A_903, %add3A_904 : i32
        %sub3A_906 = arith.constant 1 : i32
        %sub3A_907 = arith.subi %add3A_905, %sub3A_906 : i32
        %lt3A_908 = arith.constant 16 : i32
        %lt3A_909 = arith.cmpi slt, %sub3A_907, %lt3A_908 : i32
        %convert_element_type3A_910 = arith.extui %lt3A_909 : i1 to i32
        %cond3A_911 = arith.constant 0 : i32
        %cond3A_912 = arith.cmpi ne, %convert_element_type3A_910, %cond3A_911 : i32
        scf.if %cond3A_912 {
          %add3A_1041 = arith.constant 4 : i32
          %add3A_1042 = arith.addi %add3A_903, %add3A_1041 : i32
          %sub3A_1043 = arith.constant 1 : i32
          %sub3A_1044 = arith.subi %add3A_1042, %sub3A_1043 : i32
          %shift_right_arithmetic3A_1045 = arith.constant 1 : i32
          %shift_right_arithmetic3A_1046 = arith.shrsi %sub3A_1044, %shift_right_arithmetic3A_1045 : i32
          %and3A_1047 = arith.constant 1 : i32
          %and3A_1048 = arith.andi %sub3A_1044, %and3A_1047 : i32
          %mul3A_1049 = arith.constant 128 : i32
          %mul3A_1050 = arith.muli %and3A_1048, %mul3A_1049 : i32
          %add3A_1051 = arith.addi %mul3A_249, %shift_right_arithmetic3A_1046 : i32
          %mul3A_1052 = arith.constant 512 : i32
          %mul3A_1053 = arith.muli %add3A_1051, %mul3A_1052 : i32
          %add3A_1054 = arith.constant 0 : i32
          %add3A_1055 = arith.addi %mul3A_1050, %add3A_1054 : i32
          %get3A_1056 = arith.index_cast %add3A_1055 : i32 to index
          %get3A_1057 = tpu.vector_load %arg5[%get3A_1056] {strides = array<i32>} : memref<256xi32, #tpu.memory_space<vmem>>, vector<16xi32>,
          %add3A_1058 = vector.broadcast %mul3A_1053 : i32 to vector<16xi32>
          %add3A_1059 = arith.addi %get3A_1057, %add3A_1058 : vector<16xi32>
          %swap3A_1060 = arith.constant 0 : index
          %swap3A_1061 = tpu.vector_load %arg9[%swap3A_1060] {strides = array<i32>} : memref<128xi32, #tpu.memory_space<vmem>>, vector<16xi32>,
          tpu.vector_store %arg9[%swap3A_1060], %add3A_1059 {strides = array<i32>} : memref<128xi32, #tpu.memory_space<vmem>>, vector<16xi32>,
          %add3A_1062 = arith.constant 16 : i32
          %add3A_1063 = arith.addi %mul3A_1050, %add3A_1062 : i32
          %get3A_1064 = arith.index_cast %add3A_1063 : i32 to index
          %get3A_1065 = tpu.vector_load %arg5[%get3A_1064] {strides = array<i32>} : memref<256xi32, #tpu.memory_space<vmem>>, vector<16xi32>,
          %add3A_1066 = vector.broadcast %mul3A_1053 : i32 to vector<16xi32>
          %add3A_1067 = arith.addi %get3A_1065, %add3A_1066 : vector<16xi32>
          %swap3A_1068 = arith.constant 16 : index
          %swap3A_1069 = tpu.vector_load %arg9[%swap3A_1068] {strides = array<i32>} : memref<128xi32, #tpu.memory_space<vmem>>, vector<16xi32>,
          tpu.vector_store %arg9[%swap3A_1068], %add3A_1067 {strides = array<i32>} : memref<128xi32, #tpu.memory_space<vmem>>, vector<16xi32>,
          %add3A_1070 = arith.constant 32 : i32
          %add3A_1071 = arith.addi %mul3A_1050, %add3A_1070 : i32
          %get3A_1072 = arith.index_cast %add3A_1071 : i32 to index
          %get3A_1073 = tpu.vector_load %arg5[%get3A_1072] {strides = array<i32>} : memref<256xi32, #tpu.memory_space<vmem>>, vector<16xi32>,
          %add3A_1074 = vector.broadcast %mul3A_1053 : i32 to vector<16xi32>
          %add3A_1075 = arith.addi %get3A_1073, %add3A_1074 : vector<16xi32>
          %swap3A_1076 = arith.constant 32 : index
          %swap3A_1077 = tpu.vector_load %arg9[%swap3A_1076] {strides = array<i32>} : memref<128xi32, #tpu.memory_space<vmem>>, vector<16xi32>,
          tpu.vector_store %arg9[%swap3A_1076], %add3A_1075 {strides = array<i32>} : memref<128xi32, #tpu.memory_space<vmem>>, vector<16xi32>,
          %add3A_1078 = arith.constant 48 : i32
          %add3A_1079 = arith.addi %mul3A_1050, %add3A_1078 : i32
          %get3A_1080 = arith.index_cast %add3A_1079 : i32 to index
          %get3A_1081 = tpu.vector_load %arg5[%get3A_1080] {strides = array<i32>} : memref<256xi32, #tpu.memory_space<vmem>>, vector<16xi32>,
          %add3A_1082 = vector.broadcast %mul3A_1053 : i32 to vector<16xi32>
          %add3A_1083 = arith.addi %get3A_1081, %add3A_1082 : vector<16xi32>
          %swap3A_1084 = arith.constant 48 : index
          %swap3A_1085 = tpu.vector_load %arg9[%swap3A_1084] {strides = array<i32>} : memref<128xi32, #tpu.memory_space<vmem>>, vector<16xi32>,
          tpu.vector_store %arg9[%swap3A_1084], %add3A_1083 {strides = array<i32>} : memref<128xi32, #tpu.memory_space<vmem>>, vector<16xi32>,
          %add3A_1086 = arith.constant 64 : i32
          %add3A_1087 = arith.addi %mul3A_1050, %add3A_1086 : i32
          %get3A_1088 = arith.index_cast %add3A_1087 : i32 to index
          %get3A_1089 = tpu.vector_load %arg5[%get3A_1088] {strides = array<i32>} : memref<256xi32, #tpu.memory_space<vmem>>, vector<16xi32>,
          %add3A_1090 = vector.broadcast %mul3A_1053 : i32 to vector<16xi32>
          %add3A_1091 = arith.addi %get3A_1089, %add3A_1090 : vector<16xi32>
          %swap3A_1092 = arith.constant 64 : index
          %swap3A_1093 = tpu.vector_load %arg9[%swap3A_1092] {strides = array<i32>} : memref<128xi32, #tpu.memory_space<vmem>>, vector<16xi32>,
          tpu.vector_store %arg9[%swap3A_1092], %add3A_1091 {strides = array<i32>} : memref<128xi32, #tpu.memory_space<vmem>>, vector<16xi32>,
          %add3A_1094 = arith.constant 80 : i32
          %add3A_1095 = arith.addi %mul3A_1050, %add3A_1094 : i32
          %get3A_1096 = arith.index_cast %add3A_1095 : i32 to index
          %get3A_1097 = tpu.vector_load %arg5[%get3A_1096] {strides = array<i32>} : memref<256xi32, #tpu.memory_space<vmem>>, vector<16xi32>,
          %add3A_1098 = vector.broadcast %mul3A_1053 : i32 to vector<16xi32>
          %add3A_1099 = arith.addi %get3A_1097, %add3A_1098 : vector<16xi32>
          %swap3A_1100 = arith.constant 80 : index
          %swap3A_1101 = tpu.vector_load %arg9[%swap3A_1100] {strides = array<i32>} : memref<128xi32, #tpu.memory_space<vmem>>, vector<16xi32>,
          tpu.vector_store %arg9[%swap3A_1100], %add3A_1099 {strides = array<i32>} : memref<128xi32, #tpu.memory_space<vmem>>, vector<16xi32>,
          %add3A_1102 = arith.constant 96 : i32
          %add3A_1103 = arith.addi %mul3A_1050, %add3A_1102 : i32
          %get3A_1104 = arith.index_cast %add3A_1103 : i32 to index
          %get3A_1105 = tpu.vector_load %arg5[%get3A_1104] {strides = array<i32>} : memref<256xi32, #tpu.memory_space<vmem>>, vector<16xi32>,
          %add3A_1106 = vector.broadcast %mul3A_1053 : i32 to vector<16xi32>
          %add3A_1107 = arith.addi %get3A_1105, %add3A_1106 : vector<16xi32>
          %swap3A_1108 = arith.constant 96 : index
          %swap3A_1109 = tpu.vector_load %arg9[%swap3A_1108] {strides = array<i32>} : memref<128xi32, #tpu.memory_space<vmem>>, vector<16xi32>,
          tpu.vector_store %arg9[%swap3A_1108], %add3A_1107 {strides = array<i32>} : memref<128xi32, #tpu.memory_space<vmem>>, vector<16xi32>,
          %add3A_1110 = arith.constant 112 : i32
          %add3A_1111 = arith.addi %mul3A_1050, %add3A_1110 : i32
          %get3A_1112 = arith.index_cast %add3A_1111 : i32 to index
          %get3A_1113 = tpu.vector_load %arg5[%get3A_1112] {strides = array<i32>} : memref<256xi32, #tpu.memory_space<vmem>>, vector<16xi32>,
          %add3A_1114 = vector.broadcast %mul3A_1053 : i32 to vector<16xi32>
          %add3A_1115 = arith.addi %get3A_1113, %add3A_1114 : vector<16xi32>
          %swap3A_1116 = arith.constant 112 : index
          %swap3A_1117 = tpu.vector_load %arg9[%swap3A_1116] {strides = array<i32>} : memref<128xi32, #tpu.memory_space<vmem>>, vector<16xi32>,
          tpu.vector_store %arg9[%swap3A_1116], %add3A_1115 {strides = array<i32>} : memref<128xi32, #tpu.memory_space<vmem>>, vector<16xi32>,
          %dma_start3A_1118 = arith.constant 0 : i32
          %dma_start3A_1119 = tpu.memref_slice %arg2[%dma_start3A_1118, %multiple_of3A] : memref<131072x512xf32, #tpu.memory_space<hbm>> -> memref<131072x128xf32, #tpu.memory_space<hbm>>
          tpu.enqueue_indirect_dma source(%dma_start3A_1119 : memref<131072x128xf32, #tpu.memory_space<hbm>>) target(%arg13 : memref<128x128xf32, #tpu.memory_space<vmem>>) offsets(%arg9 : memref<128xi32, #tpu.memory_space<vmem>>) semaphore(%arg19 : memref<!tpu.dma_semaphore, #tpu.memory_space<semaphore_mem>>)
        } else {
        }
        %shift_right_arithmetic3A_913 = arith.constant 1 : i32
        %shift_right_arithmetic3A_914 = arith.shrsi %add3A_903, %shift_right_arithmetic3A_913 : i32
        %and3A_915 = arith.constant 1 : i32
        %and3A_916 = arith.andi %add3A_903, %and3A_915 : i32
        %mul3A_917 = arith.constant 128 : i32
        %mul3A_918 = arith.muli %and3A_916, %mul3A_917 : i32
        %dma_wait3A_919 = arith.constant 0 : i32
        %dma_wait3A_920 = tpu.memref_slice %arg2[%dma_wait3A_919, %multiple_of3A] : memref<131072x512xf32, #tpu.memory_space<hbm>> -> memref<131072x128xf32, #tpu.memory_space<hbm>>
        tpu.wait_indirect_dma semaphore(%arg20 : memref<!tpu.dma_semaphore, #tpu.memory_space<semaphore_mem>>) src(%dma_wait3A_920 : memref<131072x128xf32, #tpu.memory_space<hbm>>) dst(%arg14 : memref<128x128xf32, #tpu.memory_space<vmem>>)
        %add3A_921 = arith.constant 0 : i32
        %add3A_922 = arith.addi %mul3A_918, %add3A_921 : i32
        %get3A_923 = arith.index_cast %add3A_922 : i32 to index
        %get3A_924 = tpu.vector_load %arg6[%get3A_923] {strides = array<i32>} : memref<256xi32, #tpu.memory_space<vmem>>, vector<16xi32>,
        %sub3A_925 = vector.broadcast %multiple_of3A : i32 to vector<16xi32>
        %sub3A_926 = arith.subi %get3A_924, %sub3A_925 : vector<16xi32>
        %add3A_927 = arith.constant 0 : i32
        %add3A_928 = vector.broadcast %add3A_927 : i32 to vector<16xi32>
        %add3A_929 = arith.addi %iota3A, %add3A_928 : vector<16xi32>
        %gather3A_930 = tpu.vector_load_idx %arg14[%add3A_929, %sub3A_926] : memref<128x128xf32, #tpu.memory_space<vmem>>[vector<16xi32>, vector<16xi32>], vector<16xf32>,
        %add3A_931 = arith.constant 0 : i32
        %add3A_932 = arith.addi %mul3A_918, %add3A_931 : i32
        %swap3A_933 = arith.index_cast %shift_right_arithmetic3A_914 : i32 to index
        %swap3A_934 = arith.index_cast %add3A_932 : i32 to index
        %swap3A_935 = tpu.vector_load %arg16[%swap3A_933, %swap3A_934] {strides = array<i32>} : memref<8x256xf32, #tpu.memory_space<vmem>>, vector<16xf32>,
        tpu.vector_store %arg16[%swap3A_933, %swap3A_934], %gather3A_930 {strides = array<i32>} : memref<8x256xf32, #tpu.memory_space<vmem>>, vector<16xf32>,
        %add3A_936 = arith.constant 16 : i32
        %add3A_937 = arith.addi %mul3A_918, %add3A_936 : i32
        %get3A_938 = arith.index_cast %add3A_937 : i32 to index
        %get3A_939 = tpu.vector_load %arg6[%get3A_938] {strides = array<i32>} : memref<256xi32, #tpu.memory_space<vmem>>, vector<16xi32>,
        %sub3A_940 = vector.broadcast %multiple_of3A : i32 to vector<16xi32>
        %sub3A_941 = arith.subi %get3A_939, %sub3A_940 : vector<16xi32>
        %add3A_942 = arith.constant 16 : i32
        %add3A_943 = vector.broadcast %add3A_942 : i32 to vector<16xi32>
        %add3A_944 = arith.addi %iota3A, %add3A_943 : vector<16xi32>
        %gather3A_945 = tpu.vector_load_idx %arg14[%add3A_944, %sub3A_941] : memref<128x128xf32, #tpu.memory_space<vmem>>[vector<16xi32>, vector<16xi32>], vector<16xf32>,
        %add3A_946 = arith.constant 16 : i32
        %add3A_947 = arith.addi %mul3A_918, %add3A_946 : i32
        %swap3A_948 = arith.index_cast %shift_right_arithmetic3A_914 : i32 to index
        %swap3A_949 = arith.index_cast %add3A_947 : i32 to index
        %swap3A_950 = tpu.vector_load %arg16[%swap3A_948, %swap3A_949] {strides = array<i32>} : memref<8x256xf32, #tpu.memory_space<vmem>>, vector<16xf32>,
        tpu.vector_store %arg16[%swap3A_948, %swap3A_949], %gather3A_945 {strides = array<i32>} : memref<8x256xf32, #tpu.memory_space<vmem>>, vector<16xf32>,
        %add3A_951 = arith.constant 32 : i32
        %add3A_952 = arith.addi %mul3A_918, %add3A_951 : i32
        %get3A_953 = arith.index_cast %add3A_952 : i32 to index
        %get3A_954 = tpu.vector_load %arg6[%get3A_953] {strides = array<i32>} : memref<256xi32, #tpu.memory_space<vmem>>, vector<16xi32>,
        %sub3A_955 = vector.broadcast %multiple_of3A : i32 to vector<16xi32>
        %sub3A_956 = arith.subi %get3A_954, %sub3A_955 : vector<16xi32>
        %add3A_957 = arith.constant 32 : i32
        %add3A_958 = vector.broadcast %add3A_957 : i32 to vector<16xi32>
        %add3A_959 = arith.addi %iota3A, %add3A_958 : vector<16xi32>
        %gather3A_960 = tpu.vector_load_idx %arg14[%add3A_959, %sub3A_956] : memref<128x128xf32, #tpu.memory_space<vmem>>[vector<16xi32>, vector<16xi32>], vector<16xf32>,
        %add3A_961 = arith.constant 32 : i32
        %add3A_962 = arith.addi %mul3A_918, %add3A_961 : i32
        %swap3A_963 = arith.index_cast %shift_right_arithmetic3A_914 : i32 to index
        %swap3A_964 = arith.index_cast %add3A_962 : i32 to index
        %swap3A_965 = tpu.vector_load %arg16[%swap3A_963, %swap3A_964] {strides = array<i32>} : memref<8x256xf32, #tpu.memory_space<vmem>>, vector<16xf32>,
        tpu.vector_store %arg16[%swap3A_963, %swap3A_964], %gather3A_960 {strides = array<i32>} : memref<8x256xf32, #tpu.memory_space<vmem>>, vector<16xf32>,
        %add3A_966 = arith.constant 48 : i32
        %add3A_967 = arith.addi %mul3A_918, %add3A_966 : i32
        %get3A_968 = arith.index_cast %add3A_967 : i32 to index
        %get3A_969 = tpu.vector_load %arg6[%get3A_968] {strides = array<i32>} : memref<256xi32, #tpu.memory_space<vmem>>, vector<16xi32>,
        %sub3A_970 = vector.broadcast %multiple_of3A : i32 to vector<16xi32>
        %sub3A_971 = arith.subi %get3A_969, %sub3A_970 : vector<16xi32>
        %add3A_972 = arith.constant 48 : i32
        %add3A_973 = vector.broadcast %add3A_972 : i32 to vector<16xi32>
        %add3A_974 = arith.addi %iota3A, %add3A_973 : vector<16xi32>
        %gather3A_975 = tpu.vector_load_idx %arg14[%add3A_974, %sub3A_971] : memref<128x128xf32, #tpu.memory_space<vmem>>[vector<16xi32>, vector<16xi32>], vector<16xf32>,
        %add3A_976 = arith.constant 48 : i32
        %add3A_977 = arith.addi %mul3A_918, %add3A_976 : i32
        %swap3A_978 = arith.index_cast %shift_right_arithmetic3A_914 : i32 to index
        %swap3A_979 = arith.index_cast %add3A_977 : i32 to index
        %swap3A_980 = tpu.vector_load %arg16[%swap3A_978, %swap3A_979] {strides = array<i32>} : memref<8x256xf32, #tpu.memory_space<vmem>>, vector<16xf32>,
        tpu.vector_store %arg16[%swap3A_978, %swap3A_979], %gather3A_975 {strides = array<i32>} : memref<8x256xf32, #tpu.memory_space<vmem>>, vector<16xf32>,
        %add3A_981 = arith.constant 64 : i32
        %add3A_982 = arith.addi %mul3A_918, %add3A_981 : i32
        %get3A_983 = arith.index_cast %add3A_982 : i32 to index
        %get3A_984 = tpu.vector_load %arg6[%get3A_983] {strides = array<i32>} : memref<256xi32, #tpu.memory_space<vmem>>, vector<16xi32>,
        %sub3A_985 = vector.broadcast %multiple_of3A : i32 to vector<16xi32>
        %sub3A_986 = arith.subi %get3A_984, %sub3A_985 : vector<16xi32>
        %add3A_987 = arith.constant 64 : i32
        %add3A_988 = vector.broadcast %add3A_987 : i32 to vector<16xi32>
        %add3A_989 = arith.addi %iota3A, %add3A_988 : vector<16xi32>
        %gather3A_990 = tpu.vector_load_idx %arg14[%add3A_989, %sub3A_986] : memref<128x128xf32, #tpu.memory_space<vmem>>[vector<16xi32>, vector<16xi32>], vector<16xf32>,
        %add3A_991 = arith.constant 64 : i32
        %add3A_992 = arith.addi %mul3A_918, %add3A_991 : i32
        %swap3A_993 = arith.index_cast %shift_right_arithmetic3A_914 : i32 to index
        %swap3A_994 = arith.index_cast %add3A_992 : i32 to index
        %swap3A_995 = tpu.vector_load %arg16[%swap3A_993, %swap3A_994] {strides = array<i32>} : memref<8x256xf32, #tpu.memory_space<vmem>>, vector<16xf32>,
        tpu.vector_store %arg16[%swap3A_993, %swap3A_994], %gather3A_990 {strides = array<i32>} : memref<8x256xf32, #tpu.memory_space<vmem>>, vector<16xf32>,
        %add3A_996 = arith.constant 80 : i32
        %add3A_997 = arith.addi %mul3A_918, %add3A_996 : i32
        %get3A_998 = arith.index_cast %add3A_997 : i32 to index
        %get3A_999 = tpu.vector_load %arg6[%get3A_998] {strides = array<i32>} : memref<256xi32, #tpu.memory_space<vmem>>, vector<16xi32>,
        %sub3A_1000 = vector.broadcast %multiple_of3A : i32 to vector<16xi32>
        %sub3A_1001 = arith.subi %get3A_999, %sub3A_1000 : vector<16xi32>
        %add3A_1002 = arith.constant 80 : i32
        %add3A_1003 = vector.broadcast %add3A_1002 : i32 to vector<16xi32>
        %add3A_1004 = arith.addi %iota3A, %add3A_1003 : vector<16xi32>
        %gather3A_1005 = tpu.vector_load_idx %arg14[%add3A_1004, %sub3A_1001] : memref<128x128xf32, #tpu.memory_space<vmem>>[vector<16xi32>, vector<16xi32>], vector<16xf32>,
        %add3A_1006 = arith.constant 80 : i32
        %add3A_1007 = arith.addi %mul3A_918, %add3A_1006 : i32
        %swap3A_1008 = arith.index_cast %shift_right_arithmetic3A_914 : i32 to index
        %swap3A_1009 = arith.index_cast %add3A_1007 : i32 to index
        %swap3A_1010 = tpu.vector_load %arg16[%swap3A_1008, %swap3A_1009] {strides = array<i32>} : memref<8x256xf32, #tpu.memory_space<vmem>>, vector<16xf32>,
        tpu.vector_store %arg16[%swap3A_1008, %swap3A_1009], %gather3A_1005 {strides = array<i32>} : memref<8x256xf32, #tpu.memory_space<vmem>>, vector<16xf32>,
        %add3A_1011 = arith.constant 96 : i32
        %add3A_1012 = arith.addi %mul3A_918, %add3A_1011 : i32
        %get3A_1013 = arith.index_cast %add3A_1012 : i32 to index
        %get3A_1014 = tpu.vector_load %arg6[%get3A_1013] {strides = array<i32>} : memref<256xi32, #tpu.memory_space<vmem>>, vector<16xi32>,
        %sub3A_1015 = vector.broadcast %multiple_of3A : i32 to vector<16xi32>
        %sub3A_1016 = arith.subi %get3A_1014, %sub3A_1015 : vector<16xi32>
        %add3A_1017 = arith.constant 96 : i32
        %add3A_1018 = vector.broadcast %add3A_1017 : i32 to vector<16xi32>
        %add3A_1019 = arith.addi %iota3A, %add3A_1018 : vector<16xi32>
        %gather3A_1020 = tpu.vector_load_idx %arg14[%add3A_1019, %sub3A_1016] : memref<128x128xf32, #tpu.memory_space<vmem>>[vector<16xi32>, vector<16xi32>], vector<16xf32>,
        %add3A_1021 = arith.constant 96 : i32
        %add3A_1022 = arith.addi %mul3A_918, %add3A_1021 : i32
        %swap3A_1023 = arith.index_cast %shift_right_arithmetic3A_914 : i32 to index
        %swap3A_1024 = arith.index_cast %add3A_1022 : i32 to index
        %swap3A_1025 = tpu.vector_load %arg16[%swap3A_1023, %swap3A_1024] {strides = array<i32>} : memref<8x256xf32, #tpu.memory_space<vmem>>, vector<16xf32>,
        tpu.vector_store %arg16[%swap3A_1023, %swap3A_1024], %gather3A_1020 {strides = array<i32>} : memref<8x256xf32, #tpu.memory_space<vmem>>, vector<16xf32>,
        %add3A_1026 = arith.constant 112 : i32
        %add3A_1027 = arith.addi %mul3A_918, %add3A_1026 : i32
        %get3A_1028 = arith.index_cast %add3A_1027 : i32 to index
        %get3A_1029 = tpu.vector_load %arg6[%get3A_1028] {strides = array<i32>} : memref<256xi32, #tpu.memory_space<vmem>>, vector<16xi32>,
        %sub3A_1030 = vector.broadcast %multiple_of3A : i32 to vector<16xi32>
        %sub3A_1031 = arith.subi %get3A_1029, %sub3A_1030 : vector<16xi32>
        %add3A_1032 = arith.constant 112 : i32
        %add3A_1033 = vector.broadcast %add3A_1032 : i32 to vector<16xi32>
        %add3A_1034 = arith.addi %iota3A, %add3A_1033 : vector<16xi32>
        %gather3A_1035 = tpu.vector_load_idx %arg14[%add3A_1034, %sub3A_1031] : memref<128x128xf32, #tpu.memory_space<vmem>>[vector<16xi32>, vector<16xi32>], vector<16xf32>,
        %add3A_1036 = arith.constant 112 : i32
        %add3A_1037 = arith.addi %mul3A_918, %add3A_1036 : i32
        %swap3A_1038 = arith.index_cast %shift_right_arithmetic3A_914 : i32 to index
        %swap3A_1039 = arith.index_cast %add3A_1037 : i32 to index
        %swap3A_1040 = tpu.vector_load %arg16[%swap3A_1038, %swap3A_1039] {strides = array<i32>} : memref<8x256xf32, #tpu.memory_space<vmem>>, vector<16xf32>,
        tpu.vector_store %arg16[%swap3A_1038, %swap3A_1039], %gather3A_1035 {strides = array<i32>} : memref<8x256xf32, #tpu.memory_space<vmem>>, vector<16xf32>,
      }
      %scan3A_483 = arith.constant 4 : i32
      "tpu.region"() ({
        %run_scoped3A = tpu.sem_alloc : memref<!tpu.dma_semaphore, #tpu.memory_space<semaphore_mem>>
        %dma_start3A_484 = arith.constant 0 : i32
        %dma_start3A_485 = tpu.memref_slice %arg4[%mul3A_249, %dma_start3A_484] : memref<256x256xf32, #tpu.memory_space<hbm>> -> memref<8x256xf32, #tpu.memory_space<hbm>>
        %dma_start3A_486 = arith.constant 0 : i32
        %dma_start3A_487 = tpu.memref_slice %arg4[%mul3A_249, %dma_start3A_486] : memref<256x256xf32, #tpu.memory_space<hbm>> -> memref<8x256xf32, #tpu.memory_space<hbm>>
        tpu.enqueue_dma source(%arg16 : memref<8x256xf32, #tpu.memory_space<vmem>>) target(%dma_start3A_487 : memref<8x256xf32, #tpu.memory_space<hbm>>) target_semaphore(%run_scoped3A : memref<!tpu.dma_semaphore, #tpu.memory_space<semaphore_mem>>)
        %dma_wait3A = arith.constant 0 : i32
        %dma_wait3A_488 = tpu.memref_slice %arg4[%mul3A_249, %dma_wait3A] : memref<256x256xf32, #tpu.memory_space<hbm>> -> memref<8x256xf32, #tpu.memory_space<hbm>>
        %dma_wait3A_489 = arith.constant 0 : i32
        %dma_wait3A_490 = tpu.memref_slice %arg4[%mul3A_249, %dma_wait3A_489] : memref<256x256xf32, #tpu.memory_space<hbm>> -> memref<8x256xf32, #tpu.memory_space<hbm>>
        tpu.wait_dma2 semaphore(%run_scoped3A : memref<!tpu.dma_semaphore, #tpu.memory_space<semaphore_mem>>) src(%arg16 : memref<8x256xf32, #tpu.memory_space<vmem>>) dst(%dma_wait3A_490 : memref<8x256xf32, #tpu.memory_space<hbm>>)
        tpu.yield
      }) : () -> ()
    } else {
    }
    %not3A = arith.constant true
    %not3A_244 = arith.xori %eq3A, %not3A : i1
    %convert_element_type3A_245 = arith.extui %not3A_244 : i1 to i32
    %cond3A_246 = arith.constant 0 : i32
    %cond3A_247 = arith.cmpi ne, %convert_element_type3A_245, %cond3A_246 : i32
    scf.if %cond3A_247 {
      %mul3A_248 = arith.constant 8 : i32
      %mul3A_249 = arith.muli %add3A, %mul3A_248 : i32
      %scan3A = arith.constant 0 : i32
      %scan3A_250 = arith.constant 32 : i32
      %scan3A_251 = arith.addi %scan3A, %scan3A_250 : i32
      %scan3A_252 = arith.constant 1 : i32
      scf.for %scan3A_254 = %scan3A to %scan3A_251 step %scan3A_252  : i32 {
        %mul3A_255 = arith.constant 1 : i32
        %mul3A_256 = arith.muli %scan3A_254, %mul3A_255 : i32
        %add3A_257 = arith.constant 0 : i32
        %add3A_258 = arith.addi %add3A_257, %mul3A_256 : i32
        %shift_right_arithmetic3A_259 = arith.constant 2 : i32
        %shift_right_arithmetic3A_260 = arith.shrsi %add3A_258, %shift_right_arithmetic3A_259 : i32
        %and3A_261 = arith.constant 3 : i32
        %and3A_262 = arith.andi %add3A_258, %and3A_261 : i32
        %mul3A_263 = arith.constant 64 : i32
        %mul3A_264 = arith.muli %and3A_262, %mul3A_263 : i32
        %add3A_265 = arith.addi %mul3A_249, %shift_right_arithmetic3A_260 : i32
        %mul3A_266 = arith.constant 512 : i32
        %mul3A_267 = arith.muli %add3A_265, %mul3A_266 : i32
        %add3A_268 = arith.constant 0 : i32
        %add3A_269 = arith.addi %mul3A_264, %add3A_268 : i32
        %get3A_270 = arith.index_cast %add3A_269 : i32 to index
        %get3A_271 = tpu.vector_load %arg5[%get3A_270] {strides = array<i32>} : memref<256xi32, #tpu.memory_space<vmem>>, vector<16xi32>,
        %add3A_272 = vector.broadcast %mul3A_267 : i32 to vector<16xi32>
        %add3A_273 = arith.addi %get3A_271, %add3A_272 : vector<16xi32>
        %swap3A_274 = arith.constant 0 : index
        %swap3A_275 = tpu.vector_load %arg7[%swap3A_274] {strides = array<i32>} : memref<128xi32, #tpu.memory_space<vmem>>, vector<16xi32>,
        tpu.vector_store %arg7[%swap3A_274], %add3A_273 {strides = array<i32>} : memref<128xi32, #tpu.memory_space<vmem>>, vector<16xi32>,
        %add3A_276 = arith.constant 16 : i32
        %add3A_277 = arith.addi %mul3A_264, %add3A_276 : i32
        %get3A_278 = arith.index_cast %add3A_277 : i32 to index
        %get3A_279 = tpu.vector_load %arg5[%get3A_278] {strides = array<i32>} : memref<256xi32, #tpu.memory_space<vmem>>, vector<16xi32>,
        %add3A_280 = vector.broadcast %mul3A_267 : i32 to vector<16xi32>
        %add3A_281 = arith.addi %get3A_279, %add3A_280 : vector<16xi32>
        %swap3A_282 = arith.constant 16 : index
        %swap3A_283 = tpu.vector_load %arg7[%swap3A_282] {strides = array<i32>} : memref<128xi32, #tpu.memory_space<vmem>>, vector<16xi32>,
        tpu.vector_store %arg7[%swap3A_282], %add3A_281 {strides = array<i32>} : memref<128xi32, #tpu.memory_space<vmem>>, vector<16xi32>,
        %add3A_284 = arith.constant 32 : i32
        %add3A_285 = arith.addi %mul3A_264, %add3A_284 : i32
        %get3A_286 = arith.index_cast %add3A_285 : i32 to index
        %get3A_287 = tpu.vector_load %arg5[%get3A_286] {strides = array<i32>} : memref<256xi32, #tpu.memory_space<vmem>>, vector<16xi32>,
        %add3A_288 = vector.broadcast %mul3A_267 : i32 to vector<16xi32>
        %add3A_289 = arith.addi %get3A_287, %add3A_288 : vector<16xi32>
        %swap3A_290 = arith.constant 32 : index
        %swap3A_291 = tpu.vector_load %arg7[%swap3A_290] {strides = array<i32>} : memref<128xi32, #tpu.memory_space<vmem>>, vector<16xi32>,
        tpu.vector_store %arg7[%swap3A_290], %add3A_289 {strides = array<i32>} : memref<128xi32, #tpu.memory_space<vmem>>, vector<16xi32>,
        %add3A_292 = arith.constant 48 : i32
        %add3A_293 = arith.addi %mul3A_264, %add3A_292 : i32
        %get3A_294 = arith.index_cast %add3A_293 : i32 to index
        %get3A_295 = tpu.vector_load %arg5[%get3A_294] {strides = array<i32>} : memref<256xi32, #tpu.memory_space<vmem>>, vector<16xi32>,
        %add3A_296 = vector.broadcast %mul3A_267 : i32 to vector<16xi32>
        %add3A_297 = arith.addi %get3A_295, %add3A_296 : vector<16xi32>
        %swap3A_298 = arith.constant 48 : index
        %swap3A_299 = tpu.vector_load %arg7[%swap3A_298] {strides = array<i32>} : memref<128xi32, #tpu.memory_space<vmem>>, vector<16xi32>,
        tpu.vector_store %arg7[%swap3A_298], %add3A_297 {strides = array<i32>} : memref<128xi32, #tpu.memory_space<vmem>>, vector<16xi32>,
        %dma_start3A = arith.constant 0 : i32
        %dma_start3A_300 = tpu.memref_slice %arg7[%dma_start3A] : memref<128xi32, #tpu.memory_space<vmem>> -> memref<64xi32, #tpu.memory_space<vmem>>
        %dma_start3A_301 = arith.constant 0 : i32
        %dma_start3A_302 = arith.constant 0 : i32
        %dma_start3A_303 = tpu.memref_slice %arg2[%dma_start3A_301, %dma_start3A_302] : memref<131072x512xf32, #tpu.memory_space<hbm>> -> memref<131072x512xf32, #tpu.memory_space<hbm>>
        tpu.enqueue_indirect_dma source(%dma_start3A_303 : memref<131072x512xf32, #tpu.memory_space<hbm>>) target(%arg15 : memref<64x512xf32, #tpu.memory_space<vmem>>) offsets(%dma_start3A_300 : memref<64xi32, #tpu.memory_space<vmem>>) semaphore(%arg17 : memref<!tpu.dma_semaphore, #tpu.memory_space<semaphore_mem>>)
        %dma_wait3A = arith.constant 0 : i32
        %dma_wait3A_304 = tpu.memref_slice %arg7[%dma_wait3A] : memref<128xi32, #tpu.memory_space<vmem>> -> memref<64xi32, #tpu.memory_space<vmem>>
        %dma_wait3A_305 = arith.constant 0 : i32
        %dma_wait3A_306 = arith.constant 0 : i32
        %dma_wait3A_307 = tpu.memref_slice %arg2[%dma_wait3A_305, %dma_wait3A_306] : memref<131072x512xf32, #tpu.memory_space<hbm>> -> memref<131072x512xf32, #tpu.memory_space<hbm>>
        tpu.wait_indirect_dma semaphore(%arg17 : memref<!tpu.dma_semaphore, #tpu.memory_space<semaphore_mem>>) src(%dma_wait3A_307 : memref<131072x512xf32, #tpu.memory_space<hbm>>) dst(%arg15 : memref<64x512xf32, #tpu.memory_space<vmem>>)
        %add3A_308 = arith.constant 0 : i32
        %add3A_309 = vector.broadcast %add3A_308 : i32 to vector<16xi32>
        %add3A_310 = arith.addi %iota3A, %add3A_309 : vector<16xi32>
        %add3A_311 = arith.constant 0 : i32
        %add3A_312 = arith.addi %mul3A_264, %add3A_311 : i32
        %get3A_313 = arith.index_cast %add3A_312 : i32 to index
        %get3A_314 = tpu.vector_load %arg6[%get3A_313] {strides = array<i32>} : memref<256xi32, #tpu.memory_space<vmem>>, vector<16xi32>,
        %gather3A = tpu.vector_load_idx %arg15[%add3A_310, %get3A_314] : memref<64x512xf32, #tpu.memory_space<vmem>>[vector<16xi32>, vector<16xi32>], vector<16xf32>,
        %add3A_315 = arith.constant 0 : i32
        %add3A_316 = arith.addi %mul3A_264, %add3A_315 : i32
        %swap3A_317 = arith.index_cast %shift_right_arithmetic3A_260 : i32 to index
        %swap3A_318 = arith.index_cast %add3A_316 : i32 to index
        %swap3A_319 = tpu.vector_load %arg16[%swap3A_317, %swap3A_318] {strides = array<i32>} : memref<8x256xf32, #tpu.memory_space<vmem>>, vector<16xf32>,
        tpu.vector_store %arg16[%swap3A_317, %swap3A_318], %gather3A {strides = array<i32>} : memref<8x256xf32, #tpu.memory_space<vmem>>, vector<16xf32>,
        %add3A_320 = arith.constant 16 : i32
        %add3A_321 = vector.broadcast %add3A_320 : i32 to vector<16xi32>
        %add3A_322 = arith.addi %iota3A, %add3A_321 : vector<16xi32>
        %add3A_323 = arith.constant 16 : i32
        %add3A_324 = arith.addi %mul3A_264, %add3A_323 : i32
        %get3A_325 = arith.index_cast %add3A_324 : i32 to index
        %get3A_326 = tpu.vector_load %arg6[%get3A_325] {strides = array<i32>} : memref<256xi32, #tpu.memory_space<vmem>>, vector<16xi32>,
        %gather3A_327 = tpu.vector_load_idx %arg15[%add3A_322, %get3A_326] : memref<64x512xf32, #tpu.memory_space<vmem>>[vector<16xi32>, vector<16xi32>], vector<16xf32>,
        %add3A_328 = arith.constant 16 : i32
        %add3A_329 = arith.addi %mul3A_264, %add3A_328 : i32
        %swap3A_330 = arith.index_cast %shift_right_arithmetic3A_260 : i32 to index
        %swap3A_331 = arith.index_cast %add3A_329 : i32 to index
        %swap3A_332 = tpu.vector_load %arg16[%swap3A_330, %swap3A_331] {strides = array<i32>} : memref<8x256xf32, #tpu.memory_space<vmem>>, vector<16xf32>,
        tpu.vector_store %arg16[%swap3A_330, %swap3A_331], %gather3A_327 {strides = array<i32>} : memref<8x256xf32, #tpu.memory_space<vmem>>, vector<16xf32>,
        %add3A_333 = arith.constant 32 : i32
        %add3A_334 = vector.broadcast %add3A_333 : i32 to vector<16xi32>
        %add3A_335 = arith.addi %iota3A, %add3A_334 : vector<16xi32>
        %add3A_336 = arith.constant 32 : i32
        %add3A_337 = arith.addi %mul3A_264, %add3A_336 : i32
        %get3A_338 = arith.index_cast %add3A_337 : i32 to index
        %get3A_339 = tpu.vector_load %arg6[%get3A_338] {strides = array<i32>} : memref<256xi32, #tpu.memory_space<vmem>>, vector<16xi32>,
        %gather3A_340 = tpu.vector_load_idx %arg15[%add3A_335, %get3A_339] : memref<64x512xf32, #tpu.memory_space<vmem>>[vector<16xi32>, vector<16xi32>], vector<16xf32>,
        %add3A_341 = arith.constant 32 : i32
        %add3A_342 = arith.addi %mul3A_264, %add3A_341 : i32
        %swap3A_343 = arith.index_cast %shift_right_arithmetic3A_260 : i32 to index
        %swap3A_344 = arith.index_cast %add3A_342 : i32 to index
        %swap3A_345 = tpu.vector_load %arg16[%swap3A_343, %swap3A_344] {strides = array<i32>} : memref<8x256xf32, #tpu.memory_space<vmem>>, vector<16xf32>,
        tpu.vector_store %arg16[%swap3A_343, %swap3A_344], %gather3A_340 {strides = array<i32>} : memref<8x256xf32, #tpu.memory_space<vmem>>, vector<16xf32>,
        %add3A_346 = arith.constant 48 : i32
        %add3A_347 = vector.broadcast %add3A_346 : i32 to vector<16xi32>
        %add3A_348 = arith.addi %iota3A, %add3A_347 : vector<16xi32>
        %add3A_349 = arith.constant 48 : i32
        %add3A_350 = arith.addi %mul3A_264, %add3A_349 : i32
        %get3A_351 = arith.index_cast %add3A_350 : i32 to index
        %get3A_352 = tpu.vector_load %arg6[%get3A_351] {strides = array<i32>} : memref<256xi32, #tpu.memory_space<vmem>>, vector<16xi32>,
        %gather3A_353 = tpu.vector_load_idx %arg15[%add3A_348, %get3A_352] : memref<64x512xf32, #tpu.memory_space<vmem>>[vector<16xi32>, vector<16xi32>], vector<16xf32>,
        %add3A_354 = arith.constant 48 : i32
        %add3A_355 = arith.addi %mul3A_264, %add3A_354 : i32
        %swap3A_356 = arith.index_cast %shift_right_arithmetic3A_260 : i32 to index
        %swap3A_357 = arith.index_cast %add3A_355 : i32 to index
        %swap3A_358 = tpu.vector_load %arg16[%swap3A_356, %swap3A_357] {strides = array<i32>} : memref<8x256xf32, #tpu.memory_space<vmem>>, vector<16xf32>,
        tpu.vector_store %arg16[%swap3A_356, %swap3A_357], %gather3A_353 {strides = array<i32>} : memref<8x256xf32, #tpu.memory_space<vmem>>, vector<16xf32>,
      }
      %scan3A_253 = arith.constant 32 : i32
      "tpu.region"() ({
        %run_scoped3A = tpu.sem_alloc : memref<!tpu.dma_semaphore, #tpu.memory_space<semaphore_mem>>
        %dma_start3A = arith.constant 0 : i32
        %dma_start3A_254 = tpu.memref_slice %arg4[%mul3A_249, %dma_start3A] : memref<256x256xf32, #tpu.memory_space<hbm>> -> memref<8x256xf32, #tpu.memory_space<hbm>>
        %dma_start3A_255 = arith.constant 0 : i32
        %dma_start3A_256 = tpu.memref_slice %arg4[%mul3A_249, %dma_start3A_255] : memref<256x256xf32, #tpu.memory_space<hbm>> -> memref<8x256xf32, #tpu.memory_space<hbm>>
        tpu.enqueue_dma source(%arg16 : memref<8x256xf32, #tpu.memory_space<vmem>>) target(%dma_start3A_256 : memref<8x256xf32, #tpu.memory_space<hbm>>) target_semaphore(%run_scoped3A : memref<!tpu.dma_semaphore, #tpu.memory_space<semaphore_mem>>)
        %dma_wait3A = arith.constant 0 : i32
        %dma_wait3A_257 = tpu.memref_slice %arg4[%mul3A_249, %dma_wait3A] : memref<256x256xf32, #tpu.memory_space<hbm>> -> memref<8x256xf32, #tpu.memory_space<hbm>>
        %dma_wait3A_258 = arith.constant 0 : i32
        %dma_wait3A_259 = tpu.memref_slice %arg4[%mul3A_249, %dma_wait3A_258] : memref<256x256xf32, #tpu.memory_space<hbm>> -> memref<8x256xf32, #tpu.memory_space<hbm>>
        tpu.wait_dma2 semaphore(%run_scoped3A : memref<!tpu.dma_semaphore, #tpu.memory_space<semaphore_mem>>) src(%arg16 : memref<8x256xf32, #tpu.memory_space<vmem>>) dst(%dma_wait3A_259 : memref<8x256xf32, #tpu.memory_space<hbm>>)
        tpu.yield
      }) : () -> ()
    } else {
    }
    return
  }
}

</mosaic_0001>

<sc_bundles>
// kernel: kernel.3.cloned.1.call-start
scs
__scs_entry_jumppad:
0x0: {  	(pc) =	sbr.rel $0x88, $3  }
0x1: {  	(tag) =	ssettag $0x0;
	lr =	simm.s32 $0x1  }
0x2: {  	[smem:$0x3F9F] =	sst lr;
	_ =	strace $0xD0000000  }
0x3: {  	_ = 	snop  }
0x4: {  	_ = 	snop  }
0x5: {  	_ = 	snop  }
0x6: {  	_ = 	snop  }
0x7: {  	_ = 	snop  }
__scs_overlays_trampoline_lowered:
0x8: {  	[smem:$0x3FAE] =	sst s0  }
0x9: {  	[smem:$0x3FAF] =	sst s1  }
0xa: {  	[smem:$0x3FB0] =	sst s2  }
0xb: {  	[smem:$0x3FB1] =	sst s3  }
0xc: {  	[smem:$0x3FB2] =	sst s4  }
0xd: {  	[smem:$0x3FB3] =	sst s5  }
0xe: {  	[smem:$0x3FB4] =	sst s6  }
0xf: {  	[smem:$0x3FB5] =	sst s7  }
0x10: {  	[smem:$0x3FB6] =	sst s8  }
0x11: {  	[smem:$0x3FB7] =	sst s9;
	s0 =	simm.s32 @!p0 $0x0  }
0x12: {  	s1 =	sld [smem:$0x3F9D];
	s0 =	simm.s32 @p0 $0x1  }
0x13: {  	[smem:$0x3FB8] =	sst s0;
	s0 =	simm.s32 @!p1 $0x0  }
0x14: {  	s2 =	sld [smem:$0x3F9C];
	s0 =	simm.s32 @p1 $0x1  }
0x15: {  	[smem:$0x3FB9] =	sst s0;
	s0 =	simm.s32 @!p2 $0x0  }
0x16: {  	s3 =	sld [smem:$0x3FDB];
	s0 =	simm.s32 @p2 $0x1  }
0x17: {  	s4 =	simm.s32 $0x1BF5;
	[smem:$0x3FBB] =	sst s0  }
0x18: {  	s0 =	sld [smem:$0x3F9E];
	_ =	swait.ge [sflag:s4], $0x0  }
0x19: {  	s7 =	sld [smem:$0x3F9F]  }
0x1a: {  	s8 =	sadd.s32 $0xFFFFE003, lr  }
0x1b: {  	s9 =	sadd.s32 $0xFFFFFEF7, lr;
	s5 =	simm.s32 $0xFFFFFFFF;
	p2 =	slt.u32 s8, $0xFFFFF086  }
0x1c: {  	p1 =	slt.u32 s9, $0xF7A;
	s5 =	simm.s32 @!p2 $0x0  }
0x1d: {  	s5 =	simm.s32 @p1 $0x1;
	p0 =	seq.s32 s7, s2  }
0x1e: {  	s7 =	smul.u32 @!p0 $0xF7A, s2;
	p2 =	seq.s32 @!p0 s5, $0x0  }
0x1f: {  	s9 =	smul.u32 $0xF7A, s1;
	s8 =	simm.s32 @!p0 $0x1BF5;
	p2 =	por !p2, p0  }
0x20: {  	[sflag:s8] =	ssyncset.s32 @!p0 $0xFFFFF086;
	s6 =	sadd.s32 @!p0 s3, s7;
	s7 =	simm.s32 @!p0 $0x108  }
0x21: {  	s3 =	sadd.s32 s3, s9;
	s6 =	sadd.s32 @!p0 $0x88, s6;
	s7 =	simm.s32 @p2 $0x1082  }
0x22: {  	[simem:s7], [sflag:s8] =	dma.local @!p0 [hbm:s6], $0xF7A  }
0x23: {  	s9 =	sor.u32 $0xD0000000, s2;
	s6 =	simm.s32 $0x108;
	_ =	swait.ge @!p0 [sflag:s8], $0x0  }
0x24: {  	s3 =	sadd.s32 $0x88, s3;
	s6 =	simm.s32 @!p1 $0x1082;
	[sflag:s4] =	ssyncset.s32 $0xFFFFF086  }
0x25: {  	[simem:s6], [sflag:s4] =	dma.local [hbm:s3], $0xF7A  }
0x26: {  	[smem:$0x3F9F] =	sst s1;
	(tag) =	ssettag s2;
	_ =	strace s9  }
0x27: {  	s1 =	sld [smem:$0x3FAF]  }
0x28: {  	s2 =	sld [smem:$0x3FB0]  }
0x29: {  	s4 =	sld [smem:$0x3FB2]  }
0x2a: {  	p0 =	seq.s32 s5, $0x0;
	s5 =	sld [smem:$0x3FB3]  }
0x2b: {  	s6 =	sld [smem:$0x3FB4]  }
0x2c: {  	s7 =	sld [smem:$0x3FB5]  }
0x2d: {  	s3 =	simm.s32 $0x108;
	s8 =	sld [smem:$0x3FB6]  }
0x2e: {  	s3 =	simm.s32 @!p0 $0x1082;
	s9 =	sld [smem:$0x3FB7]  }
0x2f: {  	lr =	sadd.s32 s0, s3;
	s0 =	sld [smem:$0x3FAE]  }
0x30: {  	s3 =	sld [smem:$0x3FB1]  }
0x31: {  	[smem:$0x3FBA] =	sst s10  }
0x32: {  	s10 =	sld [smem:$0x3FB8];
	_ =	sdelay $0x3  }
0x33: {  	p0 =	seq.s32 s10, $0x1;
	s10 =	sld [smem:$0x3FBA];
	_ =	sdelay $0x3  }
0x34: {  	[smem:$0x3FBA] =	sst s10  }
0x35: {  	s10 =	sld [smem:$0x3FB9];
	_ =	sdelay $0x3  }
0x36: {  	p1 =	seq.s32 s10, $0x1;
	s10 =	sld [smem:$0x3FBA];
	_ =	sdelay $0x3  }
0x37: {  	[smem:$0x3FBA] =	sst s10  }
0x38: {  	s10 =	sld [smem:$0x3FBB]  }
0x39: {  	_ = 	snop;
	(pc) =	sbr.ind lr, $3  }
0x3a: {  	_ = 	snop  }
0x3b: {  	_ = 	snop  }
0x3c: {  	p2 =	seq.s32 s10, $0x1;
	s10 =	sld [smem:$0x3FBA]  }
0x3d: {  	_ =	shalt  }
0x3e: {  	_ =	shalt  }
0x3f: {  	_ =	shalt  }
0x40: {  	_ =	shalt  }
0x41: {  	_ =	shalt  }
0x42: {  	_ =	shalt  }
0x43: {  	_ =	shalt  }
0x44: {  	_ =	shalt  }
0x45: {  	_ =	shalt  }
0x46: {  	_ =	shalt  }
0x47: {  	_ =	shalt  }
0x48: {  	_ =	shalt  }
0x49: {  	_ =	shalt  }
0x4a: {  	_ =	shalt  }
0x4b: {  	_ =	shalt  }
0x4c: {  	_ =	shalt  }
0x4d: {  	_ =	shalt  }
0x4e: {  	_ =	shalt  }
0x4f: {  	_ =	shalt  }
0x50: {  	_ =	shalt  }
0x51: {  	_ =	shalt  }
0x52: {  	_ =	shalt  }
0x53: {  	_ =	shalt  }
0x54: {  	_ =	shalt  }
0x55: {  	_ =	shalt  }
0x56: {  	_ =	shalt  }
0x57: {  	_ =	shalt  }
0x58: {  	_ =	shalt  }
0x59: {  	_ =	shalt  }
0x5a: {  	_ =	shalt  }
0x5b: {  	_ =	shalt  }
0x5c: {  	_ =	shalt  }
0x5d: {  	_ =	shalt  }
0x5e: {  	_ =	shalt  }
0x5f: {  	_ =	shalt  }
0x60: {  	_ =	shalt  }
0x61: {  	_ =	shalt  }
0x62: {  	_ =	shalt  }
0x63: {  	_ =	shalt  }
0x64: {  	_ =	shalt  }
0x65: {  	_ =	shalt  }
0x66: {  	_ =	shalt  }
0x67: {  	_ =	shalt  }
0x68: {  	_ =	shalt  }
0x69: {  	_ =	shalt  }
0x6a: {  	_ =	shalt  }
0x6b: {  	_ =	shalt  }
0x6c: {  	_ =	shalt  }
0x6d: {  	_ =	shalt  }
0x6e: {  	_ =	shalt  }
0x6f: {  	_ =	shalt  }
0x70: {  	_ =	shalt  }
0x71: {  	_ =	shalt  }
0x72: {  	_ =	shalt  }
0x73: {  	_ =	shalt  }
0x74: {  	_ =	shalt  }
0x75: {  	_ =	shalt  }
0x76: {  	_ =	shalt  }
0x77: {  	_ =	shalt  }
0x78: {  	_ =	shalt  }
0x79: {  	_ =	shalt  }
0x7a: {  	_ =	shalt  }
0x7b: {  	_ =	shalt  }
0x7c: {  	_ =	shalt  }
0x7d: {  	_ =	shalt  }
0x7e: {  	_ =	shalt  }
0x7f: {  	_ =	shalt  }
0x80: {  	_ =	shalt  }
0x81: {  	_ =	shalt  }
0x82: {  	_ =	shalt  }
0x83: {  	_ =	shalt  }
0x84: {  	_ =	shalt  }
0x85: {  	_ =	shalt  }
0x86: {  	_ =	shalt  }
0x87: {  	_ =	shalt  }
.Lfunc_end0:
.L_simem_size_0:
called_computation_lowered:
.L_overlay_start_0:
0x88: {  	s2 =	sld [smem:$0x3FD9]  }
0x89: {  	s3 =	sld [smem:$0x3FFE];
	_ =	sdelay $0x1  }
0x8a: {  	s1 =	srdreg.scid  }
0x8b: {  	s0 =	sand.u32 $0x1, s1  }
0x8c: {  	s18 =	sshll.u32 s0, $0xA;
	s2 =	sadd.s32 s3, s2  }
0x8d: {  	s2 =	sadd.s32 s2, s18  }
0x8e: {  	[smem:$0x3FC6] =	sst s2  }
0x8f: {  	_ = 	snop  }
0x90: {  	s2 =	sld [smem:$0x3FC9]  }
0x91: {  	s19 =	sld [smem:$0x3FC8]  }
0x92: {  	s4 =	sld [smem:$0x3FD0];
	(tm) =	ssettm $0x1  }
0x93: {  	s5 =	sld [smem:$0x3FFB];
	_ =	sdelay $0x3  }
0x94: {  	_ =	strace s5  }
0x95: {  	s5 =	sld [smem:$0x3FFC];
	_ =	sdelay $0x3  }
0x96: {  	_ =	strace s5  }
0x97: {  	s5 =	sld [smem:$0x3FFD];
	_ =	sdelay $0x3  }
0x98: {  	_ =	strace s5  }
0x99: {  	_ =	strace $0x8FFFFFFF  }
0x9a: {  	s20 =	sld [smem:$0x3FDB];
	_ =	sdelay $0x1  }
0x9b: {  	s6 =	simm.s32 $_scs_section_size  }
0x9c: {  	s7 =	simm.s32 $_size__tile_overlayer_lowered;
	s8 =	simm.s32 $_tile_overlayer_lowered  }
0x9d: {  	s23 =	simm.s32 $0x1BFF;
	s22 =	sshll.u32 s8, $0x1;
	s5 =	sadd.s32 s6, s20  }
0x9e: {  	s9 =	simm.s32 $0x0;
	s21 =	sshll.u32 s7, $0x1;
	s7 =	sadd.s32 s22, s5  }
0x9f: {  	[timem:s9], [sflag:s23] =	dma.local [hbm:s7], s21  }
0xa0: {  	_ =	swait.ge [sflag:s23], s21  }
0xa1: {  	s6 =	ssub.s32 $0x0, s21;
	[sflag:s23] =	ssyncset.done $0x0  }
0xa2: {  	[sflag:s23] =	ssyncadd.s32 s6;
	_ =	sdelay $0x1  }
0xa3: {  	s24 =	simm.s32 $0x1B8B  }
0xa4: {  	_ =	swait.ge [sflag:s24], $0x1  }
0xa5: {  	[sflag:s24] =	ssyncset.done $0x0  }
0xa6: {  	s25 =	simm.s32 $0x1B8E;
	[sflag:s24] =	ssyncadd.s32 $0xFFFFFFFF  }
0xa7: {  	s26 =	simm.s32 $execute0_lowered;
	[smem:$0x3FD2] =	sst s25  }
0xa8: {  	s6 =	sshll.u32 s26, $0x1;
	_ =	strace $0x80000046;
	[dreg:$0x1] =	wrdreg $0xFFFFFFFF  }
0xa9: {  	s28 =	simm.s32 $_size_execute0_lowered;
	s5 =	sadd.s32 s5, s6;
	[dreg:$0x0] =	wrdreg $0x0  }
0xaa: {  	s6 =	sshll.u32 s28, $0x1;
	[dreg:$0x2] =	wrdreg s5  }
0xab: {  	[dreg:$0x3] =	wrdreg s6  }
0xac: {  	[dreg:$0x4] =	wrdreg $0xC0  }
0xad: {  	_ =	task [dreg:s9], $0x5FFFF  }
0xae: {  	[dreg:$0x1] =	wrdreg $0xFFFFFFFF  }
0xaf: {  	[dreg:$0x0] =	wrdreg $0x60  }
0xb0: {  	[dreg:$0x2] =	wrdreg s2  }
0xb1: {  	[dreg:$0x3] =	wrdreg s19  }
0xb2: {  	[dreg:$0x4] =	wrdreg s4  }
0xb3: {  	[dreg:$0x5] =	wrdreg $0x9  }
0xb4: {  	_ =	task.clear_ibuf [dreg:s9], $0x6FFFF;
	_ =	strace $0x90000046  }
0xb5: {  	s29 =	simm.s32 $0x9;
	_ =	strace $0x80000048  }
0xb6: {  	_ =	swait.ge [sflag:s29], $0x1  }
0xb7: {  	[sflag:s29] =	ssyncadd.s32 $0xFFFFFFFF  }
0xb8: {  	_ =	strace $0x90000048  }
0xb9: {  	_ =	sfence  }
0xba: {  	s30 =	sld [smem:$0x0];
	_ =	sdelay $0x2  }
0xbb: {  	s31 =	sshll.u32 s1, $0xD;
	s1 =	sshrl.u32 s1, $0x2  }
0xbc: {  	s3 =	sand.u32 $0x4000, s31;
	s1 =	sadd.s32 s1, s30  }
0xbd: {  	s0 =	sor.u32 s3, s0;
	s1 =	sshll.u32 s1, $0x11  }
0xbe: {  	s0 =	sor.u32 s1, s0  }
0xbf: {  	s0 =	sadd.s32 $0x8F2B, s0  }
0xc0: {  	[sflag:s0] =	ssyncadd.remote.s32 $0x1  }
0xc1: {  	_ =	sfence.sel $0xFFFF  }
0xc2: {  	[dreg:$0x0] =	wrdreg $0xFFFFFFFF;
	(pc) =	sbr.abs _section_cstart, $3  }
0xc3: {  	[dreg:$0x1] =	wrdreg $0xFFFFFFFF  }
0xc4: {  	_ =	task.clear_ibuf [dreg:s9], $0x2FFFF;
	_ =	strace $0x9FFFFFFF  }
0xc5: {  	(tm) =	ssettm $0x7FFFFFFF  }
tec
execute0_lowered:
.L_overlay_start_1:
0x0: {  	(tag) =	ssettag $0x1  }
0x1: {  	v2 =	vimm.s32 $0x7;
	v3 =	vimm.s32 $0x2  }
0x2: {  	v4 =	vimm.s32 $0x0;
	v6 =	vimm.s32 $0x1380;
	vm1 =	vcmask $0x300  }
0x3: {  	v5 =	vlaneseq.u32;
	vm2 =	vcmask $0x704;
	vm3 =	vcmask $0xB08  }
0x4: {  	vm0 =	vmmov $0x1;
	vm4 =	vcmask $0xF0C;
	vm5 =	vcmask $0x1310  }
0x5: {  	vm6 =	vcmask $0x1714;
	vm7 =	vcmask $0x1B18;
	vm8 =	vcmask $0x1F1C  }
0x6: {  	vm9 =	vcmask $0x2320;
	vm10 =	vcmask $0x2724;
	vm11 =	vcmask $0x2B28  }
0x7: {  	vm12 =	vcmask $0x2F2C;
	vm13 =	vcmask $0x3330;
	vm14 =	vcmask $0x3734  }
0x8: {  	vm15 =	vcmask $0x3B38;
	v19 =	vimm.s32 $0xF;
	v21 =	vimm.s32 $0x3380  }
0x9: {  	v22 =	vimm.s32 $0x5380;
	v23 =	vimm.s32 $0x7380;
	v7 =	vsel vm1, $0x0, v6  }
0xa: {  	s2 =	srdreg.scid;
	s8 =	stileid.u32;
	v6 =	vmul.u32 $0x8, v5;
	v21 =	vsel vm1, $0x2000, v21;
	v22 =	vsel vm1, $0x4000, v22  }
0xb: {  	s2 =	sand.u32 $0x1, s2;
	s5 =	sshll.u32 s8, $0x1;
	v23 =	vsel vm1, $0x6000, v23;
	vm1 =	vmmov $0xffff;
	v7 =	vsel vm2, $0x80, v7  }
0xc: {  	s5 =	sor.u32 s2, s5;
	v21 =	vsel vm2, $0x2080, v21;
	v22 =	vsel vm2, $0x4080, v22;
	v23 =	vsel vm2, $0x6080, v23  }
0xd: {  	s7 =	sshll.u32 s5, $0x8;
	s5 =	sshll.u32 s5, $0xC;
	v8 =	vsel vm3, $0x100, v7;
	v7 =	vimm.s32 $0x1;
	v21 =	vsel vm3, $0x2100, v21  }
0xe: {  	v22 =	vsel vm3, $0x4100, v22;
	v23 =	vsel vm3, $0x6100, v23;
	v1 =	vmov s5  }
0xf: {  	s1 =	rddreg [dreg:$0x0];
	s13 =	sor.u32 $0x200, s5;
	v9 =	vsel vm4, $0x180, v8;
	v8 =	vimm.s32 $0x3;
	v21 =	vsel vm4, $0x2180, v21  }
0x10: {  	s0 =	rddreg [dreg:$0x2];
	s4 =	simm.s32 $0x0;
	v22 =	vsel vm4, $0x4180, v22;
	v23 =	vsel vm4, $0x6180, v23;
	v0 =	vmov s13  }
0x11: {  	s16 =	simm.s32 $0x10C00;
	[smem:$0x7FF] =	sst s4;
	v10 =	vsel vm5, $0x200, v9;
	v9 =	vimm.s32 $0x4;
	v21 =	vsel vm5, $0x2200, v21  }
0x12: {  	s17 =	simm.s32 $0x11400;
	_ =	strace $0x80000047;
	[dreg:$0x4] =	wrdreg s16;
	v22 =	vsel vm5, $0x4200, v22;
	v23 =	vsel vm5, $0x6200, v23;
	v11 =	vsel vm6, $0x280, v10  }
0x13: {  	s18 =	simm.s32 $0x11C00;
	[dreg:$0x5] =	wrdreg s17;
	v10 =	vimm.s32 $0x5;
	v21 =	vsel vm6, $0x2280, v21;
	v22 =	vsel vm6, $0x4280, v22  }
0x14: {  	s11 =	simm.s32 $0x400;
	s19 =	simm.s32 $0x12400;
	[dreg:$0x6] =	wrdreg s18;
	v23 =	vsel vm6, $0x6280, v23;
	v12 =	vsel vm7, $0x300, v11;
	v11 =	vimm.s32 $0x6  }
0x15: {  	s20 =	simm.s32 $0x12C00;
	s21 =	simm.s32 $0x13400;
	[dreg:$0x7] =	wrdreg s19;
	v21 =	vsel vm7, $0x2300, v21;
	v22 =	vsel vm7, $0x4300, v22;
	v23 =	vsel vm7, $0x6300, v23  }
0x16: {  	s22 =	simm.s32 $0x13C00;
	s23 =	simm.s32 $0x14400;
	[dreg:$0x8] =	wrdreg s20;
	v13 =	vsel vm8, $0x380, v12;
	v12 =	vimm.s32 $0x8;
	v21 =	vsel vm8, $0x2380, v21  }
0x17: {  	s24 =	simm.s32 $0x14C00;
	s25 =	simm.s32 $0x15400;
	[dreg:$0x9] =	wrdreg s21;
	v22 =	vsel vm8, $0x4380, v22;
	v23 =	vsel vm8, $0x6380, v23;
	v14 =	vsel vm9, $0x1000, v13  }
0x18: {  	s26 =	simm.s32 $0x15C00;
	s31 =	simm.s32 $0x16400;
	[dreg:$0xa] =	wrdreg s22;
	v13 =	vimm.s32 $0x9;
	v21 =	vsel vm9, $0x3000, v21;
	v22 =	vsel vm9, $0x5000, v22  }
0x19: {  	s14 =	simm.s32 $0x4400;
	s28 =	simm.s32 $0x8400;
	[dreg:$0xb] =	wrdreg s23;
	v23 =	vsel vm9, $0x7000, v23;
	v15 =	vsel vm10, $0x1080, v14;
	v14 =	vimm.s32 $0xA  }
0x1a: {  	s29 =	simm.s32 $0x10400;
	s30 =	simm.s32 $0x4;
	[dreg:$0xc] =	wrdreg s24;
	v21 =	vsel vm10, $0x3080, v21;
	v22 =	vsel vm10, $0x5080, v22;
	v23 =	vsel vm10, $0x7080, v23  }
0x1b: {  	s10 =	simm.s32 $0x2;
	s12 =	simm.s32 $0x17400;
	[dreg:$0xd] =	wrdreg s25;
	v16 =	vsel vm11, $0x1100, v15;
	v15 =	vimm.s32 $0xB;
	v21 =	vsel vm11, $0x3100, v21  }
0x1c: {  	s15 =	sshll.u32 s8, $0xD;
	s8 =	simm.s32 $0xC400;
	[dreg:$0xe] =	wrdreg s26;
	v22 =	vsel vm11, $0x5100, v22;
	v23 =	vsel vm11, $0x7100, v23;
	v17 =	vsel vm12, $0x1180, v16  }
0x1d: {  	s3 =	ssub.s32 $0x2, s2;
	s2 =	sshll.u32 s2, $0xC;
	[dreg:$0xf] =	wrdreg s31;
	v16 =	vimm.s32 $0xC;
	v21 =	vsel vm12, $0x3180, v21;
	v22 =	vsel vm12, $0x5180, v22  }
.Ltmp0:
0x1e: {  	s16 =	simm.s32 $0x0;
	s6 =	sshrl.u32 s3, $0x1;
	v23 =	vsel vm12, $0x7180, v23;
	v18 =	vsel vm13, $0x1200, v17;
	v17 =	vimm.s32 $0xD;
	(pc) =	sbr.rel .LBB2_1-.Ltmp0, $4  }
0x1f: {  	s9 =	sor.u32 s2, s15;
	s15 =	simm.s32 $0x5;
	s2 =	simm.s32 $0x10380;
	v21 =	vsel vm13, $0x3200, v21;
	v22 =	vsel vm13, $0x5200, v22;
	v23 =	vsel vm13, $0x7200, v23  }
0x20: {  	s3 =	ssub.s32 s3, s6;
	s6 =	sadd.s32 $0x100, s1;
	s0 =	sadd.s32 s0, s7;
	v20 =	vsel vm14, $0x1280, v18;
	v18 =	vimm.s32 $0xE;
	v21 =	vsel vm14, $0x3280, v21  }
0x21: {  	s7 =	simm.s32 $0x1;
	[dreg:$0x10] =	wrdreg s0;
	s3 =	smax.u32 s3, $0x1;
	v22 =	vsel vm14, $0x5280, v22;
	v23 =	vsel vm14, $0x7280, v23;
	v20 =	vsel vm15, $0x1300, v20  }
0x22: {  	s13 =	simm.s32 $0x17C00;
	[dreg:$0x11] =	wrdreg s3;
	s3 =	simm.s32 $0x3;
	v21 =	vsel vm15, $0x3300, v21;
	v22 =	vsel vm15, $0x5300, v22;
	v23 =	vsel vm15, $0x7300, v23  }
.LBB2_11:
0x23: {  	s0 =	rddreg [dreg:$0x10];
	s15 =	simm.s32 $0x18400  }
0x24: {  	[hbm4b:s0+s4] =	stream.linear.scatter [tilespmem:s15], [sflag:$0x5], $0x800, $0x38;
	[tilespmem:$0x18C00] =	vst v63  }
0x25: {  	s15 =	simm.s32 $0x5  }
0x26: {  	_ =	swait.ge [sflag:s15], $0x800  }
0x27: {  	s16 =	rddreg [dreg:$0x12]  }
0x28: {  	s31 =	rddreg [dreg:$0x11];
	s16 =	sadd.s32 $0x1, s16  }
0x29: {  	p0 =	sne.s32 s16, s31  }
.Ltmp1:
0x2a: {  	_ = 	snop;
	(pc) =	sbr.rel @!p0 .LBB2_12-.Ltmp1, $3  }
0x2b: {  	_ =	sdelay $0x1  }
0x2c: {  	[sflag:s15] =	ssyncset.done $0x0  }
0x2d: {  	[sflag:s15] =	ssyncadd.s32 $0xFFFFF800  }
.LBB2_1:
0x2e: {  	[dreg:$0x12] =	wrdreg s16  }
0x2f: {  	s0 =	rddreg [dreg:$0x1]  }
0x30: {  	[tilespmem:s4], [sflag:$0x5] =	stream.linear.gather [hbm4b:s0+s4], $0x100, $0x38;
	[tilespmem:$0x18C00] =	vst v63  }
0x31: {  	_ =	swait.ge [sflag:s15], $0x100  }
0x32: {  	[sflag:s15] =	ssyncset.done $0x0  }
0x33: {  	[sflag:s15] =	ssyncadd.s32 $0xFFFFFF00  }
0x34: {  	v24 =	vld [tilespmem:$0x0]  }
0x35: {  	v25 =	vld [tilespmem:$0x10]  }
0x36: {  	v26 =	vld [tilespmem:$0x20]  }
0x37: {  	v27 =	vld [tilespmem:$0x30]  }
0x38: {  	v28 =	vld [tilespmem:$0x40]  }
0x39: {  	v29 =	vld [tilespmem:$0x50]  }
0x3a: {  	v32 =	vld [tilespmem:$0x60];
	v30 =	vand.u32 $0x1FF, v24;
	v31 =	vand.u32 $0x1FF, v25  }
0x3b: {  	v36 =	vld [tilespmem:$0x70];
	v24 =	vshra.s32 v24, $0x9;
	v35 =	vand.u32 $0x1FF, v26;
	v33 =	vmin.u32 v30, v31  }
0x3c: {  	v38 =	vld [tilespmem:$0x80];
	v37 =	vand.u32 $0x1FF, v27;
	v34 =	vmax.u32 v30, v31;
	v33 =	vmin.u32 v33, v35  }
0x3d: {  	v40 =	vld [tilespmem:$0x90];
	v39 =	vand.u32 $0x1FF, v28;
	v34 =	vmax.u32 v34, v35;
	v33 =	vmin.u32 v33, v37  }
0x3e: {  	v42 =	vld [tilespmem:$0xA0];
	v41 =	vand.u32 $0x1FF, v29;
	v34 =	vmax.u32 v34, v37;
	v33 =	vmin.u32 v33, v39  }
0x3f: {  	v44 =	vld [tilespmem:$0xB0];
	v43 =	vand.u32 $0x1FF, v32;
	v34 =	vmax.u32 v34, v39;
	v33 =	vmin.u32 v33, v41  }
0x40: {  	v46 =	vld [tilespmem:$0xC0];
	v45 =	vand.u32 $0x1FF, v36;
	v34 =	vmax.u32 v34, v41;
	v33 =	vmin.u32 v33, v43  }
0x41: {  	v48 =	vld [tilespmem:$0xD0];
	v47 =	vand.u32 $0x1FF, v38;
	v34 =	vmax.u32 v34, v43;
	v33 =	vmin.u32 v33, v45  }
0x42: {  	v50 =	vld [tilespmem:$0xE0];
	v49 =	vand.u32 $0x1FF, v40;
	v34 =	vmax.u32 v34, v45;
	v33 =	vmin.u32 v33, v47  }
0x43: {  	v52 =	vld [tilespmem:$0xF0];
	v51 =	vand.u32 $0x1FF, v42;
	v34 =	vmax.u32 v34, v47;
	v33 =	vmin.u32 v33, v49  }
0x44: {  	v53 =	vand.u32 $0x1FF, v44;
	v34 =	vmax.u32 v34, v49;
	v33 =	vmin.u32 v33, v51  }
0x45: {  	v54 =	vand.u32 $0x1FF, v46;
	v34 =	vmax.u32 v34, v51;
	v33 =	vmin.u32 v33, v53  }
0x46: {  	v59 =	vmax.u32 v34, v53;
	v34 =	vand.u32 $0x1FF, v48;
	v33 =	vmin.u32 v33, v54  }
0x47: {  	v62 =	vand.u32 $0x1FF, v50;
	[tilespmem:$0x100] =	vst v30;
	v60 =	vmax.u32 v59, v54;
	v61 =	vmin.u32 v33, v34  }
0x48: {  	v63 =	vand.u32 $0x1FF, v52;
	[tilespmem:$0x0] =	vst v24;
	v24 =	vmax.u32 v60, v34;
	v30 =	vmin.u32 v61, v62  }
0x49: {  	v25 =	vshra.s32 v25, $0x9;
	v24 =	vmax.u32 v24, v62;
	v30 =	vmin.u32 v30, v63  }
0x4a: {  	[tilespmem:$0x10] =	vst v25;
	v24 =	vmax.u32 v24, v63;
	v25 =	vor.u32 $0x80000000, v30  }
0x4b: {  	v24 =	vor.u32 $0x80000000, v24;
	(xrf0) =	vmin.scan.msk.u32 $0xffff, v25  }
0x4c: {  	(xrf0) =	vmax.scan.msk.u32 $0xffff, v24  }
0x4d: {  	[tilespmem:$0x110] =	vst v31  }
0x4e: {  	v26 =	vshra.s32 v26, $0x9;
	[tilespmem:$0x120] =	vst v35  }
0x4f: {  	[tilespmem:$0x20] =	vst v26  }
0x50: {  	[tilespmem:$0x130] =	vst v37  }
0x51: {  	[tilespmem:$0x140] =	vst v39;
	v25, _, _ =	vpop (xrf0)  }
0x52: {  	[tilespmem:$0x160] =	vst v43;
	(v2sf) =	vpush v25, $0xF;
	v43, _, _ =	vpop (xrf0)  }
0x53: {  	[tilespmem:$0x150] =	vst v41;
	(v2sf) =	vpush v43, $0xF  }
0x54: {  	v55 =	vshra.s32 v36, $0x9;
	[tilespmem:$0x170] =	vst v45  }
0x55: {  	[tilespmem:$0x70] =	vst v55  }
0x56: {  	v56 =	vshra.s32 v38, $0x9;
	[tilespmem:$0x180] =	vst v47  }
0x57: {  	[tilespmem:$0x80] =	vst v56  }
0x58: {  	v57 =	vshra.s32 v40, $0x9;
	[tilespmem:$0x190] =	vst v49  }
0x59: {  	[tilespmem:$0x90] =	vst v57  }
0x5a: {  	v58 =	vshra.s32 v42, $0x9;
	[tilespmem:$0x1A0] =	vst v51  }
0x5b: {  	[tilespmem:$0xA0] =	vst v58  }
0x5c: {  	[tilespmem:$0x1B0] =	vst v53  }
0x5d: {  	[tilespmem:$0x1C0] =	vst v54  }
0x5e: {  	[tilespmem:$0x1E0] =	vst v62  }
0x5f: {  	[tilespmem:$0x1F0] =	vst v63;
	v35 =	vshra.s32 v27, $0x9  }
0x60: {  	[tilespmem:$0x30] =	vst v35;
	v37 =	vshra.s32 v28, $0x9  }
0x61: {  	[tilespmem:$0x40] =	vst v37;
	v39 =	vshra.s32 v29, $0x9;
	s17 =	spop (v2sf)  }
0x62: {  	[tilespmem:$0x50] =	vst v39;
	v41 =	vshra.s32 v32, $0x9;
	s31 =	spop (v2sf)  }
0x63: {  	[tilespmem:$0x60] =	vst v41;
	s15 =	sxor.u32 s17, s31  }
0x64: {  	v59 =	vshra.s32 v44, $0x9;
	[tilespmem:$0x1D0] =	vst v34;
	p0 =	sgt.u32 s15, $0x7F  }
.Ltmp2:
0x65: {  	[tilespmem:$0xB0] =	vst v59;
	v60 =	vshra.s32 v46, $0x9;
	(pc) =	sbr.rel @p0 .LBB2_10-.Ltmp2, $4  }
0x66: {  	[tilespmem:$0xC0] =	vst v60;
	v61 =	vshra.s32 v48, $0x9  }
0x67: {  	v62 =	vshra.s32 v50, $0x9;
	[tilespmem:$0xD0] =	vst v61  }
0x68: {  	[tilespmem:$0xE0] =	vst v62;
	v63 =	vshra.s32 v52, $0x9  }
0x69: {  	s16 =	simm.s32 $0x0;
	s18 =	simm.s32 $0x0;
	[tilespmem:$0xF0] =	vst v63;
	s15 =	simm.s32 $0x0  }
0x6a: {  	v24 =	vld [tilespmem:$0x0];
	_ =	sdelay $0x2  }
0x6b: {  	v25 =	vld [tilespmem:$0x10]  }
0x6c: {  	v26 =	vld [tilespmem:$0x20]  }
0x6d: {  	v28 =	vld [tilespmem:$0x30];
	v27 =	vadd.s32 v1, v24  }
0x6e: {  	v29 =	vld [tilespmem:$0x40];
	v30 =	vshll.u32 v27, $0x2  }
0x6f: {  	v31 =	vld [tilespmem:$0x50];
	v24 =	vand.u32 $0x7, v24;
	v30 =	vand.u32 $0xFFFFFFE0, v30  }
0x70: {  	v25 =	vadd.s32 v1, v25;
	[tilespmem:$0x200] =	vst v27;
	v27 =	vld [tilespmem:$0x60];
	v24 =	vor.u32 v24, v30  }
0x71: {  	[tilespmem:$0x210] =	vst v25;
	v25 =	vadd.s32 v1, v26;
	v26 =	vld [tilespmem:$0x70];
	v30 =	vperm.xlane v24, v4  }
0x72: {  	[tilespmem:$0x220] =	vst v25;
	v25 =	vadd.s32 v1, v28  }
0x73: {  	[tilespmem:$0x230] =	vst v25;
	v25 =	vadd.s32 v1, v29;
	v51 =	vperm.xlane v24, v7;
	v50 =	vadd.s32 v6, v30  }
0x74: {  	[tilespmem:$0x240] =	vst v25;
	v25 =	vadd.s32 v1, v31  }
0x75: {  	v52 =	vperm.xlane v24, v3;
	[tilespmem:$0x250] =	vst v25;
	v25 =	vadd.s32 v1, v27;
	v27 =	vadd.s32 v6, v51  }
0x76: {  	s15 =	sand.u32 $0x1FFFFF80, s17;
	[tilespmem:$0x260] =	vst v25;
	v25 =	vadd.s32 v1, v26  }
0x77: {  	s16 =	simm.s32 $0x0;
	s15 =	sadd.s32 s1, s15;
	v26 =	vperm.xlane v24, v8;
	[tilespmem:$0x270] =	vst v25;
	v25 =	vadd.s32 v6, v52  }
0x78: {  	[tilespmem:s11], [sflag:$0x1] =	stream.indirect_vreg.gather [hbm4b:s15+s16], $0x80, v50, vm0, $0xb8;
	[tilespmem:$0x18C00] =	vst v63  }
0x79: {  	s0 =	simm.s32 $0x480;
	v53 =	vperm.xlane v24, v9;
	v26 =	vadd.s32 v6, v26  }
0x7a: {  	[tilespmem:s0], [sflag:$0x1] =	stream.indirect_vreg.gather [hbm4b:s15+s16], $0x80, v27, vm0, $0xb8;
	[tilespmem:$0x18C00] =	vst v63  }
0x7b: {  	s31 =	simm.s32 $0x500;
	v54 =	vperm.xlane v24, v10;
	v27 =	vadd.s32 v6, v53  }
0x7c: {  	[tilespmem:s31], [sflag:$0x1] =	stream.indirect_vreg.gather [hbm4b:s15+s16], $0x80, v25, vm0, $0xb8;
	[tilespmem:$0x18C00] =	vst v63  }
0x7d: {  	s18 =	simm.s32 $0x580;
	v55 =	vperm.xlane v24, v11;
	v25 =	vadd.s32 v6, v54  }
0x7e: {  	[tilespmem:s18], [sflag:$0x1] =	stream.indirect_vreg.gather [hbm4b:s15+s16], $0x80, v26, vm0, $0xb8;
	[tilespmem:$0x18C00] =	vst v63  }
0x7f: {  	s19 =	simm.s32 $0x600;
	v56 =	vperm.xlane v24, v2;
	v26 =	vadd.s32 v6, v55  }
0x80: {  	[tilespmem:s19], [sflag:$0x1] =	stream.indirect_vreg.gather [hbm4b:s15+s16], $0x80, v27, vm0, $0xb8;
	[tilespmem:$0x18C00] =	vst v63  }
0x81: {  	s20 =	simm.s32 $0x680;
	v57 =	vperm.xlane v24, v12;
	v27 =	vadd.s32 v6, v56  }
0x82: {  	[tilespmem:s20], [sflag:$0x1] =	stream.indirect_vreg.gather [hbm4b:s15+s16], $0x80, v25, vm0, $0xb8;
	[tilespmem:$0x18C00] =	vst v63  }
0x83: {  	s21 =	simm.s32 $0x700;
	v58 =	vperm.xlane v24, v13;
	v25 =	vadd.s32 v6, v57  }
0x84: {  	[tilespmem:s21], [sflag:$0x1] =	stream.indirect_vreg.gather [hbm4b:s15+s16], $0x80, v26, vm0, $0xb8;
	[tilespmem:$0x18C00] =	vst v63  }
0x85: {  	s22 =	simm.s32 $0x780;
	v59 =	vperm.xlane v24, v14;
	v26 =	vadd.s32 v6, v58  }
0x86: {  	[tilespmem:s22], [sflag:$0x1] =	stream.indirect_vreg.gather [hbm4b:s15+s16], $0x80, v27, vm0, $0xb8;
	[tilespmem:$0x18C00] =	vst v63  }
0x87: {  	s23 =	simm.s32 $0x800;
	v60 =	vperm.xlane v24, v15;
	v27 =	vadd.s32 v6, v59  }
0x88: {  	[tilespmem:s23], [sflag:$0x1] =	stream.indirect_vreg.gather [hbm4b:s15+s16], $0x80, v25, vm0, $0xb8;
	[tilespmem:$0x18C00] =	vst v63  }
0x89: {  	s24 =	simm.s32 $0x880;
	v61 =	vperm.xlane v24, v16;
	v25 =	vadd.s32 v6, v60  }
0x8a: {  	[tilespmem:s24], [sflag:$0x1] =	stream.indirect_vreg.gather [hbm4b:s15+s16], $0x80, v26, vm0, $0xb8;
	[tilespmem:$0x18C00] =	vst v63  }
0x8b: {  	s25 =	simm.s32 $0x900;
	v62 =	vperm.xlane v24, v17;
	v26 =	vadd.s32 v6, v61  }
0x8c: {  	[tilespmem:s25], [sflag:$0x1] =	stream.indirect_vreg.gather [hbm4b:s15+s16], $0x80, v27, vm0, $0xb8;
	[tilespmem:$0x18C00] =	vst v63  }
0x8d: {  	s26 =	simm.s32 $0x980;
	v63 =	vperm.xlane v24, v18;
	v27 =	vadd.s32 v6, v62  }
0x8e: {  	[tilespmem:s26], [sflag:$0x1] =	stream.indirect_vreg.gather [hbm4b:s15+s16], $0x80, v25, vm0, $0xb8;
	[tilespmem:$0x18C00] =	vst v63  }
0x8f: {  	v24 =	vperm.xlane v24, v19;
	s31 =	simm.s32 $0xA00;
	v25 =	vadd.s32 v6, v63  }
0x90: {  	[tilespmem:s31], [sflag:$0x1] =	stream.indirect_vreg.gather [hbm4b:s15+s16], $0x80, v26, vm0, $0xb8;
	[tilespmem:$0x18C00] =	vst v63  }
0x91: {  	v24 =	vadd.s32 v6, v24;
	s18 =	simm.s32 $0xA80  }
0x92: {  	[tilespmem:s18], [sflag:$0x1] =	stream.indirect_vreg.gather [hbm4b:s15+s16], $0x80, v27, vm0, $0xb8;
	[tilespmem:$0x18C00] =	vst v63  }
0x93: {  	s19 =	simm.s32 $0xB00  }
0x94: {  	[tilespmem:s19], [sflag:$0x1] =	stream.indirect_vreg.gather [hbm4b:s15+s16], $0x80, v25, vm0, $0xb8;
	[tilespmem:$0x18C00] =	vst v63  }
0x95: {  	s20 =	simm.s32 $0xB80  }
0x96: {  	[tilespmem:s20], [sflag:$0x1] =	stream.indirect_vreg.gather [hbm4b:s15+s16], $0x80, v24, vm0, $0xb8;
	[tilespmem:$0x18C00] =	vst v63  }
0x97: {  	v24 =	vld [tilespmem:$0x210];
	_ =	sdelay $0x4  }
0x98: {  	v25 =	vshll.u32 v24, $0x2  }
0x99: {  	v24 =	vand.u32 $0x7, v24;
	v25 =	vand.u32 $0xFFFFFFE0, v25  }
0x9a: {  	v24 =	vor.u32 v24, v25  }
0x9b: {  	v25 =	vperm.xlane v24, v4;
	_ =	sdelay $0x1  }
0x9c: {  	v26 =	vperm.xlane v24, v7;
	v25 =	vadd.s32 v6, v25;
	_ =	sdelay $0x1  }
0x9d: {  	v27 =	vperm.xlane v24, v3;
	v26 =	vadd.s32 v6, v26;
	_ =	sdelay $0x1  }
0x9e: {  	s21 =	simm.s32 $0xC00;
	v32 =	vperm.xlane v24, v8;
	v27 =	vadd.s32 v6, v27  }
0x9f: {  	[tilespmem:s21], [sflag:$0x1] =	stream.indirect_vreg.gather [hbm4b:s15+s16], $0x80, v25, vm0, $0xb8;
	[tilespmem:$0x18C00] =	vst v63  }
0xa0: {  	s22 =	simm.s32 $0xC80;
	v33 =	vperm.xlane v24, v9;
	v25 =	vadd.s32 v6, v32  }
0xa1: {  	[tilespmem:s22], [sflag:$0x1] =	stream.indirect_vreg.gather [hbm4b:s15+s16], $0x80, v26, vm0, $0xb8;
	[tilespmem:$0x18C00] =	vst v63  }
0xa2: {  	s23 =	simm.s32 $0xD00;
	v34 =	vperm.xlane v24, v10;
	v26 =	vadd.s32 v6, v33  }
0xa3: {  	[tilespmem:s23], [sflag:$0x1] =	stream.indirect_vreg.gather [hbm4b:s15+s16], $0x80, v27, vm0, $0xb8;
	[tilespmem:$0x18C00] =	vst v63  }
0xa4: {  	s24 =	simm.s32 $0xD80;
	v35 =	vperm.xlane v24, v11;
	v27 =	vadd.s32 v6, v34  }
0xa5: {  	[tilespmem:s24], [sflag:$0x1] =	stream.indirect_vreg.gather [hbm4b:s15+s16], $0x80, v25, vm0, $0xb8;
	[tilespmem:$0x18C00] =	vst v63  }
0xa6: {  	s25 =	simm.s32 $0xE00;
	v36 =	vperm.xlane v24, v2;
	v25 =	vadd.s32 v6, v35  }
0xa7: {  	[tilespmem:s25], [sflag:$0x1] =	stream.indirect_vreg.gather [hbm4b:s15+s16], $0x80, v26, vm0, $0xb8;
	[tilespmem:$0x18C00] =	vst v63  }
0xa8: {  	s26 =	simm.s32 $0xE80;
	v37 =	vperm.xlane v24, v12;
	v26 =	vadd.s32 v6, v36  }
0xa9: {  	[tilespmem:s26], [sflag:$0x1] =	stream.indirect_vreg.gather [hbm4b:s15+s16], $0x80, v27, vm0, $0xb8;
	[tilespmem:$0x18C00] =	vst v63  }
0xaa: {  	s31 =	simm.s32 $0xF00;
	v38 =	vperm.xlane v24, v13;
	v27 =	vadd.s32 v6, v37  }
0xab: {  	[tilespmem:s31], [sflag:$0x1] =	stream.indirect_vreg.gather [hbm4b:s15+s16], $0x80, v25, vm0, $0xb8;
	[tilespmem:$0x18C00] =	vst v63  }
0xac: {  	s18 =	simm.s32 $0xF80;
	v39 =	vperm.xlane v24, v14;
	v25 =	vadd.s32 v6, v38  }
0xad: {  	[tilespmem:s18], [sflag:$0x1] =	stream.indirect_vreg.gather [hbm4b:s15+s16], $0x80, v26, vm0, $0xb8;
	[tilespmem:$0x18C00] =	vst v63  }
0xae: {  	s19 =	simm.s32 $0x1000;
	v40 =	vperm.xlane v24, v15;
	v26 =	vadd.s32 v6, v39  }
0xaf: {  	[tilespmem:s19], [sflag:$0x1] =	stream.indirect_vreg.gather [hbm4b:s15+s16], $0x80, v27, vm0, $0xb8;
	[tilespmem:$0x18C00] =	vst v63  }
0xb0: {  	s20 =	simm.s32 $0x1080;
	v41 =	vperm.xlane v24, v16;
	v27 =	vadd.s32 v6, v40  }
0xb1: {  	[tilespmem:s20], [sflag:$0x1] =	stream.indirect_vreg.gather [hbm4b:s15+s16], $0x80, v25, vm0, $0xb8;
	[tilespmem:$0x18C00] =	vst v63  }
0xb2: {  	v42 =	vperm.xlane v24, v17;
	s21 =	simm.s32 $0x1100;
	v25 =	vadd.s32 v6, v41  }
0xb3: {  	[tilespmem:s21], [sflag:$0x1] =	stream.indirect_vreg.gather [hbm4b:s15+s16], $0x80, v26, vm0, $0xb8;
	[tilespmem:$0x18C00] =	vst v63  }
0xb4: {  	v43 =	vperm.xlane v24, v18;
	s22 =	simm.s32 $0x1180;
	v26 =	vadd.s32 v6, v42  }
0xb5: {  	[tilespmem:s22], [sflag:$0x1] =	stream.indirect_vreg.gather [hbm4b:s15+s16], $0x80, v27, vm0, $0xb8;
	[tilespmem:$0x18C00] =	vst v63  }
0xb6: {  	v24 =	vperm.xlane v24, v19;
	s23 =	simm.s32 $0x1200;
	v27 =	vadd.s32 v6, v43  }
0xb7: {  	[tilespmem:s23], [sflag:$0x1] =	stream.indirect_vreg.gather [hbm4b:s15+s16], $0x80, v25, vm0, $0xb8;
	[tilespmem:$0x18C00] =	vst v63  }
0xb8: {  	v24 =	vadd.s32 v6, v24;
	s24 =	simm.s32 $0x1280  }
0xb9: {  	[tilespmem:s24], [sflag:$0x1] =	stream.indirect_vreg.gather [hbm4b:s15+s16], $0x80, v26, vm0, $0xb8;
	[tilespmem:$0x18C00] =	vst v63  }
0xba: {  	s25 =	simm.s32 $0x1300  }
0xbb: {  	[tilespmem:s25], [sflag:$0x1] =	stream.indirect_vreg.gather [hbm4b:s15+s16], $0x80, v27, vm0, $0xb8;
	[tilespmem:$0x18C00] =	vst v63  }
0xbc: {  	s26 =	simm.s32 $0x1380  }
0xbd: {  	[tilespmem:s26], [sflag:$0x1] =	stream.indirect_vreg.gather [hbm4b:s15+s16], $0x80, v24, vm0, $0xb8;
	[tilespmem:$0x18C00] =	vst v63  }
0xbe: {  	v24 =	vld [tilespmem:$0x220];
	_ =	sdelay $0x4  }
0xbf: {  	v25 =	vshll.u32 v24, $0x2  }
0xc0: {  	v24 =	vand.u32 $0x7, v24;
	v25 =	vand.u32 $0xFFFFFFE0, v25  }
0xc1: {  	v24 =	vor.u32 v24, v25  }
0xc2: {  	v25 =	vperm.xlane v24, v4;
	_ =	sdelay $0x1  }
0xc3: {  	v26 =	vperm.xlane v24, v7;
	v25 =	vadd.s32 v6, v25;
	_ =	sdelay $0x1  }
0xc4: {  	v27 =	vperm.xlane v24, v3;
	v26 =	vadd.s32 v6, v26;
	_ =	sdelay $0x1  }
0xc5: {  	s31 =	simm.s32 $0x1400;
	v44 =	vperm.xlane v24, v8;
	v27 =	vadd.s32 v6, v27  }
0xc6: {  	[tilespmem:s31], [sflag:$0x1] =	stream.indirect_vreg.gather [hbm4b:s15+s16], $0x80, v25, vm0, $0xb8;
	[tilespmem:$0x18C00] =	vst v63  }
0xc7: {  	s18 =	simm.s32 $0x1480;
	v45 =	vperm.xlane v24, v9;
	v25 =	vadd.s32 v6, v44  }
0xc8: {  	[tilespmem:s18], [sflag:$0x1] =	stream.indirect_vreg.gather [hbm4b:s15+s16], $0x80, v26, vm0, $0xb8;
	[tilespmem:$0x18C00] =	vst v63  }
0xc9: {  	s19 =	simm.s32 $0x1500;
	v46 =	vperm.xlane v24, v10;
	v26 =	vadd.s32 v6, v45  }
0xca: {  	[tilespmem:s19], [sflag:$0x1] =	stream.indirect_vreg.gather [hbm4b:s15+s16], $0x80, v27, vm0, $0xb8;
	[tilespmem:$0x18C00] =	vst v63  }
0xcb: {  	s20 =	simm.s32 $0x1580;
	v47 =	vperm.xlane v24, v11;
	v27 =	vadd.s32 v6, v46  }
0xcc: {  	[tilespmem:s20], [sflag:$0x1] =	stream.indirect_vreg.gather [hbm4b:s15+s16], $0x80, v25, vm0, $0xb8;
	[tilespmem:$0x18C00] =	vst v63  }
0xcd: {  	s21 =	simm.s32 $0x1600;
	v48 =	vperm.xlane v24, v2;
	v25 =	vadd.s32 v6, v47  }
0xce: {  	[tilespmem:s21], [sflag:$0x1] =	stream.indirect_vreg.gather [hbm4b:s15+s16], $0x80, v26, vm0, $0xb8;
	[tilespmem:$0x18C00] =	vst v63  }
0xcf: {  	s22 =	simm.s32 $0x1680;
	v49 =	vperm.xlane v24, v12;
	v26 =	vadd.s32 v6, v48  }
0xd0: {  	[tilespmem:s22], [sflag:$0x1] =	stream.indirect_vreg.gather [hbm4b:s15+s16], $0x80, v27, vm0, $0xb8;
	[tilespmem:$0x18C00] =	vst v63  }
0xd1: {  	s23 =	simm.s32 $0x1700;
	v50 =	vperm.xlane v24, v13;
	v27 =	vadd.s32 v6, v49  }
0xd2: {  	[tilespmem:s23], [sflag:$0x1] =	stream.indirect_vreg.gather [hbm4b:s15+s16], $0x80, v25, vm0, $0xb8;
	[tilespmem:$0x18C00] =	vst v63  }
0xd3: {  	s24 =	simm.s32 $0x1780;
	v51 =	vperm.xlane v24, v14;
	v25 =	vadd.s32 v6, v50  }
0xd4: {  	[tilespmem:s24], [sflag:$0x1] =	stream.indirect_vreg.gather [hbm4b:s15+s16], $0x80, v26, vm0, $0xb8;
	[tilespmem:$0x18C00] =	vst v63  }
0xd5: {  	s25 =	simm.s32 $0x1800;
	v52 =	vperm.xlane v24, v15;
	v26 =	vadd.s32 v6, v51  }
0xd6: {  	[tilespmem:s25], [sflag:$0x1] =	stream.indirect_vreg.gather [hbm4b:s15+s16], $0x80, v27, vm0, $0xb8;
	[tilespmem:$0x18C00] =	vst v63  }
0xd7: {  	s26 =	simm.s32 $0x1880;
	v53 =	vperm.xlane v24, v16;
	v27 =	vadd.s32 v6, v52  }
0xd8: {  	[tilespmem:s26], [sflag:$0x1] =	stream.indirect_vreg.gather [hbm4b:s15+s16], $0x80, v25, vm0, $0xb8;
	[tilespmem:$0x18C00] =	vst v63  }
0xd9: {  	v54 =	vperm.xlane v24, v17;
	s31 =	simm.s32 $0x1900;
	v25 =	vadd.s32 v6, v53  }
0xda: {  	[tilespmem:s31], [sflag:$0x1] =	stream.indirect_vreg.gather [hbm4b:s15+s16], $0x80, v26, vm0, $0xb8;
	[tilespmem:$0x18C00] =	vst v63  }
0xdb: {  	v55 =	vperm.xlane v24, v18;
	s18 =	simm.s32 $0x1980;
	v26 =	vadd.s32 v6, v54  }
0xdc: {  	[tilespmem:s18], [sflag:$0x1] =	stream.indirect_vreg.gather [hbm4b:s15+s16], $0x80, v27, vm0, $0xb8;
	[tilespmem:$0x18C00] =	vst v63  }
0xdd: {  	v24 =	vperm.xlane v24, v19;
	s19 =	simm.s32 $0x1A00;
	v27 =	vadd.s32 v6, v55  }
0xde: {  	[tilespmem:s19], [sflag:$0x1] =	stream.indirect_vreg.gather [hbm4b:s15+s16], $0x80, v25, vm0, $0xb8;
	[tilespmem:$0x18C00] =	vst v63  }
0xdf: {  	v24 =	vadd.s32 v6, v24;
	s20 =	simm.s32 $0x1A80  }
0xe0: {  	[tilespmem:s20], [sflag:$0x1] =	stream.indirect_vreg.gather [hbm4b:s15+s16], $0x80, v26, vm0, $0xb8;
	[tilespmem:$0x18C00] =	vst v63  }
0xe1: {  	s21 =	simm.s32 $0x1B00  }
0xe2: {  	[tilespmem:s21], [sflag:$0x1] =	stream.indirect_vreg.gather [hbm4b:s15+s16], $0x80, v27, vm0, $0xb8;
	[tilespmem:$0x18C00] =	vst v63  }
0xe3: {  	s22 =	simm.s32 $0x1B80  }
0xe4: {  	[tilespmem:s22], [sflag:$0x1] =	stream.indirect_vreg.gather [hbm4b:s15+s16], $0x80, v24, vm0, $0xb8;
	[tilespmem:$0x18C00] =	vst v63  }
0xe5: {  	v24 =	vld [tilespmem:$0x230];
	_ =	sdelay $0x4  }
0xe6: {  	v25 =	vshll.u32 v24, $0x2  }
0xe7: {  	v24 =	vand.u32 $0x7, v24;
	v25 =	vand.u32 $0xFFFFFFE0, v25  }
0xe8: {  	v24 =	vor.u32 v24, v25  }
0xe9: {  	v25 =	vperm.xlane v24, v4;
	_ =	sdelay $0x1  }
0xea: {  	v26 =	vperm.xlane v24, v7;
	v25 =	vadd.s32 v6, v25;
	_ =	sdelay $0x1  }
0xeb: {  	v27 =	vperm.xlane v24, v3;
	v26 =	vadd.s32 v6, v26;
	_ =	sdelay $0x1  }
0xec: {  	s23 =	simm.s32 $0x1C00;
	v56 =	vperm.xlane v24, v8;
	v27 =	vadd.s32 v6, v27  }
0xed: {  	[tilespmem:s23], [sflag:$0x1] =	stream.indirect_vreg.gather [hbm4b:s15+s16], $0x80, v25, vm0, $0xb8;
	[tilespmem:$0x18C00] =	vst v63  }
0xee: {  	s24 =	simm.s32 $0x1C80;
	v57 =	vperm.xlane v24, v9;
	v25 =	vadd.s32 v6, v56  }
0xef: {  	[tilespmem:s24], [sflag:$0x1] =	stream.indirect_vreg.gather [hbm4b:s15+s16], $0x80, v26, vm0, $0xb8;
	[tilespmem:$0x18C00] =	vst v63  }
0xf0: {  	s25 =	simm.s32 $0x1D00;
	v58 =	vperm.xlane v24, v10;
	v26 =	vadd.s32 v6, v57  }
0xf1: {  	[tilespmem:s25], [sflag:$0x1] =	stream.indirect_vreg.gather [hbm4b:s15+s16], $0x80, v27, vm0, $0xb8;
	[tilespmem:$0x18C00] =	vst v63  }
0xf2: {  	s26 =	simm.s32 $0x1D80;
	v59 =	vperm.xlane v24, v11;
	v27 =	vadd.s32 v6, v58  }
0xf3: {  	[tilespmem:s26], [sflag:$0x1] =	stream.indirect_vreg.gather [hbm4b:s15+s16], $0x80, v25, vm0, $0xb8;
	[tilespmem:$0x18C00] =	vst v63  }
0xf4: {  	s31 =	simm.s32 $0x1E00;
	v60 =	vperm.xlane v24, v2;
	v25 =	vadd.s32 v6, v59  }
0xf5: {  	[tilespmem:s31], [sflag:$0x1] =	stream.indirect_vreg.gather [hbm4b:s15+s16], $0x80, v26, vm0, $0xb8;
	[tilespmem:$0x18C00] =	vst v63  }
0xf6: {  	s18 =	simm.s32 $0x1E80;
	v61 =	vperm.xlane v24, v12;
	v26 =	vadd.s32 v6, v60  }
0xf7: {  	[tilespmem:s18], [sflag:$0x1] =	stream.indirect_vreg.gather [hbm4b:s15+s16], $0x80, v27, vm0, $0xb8;
	[tilespmem:$0x18C00] =	vst v63  }
0xf8: {  	s19 =	simm.s32 $0x1F00;
	v62 =	vperm.xlane v24, v13;
	v27 =	vadd.s32 v6, v61  }
0xf9: {  	[tilespmem:s19], [sflag:$0x1] =	stream.indirect_vreg.gather [hbm4b:s15+s16], $0x80, v25, vm0, $0xb8;
	[tilespmem:$0x18C00] =	vst v63  }
0xfa: {  	s20 =	simm.s32 $0x1F80;
	v63 =	vperm.xlane v24, v14;
	v25 =	vadd.s32 v6, v62  }
0xfb: {  	[tilespmem:s20], [sflag:$0x1] =	stream.indirect_vreg.gather [hbm4b:s15+s16], $0x80, v26, vm0, $0xb8;
	[tilespmem:$0x18C00] =	vst v63  }
0xfc: {  	s21 =	simm.s32 $0x2000;
	v32 =	vperm.xlane v24, v15;
	v26 =	vadd.s32 v6, v63  }
0xfd: {  	[tilespmem:s21], [sflag:$0x1] =	stream.indirect_vreg.gather [hbm4b:s15+s16], $0x80, v27, vm0, $0xb8;
	[tilespmem:$0x18C00] =	vst v63  }
0xfe: {  	s22 =	simm.s32 $0x2080;
	v33 =	vperm.xlane v24, v16;
	v27 =	vadd.s32 v6, v32  }
0xff: {  	[tilespmem:s22], [sflag:$0x1] =	stream.indirect_vreg.gather [hbm4b:s15+s16], $0x80, v25, vm0, $0xb8;
	[tilespmem:$0x18C00] =	vst v63  }
0x100: {  	v34 =	vperm.xlane v24, v17;
	s23 =	simm.s32 $0x2100;
	v25 =	vadd.s32 v6, v33  }
0x101: {  	[tilespmem:s23], [sflag:$0x1] =	stream.indirect_vreg.gather [hbm4b:s15+s16], $0x80, v26, vm0, $0xb8;
	[tilespmem:$0x18C00] =	vst v63  }
0x102: {  	v35 =	vperm.xlane v24, v18;
	s24 =	simm.s32 $0x2180;
	v26 =	vadd.s32 v6, v34  }
0x103: {  	[tilespmem:s24], [sflag:$0x1] =	stream.indirect_vreg.gather [hbm4b:s15+s16], $0x80, v27, vm0, $0xb8;
	[tilespmem:$0x18C00] =	vst v63  }
0x104: {  	v24 =	vperm.xlane v24, v19;
	s25 =	simm.s32 $0x2200;
	v27 =	vadd.s32 v6, v35  }
0x105: {  	[tilespmem:s25], [sflag:$0x1] =	stream.indirect_vreg.gather [hbm4b:s15+s16], $0x80, v25, vm0, $0xb8;
	[tilespmem:$0x18C00] =	vst v63  }
0x106: {  	v24 =	vadd.s32 v6, v24;
	s26 =	simm.s32 $0x2280  }
0x107: {  	[tilespmem:s26], [sflag:$0x1] =	stream.indirect_vreg.gather [hbm4b:s15+s16], $0x80, v26, vm0, $0xb8;
	[tilespmem:$0x18C00] =	vst v63  }
0x108: {  	s31 =	simm.s32 $0x2300  }
0x109: {  	[tilespmem:s31], [sflag:$0x1] =	stream.indirect_vreg.gather [hbm4b:s15+s16], $0x80, v27, vm0, $0xb8;
	[tilespmem:$0x18C00] =	vst v63  }
0x10a: {  	s18 =	simm.s32 $0x2380  }
0x10b: {  	[tilespmem:s18], [sflag:$0x1] =	stream.indirect_vreg.gather [hbm4b:s15+s16], $0x80, v24, vm0, $0xb8;
	[tilespmem:$0x18C00] =	vst v63  }
0x10c: {  	v24 =	vld [tilespmem:$0x240];
	_ =	sdelay $0x4  }
0x10d: {  	v25 =	vshll.u32 v24, $0x2  }
0x10e: {  	v24 =	vand.u32 $0x7, v24;
	v25 =	vand.u32 $0xFFFFFFE0, v25  }
0x10f: {  	v24 =	vor.u32 v24, v25  }
0x110: {  	v25 =	vperm.xlane v24, v4;
	_ =	sdelay $0x1  }
0x111: {  	v26 =	vperm.xlane v24, v7;
	v25 =	vadd.s32 v6, v25;
	_ =	sdelay $0x1  }
0x112: {  	v27 =	vperm.xlane v24, v3;
	v26 =	vadd.s32 v6, v26;
	_ =	sdelay $0x1  }
0x113: {  	s19 =	simm.s32 $0x2400;
	v36 =	vperm.xlane v24, v8;
	v27 =	vadd.s32 v6, v27  }
0x114: {  	[tilespmem:s19], [sflag:$0x1] =	stream.indirect_vreg.gather [hbm4b:s15+s16], $0x80, v25, vm0, $0xb8;
	[tilespmem:$0x18C00] =	vst v63  }
0x115: {  	s20 =	simm.s32 $0x2480;
	v37 =	vperm.xlane v24, v9;
	v25 =	vadd.s32 v6, v36  }
0x116: {  	[tilespmem:s20], [sflag:$0x1] =	stream.indirect_vreg.gather [hbm4b:s15+s16], $0x80, v26, vm0, $0xb8;
	[tilespmem:$0x18C00] =	vst v63  }
0x117: {  	s21 =	simm.s32 $0x2500;
	v38 =	vperm.xlane v24, v10;
	v26 =	vadd.s32 v6, v37  }
0x118: {  	[tilespmem:s21], [sflag:$0x1] =	stream.indirect_vreg.gather [hbm4b:s15+s16], $0x80, v27, vm0, $0xb8;
	[tilespmem:$0x18C00] =	vst v63  }
0x119: {  	s22 =	simm.s32 $0x2580;
	v39 =	vperm.xlane v24, v11;
	v27 =	vadd.s32 v6, v38  }
0x11a: {  	[tilespmem:s22], [sflag:$0x1] =	stream.indirect_vreg.gather [hbm4b:s15+s16], $0x80, v25, vm0, $0xb8;
	[tilespmem:$0x18C00] =	vst v63  }
0x11b: {  	s23 =	simm.s32 $0x2600;
	v40 =	vperm.xlane v24, v2;
	v25 =	vadd.s32 v6, v39  }
0x11c: {  	[tilespmem:s23], [sflag:$0x1] =	stream.indirect_vreg.gather [hbm4b:s15+s16], $0x80, v26, vm0, $0xb8;
	[tilespmem:$0x18C00] =	vst v63  }
0x11d: {  	s24 =	simm.s32 $0x2680;
	v41 =	vperm.xlane v24, v12;
	v26 =	vadd.s32 v6, v40  }
0x11e: {  	[tilespmem:s24], [sflag:$0x1] =	stream.indirect_vreg.gather [hbm4b:s15+s16], $0x80, v27, vm0, $0xb8;
	[tilespmem:$0x18C00] =	vst v63  }
0x11f: {  	s25 =	simm.s32 $0x2700;
	v42 =	vperm.xlane v24, v13;
	v27 =	vadd.s32 v6, v41  }
0x120: {  	[tilespmem:s25], [sflag:$0x1] =	stream.indirect_vreg.gather [hbm4b:s15+s16], $0x80, v25, vm0, $0xb8;
	[tilespmem:$0x18C00] =	vst v63  }
0x121: {  	s26 =	simm.s32 $0x2780;
	v43 =	vperm.xlane v24, v14;
	v25 =	vadd.s32 v6, v42  }
0x122: {  	[tilespmem:s26], [sflag:$0x1] =	stream.indirect_vreg.gather [hbm4b:s15+s16], $0x80, v26, vm0, $0xb8;
	[tilespmem:$0x18C00] =	vst v63  }
0x123: {  	s31 =	simm.s32 $0x2800;
	v44 =	vperm.xlane v24, v15;
	v26 =	vadd.s32 v6, v43  }
0x124: {  	[tilespmem:s31], [sflag:$0x1] =	stream.indirect_vreg.gather [hbm4b:s15+s16], $0x80, v27, vm0, $0xb8;
	[tilespmem:$0x18C00] =	vst v63  }
0x125: {  	s18 =	simm.s32 $0x2880;
	v45 =	vperm.xlane v24, v16;
	v27 =	vadd.s32 v6, v44  }
0x126: {  	[tilespmem:s18], [sflag:$0x1] =	stream.indirect_vreg.gather [hbm4b:s15+s16], $0x80, v25, vm0, $0xb8;
	[tilespmem:$0x18C00] =	vst v63  }
0x127: {  	v46 =	vperm.xlane v24, v17;
	s19 =	simm.s32 $0x2900;
	v25 =	vadd.s32 v6, v45  }
0x128: {  	[tilespmem:s19], [sflag:$0x1] =	stream.indirect_vreg.gather [hbm4b:s15+s16], $0x80, v26, vm0, $0xb8;
	[tilespmem:$0x18C00] =	vst v63  }
0x129: {  	v47 =	vperm.xlane v24, v18;
	s20 =	simm.s32 $0x2980;
	v26 =	vadd.s32 v6, v46  }
0x12a: {  	[tilespmem:s20], [sflag:$0x1] =	stream.indirect_vreg.gather [hbm4b:s15+s16], $0x80, v27, vm0, $0xb8;
	[tilespmem:$0x18C00] =	vst v63  }
0x12b: {  	v24 =	vperm.xlane v24, v19;
	s21 =	simm.s32 $0x2A00;
	v27 =	vadd.s32 v6, v47  }
0x12c: {  	[tilespmem:s21], [sflag:$0x1] =	stream.indirect_vreg.gather [hbm4b:s15+s16], $0x80, v25, vm0, $0xb8;
	[tilespmem:$0x18C00] =	vst v63  }
0x12d: {  	v24 =	vadd.s32 v6, v24;
	s22 =	simm.s32 $0x2A80  }
0x12e: {  	[tilespmem:s22], [sflag:$0x1] =	stream.indirect_vreg.gather [hbm4b:s15+s16], $0x80, v26, vm0, $0xb8;
	[tilespmem:$0x18C00] =	vst v63  }
0x12f: {  	s23 =	simm.s32 $0x2B00  }
0x130: {  	[tilespmem:s23], [sflag:$0x1] =	stream.indirect_vreg.gather [hbm4b:s15+s16], $0x80, v27, vm0, $0xb8;
	[tilespmem:$0x18C00] =	vst v63  }
0x131: {  	s24 =	simm.s32 $0x2B80  }
0x132: {  	[tilespmem:s24], [sflag:$0x1] =	stream.indirect_vreg.gather [hbm4b:s15+s16], $0x80, v24, vm0, $0xb8;
	[tilespmem:$0x18C00] =	vst v63  }
0x133: {  	v24 =	vld [tilespmem:$0x250];
	_ =	sdelay $0x4  }
0x134: {  	v25 =	vshll.u32 v24, $0x2  }
0x135: {  	v24 =	vand.u32 $0x7, v24;
	v25 =	vand.u32 $0xFFFFFFE0, v25  }
0x136: {  	v24 =	vor.u32 v24, v25  }
0x137: {  	v25 =	vperm.xlane v24, v4;
	_ =	sdelay $0x1  }
0x138: {  	v26 =	vperm.xlane v24, v7;
	v25 =	vadd.s32 v6, v25;
	_ =	sdelay $0x1  }
0x139: {  	v27 =	vperm.xlane v24, v3;
	v26 =	vadd.s32 v6, v26;
	_ =	sdelay $0x1  }
0x13a: {  	s25 =	simm.s32 $0x2C00;
	v48 =	vperm.xlane v24, v8;
	v27 =	vadd.s32 v6, v27  }
0x13b: {  	[tilespmem:s25], [sflag:$0x1] =	stream.indirect_vreg.gather [hbm4b:s15+s16], $0x80, v25, vm0, $0xb8;
	[tilespmem:$0x18C00] =	vst v63  }
0x13c: {  	s26 =	simm.s32 $0x2C80;
	v49 =	vperm.xlane v24, v9;
	v25 =	vadd.s32 v6, v48  }
0x13d: {  	[tilespmem:s26], [sflag:$0x1] =	stream.indirect_vreg.gather [hbm4b:s15+s16], $0x80, v26, vm0, $0xb8;
	[tilespmem:$0x18C00] =	vst v63  }
0x13e: {  	s31 =	simm.s32 $0x2D00;
	v50 =	vperm.xlane v24, v10;
	v26 =	vadd.s32 v6, v49  }
0x13f: {  	[tilespmem:s31], [sflag:$0x1] =	stream.indirect_vreg.gather [hbm4b:s15+s16], $0x80, v27, vm0, $0xb8;
	[tilespmem:$0x18C00] =	vst v63  }
0x140: {  	s18 =	simm.s32 $0x2D80;
	v51 =	vperm.xlane v24, v11;
	v27 =	vadd.s32 v6, v50  }
0x141: {  	[tilespmem:s18], [sflag:$0x1] =	stream.indirect_vreg.gather [hbm4b:s15+s16], $0x80, v25, vm0, $0xb8;
	[tilespmem:$0x18C00] =	vst v63  }
0x142: {  	s19 =	simm.s32 $0x2E00;
	v52 =	vperm.xlane v24, v2;
	v25 =	vadd.s32 v6, v51  }
0x143: {  	[tilespmem:s19], [sflag:$0x1] =	stream.indirect_vreg.gather [hbm4b:s15+s16], $0x80, v26, vm0, $0xb8;
	[tilespmem:$0x18C00] =	vst v63  }
0x144: {  	s20 =	simm.s32 $0x2E80;
	v53 =	vperm.xlane v24, v12;
	v26 =	vadd.s32 v6, v52  }
0x145: {  	[tilespmem:s20], [sflag:$0x1] =	stream.indirect_vreg.gather [hbm4b:s15+s16], $0x80, v27, vm0, $0xb8;
	[tilespmem:$0x18C00] =	vst v63  }
0x146: {  	s21 =	simm.s32 $0x2F00;
	v54 =	vperm.xlane v24, v13;
	v27 =	vadd.s32 v6, v53  }
0x147: {  	[tilespmem:s21], [sflag:$0x1] =	stream.indirect_vreg.gather [hbm4b:s15+s16], $0x80, v25, vm0, $0xb8;
	[tilespmem:$0x18C00] =	vst v63  }
0x148: {  	s22 =	simm.s32 $0x2F80;
	v55 =	vperm.xlane v24, v14;
	v25 =	vadd.s32 v6, v54  }
0x149: {  	[tilespmem:s22], [sflag:$0x1] =	stream.indirect_vreg.gather [hbm4b:s15+s16], $0x80, v26, vm0, $0xb8;
	[tilespmem:$0x18C00] =	vst v63  }
0x14a: {  	s23 =	simm.s32 $0x3000;
	v56 =	vperm.xlane v24, v15;
	v26 =	vadd.s32 v6, v55  }
0x14b: {  	[tilespmem:s23], [sflag:$0x1] =	stream.indirect_vreg.gather [hbm4b:s15+s16], $0x80, v27, vm0, $0xb8;
	[tilespmem:$0x18C00] =	vst v63  }
0x14c: {  	s24 =	simm.s32 $0x3080;
	v57 =	vperm.xlane v24, v16;
	v27 =	vadd.s32 v6, v56  }
0x14d: {  	[tilespmem:s24], [sflag:$0x1] =	stream.indirect_vreg.gather [hbm4b:s15+s16], $0x80, v25, vm0, $0xb8;
	[tilespmem:$0x18C00] =	vst v63  }
0x14e: {  	v58 =	vperm.xlane v24, v17;
	s25 =	simm.s32 $0x3100;
	v25 =	vadd.s32 v6, v57  }
0x14f: {  	[tilespmem:s25], [sflag:$0x1] =	stream.indirect_vreg.gather [hbm4b:s15+s16], $0x80, v26, vm0, $0xb8;
	[tilespmem:$0x18C00] =	vst v63  }
0x150: {  	v59 =	vperm.xlane v24, v18;
	s26 =	simm.s32 $0x3180;
	v26 =	vadd.s32 v6, v58  }
0x151: {  	[tilespmem:s26], [sflag:$0x1] =	stream.indirect_vreg.gather [hbm4b:s15+s16], $0x80, v27, vm0, $0xb8;
	[tilespmem:$0x18C00] =	vst v63  }
0x152: {  	v24 =	vperm.xlane v24, v19;
	s31 =	simm.s32 $0x3200;
	v27 =	vadd.s32 v6, v59  }
0x153: {  	[tilespmem:s31], [sflag:$0x1] =	stream.indirect_vreg.gather [hbm4b:s15+s16], $0x80, v25, vm0, $0xb8;
	[tilespmem:$0x18C00] =	vst v63  }
0x154: {  	v24 =	vadd.s32 v6, v24;
	s18 =	simm.s32 $0x3280  }
0x155: {  	[tilespmem:s18], [sflag:$0x1] =	stream.indirect_vreg.gather [hbm4b:s15+s16], $0x80, v26, vm0, $0xb8;
	[tilespmem:$0x18C00] =	vst v63  }
0x156: {  	s19 =	simm.s32 $0x3300  }
0x157: {  	[tilespmem:s19], [sflag:$0x1] =	stream.indirect_vreg.gather [hbm4b:s15+s16], $0x80, v27, vm0, $0xb8;
	[tilespmem:$0x18C00] =	vst v63  }
0x158: {  	s20 =	simm.s32 $0x3380  }
0x159: {  	[tilespmem:s20], [sflag:$0x1] =	stream.indirect_vreg.gather [hbm4b:s15+s16], $0x80, v24, vm0, $0xb8;
	[tilespmem:$0x18C00] =	vst v63  }
0x15a: {  	v24 =	vld [tilespmem:$0x260];
	_ =	sdelay $0x4  }
0x15b: {  	v25 =	vshll.u32 v24, $0x2  }
0x15c: {  	v24 =	vand.u32 $0x7, v24;
	v25 =	vand.u32 $0xFFFFFFE0, v25  }
0x15d: {  	v24 =	vor.u32 v24, v25  }
0x15e: {  	v25 =	vperm.xlane v24, v4;
	_ =	sdelay $0x1  }
0x15f: {  	v26 =	vperm.xlane v24, v7;
	v25 =	vadd.s32 v6, v25;
	_ =	sdelay $0x1  }
0x160: {  	v27 =	vperm.xlane v24, v3;
	v26 =	vadd.s32 v6, v26;
	_ =	sdelay $0x1  }
0x161: {  	s21 =	simm.s32 $0x3400;
	v60 =	vperm.xlane v24, v8;
	v27 =	vadd.s32 v6, v27  }
0x162: {  	[tilespmem:s21], [sflag:$0x1] =	stream.indirect_vreg.gather [hbm4b:s15+s16], $0x80, v25, vm0, $0xb8;
	[tilespmem:$0x18C00] =	vst v63  }
0x163: {  	s22 =	simm.s32 $0x3480;
	v61 =	vperm.xlane v24, v9;
	v25 =	vadd.s32 v6, v60  }
0x164: {  	[tilespmem:s22], [sflag:$0x1] =	stream.indirect_vreg.gather [hbm4b:s15+s16], $0x80, v26, vm0, $0xb8;
	[tilespmem:$0x18C00] =	vst v63  }
0x165: {  	s23 =	simm.s32 $0x3500;
	v62 =	vperm.xlane v24, v10;
	v26 =	vadd.s32 v6, v61  }
0x166: {  	[tilespmem:s23], [sflag:$0x1] =	stream.indirect_vreg.gather [hbm4b:s15+s16], $0x80, v27, vm0, $0xb8;
	[tilespmem:$0x18C00] =	vst v63  }
0x167: {  	s24 =	simm.s32 $0x3580;
	v63 =	vperm.xlane v24, v11;
	v27 =	vadd.s32 v6, v62  }
0x168: {  	[tilespmem:s24], [sflag:$0x1] =	stream.indirect_vreg.gather [hbm4b:s15+s16], $0x80, v25, vm0, $0xb8;
	[tilespmem:$0x18C00] =	vst v63  }
0x169: {  	s25 =	simm.s32 $0x3600;
	v32 =	vperm.xlane v24, v2;
	v25 =	vadd.s32 v6, v63  }
0x16a: {  	[tilespmem:s25], [sflag:$0x1] =	stream.indirect_vreg.gather [hbm4b:s15+s16], $0x80, v26, vm0, $0xb8;
	[tilespmem:$0x18C00] =	vst v63  }
0x16b: {  	s26 =	simm.s32 $0x3680;
	v33 =	vperm.xlane v24, v12;
	v26 =	vadd.s32 v6, v32  }
0x16c: {  	[tilespmem:s26], [sflag:$0x1] =	stream.indirect_vreg.gather [hbm4b:s15+s16], $0x80, v27, vm0, $0xb8;
	[tilespmem:$0x18C00] =	vst v63  }
0x16d: {  	s31 =	simm.s32 $0x3700;
	v34 =	vperm.xlane v24, v13;
	v27 =	vadd.s32 v6, v33  }
0x16e: {  	[tilespmem:s31], [sflag:$0x1] =	stream.indirect_vreg.gather [hbm4b:s15+s16], $0x80, v25, vm0, $0xb8;
	[tilespmem:$0x18C00] =	vst v63  }
0x16f: {  	s18 =	simm.s32 $0x3780;
	v35 =	vperm.xlane v24, v14;
	v25 =	vadd.s32 v6, v34  }
0x170: {  	[tilespmem:s18], [sflag:$0x1] =	stream.indirect_vreg.gather [hbm4b:s15+s16], $0x80, v26, vm0, $0xb8;
	[tilespmem:$0x18C00] =	vst v63  }
0x171: {  	s19 =	simm.s32 $0x3800;
	v36 =	vperm.xlane v24, v15;
	v26 =	vadd.s32 v6, v35  }
0x172: {  	[tilespmem:s19], [sflag:$0x1] =	stream.indirect_vreg.gather [hbm4b:s15+s16], $0x80, v27, vm0, $0xb8;
	[tilespmem:$0x18C00] =	vst v63  }
0x173: {  	s20 =	simm.s32 $0x3880;
	v37 =	vperm.xlane v24, v16;
	v27 =	vadd.s32 v6, v36  }
0x174: {  	[tilespmem:s20], [sflag:$0x1] =	stream.indirect_vreg.gather [hbm4b:s15+s16], $0x80, v25, vm0, $0xb8;
	[tilespmem:$0x18C00] =	vst v63  }
0x175: {  	v38 =	vperm.xlane v24, v17;
	s21 =	simm.s32 $0x3900;
	v25 =	vadd.s32 v6, v37  }
0x176: {  	[tilespmem:s21], [sflag:$0x1] =	stream.indirect_vreg.gather [hbm4b:s15+s16], $0x80, v26, vm0, $0xb8;
	[tilespmem:$0x18C00] =	vst v63  }
0x177: {  	v39 =	vperm.xlane v24, v18;
	s22 =	simm.s32 $0x3980;
	v26 =	vadd.s32 v6, v38  }
0x178: {  	[tilespmem:s22], [sflag:$0x1] =	stream.indirect_vreg.gather [hbm4b:s15+s16], $0x80, v27, vm0, $0xb8;
	[tilespmem:$0x18C00] =	vst v63  }
0x179: {  	v24 =	vperm.xlane v24, v19;
	s23 =	simm.s32 $0x3A00;
	v27 =	vadd.s32 v6, v39  }
0x17a: {  	[tilespmem:s23], [sflag:$0x1] =	stream.indirect_vreg.gather [hbm4b:s15+s16], $0x80, v25, vm0, $0xb8;
	[tilespmem:$0x18C00] =	vst v63  }
0x17b: {  	v24 =	vadd.s32 v6, v24;
	s24 =	simm.s32 $0x3A80  }
0x17c: {  	[tilespmem:s24], [sflag:$0x1] =	stream.indirect_vreg.gather [hbm4b:s15+s16], $0x80, v26, vm0, $0xb8;
	[tilespmem:$0x18C00] =	vst v63  }
0x17d: {  	s25 =	simm.s32 $0x3B00  }
0x17e: {  	[tilespmem:s25], [sflag:$0x1] =	stream.indirect_vreg.gather [hbm4b:s15+s16], $0x80, v27, vm0, $0xb8;
	[tilespmem:$0x18C00] =	vst v63  }
0x17f: {  	s26 =	simm.s32 $0x3B80  }
0x180: {  	[tilespmem:s26], [sflag:$0x1] =	stream.indirect_vreg.gather [hbm4b:s15+s16], $0x80, v24, vm0, $0xb8;
	[tilespmem:$0x18C00] =	vst v63  }
0x181: {  	v24 =	vld [tilespmem:$0x270];
	_ =	sdelay $0x4  }
0x182: {  	v25 =	vshll.u32 v24, $0x2  }
0x183: {  	v24 =	vand.u32 $0x7, v24;
	v25 =	vand.u32 $0xFFFFFFE0, v25  }
0x184: {  	v24 =	vor.u32 v24, v25  }
0x185: {  	v25 =	vperm.xlane v24, v4;
	_ =	sdelay $0x1  }
0x186: {  	v26 =	vperm.xlane v24, v7;
	v25 =	vadd.s32 v6, v25;
	_ =	sdelay $0x1  }
0x187: {  	v27 =	vperm.xlane v24, v3;
	v26 =	vadd.s32 v6, v26;
	_ =	sdelay $0x1  }
0x188: {  	s31 =	simm.s32 $0x3C00;
	v40 =	vperm.xlane v24, v8;
	v27 =	vadd.s32 v6, v27  }
0x189: {  	[tilespmem:s31], [sflag:$0x1] =	stream.indirect_vreg.gather [hbm4b:s15+s16], $0x80, v25, vm0, $0xb8;
	[tilespmem:$0x18C00] =	vst v63  }
0x18a: {  	s18 =	simm.s32 $0x3C80;
	v41 =	vperm.xlane v24, v9;
	v25 =	vadd.s32 v6, v40  }
0x18b: {  	[tilespmem:s18], [sflag:$0x1] =	stream.indirect_vreg.gather [hbm4b:s15+s16], $0x80, v26, vm0, $0xb8;
	[tilespmem:$0x18C00] =	vst v63  }
0x18c: {  	s19 =	simm.s32 $0x3D00;
	v42 =	vperm.xlane v24, v10;
	v26 =	vadd.s32 v6, v41  }
0x18d: {  	[tilespmem:s19], [sflag:$0x1] =	stream.indirect_vreg.gather [hbm4b:s15+s16], $0x80, v27, vm0, $0xb8;
	[tilespmem:$0x18C00] =	vst v63  }
0x18e: {  	s20 =	simm.s32 $0x3D80;
	v43 =	vperm.xlane v24, v11;
	v27 =	vadd.s32 v6, v42  }
0x18f: {  	[tilespmem:s20], [sflag:$0x1] =	stream.indirect_vreg.gather [hbm4b:s15+s16], $0x80, v25, vm0, $0xb8;
	[tilespmem:$0x18C00] =	vst v63  }
0x190: {  	s21 =	simm.s32 $0x3E00;
	v44 =	vperm.xlane v24, v2;
	v25 =	vadd.s32 v6, v43  }
0x191: {  	[tilespmem:s21], [sflag:$0x1] =	stream.indirect_vreg.gather [hbm4b:s15+s16], $0x80, v26, vm0, $0xb8;
	[tilespmem:$0x18C00] =	vst v63  }
0x192: {  	s22 =	simm.s32 $0x3E80;
	v45 =	vperm.xlane v24, v12;
	v26 =	vadd.s32 v6, v44  }
0x193: {  	[tilespmem:s22], [sflag:$0x1] =	stream.indirect_vreg.gather [hbm4b:s15+s16], $0x80, v27, vm0, $0xb8;
	[tilespmem:$0x18C00] =	vst v63  }
0x194: {  	s23 =	simm.s32 $0x3F00;
	v46 =	vperm.xlane v24, v13;
	v27 =	vadd.s32 v6, v45  }
0x195: {  	[tilespmem:s23], [sflag:$0x1] =	stream.indirect_vreg.gather [hbm4b:s15+s16], $0x80, v25, vm0, $0xb8;
	[tilespmem:$0x18C00] =	vst v63  }
0x196: {  	s24 =	simm.s32 $0x3F80;
	v47 =	vperm.xlane v24, v14;
	v25 =	vadd.s32 v6, v46  }
0x197: {  	[tilespmem:s24], [sflag:$0x1] =	stream.indirect_vreg.gather [hbm4b:s15+s16], $0x80, v26, vm0, $0xb8;
	[tilespmem:$0x18C00] =	vst v63  }
0x198: {  	s25 =	simm.s32 $0x4000;
	v48 =	vperm.xlane v24, v15;
	v26 =	vadd.s32 v6, v47  }
0x199: {  	[tilespmem:s25], [sflag:$0x1] =	stream.indirect_vreg.gather [hbm4b:s15+s16], $0x80, v27, vm0, $0xb8;
	[tilespmem:$0x18C00] =	vst v63  }
0x19a: {  	s26 =	simm.s32 $0x4080;
	v49 =	vperm.xlane v24, v16;
	v27 =	vadd.s32 v6, v48  }
0x19b: {  	[tilespmem:s26], [sflag:$0x1] =	stream.indirect_vreg.gather [hbm4b:s15+s16], $0x80, v25, vm0, $0xb8;
	[tilespmem:$0x18C00] =	vst v63  }
0x19c: {  	v50 =	vperm.xlane v24, v17;
	s31 =	simm.s32 $0x4100;
	v25 =	vadd.s32 v6, v49  }
0x19d: {  	[tilespmem:s31], [sflag:$0x1] =	stream.indirect_vreg.gather [hbm4b:s15+s16], $0x80, v26, vm0, $0xb8;
	[tilespmem:$0x18C00] =	vst v63  }
0x19e: {  	v51 =	vperm.xlane v24, v18;
	s18 =	simm.s32 $0x4180;
	v26 =	vadd.s32 v6, v50  }
0x19f: {  	[tilespmem:s18], [sflag:$0x1] =	stream.indirect_vreg.gather [hbm4b:s15+s16], $0x80, v27, vm0, $0xb8;
	[tilespmem:$0x18C00] =	vst v63  }
0x1a0: {  	v24 =	vperm.xlane v24, v19;
	s19 =	simm.s32 $0x4200;
	v27 =	vadd.s32 v6, v51  }
0x1a1: {  	[tilespmem:s19], [sflag:$0x1] =	stream.indirect_vreg.gather [hbm4b:s15+s16], $0x80, v25, vm0, $0xb8;
	[tilespmem:$0x18C00] =	vst v63  }
0x1a2: {  	v24 =	vadd.s32 v6, v24;
	s20 =	simm.s32 $0x4280  }
0x1a3: {  	[tilespmem:s20], [sflag:$0x1] =	stream.indirect_vreg.gather [hbm4b:s15+s16], $0x80, v26, vm0, $0xb8;
	[tilespmem:$0x18C00] =	vst v63  }
0x1a4: {  	s21 =	simm.s32 $0x4300  }
0x1a5: {  	[tilespmem:s21], [sflag:$0x1] =	stream.indirect_vreg.gather [hbm4b:s15+s16], $0x80, v27, vm0, $0xb8;
	[tilespmem:$0x18C00] =	vst v63  }
0x1a6: {  	s22 =	simm.s32 $0x4380  }
0x1a7: {  	[tilespmem:s22], [sflag:$0x1] =	stream.indirect_vreg.gather [hbm4b:s15+s16], $0x80, v24, vm0, $0xb8;
	[tilespmem:$0x18C00] =	vst v63  }
0x1a8: {  	v24 =	vld [tilespmem:$0x80];
	_ =	sdelay $0x2  }
0x1a9: {  	v25 =	vld [tilespmem:$0x90]  }
0x1aa: {  	v26 =	vld [tilespmem:$0xA0]  }
0x1ab: {  	v52 =	vld [tilespmem:$0xB0];
	v27 =	vadd.s32 v1, v24  }
0x1ac: {  	v53 =	vld [tilespmem:$0xC0];
	v54 =	vshll.u32 v27, $0x2  }
0x1ad: {  	v55 =	vld [tilespmem:$0xD0];
	v24 =	vand.u32 $0x7, v24;
	v30 =	vand.u32 $0xFFFFFFE0, v54  }
0x1ae: {  	v25 =	vadd.s32 v1, v25;
	[tilespmem:$0x280] =	vst v27;
	v27 =	vld [tilespmem:$0xE0];
	v24 =	vor.u32 v24, v30  }
0x1af: {  	[tilespmem:$0x290] =	vst v25;
	v25 =	vadd.s32 v1, v26;
	v26 =	vld [tilespmem:$0xF0];
	v30 =	vperm.xlane v24, v4  }
0x1b0: {  	[tilespmem:$0x2A0] =	vst v25;
	v25 =	vadd.s32 v1, v52  }
0x1b1: {  	[tilespmem:$0x2B0] =	vst v25;
	v25 =	vadd.s32 v1, v53;
	v57 =	vperm.xlane v24, v7;
	v56 =	vadd.s32 v6, v30  }
0x1b2: {  	[tilespmem:$0x2C0] =	vst v25;
	v25 =	vadd.s32 v1, v55  }
0x1b3: {  	v58 =	vperm.xlane v24, v3;
	[tilespmem:$0x2D0] =	vst v25;
	v25 =	vadd.s32 v1, v27;
	v27 =	vadd.s32 v6, v57  }
0x1b4: {  	[tilespmem:$0x2E0] =	vst v25;
	v25 =	vadd.s32 v1, v26  }
0x1b5: {  	v26 =	vperm.xlane v24, v8;
	[tilespmem:$0x2F0] =	vst v25;
	v25 =	vadd.s32 v6, v58  }
0x1b6: {  	[tilespmem:s14], [sflag:$0x2] =	stream.indirect_vreg.gather [hbm4b:s15+s16], $0x80, v56, vm0, $0xb8;
	[tilespmem:$0x18C00] =	vst v63  }
0x1b7: {  	s23 =	simm.s32 $0x4480;
	v59 =	vperm.xlane v24, v9;
	v26 =	vadd.s32 v6, v26  }
0x1b8: {  	[tilespmem:s23], [sflag:$0x2] =	stream.indirect_vreg.gather [hbm4b:s15+s16], $0x80, v27, vm0, $0xb8;
	[tilespmem:$0x18C00] =	vst v63  }
0x1b9: {  	s24 =	simm.s32 $0x4500;
	v60 =	vperm.xlane v24, v10;
	v27 =	vadd.s32 v6, v59  }
0x1ba: {  	[tilespmem:s24], [sflag:$0x2] =	stream.indirect_vreg.gather [hbm4b:s15+s16], $0x80, v25, vm0, $0xb8;
	[tilespmem:$0x18C00] =	vst v63  }
0x1bb: {  	s25 =	simm.s32 $0x4580;
	v61 =	vperm.xlane v24, v11;
	v25 =	vadd.s32 v6, v60  }
0x1bc: {  	[tilespmem:s25], [sflag:$0x2] =	stream.indirect_vreg.gather [hbm4b:s15+s16], $0x80, v26, vm0, $0xb8;
	[tilespmem:$0x18C00] =	vst v63  }
0x1bd: {  	s26 =	simm.s32 $0x4600;
	v62 =	vperm.xlane v24, v2;
	v26 =	vadd.s32 v6, v61  }
0x1be: {  	[tilespmem:s26], [sflag:$0x2] =	stream.indirect_vreg.gather [hbm4b:s15+s16], $0x80, v27, vm0, $0xb8;
	[tilespmem:$0x18C00] =	vst v63  }
0x1bf: {  	s31 =	simm.s32 $0x4680;
	v63 =	vperm.xlane v24, v12;
	v27 =	vadd.s32 v6, v62  }
0x1c0: {  	[tilespmem:s31], [sflag:$0x2] =	stream.indirect_vreg.gather [hbm4b:s15+s16], $0x80, v25, vm0, $0xb8;
	[tilespmem:$0x18C00] =	vst v63  }
0x1c1: {  	s18 =	simm.s32 $0x4700;
	v32 =	vperm.xlane v24, v13;
	v25 =	vadd.s32 v6, v63  }
0x1c2: {  	[tilespmem:s18], [sflag:$0x2] =	stream.indirect_vreg.gather [hbm4b:s15+s16], $0x80, v26, vm0, $0xb8;
	[tilespmem:$0x18C00] =	vst v63  }
0x1c3: {  	s19 =	simm.s32 $0x4780;
	v33 =	vperm.xlane v24, v14;
	v26 =	vadd.s32 v6, v32  }
0x1c4: {  	[tilespmem:s19], [sflag:$0x2] =	stream.indirect_vreg.gather [hbm4b:s15+s16], $0x80, v27, vm0, $0xb8;
	[tilespmem:$0x18C00] =	vst v63  }
0x1c5: {  	s20 =	simm.s32 $0x4800;
	v34 =	vperm.xlane v24, v15;
	v27 =	vadd.s32 v6, v33  }
0x1c6: {  	[tilespmem:s20], [sflag:$0x2] =	stream.indirect_vreg.gather [hbm4b:s15+s16], $0x80, v25, vm0, $0xb8;
	[tilespmem:$0x18C00] =	vst v63  }
0x1c7: {  	s21 =	simm.s32 $0x4880;
	v35 =	vperm.xlane v24, v16;
	v25 =	vadd.s32 v6, v34  }
0x1c8: {  	[tilespmem:s21], [sflag:$0x2] =	stream.indirect_vreg.gather [hbm4b:s15+s16], $0x80, v26, vm0, $0xb8;
	[tilespmem:$0x18C00] =	vst v63  }
0x1c9: {  	s22 =	simm.s32 $0x4900;
	v36 =	vperm.xlane v24, v17;
	v26 =	vadd.s32 v6, v35  }
0x1ca: {  	[tilespmem:s22], [sflag:$0x2] =	stream.indirect_vreg.gather [hbm4b:s15+s16], $0x80, v27, vm0, $0xb8;
	[tilespmem:$0x18C00] =	vst v63  }
0x1cb: {  	v37 =	vperm.xlane v24, v18;
	s23 =	simm.s32 $0x4980;
	v27 =	vadd.s32 v6, v36  }
0x1cc: {  	[tilespmem:s23], [sflag:$0x2] =	stream.indirect_vreg.gather [hbm4b:s15+s16], $0x80, v25, vm0, $0xb8;
	[tilespmem:$0x18C00] =	vst v63  }
0x1cd: {  	v24 =	vperm.xlane v24, v19;
	s24 =	simm.s32 $0x4A00;
	v25 =	vadd.s32 v6, v37  }
0x1ce: {  	[tilespmem:s24], [sflag:$0x2] =	stream.indirect_vreg.gather [hbm4b:s15+s16], $0x80, v26, vm0, $0xb8;
	[tilespmem:$0x18C00] =	vst v63  }
0x1cf: {  	v24 =	vadd.s32 v6, v24;
	s25 =	simm.s32 $0x4A80  }
0x1d0: {  	[tilespmem:s25], [sflag:$0x2] =	stream.indirect_vreg.gather [hbm4b:s15+s16], $0x80, v27, vm0, $0xb8;
	[tilespmem:$0x18C00] =	vst v63  }
0x1d1: {  	s26 =	simm.s32 $0x4B00  }
0x1d2: {  	[tilespmem:s26], [sflag:$0x2] =	stream.indirect_vreg.gather [hbm4b:s15+s16], $0x80, v25, vm0, $0xb8;
	[tilespmem:$0x18C00] =	vst v63  }
0x1d3: {  	s31 =	simm.s32 $0x4B80  }
0x1d4: {  	[tilespmem:s31], [sflag:$0x2] =	stream.indirect_vreg.gather [hbm4b:s15+s16], $0x80, v24, vm0, $0xb8;
	[tilespmem:$0x18C00] =	vst v63  }
0x1d5: {  	v24 =	vld [tilespmem:$0x290];
	_ =	sdelay $0x4  }
0x1d6: {  	v25 =	vshll.u32 v24, $0x2  }
0x1d7: {  	v24 =	vand.u32 $0x7, v24;
	v25 =	vand.u32 $0xFFFFFFE0, v25  }
0x1d8: {  	v24 =	vor.u32 v24, v25  }
0x1d9: {  	v25 =	vperm.xlane v24, v4;
	_ =	sdelay $0x1  }
0x1da: {  	v26 =	vperm.xlane v24, v7;
	v25 =	vadd.s32 v6, v25;
	_ =	sdelay $0x1  }
0x1db: {  	v27 =	vperm.xlane v24, v3;
	v26 =	vadd.s32 v6, v26;
	_ =	sdelay $0x1  }
0x1dc: {  	s18 =	simm.s32 $0x4C00;
	v38 =	vperm.xlane v24, v8;
	v27 =	vadd.s32 v6, v27  }
0x1dd: {  	[tilespmem:s18], [sflag:$0x2] =	stream.indirect_vreg.gather [hbm4b:s15+s16], $0x80, v25, vm0, $0xb8;
	[tilespmem:$0x18C00] =	vst v63  }
0x1de: {  	s19 =	simm.s32 $0x4C80;
	v39 =	vperm.xlane v24, v9;
	v25 =	vadd.s32 v6, v38  }
0x1df: {  	[tilespmem:s19], [sflag:$0x2] =	stream.indirect_vreg.gather [hbm4b:s15+s16], $0x80, v26, vm0, $0xb8;
	[tilespmem:$0x18C00] =	vst v63  }
0x1e0: {  	s20 =	simm.s32 $0x4D00;
	v40 =	vperm.xlane v24, v10;
	v26 =	vadd.s32 v6, v39  }
0x1e1: {  	[tilespmem:s20], [sflag:$0x2] =	stream.indirect_vreg.gather [hbm4b:s15+s16], $0x80, v27, vm0, $0xb8;
	[tilespmem:$0x18C00] =	vst v63  }
0x1e2: {  	s21 =	simm.s32 $0x4D80;
	v41 =	vperm.xlane v24, v11;
	v27 =	vadd.s32 v6, v40  }
0x1e3: {  	[tilespmem:s21], [sflag:$0x2] =	stream.indirect_vreg.gather [hbm4b:s15+s16], $0x80, v25, vm0, $0xb8;
	[tilespmem:$0x18C00] =	vst v63  }
0x1e4: {  	s22 =	simm.s32 $0x4E00;
	v42 =	vperm.xlane v24, v2;
	v25 =	vadd.s32 v6, v41  }
0x1e5: {  	[tilespmem:s22], [sflag:$0x2] =	stream.indirect_vreg.gather [hbm4b:s15+s16], $0x80, v26, vm0, $0xb8;
	[tilespmem:$0x18C00] =	vst v63  }
0x1e6: {  	s23 =	simm.s32 $0x4E80;
	v43 =	vperm.xlane v24, v12;
	v26 =	vadd.s32 v6, v42  }
0x1e7: {  	[tilespmem:s23], [sflag:$0x2] =	stream.indirect_vreg.gather [hbm4b:s15+s16], $0x80, v27, vm0, $0xb8;
	[tilespmem:$0x18C00] =	vst v63  }
0x1e8: {  	s24 =	simm.s32 $0x4F00;
	v44 =	vperm.xlane v24, v13;
	v27 =	vadd.s32 v6, v43  }
0x1e9: {  	[tilespmem:s24], [sflag:$0x2] =	stream.indirect_vreg.gather [hbm4b:s15+s16], $0x80, v25, vm0, $0xb8;
	[tilespmem:$0x18C00] =	vst v63  }
0x1ea: {  	s25 =	simm.s32 $0x4F80;
	v45 =	vperm.xlane v24, v14;
	v25 =	vadd.s32 v6, v44  }
0x1eb: {  	[tilespmem:s25], [sflag:$0x2] =	stream.indirect_vreg.gather [hbm4b:s15+s16], $0x80, v26, vm0, $0xb8;
	[tilespmem:$0x18C00] =	vst v63  }
0x1ec: {  	s26 =	simm.s32 $0x5000;
	v46 =	vperm.xlane v24, v15;
	v26 =	vadd.s32 v6, v45  }
0x1ed: {  	[tilespmem:s26], [sflag:$0x2] =	stream.indirect_vreg.gather [hbm4b:s15+s16], $0x80, v27, vm0, $0xb8;
	[tilespmem:$0x18C00] =	vst v63  }
0x1ee: {  	s31 =	simm.s32 $0x5080;
	v47 =	vperm.xlane v24, v16;
	v27 =	vadd.s32 v6, v46  }
0x1ef: {  	[tilespmem:s31], [sflag:$0x2] =	stream.indirect_vreg.gather [hbm4b:s15+s16], $0x80, v25, vm0, $0xb8;
	[tilespmem:$0x18C00] =	vst v63  }
0x1f0: {  	v48 =	vperm.xlane v24, v17;
	s18 =	simm.s32 $0x5100;
	v25 =	vadd.s32 v6, v47  }
0x1f1: {  	[tilespmem:s18], [sflag:$0x2] =	stream.indirect_vreg.gather [hbm4b:s15+s16], $0x80, v26, vm0, $0xb8;
	[tilespmem:$0x18C00] =	vst v63  }
0x1f2: {  	v49 =	vperm.xlane v24, v18;
	s19 =	simm.s32 $0x5180;
	v26 =	vadd.s32 v6, v48  }
0x1f3: {  	[tilespmem:s19], [sflag:$0x2] =	stream.indirect_vreg.gather [hbm4b:s15+s16], $0x80, v27, vm0, $0xb8;
	[tilespmem:$0x18C00] =	vst v63  }
0x1f4: {  	v24 =	vperm.xlane v24, v19;
	s20 =	simm.s32 $0x5200;
	v27 =	vadd.s32 v6, v49  }
0x1f5: {  	[tilespmem:s20], [sflag:$0x2] =	stream.indirect_vreg.gather [hbm4b:s15+s16], $0x80, v25, vm0, $0xb8;
	[tilespmem:$0x18C00] =	vst v63  }
0x1f6: {  	v24 =	vadd.s32 v6, v24;
	s21 =	simm.s32 $0x5280  }
0x1f7: {  	[tilespmem:s21], [sflag:$0x2] =	stream.indirect_vreg.gather [hbm4b:s15+s16], $0x80, v26, vm0, $0xb8;
	[tilespmem:$0x18C00] =	vst v63  }
0x1f8: {  	s22 =	simm.s32 $0x5300  }
0x1f9: {  	[tilespmem:s22], [sflag:$0x2] =	stream.indirect_vreg.gather [hbm4b:s15+s16], $0x80, v27, vm0, $0xb8;
	[tilespmem:$0x18C00] =	vst v63  }
0x1fa: {  	s23 =	simm.s32 $0x5380  }
0x1fb: {  	[tilespmem:s23], [sflag:$0x2] =	stream.indirect_vreg.gather [hbm4b:s15+s16], $0x80, v24, vm0, $0xb8;
	[tilespmem:$0x18C00] =	vst v63  }
0x1fc: {  	v24 =	vld [tilespmem:$0x2A0];
	_ =	sdelay $0x4  }
0x1fd: {  	v25 =	vshll.u32 v24, $0x2  }
0x1fe: {  	v24 =	vand.u32 $0x7, v24;
	v25 =	vand.u32 $0xFFFFFFE0, v25  }
0x1ff: {  	v24 =	vor.u32 v24, v25  }
0x200: {  	v25 =	vperm.xlane v24, v4;
	_ =	sdelay $0x1  }
0x201: {  	v26 =	vperm.xlane v24, v7;
	v25 =	vadd.s32 v6, v25;
	_ =	sdelay $0x1  }
0x202: {  	v27 =	vperm.xlane v24, v3;
	v26 =	vadd.s32 v6, v26;
	_ =	sdelay $0x1  }
0x203: {  	s24 =	simm.s32 $0x5400;
	v50 =	vperm.xlane v24, v8;
	v27 =	vadd.s32 v6, v27  }
0x204: {  	[tilespmem:s24], [sflag:$0x2] =	stream.indirect_vreg.gather [hbm4b:s15+s16], $0x80, v25, vm0, $0xb8;
	[tilespmem:$0x18C00] =	vst v63  }
0x205: {  	s25 =	simm.s32 $0x5480;
	v51 =	vperm.xlane v24, v9;
	v25 =	vadd.s32 v6, v50  }
0x206: {  	[tilespmem:s25], [sflag:$0x2] =	stream.indirect_vreg.gather [hbm4b:s15+s16], $0x80, v26, vm0, $0xb8;
	[tilespmem:$0x18C00] =	vst v63  }
0x207: {  	s26 =	simm.s32 $0x5500;
	v52 =	vperm.xlane v24, v10;
	v26 =	vadd.s32 v6, v51  }
0x208: {  	[tilespmem:s26], [sflag:$0x2] =	stream.indirect_vreg.gather [hbm4b:s15+s16], $0x80, v27, vm0, $0xb8;
	[tilespmem:$0x18C00] =	vst v63  }
0x209: {  	s31 =	simm.s32 $0x5580;
	v53 =	vperm.xlane v24, v11;
	v27 =	vadd.s32 v6, v52  }
0x20a: {  	[tilespmem:s31], [sflag:$0x2] =	stream.indirect_vreg.gather [hbm4b:s15+s16], $0x80, v25, vm0, $0xb8;
	[tilespmem:$0x18C00] =	vst v63  }
0x20b: {  	s18 =	simm.s32 $0x5600;
	v54 =	vperm.xlane v24, v2;
	v25 =	vadd.s32 v6, v53  }
0x20c: {  	[tilespmem:s18], [sflag:$0x2] =	stream.indirect_vreg.gather [hbm4b:s15+s16], $0x80, v26, vm0, $0xb8;
	[tilespmem:$0x18C00] =	vst v63  }
0x20d: {  	s19 =	simm.s32 $0x5680;
	v55 =	vperm.xlane v24, v12;
	v26 =	vadd.s32 v6, v54  }
0x20e: {  	[tilespmem:s19], [sflag:$0x2] =	stream.indirect_vreg.gather [hbm4b:s15+s16], $0x80, v27, vm0, $0xb8;
	[tilespmem:$0x18C00] =	vst v63  }
0x20f: {  	s20 =	simm.s32 $0x5700;
	v56 =	vperm.xlane v24, v13;
	v27 =	vadd.s32 v6, v55  }
0x210: {  	[tilespmem:s20], [sflag:$0x2] =	stream.indirect_vreg.gather [hbm4b:s15+s16], $0x80, v25, vm0, $0xb8;
	[tilespmem:$0x18C00] =	vst v63  }
0x211: {  	s21 =	simm.s32 $0x5780;
	v57 =	vperm.xlane v24, v14;
	v25 =	vadd.s32 v6, v56  }
0x212: {  	[tilespmem:s21], [sflag:$0x2] =	stream.indirect_vreg.gather [hbm4b:s15+s16], $0x80, v26, vm0, $0xb8;
	[tilespmem:$0x18C00] =	vst v63  }
0x213: {  	s22 =	simm.s32 $0x5800;
	v58 =	vperm.xlane v24, v15;
	v26 =	vadd.s32 v6, v57  }
0x214: {  	[tilespmem:s22], [sflag:$0x2] =	stream.indirect_vreg.gather [hbm4b:s15+s16], $0x80, v27, vm0, $0xb8;
	[tilespmem:$0x18C00] =	vst v63  }
0x215: {  	s23 =	simm.s32 $0x5880;
	v59 =	vperm.xlane v24, v16;
	v27 =	vadd.s32 v6, v58  }
0x216: {  	[tilespmem:s23], [sflag:$0x2] =	stream.indirect_vreg.gather [hbm4b:s15+s16], $0x80, v25, vm0, $0xb8;
	[tilespmem:$0x18C00] =	vst v63  }
0x217: {  	v60 =	vperm.xlane v24, v17;
	s24 =	simm.s32 $0x5900;
	v25 =	vadd.s32 v6, v59  }
0x218: {  	[tilespmem:s24], [sflag:$0x2] =	stream.indirect_vreg.gather [hbm4b:s15+s16], $0x80, v26, vm0, $0xb8;
	[tilespmem:$0x18C00] =	vst v63  }
0x219: {  	v61 =	vperm.xlane v24, v18;
	s25 =	simm.s32 $0x5980;
	v26 =	vadd.s32 v6, v60  }
0x21a: {  	[tilespmem:s25], [sflag:$0x2] =	stream.indirect_vreg.gather [hbm4b:s15+s16], $0x80, v27, vm0, $0xb8;
	[tilespmem:$0x18C00] =	vst v63  }
0x21b: {  	v24 =	vperm.xlane v24, v19;
	s26 =	simm.s32 $0x5A00;
	v27 =	vadd.s32 v6, v61  }
0x21c: {  	[tilespmem:s26], [sflag:$0x2] =	stream.indirect_vreg.gather [hbm4b:s15+s16], $0x80, v25, vm0, $0xb8;
	[tilespmem:$0x18C00] =	vst v63  }
0x21d: {  	v24 =	vadd.s32 v6, v24;
	s31 =	simm.s32 $0x5A80  }
0x21e: {  	[tilespmem:s31], [sflag:$0x2] =	stream.indirect_vreg.gather [hbm4b:s15+s16], $0x80, v26, vm0, $0xb8;
	[tilespmem:$0x18C00] =	vst v63  }
0x21f: {  	s18 =	simm.s32 $0x5B00  }
0x220: {  	[tilespmem:s18], [sflag:$0x2] =	stream.indirect_vreg.gather [hbm4b:s15+s16], $0x80, v27, vm0, $0xb8;
	[tilespmem:$0x18C00] =	vst v63  }
0x221: {  	s19 =	simm.s32 $0x5B80  }
0x222: {  	[tilespmem:s19], [sflag:$0x2] =	stream.indirect_vreg.gather [hbm4b:s15+s16], $0x80, v24, vm0, $0xb8;
	[tilespmem:$0x18C00] =	vst v63  }
0x223: {  	v24 =	vld [tilespmem:$0x2B0];
	_ =	sdelay $0x4  }
0x224: {  	v25 =	vshll.u32 v24, $0x2  }
0x225: {  	v24 =	vand.u32 $0x7, v24;
	v25 =	vand.u32 $0xFFFFFFE0, v25  }
0x226: {  	v24 =	vor.u32 v24, v25  }
0x227: {  	v25 =	vperm.xlane v24, v4;
	_ =	sdelay $0x1  }
0x228: {  	v26 =	vperm.xlane v24, v7;
	v25 =	vadd.s32 v6, v25;
	_ =	sdelay $0x1  }
0x229: {  	v27 =	vperm.xlane v24, v3;
	v26 =	vadd.s32 v6, v26;
	_ =	sdelay $0x1  }
0x22a: {  	s20 =	simm.s32 $0x5C00;
	v62 =	vperm.xlane v24, v8;
	v27 =	vadd.s32 v6, v27  }
0x22b: {  	[tilespmem:s20], [sflag:$0x2] =	stream.indirect_vreg.gather [hbm4b:s15+s16], $0x80, v25, vm0, $0xb8;
	[tilespmem:$0x18C00] =	vst v63  }
0x22c: {  	s21 =	simm.s32 $0x5C80;
	v63 =	vperm.xlane v24, v9;
	v25 =	vadd.s32 v6, v62  }
0x22d: {  	[tilespmem:s21], [sflag:$0x2] =	stream.indirect_vreg.gather [hbm4b:s15+s16], $0x80, v26, vm0, $0xb8;
	[tilespmem:$0x18C00] =	vst v63  }
0x22e: {  	s22 =	simm.s32 $0x5D00;
	v32 =	vperm.xlane v24, v10;
	v26 =	vadd.s32 v6, v63  }
0x22f: {  	[tilespmem:s22], [sflag:$0x2] =	stream.indirect_vreg.gather [hbm4b:s15+s16], $0x80, v27, vm0, $0xb8;
	[tilespmem:$0x18C00] =	vst v63  }
0x230: {  	s23 =	simm.s32 $0x5D80;
	v33 =	vperm.xlane v24, v11;
	v27 =	vadd.s32 v6, v32  }
0x231: {  	[tilespmem:s23], [sflag:$0x2] =	stream.indirect_vreg.gather [hbm4b:s15+s16], $0x80, v25, vm0, $0xb8;
	[tilespmem:$0x18C00] =	vst v63  }
0x232: {  	s24 =	simm.s32 $0x5E00;
	v34 =	vperm.xlane v24, v2;
	v25 =	vadd.s32 v6, v33  }
0x233: {  	[tilespmem:s24], [sflag:$0x2] =	stream.indirect_vreg.gather [hbm4b:s15+s16], $0x80, v26, vm0, $0xb8;
	[tilespmem:$0x18C00] =	vst v63  }
0x234: {  	s25 =	simm.s32 $0x5E80;
	v35 =	vperm.xlane v24, v12;
	v26 =	vadd.s32 v6, v34  }
0x235: {  	[tilespmem:s25], [sflag:$0x2] =	stream.indirect_vreg.gather [hbm4b:s15+s16], $0x80, v27, vm0, $0xb8;
	[tilespmem:$0x18C00] =	vst v63  }
0x236: {  	s26 =	simm.s32 $0x5F00;
	v36 =	vperm.xlane v24, v13;
	v27 =	vadd.s32 v6, v35  }
0x237: {  	[tilespmem:s26], [sflag:$0x2] =	stream.indirect_vreg.gather [hbm4b:s15+s16], $0x80, v25, vm0, $0xb8;
	[tilespmem:$0x18C00] =	vst v63  }
0x238: {  	s31 =	simm.s32 $0x5F80;
	v37 =	vperm.xlane v24, v14;
	v25 =	vadd.s32 v6, v36  }
0x239: {  	[tilespmem:s31], [sflag:$0x2] =	stream.indirect_vreg.gather [hbm4b:s15+s16], $0x80, v26, vm0, $0xb8;
	[tilespmem:$0x18C00] =	vst v63  }
0x23a: {  	s18 =	simm.s32 $0x6000;
	v38 =	vperm.xlane v24, v15;
	v26 =	vadd.s32 v6, v37  }
0x23b: {  	[tilespmem:s18], [sflag:$0x2] =	stream.indirect_vreg.gather [hbm4b:s15+s16], $0x80, v27, vm0, $0xb8;
	[tilespmem:$0x18C00] =	vst v63  }
0x23c: {  	s19 =	simm.s32 $0x6080;
	v39 =	vperm.xlane v24, v16;
	v27 =	vadd.s32 v6, v38  }
0x23d: {  	[tilespmem:s19], [sflag:$0x2] =	stream.indirect_vreg.gather [hbm4b:s15+s16], $0x80, v25, vm0, $0xb8;
	[tilespmem:$0x18C00] =	vst v63  }
0x23e: {  	v40 =	vperm.xlane v24, v17;
	s20 =	simm.s32 $0x6100;
	v25 =	vadd.s32 v6, v39  }
0x23f: {  	[tilespmem:s20], [sflag:$0x2] =	stream.indirect_vreg.gather [hbm4b:s15+s16], $0x80, v26, vm0, $0xb8;
	[tilespmem:$0x18C00] =	vst v63  }
0x240: {  	v41 =	vperm.xlane v24, v18;
	s21 =	simm.s32 $0x6180;
	v26 =	vadd.s32 v6, v40  }
0x241: {  	[tilespmem:s21], [sflag:$0x2] =	stream.indirect_vreg.gather [hbm4b:s15+s16], $0x80, v27, vm0, $0xb8;
	[tilespmem:$0x18C00] =	vst v63  }
0x242: {  	v24 =	vperm.xlane v24, v19;
	s22 =	simm.s32 $0x6200;
	v27 =	vadd.s32 v6, v41  }
0x243: {  	[tilespmem:s22], [sflag:$0x2] =	stream.indirect_vreg.gather [hbm4b:s15+s16], $0x80, v25, vm0, $0xb8;
	[tilespmem:$0x18C00] =	vst v63  }
0x244: {  	v24 =	vadd.s32 v6, v24;
	s23 =	simm.s32 $0x6280  }
0x245: {  	[tilespmem:s23], [sflag:$0x2] =	stream.indirect_vreg.gather [hbm4b:s15+s16], $0x80, v26, vm0, $0xb8;
	[tilespmem:$0x18C00] =	vst v63  }
0x246: {  	s24 =	simm.s32 $0x6300  }
0x247: {  	[tilespmem:s24], [sflag:$0x2] =	stream.indirect_vreg.gather [hbm4b:s15+s16], $0x80, v27, vm0, $0xb8;
	[tilespmem:$0x18C00] =	vst v63  }
0x248: {  	s25 =	simm.s32 $0x6380  }
0x249: {  	[tilespmem:s25], [sflag:$0x2] =	stream.indirect_vreg.gather [hbm4b:s15+s16], $0x80, v24, vm0, $0xb8;
	[tilespmem:$0x18C00] =	vst v63  }
0x24a: {  	v24 =	vld [tilespmem:$0x2C0];
	_ =	sdelay $0x4  }
0x24b: {  	v25 =	vshll.u32 v24, $0x2  }
0x24c: {  	v24 =	vand.u32 $0x7, v24;
	v25 =	vand.u32 $0xFFFFFFE0, v25  }
0x24d: {  	v24 =	vor.u32 v24, v25  }
0x24e: {  	v25 =	vperm.xlane v24, v4;
	_ =	sdelay $0x1  }
0x24f: {  	v26 =	vperm.xlane v24, v7;
	v25 =	vadd.s32 v6, v25;
	_ =	sdelay $0x1  }
0x250: {  	v27 =	vperm.xlane v24, v3;
	v26 =	vadd.s32 v6, v26;
	_ =	sdelay $0x1  }
0x251: {  	s26 =	simm.s32 $0x6400;
	v42 =	vperm.xlane v24, v8;
	v27 =	vadd.s32 v6, v27  }
0x252: {  	[tilespmem:s26], [sflag:$0x2] =	stream.indirect_vreg.gather [hbm4b:s15+s16], $0x80, v25, vm0, $0xb8;
	[tilespmem:$0x18C00] =	vst v63  }
0x253: {  	s31 =	simm.s32 $0x6480;
	v43 =	vperm.xlane v24, v9;
	v25 =	vadd.s32 v6, v42  }
0x254: {  	[tilespmem:s31], [sflag:$0x2] =	stream.indirect_vreg.gather [hbm4b:s15+s16], $0x80, v26, vm0, $0xb8;
	[tilespmem:$0x18C00] =	vst v63  }
0x255: {  	s18 =	simm.s32 $0x6500;
	v44 =	vperm.xlane v24, v10;
	v26 =	vadd.s32 v6, v43  }
0x256: {  	[tilespmem:s18], [sflag:$0x2] =	stream.indirect_vreg.gather [hbm4b:s15+s16], $0x80, v27, vm0, $0xb8;
	[tilespmem:$0x18C00] =	vst v63  }
0x257: {  	s19 =	simm.s32 $0x6580;
	v45 =	vperm.xlane v24, v11;
	v27 =	vadd.s32 v6, v44  }
0x258: {  	[tilespmem:s19], [sflag:$0x2] =	stream.indirect_vreg.gather [hbm4b:s15+s16], $0x80, v25, vm0, $0xb8;
	[tilespmem:$0x18C00] =	vst v63  }
0x259: {  	s20 =	simm.s32 $0x6600;
	v46 =	vperm.xlane v24, v2;
	v25 =	vadd.s32 v6, v45  }
0x25a: {  	[tilespmem:s20], [sflag:$0x2] =	stream.indirect_vreg.gather [hbm4b:s15+s16], $0x80, v26, vm0, $0xb8;
	[tilespmem:$0x18C00] =	vst v63  }
0x25b: {  	s21 =	simm.s32 $0x6680;
	v47 =	vperm.xlane v24, v12;
	v26 =	vadd.s32 v6, v46  }
0x25c: {  	[tilespmem:s21], [sflag:$0x2] =	stream.indirect_vreg.gather [hbm4b:s15+s16], $0x80, v27, vm0, $0xb8;
	[tilespmem:$0x18C00] =	vst v63  }
0x25d: {  	s22 =	simm.s32 $0x6700;
	v48 =	vperm.xlane v24, v13;
	v27 =	vadd.s32 v6, v47  }
0x25e: {  	[tilespmem:s22], [sflag:$0x2] =	stream.indirect_vreg.gather [hbm4b:s15+s16], $0x80, v25, vm0, $0xb8;
	[tilespmem:$0x18C00] =	vst v63  }
0x25f: {  	s23 =	simm.s32 $0x6780;
	v49 =	vperm.xlane v24, v14;
	v25 =	vadd.s32 v6, v48  }
0x260: {  	[tilespmem:s23], [sflag:$0x2] =	stream.indirect_vreg.gather [hbm4b:s15+s16], $0x80, v26, vm0, $0xb8;
	[tilespmem:$0x18C00] =	vst v63  }
0x261: {  	s24 =	simm.s32 $0x6800;
	v50 =	vperm.xlane v24, v15;
	v26 =	vadd.s32 v6, v49  }
0x262: {  	[tilespmem:s24], [sflag:$0x2] =	stream.indirect_vreg.gather [hbm4b:s15+s16], $0x80, v27, vm0, $0xb8;
	[tilespmem:$0x18C00] =	vst v63  }
0x263: {  	s25 =	simm.s32 $0x6880;
	v51 =	vperm.xlane v24, v16;
	v27 =	vadd.s32 v6, v50  }
0x264: {  	[tilespmem:s25], [sflag:$0x2] =	stream.indirect_vreg.gather [hbm4b:s15+s16], $0x80, v25, vm0, $0xb8;
	[tilespmem:$0x18C00] =	vst v63  }
0x265: {  	v52 =	vperm.xlane v24, v17;
	s26 =	simm.s32 $0x6900;
	v25 =	vadd.s32 v6, v51  }
0x266: {  	[tilespmem:s26], [sflag:$0x2] =	stream.indirect_vreg.gather [hbm4b:s15+s16], $0x80, v26, vm0, $0xb8;
	[tilespmem:$0x18C00] =	vst v63  }
0x267: {  	v53 =	vperm.xlane v24, v18;
	s31 =	simm.s32 $0x6980;
	v26 =	vadd.s32 v6, v52  }
0x268: {  	[tilespmem:s31], [sflag:$0x2] =	stream.indirect_vreg.gather [hbm4b:s15+s16], $0x80, v27, vm0, $0xb8;
	[tilespmem:$0x18C00] =	vst v63  }
0x269: {  	v24 =	vperm.xlane v24, v19;
	s18 =	simm.s32 $0x6A00;
	v27 =	vadd.s32 v6, v53  }
0x26a: {  	[tilespmem:s18], [sflag:$0x2] =	stream.indirect_vreg.gather [hbm4b:s15+s16], $0x80, v25, vm0, $0xb8;
	[tilespmem:$0x18C00] =	vst v63  }
0x26b: {  	v24 =	vadd.s32 v6, v24;
	s19 =	simm.s32 $0x6A80  }
0x26c: {  	[tilespmem:s19], [sflag:$0x2] =	stream.indirect_vreg.gather [hbm4b:s15+s16], $0x80, v26, vm0, $0xb8;
	[tilespmem:$0x18C00] =	vst v63  }
0x26d: {  	s20 =	simm.s32 $0x6B00  }
0x26e: {  	[tilespmem:s20], [sflag:$0x2] =	stream.indirect_vreg.gather [hbm4b:s15+s16], $0x80, v27, vm0, $0xb8;
	[tilespmem:$0x18C00] =	vst v63  }
0x26f: {  	s21 =	simm.s32 $0x6B80  }
0x270: {  	[tilespmem:s21], [sflag:$0x2] =	stream.indirect_vreg.gather [hbm4b:s15+s16], $0x80, v24, vm0, $0xb8;
	[tilespmem:$0x18C00] =	vst v63  }
0x271: {  	v24 =	vld [tilespmem:$0x2D0];
	_ =	sdelay $0x4  }
0x272: {  	v25 =	vshll.u32 v24, $0x2  }
0x273: {  	v24 =	vand.u32 $0x7, v24;
	v25 =	vand.u32 $0xFFFFFFE0, v25  }
0x274: {  	v24 =	vor.u32 v24, v25  }
0x275: {  	v25 =	vperm.xlane v24, v4;
	_ =	sdelay $0x1  }
0x276: {  	v26 =	vperm.xlane v24, v7;
	v25 =	vadd.s32 v6, v25;
	_ =	sdelay $0x1  }
0x277: {  	v27 =	vperm.xlane v24, v3;
	v26 =	vadd.s32 v6, v26;
	_ =	sdelay $0x1  }
0x278: {  	s22 =	simm.s32 $0x6C00;
	v54 =	vperm.xlane v24, v8;
	v27 =	vadd.s32 v6, v27  }
0x279: {  	[tilespmem:s22], [sflag:$0x2] =	stream.indirect_vreg.gather [hbm4b:s15+s16], $0x80, v25, vm0, $0xb8;
	[tilespmem:$0x18C00] =	vst v63  }
0x27a: {  	s23 =	simm.s32 $0x6C80;
	v55 =	vperm.xlane v24, v9;
	v25 =	vadd.s32 v6, v54  }
0x27b: {  	[tilespmem:s23], [sflag:$0x2] =	stream.indirect_vreg.gather [hbm4b:s15+s16], $0x80, v26, vm0, $0xb8;
	[tilespmem:$0x18C00] =	vst v63  }
0x27c: {  	s24 =	simm.s32 $0x6D00;
	v56 =	vperm.xlane v24, v10;
	v26 =	vadd.s32 v6, v55  }
0x27d: {  	[tilespmem:s24], [sflag:$0x2] =	stream.indirect_vreg.gather [hbm4b:s15+s16], $0x80, v27, vm0, $0xb8;
	[tilespmem:$0x18C00] =	vst v63  }
0x27e: {  	s25 =	simm.s32 $0x6D80;
	v57 =	vperm.xlane v24, v11;
	v27 =	vadd.s32 v6, v56  }
0x27f: {  	[tilespmem:s25], [sflag:$0x2] =	stream.indirect_vreg.gather [hbm4b:s15+s16], $0x80, v25, vm0, $0xb8;
	[tilespmem:$0x18C00] =	vst v63  }
0x280: {  	s26 =	simm.s32 $0x6E00;
	v58 =	vperm.xlane v24, v2;
	v25 =	vadd.s32 v6, v57  }
0x281: {  	[tilespmem:s26], [sflag:$0x2] =	stream.indirect_vreg.gather [hbm4b:s15+s16], $0x80, v26, vm0, $0xb8;
	[tilespmem:$0x18C00] =	vst v63  }
0x282: {  	s31 =	simm.s32 $0x6E80;
	v59 =	vperm.xlane v24, v12;
	v26 =	vadd.s32 v6, v58  }
0x283: {  	[tilespmem:s31], [sflag:$0x2] =	stream.indirect_vreg.gather [hbm4b:s15+s16], $0x80, v27, vm0, $0xb8;
	[tilespmem:$0x18C00] =	vst v63  }
0x284: {  	s18 =	simm.s32 $0x6F00;
	v60 =	vperm.xlane v24, v13;
	v27 =	vadd.s32 v6, v59  }
0x285: {  	[tilespmem:s18], [sflag:$0x2] =	stream.indirect_vreg.gather [hbm4b:s15+s16], $0x80, v25, vm0, $0xb8;
	[tilespmem:$0x18C00] =	vst v63  }
0x286: {  	s19 =	simm.s32 $0x6F80;
	v61 =	vperm.xlane v24, v14;
	v25 =	vadd.s32 v6, v60  }
0x287: {  	[tilespmem:s19], [sflag:$0x2] =	stream.indirect_vreg.gather [hbm4b:s15+s16], $0x80, v26, vm0, $0xb8;
	[tilespmem:$0x18C00] =	vst v63  }
0x288: {  	s20 =	simm.s32 $0x7000;
	v62 =	vperm.xlane v24, v15;
	v26 =	vadd.s32 v6, v61  }
0x289: {  	[tilespmem:s20], [sflag:$0x2] =	stream.indirect_vreg.gather [hbm4b:s15+s16], $0x80, v27, vm0, $0xb8;
	[tilespmem:$0x18C00] =	vst v63  }
0x28a: {  	s21 =	simm.s32 $0x7080;
	v63 =	vperm.xlane v24, v16;
	v27 =	vadd.s32 v6, v62  }
0x28b: {  	[tilespmem:s21], [sflag:$0x2] =	stream.indirect_vreg.gather [hbm4b:s15+s16], $0x80, v25, vm0, $0xb8;
	[tilespmem:$0x18C00] =	vst v63  }
0x28c: {  	v32 =	vperm.xlane v24, v17;
	s22 =	simm.s32 $0x7100;
	v25 =	vadd.s32 v6, v63  }
0x28d: {  	[tilespmem:s22], [sflag:$0x2] =	stream.indirect_vreg.gather [hbm4b:s15+s16], $0x80, v26, vm0, $0xb8;
	[tilespmem:$0x18C00] =	vst v63  }
0x28e: {  	v33 =	vperm.xlane v24, v18;
	s23 =	simm.s32 $0x7180;
	v26 =	vadd.s32 v6, v32  }
0x28f: {  	[tilespmem:s23], [sflag:$0x2] =	stream.indirect_vreg.gather [hbm4b:s15+s16], $0x80, v27, vm0, $0xb8;
	[tilespmem:$0x18C00] =	vst v63  }
0x290: {  	v24 =	vperm.xlane v24, v19;
	s24 =	simm.s32 $0x7200;
	v27 =	vadd.s32 v6, v33  }
0x291: {  	[tilespmem:s24], [sflag:$0x2] =	stream.indirect_vreg.gather [hbm4b:s15+s16], $0x80, v25, vm0, $0xb8;
	[tilespmem:$0x18C00] =	vst v63  }
0x292: {  	v24 =	vadd.s32 v6, v24;
	s25 =	simm.s32 $0x7280  }
0x293: {  	[tilespmem:s25], [sflag:$0x2] =	stream.indirect_vreg.gather [hbm4b:s15+s16], $0x80, v26, vm0, $0xb8;
	[tilespmem:$0x18C00] =	vst v63  }
0x294: {  	s26 =	simm.s32 $0x7300  }
0x295: {  	[tilespmem:s26], [sflag:$0x2] =	stream.indirect_vreg.gather [hbm4b:s15+s16], $0x80, v27, vm0, $0xb8;
	[tilespmem:$0x18C00] =	vst v63  }
0x296: {  	s31 =	simm.s32 $0x7380  }
0x297: {  	[tilespmem:s31], [sflag:$0x2] =	stream.indirect_vreg.gather [hbm4b:s15+s16], $0x80, v24, vm0, $0xb8;
	[tilespmem:$0x18C00] =	vst v63  }
0x298: {  	v24 =	vld [tilespmem:$0x2E0];
	_ =	sdelay $0x4  }
0x299: {  	v25 =	vshll.u32 v24, $0x2  }
0x29a: {  	v24 =	vand.u32 $0x7, v24;
	v25 =	vand.u32 $0xFFFFFFE0, v25  }
0x29b: {  	v24 =	vor.u32 v24, v25  }
0x29c: {  	v25 =	vperm.xlane v24, v4;
	_ =	sdelay $0x1  }
0x29d: {  	v26 =	vperm.xlane v24, v7;
	v25 =	vadd.s32 v6, v25;
	_ =	sdelay $0x1  }
0x29e: {  	v27 =	vperm.xlane v24, v3;
	v26 =	vadd.s32 v6, v26;
	_ =	sdelay $0x1  }
0x29f: {  	s18 =	simm.s32 $0x7400;
	v34 =	vperm.xlane v24, v8;
	v27 =	vadd.s32 v6, v27  }
0x2a0: {  	[tilespmem:s18], [sflag:$0x2] =	stream.indirect_vreg.gather [hbm4b:s15+s16], $0x80, v25, vm0, $0xb8;
	[tilespmem:$0x18C00] =	vst v63  }
0x2a1: {  	s19 =	simm.s32 $0x7480;
	v35 =	vperm.xlane v24, v9;
	v25 =	vadd.s32 v6, v34  }
0x2a2: {  	[tilespmem:s19], [sflag:$0x2] =	stream.indirect_vreg.gather [hbm4b:s15+s16], $0x80, v26, vm0, $0xb8;
	[tilespmem:$0x18C00] =	vst v63  }
0x2a3: {  	s20 =	simm.s32 $0x7500;
	v36 =	vperm.xlane v24, v10;
	v26 =	vadd.s32 v6, v35  }
0x2a4: {  	[tilespmem:s20], [sflag:$0x2] =	stream.indirect_vreg.gather [hbm4b:s15+s16], $0x80, v27, vm0, $0xb8;
	[tilespmem:$0x18C00] =	vst v63  }
0x2a5: {  	s21 =	simm.s32 $0x7580;
	v37 =	vperm.xlane v24, v11;
	v27 =	vadd.s32 v6, v36  }
0x2a6: {  	[tilespmem:s21], [sflag:$0x2] =	stream.indirect_vreg.gather [hbm4b:s15+s16], $0x80, v25, vm0, $0xb8;
	[tilespmem:$0x18C00] =	vst v63  }
0x2a7: {  	s22 =	simm.s32 $0x7600;
	v38 =	vperm.xlane v24, v2;
	v25 =	vadd.s32 v6, v37  }
0x2a8: {  	[tilespmem:s22], [sflag:$0x2] =	stream.indirect_vreg.gather [hbm4b:s15+s16], $0x80, v26, vm0, $0xb8;
	[tilespmem:$0x18C00] =	vst v63  }
0x2a9: {  	s23 =	simm.s32 $0x7680;
	v39 =	vperm.xlane v24, v12;
	v26 =	vadd.s32 v6, v38  }
0x2aa: {  	[tilespmem:s23], [sflag:$0x2] =	stream.indirect_vreg.gather [hbm4b:s15+s16], $0x80, v27, vm0, $0xb8;
	[tilespmem:$0x18C00] =	vst v63  }
0x2ab: {  	s24 =	simm.s32 $0x7700;
	v40 =	vperm.xlane v24, v13;
	v27 =	vadd.s32 v6, v39  }
0x2ac: {  	[tilespmem:s24], [sflag:$0x2] =	stream.indirect_vreg.gather [hbm4b:s15+s16], $0x80, v25, vm0, $0xb8;
	[tilespmem:$0x18C00] =	vst v63  }
0x2ad: {  	s25 =	simm.s32 $0x7780;
	v41 =	vperm.xlane v24, v14;
	v25 =	vadd.s32 v6, v40  }
0x2ae: {  	[tilespmem:s25], [sflag:$0x2] =	stream.indirect_vreg.gather [hbm4b:s15+s16], $0x80, v26, vm0, $0xb8;
	[tilespmem:$0x18C00] =	vst v63  }
0x2af: {  	s26 =	simm.s32 $0x7800;
	v42 =	vperm.xlane v24, v15;
	v26 =	vadd.s32 v6, v41  }
0x2b0: {  	[tilespmem:s26], [sflag:$0x2] =	stream.indirect_vreg.gather [hbm4b:s15+s16], $0x80, v27, vm0, $0xb8;
	[tilespmem:$0x18C00] =	vst v63  }
0x2b1: {  	s31 =	simm.s32 $0x7880;
	v43 =	vperm.xlane v24, v16;
	v27 =	vadd.s32 v6, v42  }
0x2b2: {  	[tilespmem:s31], [sflag:$0x2] =	stream.indirect_vreg.gather [hbm4b:s15+s16], $0x80, v25, vm0, $0xb8;
	[tilespmem:$0x18C00] =	vst v63  }
0x2b3: {  	v44 =	vperm.xlane v24, v17;
	s18 =	simm.s32 $0x7900;
	v25 =	vadd.s32 v6, v43  }
0x2b4: {  	[tilespmem:s18], [sflag:$0x2] =	stream.indirect_vreg.gather [hbm4b:s15+s16], $0x80, v26, vm0, $0xb8;
	[tilespmem:$0x18C00] =	vst v63  }
0x2b5: {  	v45 =	vperm.xlane v24, v18;
	s19 =	simm.s32 $0x7980;
	v26 =	vadd.s32 v6, v44  }
0x2b6: {  	[tilespmem:s19], [sflag:$0x2] =	stream.indirect_vreg.gather [hbm4b:s15+s16], $0x80, v27, vm0, $0xb8;
	[tilespmem:$0x18C00] =	vst v63  }
0x2b7: {  	v24 =	vperm.xlane v24, v19;
	s20 =	simm.s32 $0x7A00;
	v27 =	vadd.s32 v6, v45  }
0x2b8: {  	[tilespmem:s20], [sflag:$0x2] =	stream.indirect_vreg.gather [hbm4b:s15+s16], $0x80, v25, vm0, $0xb8;
	[tilespmem:$0x18C00] =	vst v63  }
0x2b9: {  	v24 =	vadd.s32 v6, v24;
	s21 =	simm.s32 $0x7A80  }
0x2ba: {  	[tilespmem:s21], [sflag:$0x2] =	stream.indirect_vreg.gather [hbm4b:s15+s16], $0x80, v26, vm0, $0xb8;
	[tilespmem:$0x18C00] =	vst v63  }
0x2bb: {  	s22 =	simm.s32 $0x7B00  }
0x2bc: {  	[tilespmem:s22], [sflag:$0x2] =	stream.indirect_vreg.gather [hbm4b:s15+s16], $0x80, v27, vm0, $0xb8;
	[tilespmem:$0x18C00] =	vst v63  }
0x2bd: {  	s23 =	simm.s32 $0x7B80  }
0x2be: {  	[tilespmem:s23], [sflag:$0x2] =	stream.indirect_vreg.gather [hbm4b:s15+s16], $0x80, v24, vm0, $0xb8;
	[tilespmem:$0x18C00] =	vst v63  }
0x2bf: {  	v24 =	vld [tilespmem:$0x2F0];
	_ =	sdelay $0x4  }
0x2c0: {  	v25 =	vshll.u32 v24, $0x2  }
0x2c1: {  	v24 =	vand.u32 $0x7, v24;
	v25 =	vand.u32 $0xFFFFFFE0, v25  }
0x2c2: {  	v24 =	vor.u32 v24, v25  }
0x2c3: {  	v25 =	vperm.xlane v24, v4;
	_ =	sdelay $0x1  }
0x2c4: {  	v26 =	vperm.xlane v24, v7;
	v25 =	vadd.s32 v6, v25;
	_ =	sdelay $0x1  }
0x2c5: {  	v27 =	vperm.xlane v24, v3;
	v26 =	vadd.s32 v6, v26;
	_ =	sdelay $0x1  }
0x2c6: {  	s24 =	simm.s32 $0x7C00;
	v46 =	vperm.xlane v24, v8;
	v27 =	vadd.s32 v6, v27  }
0x2c7: {  	[tilespmem:s24], [sflag:$0x2] =	stream.indirect_vreg.gather [hbm4b:s15+s16], $0x80, v25, vm0, $0xb8;
	[tilespmem:$0x18C00] =	vst v63  }
0x2c8: {  	s25 =	simm.s32 $0x7C80;
	v47 =	vperm.xlane v24, v9;
	v25 =	vadd.s32 v6, v46  }
0x2c9: {  	[tilespmem:s25], [sflag:$0x2] =	stream.indirect_vreg.gather [hbm4b:s15+s16], $0x80, v26, vm0, $0xb8;
	[tilespmem:$0x18C00] =	vst v63  }
0x2ca: {  	s26 =	simm.s32 $0x7D00;
	v48 =	vperm.xlane v24, v10;
	v26 =	vadd.s32 v6, v47  }
0x2cb: {  	[tilespmem:s26], [sflag:$0x2] =	stream.indirect_vreg.gather [hbm4b:s15+s16], $0x80, v27, vm0, $0xb8;
	[tilespmem:$0x18C00] =	vst v63  }
0x2cc: {  	s31 =	simm.s32 $0x7D80;
	v49 =	vperm.xlane v24, v11;
	v27 =	vadd.s32 v6, v48  }
0x2cd: {  	[tilespmem:s31], [sflag:$0x2] =	stream.indirect_vreg.gather [hbm4b:s15+s16], $0x80, v25, vm0, $0xb8;
	[tilespmem:$0x18C00] =	vst v63  }
0x2ce: {  	s18 =	simm.s32 $0x7E00;
	v50 =	vperm.xlane v24, v2;
	v25 =	vadd.s32 v6, v49  }
0x2cf: {  	[tilespmem:s18], [sflag:$0x2] =	stream.indirect_vreg.gather [hbm4b:s15+s16], $0x80, v26, vm0, $0xb8;
	[tilespmem:$0x18C00] =	vst v63  }
0x2d0: {  	s19 =	simm.s32 $0x7E80;
	v51 =	vperm.xlane v24, v12;
	v26 =	vadd.s32 v6, v50  }
0x2d1: {  	[tilespmem:s19], [sflag:$0x2] =	stream.indirect_vreg.gather [hbm4b:s15+s16], $0x80, v27, vm0, $0xb8;
	[tilespmem:$0x18C00] =	vst v63  }
0x2d2: {  	s20 =	simm.s32 $0x7F00;
	v52 =	vperm.xlane v24, v13;
	v27 =	vadd.s32 v6, v51  }
0x2d3: {  	[tilespmem:s20], [sflag:$0x2] =	stream.indirect_vreg.gather [hbm4b:s15+s16], $0x80, v25, vm0, $0xb8;
	[tilespmem:$0x18C00] =	vst v63  }
0x2d4: {  	s21 =	simm.s32 $0x7F80;
	v53 =	vperm.xlane v24, v14;
	v25 =	vadd.s32 v6, v52  }
0x2d5: {  	[tilespmem:s21], [sflag:$0x2] =	stream.indirect_vreg.gather [hbm4b:s15+s16], $0x80, v26, vm0, $0xb8;
	[tilespmem:$0x18C00] =	vst v63  }
0x2d6: {  	s22 =	simm.s32 $0x8000;
	v54 =	vperm.xlane v24, v15;
	v26 =	vadd.s32 v6, v53  }
0x2d7: {  	[tilespmem:s22], [sflag:$0x2] =	stream.indirect_vreg.gather [hbm4b:s15+s16], $0x80, v27, vm0, $0xb8;
	[tilespmem:$0x18C00] =	vst v63  }
0x2d8: {  	s23 =	simm.s32 $0x8080;
	v55 =	vperm.xlane v24, v16;
	v27 =	vadd.s32 v6, v54  }
0x2d9: {  	[tilespmem:s23], [sflag:$0x2] =	stream.indirect_vreg.gather [hbm4b:s15+s16], $0x80, v25, vm0, $0xb8;
	[tilespmem:$0x18C00] =	vst v63  }
0x2da: {  	v56 =	vperm.xlane v24, v17;
	s24 =	simm.s32 $0x8100;
	v25 =	vadd.s32 v6, v55  }
0x2db: {  	[tilespmem:s24], [sflag:$0x2] =	stream.indirect_vreg.gather [hbm4b:s15+s16], $0x80, v26, vm0, $0xb8;
	[tilespmem:$0x18C00] =	vst v63  }
0x2dc: {  	v57 =	vperm.xlane v24, v18;
	s25 =	simm.s32 $0x8180;
	v26 =	vadd.s32 v6, v56  }
0x2dd: {  	[tilespmem:s25], [sflag:$0x2] =	stream.indirect_vreg.gather [hbm4b:s15+s16], $0x80, v27, vm0, $0xb8;
	[tilespmem:$0x18C00] =	vst v63  }
0x2de: {  	v24 =	vperm.xlane v24, v19;
	s26 =	simm.s32 $0x8200;
	v27 =	vadd.s32 v6, v57  }
0x2df: {  	[tilespmem:s26], [sflag:$0x2] =	stream.indirect_vreg.gather [hbm4b:s15+s16], $0x80, v25, vm0, $0xb8;
	[tilespmem:$0x18C00] =	vst v63  }
0x2e0: {  	v24 =	vadd.s32 v6, v24;
	s31 =	simm.s32 $0x8280  }
0x2e1: {  	[tilespmem:s31], [sflag:$0x2] =	stream.indirect_vreg.gather [hbm4b:s15+s16], $0x80, v26, vm0, $0xb8;
	[tilespmem:$0x18C00] =	vst v63  }
0x2e2: {  	s18 =	simm.s32 $0x8300  }
0x2e3: {  	[tilespmem:s18], [sflag:$0x2] =	stream.indirect_vreg.gather [hbm4b:s15+s16], $0x80, v27, vm0, $0xb8;
	[tilespmem:$0x18C00] =	vst v63  }
0x2e4: {  	s19 =	simm.s32 $0x8380  }
0x2e5: {  	[tilespmem:s19], [sflag:$0x2] =	stream.indirect_vreg.gather [hbm4b:s15+s16], $0x80, v24, vm0, $0xb8;
	[tilespmem:$0x18C00] =	vst v63  }
0x2e6: {  	v24 =	vld [tilespmem:$0x0];
	_ =	sdelay $0x2  }
0x2e7: {  	v25 =	vld [tilespmem:$0x10]  }
0x2e8: {  	v26 =	vld [tilespmem:$0x20]  }
0x2e9: {  	v58 =	vld [tilespmem:$0x30];
	v27 =	vadd.s32 v0, v24  }
0x2ea: {  	v59 =	vld [tilespmem:$0x40];
	v60 =	vshll.u32 v27, $0x2  }
0x2eb: {  	v61 =	vld [tilespmem:$0x50];
	v24 =	vand.u32 $0x7, v24;
	v30 =	vand.u32 $0xFFFFFFE0, v60  }
0x2ec: {  	v25 =	vadd.s32 v0, v25;
	[tilespmem:$0x300] =	vst v27;
	v27 =	vld [tilespmem:$0x60];
	v24 =	vor.u32 v24, v30  }
0x2ed: {  	[tilespmem:$0x310] =	vst v25;
	v25 =	vadd.s32 v0, v26;
	v26 =	vld [tilespmem:$0x70];
	v30 =	vperm.xlane v24, v4  }
0x2ee: {  	[tilespmem:$0x320] =	vst v25;
	v25 =	vadd.s32 v0, v58  }
0x2ef: {  	[tilespmem:$0x330] =	vst v25;
	v25 =	vadd.s32 v0, v59;
	v63 =	vperm.xlane v24, v7;
	v62 =	vadd.s32 v6, v30  }
0x2f0: {  	[tilespmem:$0x340] =	vst v25;
	v25 =	vadd.s32 v0, v61  }
0x2f1: {  	v32 =	vperm.xlane v24, v3;
	[tilespmem:$0x350] =	vst v25;
	v25 =	vadd.s32 v0, v27;
	v27 =	vadd.s32 v6, v63  }
0x2f2: {  	[tilespmem:$0x360] =	vst v25;
	v25 =	vadd.s32 v0, v26  }
0x2f3: {  	v26 =	vperm.xlane v24, v8;
	[tilespmem:$0x370] =	vst v25;
	v25 =	vadd.s32 v6, v32  }
0x2f4: {  	[tilespmem:s28], [sflag:$0x3] =	stream.indirect_vreg.gather [hbm4b:s15+s16], $0x80, v62, vm0, $0xb8;
	[tilespmem:$0x18C00] =	vst v63  }
0x2f5: {  	s20 =	simm.s32 $0x8480;
	v33 =	vperm.xlane v24, v9;
	v26 =	vadd.s32 v6, v26  }
0x2f6: {  	[tilespmem:s20], [sflag:$0x3] =	stream.indirect_vreg.gather [hbm4b:s15+s16], $0x80, v27, vm0, $0xb8;
	[tilespmem:$0x18C00] =	vst v63  }
0x2f7: {  	s21 =	simm.s32 $0x8500;
	v34 =	vperm.xlane v24, v10;
	v27 =	vadd.s32 v6, v33  }
0x2f8: {  	[tilespmem:s21], [sflag:$0x3] =	stream.indirect_vreg.gather [hbm4b:s15+s16], $0x80, v25, vm0, $0xb8;
	[tilespmem:$0x18C00] =	vst v63  }
0x2f9: {  	s22 =	simm.s32 $0x8580;
	v35 =	vperm.xlane v24, v11;
	v25 =	vadd.s32 v6, v34  }
0x2fa: {  	[tilespmem:s22], [sflag:$0x3] =	stream.indirect_vreg.gather [hbm4b:s15+s16], $0x80, v26, vm0, $0xb8;
	[tilespmem:$0x18C00] =	vst v63  }
0x2fb: {  	s23 =	simm.s32 $0x8600;
	v36 =	vperm.xlane v24, v2;
	v26 =	vadd.s32 v6, v35  }
0x2fc: {  	[tilespmem:s23], [sflag:$0x3] =	stream.indirect_vreg.gather [hbm4b:s15+s16], $0x80, v27, vm0, $0xb8;
	[tilespmem:$0x18C00] =	vst v63  }
0x2fd: {  	s24 =	simm.s32 $0x8680;
	v37 =	vperm.xlane v24, v12;
	v27 =	vadd.s32 v6, v36  }
0x2fe: {  	[tilespmem:s24], [sflag:$0x3] =	stream.indirect_vreg.gather [hbm4b:s15+s16], $0x80, v25, vm0, $0xb8;
	[tilespmem:$0x18C00] =	vst v63  }
0x2ff: {  	s25 =	simm.s32 $0x8700;
	v38 =	vperm.xlane v24, v13;
	v25 =	vadd.s32 v6, v37  }
0x300: {  	[tilespmem:s25], [sflag:$0x3] =	stream.indirect_vreg.gather [hbm4b:s15+s16], $0x80, v26, vm0, $0xb8;
	[tilespmem:$0x18C00] =	vst v63  }
0x301: {  	s26 =	simm.s32 $0x8780;
	v39 =	vperm.xlane v24, v14;
	v26 =	vadd.s32 v6, v38  }
0x302: {  	[tilespmem:s26], [sflag:$0x3] =	stream.indirect_vreg.gather [hbm4b:s15+s16], $0x80, v27, vm0, $0xb8;
	[tilespmem:$0x18C00] =	vst v63  }
0x303: {  	s31 =	simm.s32 $0x8800;
	v40 =	vperm.xlane v24, v15;
	v27 =	vadd.s32 v6, v39  }
0x304: {  	[tilespmem:s31], [sflag:$0x3] =	stream.indirect_vreg.gather [hbm4b:s15+s16], $0x80, v25, vm0, $0xb8;
	[tilespmem:$0x18C00] =	vst v63  }
0x305: {  	s18 =	simm.s32 $0x8880;
	v41 =	vperm.xlane v24, v16;
	v25 =	vadd.s32 v6, v40  }
0x306: {  	[tilespmem:s18], [sflag:$0x3] =	stream.indirect_vreg.gather [hbm4b:s15+s16], $0x80, v26, vm0, $0xb8;
	[tilespmem:$0x18C00] =	vst v63  }
0x307: {  	s19 =	simm.s32 $0x8900;
	v42 =	vperm.xlane v24, v17;
	v26 =	vadd.s32 v6, v41  }
0x308: {  	[tilespmem:s19], [sflag:$0x3] =	stream.indirect_vreg.gather [hbm4b:s15+s16], $0x80, v27, vm0, $0xb8;
	[tilespmem:$0x18C00] =	vst v63  }
0x309: {  	v43 =	vperm.xlane v24, v18;
	s20 =	simm.s32 $0x8980;
	v27 =	vadd.s32 v6, v42  }
0x30a: {  	[tilespmem:s20], [sflag:$0x3] =	stream.indirect_vreg.gather [hbm4b:s15+s16], $0x80, v25, vm0, $0xb8;
	[tilespmem:$0x18C00] =	vst v63  }
0x30b: {  	v24 =	vperm.xlane v24, v19;
	s21 =	simm.s32 $0x8A00;
	v25 =	vadd.s32 v6, v43  }
0x30c: {  	[tilespmem:s21], [sflag:$0x3] =	stream.indirect_vreg.gather [hbm4b:s15+s16], $0x80, v26, vm0, $0xb8;
	[tilespmem:$0x18C00] =	vst v63  }
0x30d: {  	v24 =	vadd.s32 v6, v24;
	s22 =	simm.s32 $0x8A80  }
0x30e: {  	[tilespmem:s22], [sflag:$0x3] =	stream.indirect_vreg.gather [hbm4b:s15+s16], $0x80, v27, vm0, $0xb8;
	[tilespmem:$0x18C00] =	vst v63  }
0x30f: {  	s23 =	simm.s32 $0x8B00  }
0x310: {  	[tilespmem:s23], [sflag:$0x3] =	stream.indirect_vreg.gather [hbm4b:s15+s16], $0x80, v25, vm0, $0xb8;
	[tilespmem:$0x18C00] =	vst v63  }
0x311: {  	s24 =	simm.s32 $0x8B80  }
0x312: {  	[tilespmem:s24], [sflag:$0x3] =	stream.indirect_vreg.gather [hbm4b:s15+s16], $0x80, v24, vm0, $0xb8;
	[tilespmem:$0x18C00] =	vst v63  }
0x313: {  	v24 =	vld [tilespmem:$0x310];
	_ =	sdelay $0x4  }
0x314: {  	v25 =	vshll.u32 v24, $0x2  }
0x315: {  	v24 =	vand.u32 $0x7, v24;
	v25 =	vand.u32 $0xFFFFFFE0, v25  }
0x316: {  	v24 =	vor.u32 v24, v25  }
0x317: {  	v25 =	vperm.xlane v24, v4;
	_ =	sdelay $0x1  }
0x318: {  	v26 =	vperm.xlane v24, v7;
	v25 =	vadd.s32 v6, v25;
	_ =	sdelay $0x1  }
0x319: {  	v27 =	vperm.xlane v24, v3;
	v26 =	vadd.s32 v6, v26;
	_ =	sdelay $0x1  }
0x31a: {  	s25 =	simm.s32 $0x8C00;
	v44 =	vperm.xlane v24, v8;
	v27 =	vadd.s32 v6, v27  }
0x31b: {  	[tilespmem:s25], [sflag:$0x3] =	stream.indirect_vreg.gather [hbm4b:s15+s16], $0x80, v25, vm0, $0xb8;
	[tilespmem:$0x18C00] =	vst v63  }
0x31c: {  	s26 =	simm.s32 $0x8C80;
	v45 =	vperm.xlane v24, v9;
	v25 =	vadd.s32 v6, v44  }
0x31d: {  	[tilespmem:s26], [sflag:$0x3] =	stream.indirect_vreg.gather [hbm4b:s15+s16], $0x80, v26, vm0, $0xb8;
	[tilespmem:$0x18C00] =	vst v63  }
0x31e: {  	s31 =	simm.s32 $0x8D00;
	v46 =	vperm.xlane v24, v10;
	v26 =	vadd.s32 v6, v45  }
0x31f: {  	[tilespmem:s31], [sflag:$0x3] =	stream.indirect_vreg.gather [hbm4b:s15+s16], $0x80, v27, vm0, $0xb8;
	[tilespmem:$0x18C00] =	vst v63  }
0x320: {  	s18 =	simm.s32 $0x8D80;
	v47 =	vperm.xlane v24, v11;
	v27 =	vadd.s32 v6, v46  }
0x321: {  	[tilespmem:s18], [sflag:$0x3] =	stream.indirect_vreg.gather [hbm4b:s15+s16], $0x80, v25, vm0, $0xb8;
	[tilespmem:$0x18C00] =	vst v63  }
0x322: {  	s19 =	simm.s32 $0x8E00;
	v48 =	vperm.xlane v24, v2;
	v25 =	vadd.s32 v6, v47  }
0x323: {  	[tilespmem:s19], [sflag:$0x3] =	stream.indirect_vreg.gather [hbm4b:s15+s16], $0x80, v26, vm0, $0xb8;
	[tilespmem:$0x18C00] =	vst v63  }
0x324: {  	s20 =	simm.s32 $0x8E80;
	v49 =	vperm.xlane v24, v12;
	v26 =	vadd.s32 v6, v48  }
0x325: {  	[tilespmem:s20], [sflag:$0x3] =	stream.indirect_vreg.gather [hbm4b:s15+s16], $0x80, v27, vm0, $0xb8;
	[tilespmem:$0x18C00] =	vst v63  }
0x326: {  	s21 =	simm.s32 $0x8F00;
	v50 =	vperm.xlane v24, v13;
	v27 =	vadd.s32 v6, v49  }
0x327: {  	[tilespmem:s21], [sflag:$0x3] =	stream.indirect_vreg.gather [hbm4b:s15+s16], $0x80, v25, vm0, $0xb8;
	[tilespmem:$0x18C00] =	vst v63  }
0x328: {  	s22 =	simm.s32 $0x8F80;
	v51 =	vperm.xlane v24, v14;
	v25 =	vadd.s32 v6, v50  }
0x329: {  	[tilespmem:s22], [sflag:$0x3] =	stream.indirect_vreg.gather [hbm4b:s15+s16], $0x80, v26, vm0, $0xb8;
	[tilespmem:$0x18C00] =	vst v63  }
0x32a: {  	s23 =	simm.s32 $0x9000;
	v52 =	vperm.xlane v24, v15;
	v26 =	vadd.s32 v6, v51  }
0x32b: {  	[tilespmem:s23], [sflag:$0x3] =	stream.indirect_vreg.gather [hbm4b:s15+s16], $0x80, v27, vm0, $0xb8;
	[tilespmem:$0x18C00] =	vst v63  }
0x32c: {  	s24 =	simm.s32 $0x9080;
	v53 =	vperm.xlane v24, v16;
	v27 =	vadd.s32 v6, v52  }
0x32d: {  	[tilespmem:s24], [sflag:$0x3] =	stream.indirect_vreg.gather [hbm4b:s15+s16], $0x80, v25, vm0, $0xb8;
	[tilespmem:$0x18C00] =	vst v63  }
0x32e: {  	v54 =	vperm.xlane v24, v17;
	s25 =	simm.s32 $0x9100;
	v25 =	vadd.s32 v6, v53  }
0x32f: {  	[tilespmem:s25], [sflag:$0x3] =	stream.indirect_vreg.gather [hbm4b:s15+s16], $0x80, v26, vm0, $0xb8;
	[tilespmem:$0x18C00] =	vst v63  }
0x330: {  	v55 =	vperm.xlane v24, v18;
	s26 =	simm.s32 $0x9180;
	v26 =	vadd.s32 v6, v54  }
0x331: {  	[tilespmem:s26], [sflag:$0x3] =	stream.indirect_vreg.gather [hbm4b:s15+s16], $0x80, v27, vm0, $0xb8;
	[tilespmem:$0x18C00] =	vst v63  }
0x332: {  	v24 =	vperm.xlane v24, v19;
	s31 =	simm.s32 $0x9200;
	v27 =	vadd.s32 v6, v55  }
0x333: {  	[tilespmem:s31], [sflag:$0x3] =	stream.indirect_vreg.gather [hbm4b:s15+s16], $0x80, v25, vm0, $0xb8;
	[tilespmem:$0x18C00] =	vst v63  }
0x334: {  	v24 =	vadd.s32 v6, v24;
	s18 =	simm.s32 $0x9280  }
0x335: {  	[tilespmem:s18], [sflag:$0x3] =	stream.indirect_vreg.gather [hbm4b:s15+s16], $0x80, v26, vm0, $0xb8;
	[tilespmem:$0x18C00] =	vst v63  }
0x336: {  	s19 =	simm.s32 $0x9300  }
0x337: {  	[tilespmem:s19], [sflag:$0x3] =	stream.indirect_vreg.gather [hbm4b:s15+s16], $0x80, v27, vm0, $0xb8;
	[tilespmem:$0x18C00] =	vst v63  }
0x338: {  	s20 =	simm.s32 $0x9380  }
0x339: {  	[tilespmem:s20], [sflag:$0x3] =	stream.indirect_vreg.gather [hbm4b:s15+s16], $0x80, v24, vm0, $0xb8;
	[tilespmem:$0x18C00] =	vst v63  }
0x33a: {  	v24 =	vld [tilespmem:$0x320];
	_ =	sdelay $0x4  }
0x33b: {  	v25 =	vshll.u32 v24, $0x2  }
0x33c: {  	v24 =	vand.u32 $0x7, v24;
	v25 =	vand.u32 $0xFFFFFFE0, v25  }
0x33d: {  	v24 =	vor.u32 v24, v25  }
0x33e: {  	v25 =	vperm.xlane v24, v4;
	_ =	sdelay $0x1  }
0x33f: {  	v26 =	vperm.xlane v24, v7;
	v25 =	vadd.s32 v6, v25;
	_ =	sdelay $0x1  }
0x340: {  	v27 =	vperm.xlane v24, v3;
	v26 =	vadd.s32 v6, v26;
	_ =	sdelay $0x1  }
0x341: {  	s21 =	simm.s32 $0x9400;
	v56 =	vperm.xlane v24, v8;
	v27 =	vadd.s32 v6, v27  }
0x342: {  	[tilespmem:s21], [sflag:$0x3] =	stream.indirect_vreg.gather [hbm4b:s15+s16], $0x80, v25, vm0, $0xb8;
	[tilespmem:$0x18C00] =	vst v63  }
0x343: {  	s22 =	simm.s32 $0x9480;
	v57 =	vperm.xlane v24, v9;
	v25 =	vadd.s32 v6, v56  }
0x344: {  	[tilespmem:s22], [sflag:$0x3] =	stream.indirect_vreg.gather [hbm4b:s15+s16], $0x80, v26, vm0, $0xb8;
	[tilespmem:$0x18C00] =	vst v63  }
0x345: {  	s23 =	simm.s32 $0x9500;
	v58 =	vperm.xlane v24, v10;
	v26 =	vadd.s32 v6, v57  }
0x346: {  	[tilespmem:s23], [sflag:$0x3] =	stream.indirect_vreg.gather [hbm4b:s15+s16], $0x80, v27, vm0, $0xb8;
	[tilespmem:$0x18C00] =	vst v63  }
0x347: {  	s24 =	simm.s32 $0x9580;
	v59 =	vperm.xlane v24, v11;
	v27 =	vadd.s32 v6, v58  }
0x348: {  	[tilespmem:s24], [sflag:$0x3] =	stream.indirect_vreg.gather [hbm4b:s15+s16], $0x80, v25, vm0, $0xb8;
	[tilespmem:$0x18C00] =	vst v63  }
0x349: {  	s25 =	simm.s32 $0x9600;
	v60 =	vperm.xlane v24, v2;
	v25 =	vadd.s32 v6, v59  }
0x34a: {  	[tilespmem:s25], [sflag:$0x3] =	stream.indirect_vreg.gather [hbm4b:s15+s16], $0x80, v26, vm0, $0xb8;
	[tilespmem:$0x18C00] =	vst v63  }
0x34b: {  	s26 =	simm.s32 $0x9680;
	v61 =	vperm.xlane v24, v12;
	v26 =	vadd.s32 v6, v60  }
0x34c: {  	[tilespmem:s26], [sflag:$0x3] =	stream.indirect_vreg.gather [hbm4b:s15+s16], $0x80, v27, vm0, $0xb8;
	[tilespmem:$0x18C00] =	vst v63  }
0x34d: {  	s31 =	simm.s32 $0x9700;
	v62 =	vperm.xlane v24, v13;
	v27 =	vadd.s32 v6, v61  }
0x34e: {  	[tilespmem:s31], [sflag:$0x3] =	stream.indirect_vreg.gather [hbm4b:s15+s16], $0x80, v25, vm0, $0xb8;
	[tilespmem:$0x18C00] =	vst v63  }
0x34f: {  	s18 =	simm.s32 $0x9780;
	v63 =	vperm.xlane v24, v14;
	v25 =	vadd.s32 v6, v62  }
0x350: {  	[tilespmem:s18], [sflag:$0x3] =	stream.indirect_vreg.gather [hbm4b:s15+s16], $0x80, v26, vm0, $0xb8;
	[tilespmem:$0x18C00] =	vst v63  }
0x351: {  	s19 =	simm.s32 $0x9800;
	v32 =	vperm.xlane v24, v15;
	v26 =	vadd.s32 v6, v63  }
0x352: {  	[tilespmem:s19], [sflag:$0x3] =	stream.indirect_vreg.gather [hbm4b:s15+s16], $0x80, v27, vm0, $0xb8;
	[tilespmem:$0x18C00] =	vst v63  }
0x353: {  	s20 =	simm.s32 $0x9880;
	v33 =	vperm.xlane v24, v16;
	v27 =	vadd.s32 v6, v32  }
0x354: {  	[tilespmem:s20], [sflag:$0x3] =	stream.indirect_vreg.gather [hbm4b:s15+s16], $0x80, v25, vm0, $0xb8;
	[tilespmem:$0x18C00] =	vst v63  }
0x355: {  	v34 =	vperm.xlane v24, v17;
	s21 =	simm.s32 $0x9900;
	v25 =	vadd.s32 v6, v33  }
0x356: {  	[tilespmem:s21], [sflag:$0x3] =	stream.indirect_vreg.gather [hbm4b:s15+s16], $0x80, v26, vm0, $0xb8;
	[tilespmem:$0x18C00] =	vst v63  }
0x357: {  	v35 =	vperm.xlane v24, v18;
	s22 =	simm.s32 $0x9980;
	v26 =	vadd.s32 v6, v34  }
0x358: {  	[tilespmem:s22], [sflag:$0x3] =	stream.indirect_vreg.gather [hbm4b:s15+s16], $0x80, v27, vm0, $0xb8;
	[tilespmem:$0x18C00] =	vst v63  }
0x359: {  	v24 =	vperm.xlane v24, v19;
	s23 =	simm.s32 $0x9A00;
	v27 =	vadd.s32 v6, v35  }
0x35a: {  	[tilespmem:s23], [sflag:$0x3] =	stream.indirect_vreg.gather [hbm4b:s15+s16], $0x80, v25, vm0, $0xb8;
	[tilespmem:$0x18C00] =	vst v63  }
0x35b: {  	v24 =	vadd.s32 v6, v24;
	s24 =	simm.s32 $0x9A80  }
0x35c: {  	[tilespmem:s24], [sflag:$0x3] =	stream.indirect_vreg.gather [hbm4b:s15+s16], $0x80, v26, vm0, $0xb8;
	[tilespmem:$0x18C00] =	vst v63  }
0x35d: {  	s25 =	simm.s32 $0x9B00  }
0x35e: {  	[tilespmem:s25], [sflag:$0x3] =	stream.indirect_vreg.gather [hbm4b:s15+s16], $0x80, v27, vm0, $0xb8;
	[tilespmem:$0x18C00] =	vst v63  }
0x35f: {  	s26 =	simm.s32 $0x9B80  }
0x360: {  	[tilespmem:s26], [sflag:$0x3] =	stream.indirect_vreg.gather [hbm4b:s15+s16], $0x80, v24, vm0, $0xb8;
	[tilespmem:$0x18C00] =	vst v63  }
0x361: {  	v24 =	vld [tilespmem:$0x330];
	_ =	sdelay $0x4  }
0x362: {  	v25 =	vshll.u32 v24, $0x2  }
0x363: {  	v24 =	vand.u32 $0x7, v24;
	v25 =	vand.u32 $0xFFFFFFE0, v25  }
0x364: {  	v24 =	vor.u32 v24, v25  }
0x365: {  	v25 =	vperm.xlane v24, v4;
	_ =	sdelay $0x1  }
0x366: {  	v26 =	vperm.xlane v24, v7;
	v25 =	vadd.s32 v6, v25;
	_ =	sdelay $0x1  }
0x367: {  	v27 =	vperm.xlane v24, v3;
	v26 =	vadd.s32 v6, v26;
	_ =	sdelay $0x1  }
0x368: {  	s31 =	simm.s32 $0x9C00;
	v36 =	vperm.xlane v24, v8;
	v27 =	vadd.s32 v6, v27  }
0x369: {  	[tilespmem:s31], [sflag:$0x3] =	stream.indirect_vreg.gather [hbm4b:s15+s16], $0x80, v25, vm0, $0xb8;
	[tilespmem:$0x18C00] =	vst v63  }
0x36a: {  	s18 =	simm.s32 $0x9C80;
	v37 =	vperm.xlane v24, v9;
	v25 =	vadd.s32 v6, v36  }
0x36b: {  	[tilespmem:s18], [sflag:$0x3] =	stream.indirect_vreg.gather [hbm4b:s15+s16], $0x80, v26, vm0, $0xb8;
	[tilespmem:$0x18C00] =	vst v63  }
0x36c: {  	s19 =	simm.s32 $0x9D00;
	v38 =	vperm.xlane v24, v10;
	v26 =	vadd.s32 v6, v37  }
0x36d: {  	[tilespmem:s19], [sflag:$0x3] =	stream.indirect_vreg.gather [hbm4b:s15+s16], $0x80, v27, vm0, $0xb8;
	[tilespmem:$0x18C00] =	vst v63  }
0x36e: {  	s20 =	simm.s32 $0x9D80;
	v39 =	vperm.xlane v24, v11;
	v27 =	vadd.s32 v6, v38  }
0x36f: {  	[tilespmem:s20], [sflag:$0x3] =	stream.indirect_vreg.gather [hbm4b:s15+s16], $0x80, v25, vm0, $0xb8;
	[tilespmem:$0x18C00] =	vst v63  }
0x370: {  	s21 =	simm.s32 $0x9E00;
	v40 =	vperm.xlane v24, v2;
	v25 =	vadd.s32 v6, v39  }
0x371: {  	[tilespmem:s21], [sflag:$0x3] =	stream.indirect_vreg.gather [hbm4b:s15+s16], $0x80, v26, vm0, $0xb8;
	[tilespmem:$0x18C00] =	vst v63  }
0x372: {  	s22 =	simm.s32 $0x9E80;
	v41 =	vperm.xlane v24, v12;
	v26 =	vadd.s32 v6, v40  }
0x373: {  	[tilespmem:s22], [sflag:$0x3] =	stream.indirect_vreg.gather [hbm4b:s15+s16], $0x80, v27, vm0, $0xb8;
	[tilespmem:$0x18C00] =	vst v63  }
0x374: {  	s23 =	simm.s32 $0x9F00;
	v42 =	vperm.xlane v24, v13;
	v27 =	vadd.s32 v6, v41  }
0x375: {  	[tilespmem:s23], [sflag:$0x3] =	stream.indirect_vreg.gather [hbm4b:s15+s16], $0x80, v25, vm0, $0xb8;
	[tilespmem:$0x18C00] =	vst v63  }
0x376: {  	s24 =	simm.s32 $0x9F80;
	v43 =	vperm.xlane v24, v14;
	v25 =	vadd.s32 v6, v42  }
0x377: {  	[tilespmem:s24], [sflag:$0x3] =	stream.indirect_vreg.gather [hbm4b:s15+s16], $0x80, v26, vm0, $0xb8;
	[tilespmem:$0x18C00] =	vst v63  }
0x378: {  	s25 =	simm.s32 $0xA000;
	v44 =	vperm.xlane v24, v15;
	v26 =	vadd.s32 v6, v43  }
0x379: {  	[tilespmem:s25], [sflag:$0x3] =	stream.indirect_vreg.gather [hbm4b:s15+s16], $0x80, v27, vm0, $0xb8;
	[tilespmem:$0x18C00] =	vst v63  }
0x37a: {  	s26 =	simm.s32 $0xA080;
	v45 =	vperm.xlane v24, v16;
	v27 =	vadd.s32 v6, v44  }
0x37b: {  	[tilespmem:s26], [sflag:$0x3] =	stream.indirect_vreg.gather [hbm4b:s15+s16], $0x80, v25, vm0, $0xb8;
	[tilespmem:$0x18C00] =	vst v63  }
0x37c: {  	v46 =	vperm.xlane v24, v17;
	s31 =	simm.s32 $0xA100;
	v25 =	vadd.s32 v6, v45  }
0x37d: {  	[tilespmem:s31], [sflag:$0x3] =	stream.indirect_vreg.gather [hbm4b:s15+s16], $0x80, v26, vm0, $0xb8;
	[tilespmem:$0x18C00] =	vst v63  }
0x37e: {  	v47 =	vperm.xlane v24, v18;
	s18 =	simm.s32 $0xA180;
	v26 =	vadd.s32 v6, v46  }
0x37f: {  	[tilespmem:s18], [sflag:$0x3] =	stream.indirect_vreg.gather [hbm4b:s15+s16], $0x80, v27, vm0, $0xb8;
	[tilespmem:$0x18C00] =	vst v63  }
0x380: {  	v24 =	vperm.xlane v24, v19;
	s19 =	simm.s32 $0xA200;
	v27 =	vadd.s32 v6, v47  }
0x381: {  	[tilespmem:s19], [sflag:$0x3] =	stream.indirect_vreg.gather [hbm4b:s15+s16], $0x80, v25, vm0, $0xb8;
	[tilespmem:$0x18C00] =	vst v63  }
0x382: {  	v24 =	vadd.s32 v6, v24;
	s20 =	simm.s32 $0xA280  }
0x383: {  	[tilespmem:s20], [sflag:$0x3] =	stream.indirect_vreg.gather [hbm4b:s15+s16], $0x80, v26, vm0, $0xb8;
	[tilespmem:$0x18C00] =	vst v63  }
0x384: {  	s21 =	simm.s32 $0xA300  }
0x385: {  	[tilespmem:s21], [sflag:$0x3] =	stream.indirect_vreg.gather [hbm4b:s15+s16], $0x80, v27, vm0, $0xb8;
	[tilespmem:$0x18C00] =	vst v63  }
0x386: {  	s22 =	simm.s32 $0xA380  }
0x387: {  	[tilespmem:s22], [sflag:$0x3] =	stream.indirect_vreg.gather [hbm4b:s15+s16], $0x80, v24, vm0, $0xb8;
	[tilespmem:$0x18C00] =	vst v63  }
0x388: {  	v24 =	vld [tilespmem:$0x340];
	_ =	sdelay $0x4  }
0x389: {  	v25 =	vshll.u32 v24, $0x2  }
0x38a: {  	v24 =	vand.u32 $0x7, v24;
	v25 =	vand.u32 $0xFFFFFFE0, v25  }
0x38b: {  	v24 =	vor.u32 v24, v25  }
0x38c: {  	v25 =	vperm.xlane v24, v4;
	_ =	sdelay $0x1  }
0x38d: {  	v26 =	vperm.xlane v24, v7;
	v25 =	vadd.s32 v6, v25;
	_ =	sdelay $0x1  }
0x38e: {  	v27 =	vperm.xlane v24, v3;
	v26 =	vadd.s32 v6, v26;
	_ =	sdelay $0x1  }
0x38f: {  	s23 =	simm.s32 $0xA400;
	v48 =	vperm.xlane v24, v8;
	v27 =	vadd.s32 v6, v27  }
0x390: {  	[tilespmem:s23], [sflag:$0x3] =	stream.indirect_vreg.gather [hbm4b:s15+s16], $0x80, v25, vm0, $0xb8;
	[tilespmem:$0x18C00] =	vst v63  }
0x391: {  	s24 =	simm.s32 $0xA480;
	v49 =	vperm.xlane v24, v9;
	v25 =	vadd.s32 v6, v48  }
0x392: {  	[tilespmem:s24], [sflag:$0x3] =	stream.indirect_vreg.gather [hbm4b:s15+s16], $0x80, v26, vm0, $0xb8;
	[tilespmem:$0x18C00] =	vst v63  }
0x393: {  	s25 =	simm.s32 $0xA500;
	v50 =	vperm.xlane v24, v10;
	v26 =	vadd.s32 v6, v49  }
0x394: {  	[tilespmem:s25], [sflag:$0x3] =	stream.indirect_vreg.gather [hbm4b:s15+s16], $0x80, v27, vm0, $0xb8;
	[tilespmem:$0x18C00] =	vst v63  }
0x395: {  	s26 =	simm.s32 $0xA580;
	v51 =	vperm.xlane v24, v11;
	v27 =	vadd.s32 v6, v50  }
0x396: {  	[tilespmem:s26], [sflag:$0x3] =	stream.indirect_vreg.gather [hbm4b:s15+s16], $0x80, v25, vm0, $0xb8;
	[tilespmem:$0x18C00] =	vst v63  }
0x397: {  	s31 =	simm.s32 $0xA600;
	v52 =	vperm.xlane v24, v2;
	v25 =	vadd.s32 v6, v51  }
0x398: {  	[tilespmem:s31], [sflag:$0x3] =	stream.indirect_vreg.gather [hbm4b:s15+s16], $0x80, v26, vm0, $0xb8;
	[tilespmem:$0x18C00] =	vst v63  }
0x399: {  	s18 =	simm.s32 $0xA680;
	v53 =	vperm.xlane v24, v12;
	v26 =	vadd.s32 v6, v52  }
0x39a: {  	[tilespmem:s18], [sflag:$0x3] =	stream.indirect_vreg.gather [hbm4b:s15+s16], $0x80, v27, vm0, $0xb8;
	[tilespmem:$0x18C00] =	vst v63  }
0x39b: {  	s19 =	simm.s32 $0xA700;
	v54 =	vperm.xlane v24, v13;
	v27 =	vadd.s32 v6, v53  }
0x39c: {  	[tilespmem:s19], [sflag:$0x3] =	stream.indirect_vreg.gather [hbm4b:s15+s16], $0x80, v25, vm0, $0xb8;
	[tilespmem:$0x18C00] =	vst v63  }
0x39d: {  	s20 =	simm.s32 $0xA780;
	v55 =	vperm.xlane v24, v14;
	v25 =	vadd.s32 v6, v54  }
0x39e: {  	[tilespmem:s20], [sflag:$0x3] =	stream.indirect_vreg.gather [hbm4b:s15+s16], $0x80, v26, vm0, $0xb8;
	[tilespmem:$0x18C00] =	vst v63  }
0x39f: {  	s21 =	simm.s32 $0xA800;
	v56 =	vperm.xlane v24, v15;
	v26 =	vadd.s32 v6, v55  }
0x3a0: {  	[tilespmem:s21], [sflag:$0x3] =	stream.indirect_vreg.gather [hbm4b:s15+s16], $0x80, v27, vm0, $0xb8;
	[tilespmem:$0x18C00] =	vst v63  }
0x3a1: {  	s22 =	simm.s32 $0xA880;
	v57 =	vperm.xlane v24, v16;
	v27 =	vadd.s32 v6, v56  }
0x3a2: {  	[tilespmem:s22], [sflag:$0x3] =	stream.indirect_vreg.gather [hbm4b:s15+s16], $0x80, v25, vm0, $0xb8;
	[tilespmem:$0x18C00] =	vst v63  }
0x3a3: {  	v58 =	vperm.xlane v24, v17;
	s23 =	simm.s32 $0xA900;
	v25 =	vadd.s32 v6, v57  }
0x3a4: {  	[tilespmem:s23], [sflag:$0x3] =	stream.indirect_vreg.gather [hbm4b:s15+s16], $0x80, v26, vm0, $0xb8;
	[tilespmem:$0x18C00] =	vst v63  }
0x3a5: {  	v59 =	vperm.xlane v24, v18;
	s24 =	simm.s32 $0xA980;
	v26 =	vadd.s32 v6, v58  }
0x3a6: {  	[tilespmem:s24], [sflag:$0x3] =	stream.indirect_vreg.gather [hbm4b:s15+s16], $0x80, v27, vm0, $0xb8;
	[tilespmem:$0x18C00] =	vst v63  }
0x3a7: {  	v24 =	vperm.xlane v24, v19;
	s25 =	simm.s32 $0xAA00;
	v27 =	vadd.s32 v6, v59  }
0x3a8: {  	[tilespmem:s25], [sflag:$0x3] =	stream.indirect_vreg.gather [hbm4b:s15+s16], $0x80, v25, vm0, $0xb8;
	[tilespmem:$0x18C00] =	vst v63  }
0x3a9: {  	v24 =	vadd.s32 v6, v24;
	s26 =	simm.s32 $0xAA80  }
0x3aa: {  	[tilespmem:s26], [sflag:$0x3] =	stream.indirect_vreg.gather [hbm4b:s15+s16], $0x80, v26, vm0, $0xb8;
	[tilespmem:$0x18C00] =	vst v63  }
0x3ab: {  	s31 =	simm.s32 $0xAB00  }
0x3ac: {  	[tilespmem:s31], [sflag:$0x3] =	stream.indirect_vreg.gather [hbm4b:s15+s16], $0x80, v27, vm0, $0xb8;
	[tilespmem:$0x18C00] =	vst v63  }
0x3ad: {  	s18 =	simm.s32 $0xAB80  }
0x3ae: {  	[tilespmem:s18], [sflag:$0x3] =	stream.indirect_vreg.gather [hbm4b:s15+s16], $0x80, v24, vm0, $0xb8;
	[tilespmem:$0x18C00] =	vst v63  }
0x3af: {  	v24 =	vld [tilespmem:$0x350];
	_ =	sdelay $0x4  }
0x3b0: {  	v25 =	vshll.u32 v24, $0x2  }
0x3b1: {  	v24 =	vand.u32 $0x7, v24;
	v25 =	vand.u32 $0xFFFFFFE0, v25  }
0x3b2: {  	v24 =	vor.u32 v24, v25  }
0x3b3: {  	v25 =	vperm.xlane v24, v4;
	_ =	sdelay $0x1  }
0x3b4: {  	v26 =	vperm.xlane v24, v7;
	v25 =	vadd.s32 v6, v25;
	_ =	sdelay $0x1  }
0x3b5: {  	v27 =	vperm.xlane v24, v3;
	v26 =	vadd.s32 v6, v26;
	_ =	sdelay $0x1  }
0x3b6: {  	s19 =	simm.s32 $0xAC00;
	v60 =	vperm.xlane v24, v8;
	v27 =	vadd.s32 v6, v27  }
0x3b7: {  	[tilespmem:s19], [sflag:$0x3] =	stream.indirect_vreg.gather [hbm4b:s15+s16], $0x80, v25, vm0, $0xb8;
	[tilespmem:$0x18C00] =	vst v63  }
0x3b8: {  	s20 =	simm.s32 $0xAC80;
	v61 =	vperm.xlane v24, v9;
	v25 =	vadd.s32 v6, v60  }
0x3b9: {  	[tilespmem:s20], [sflag:$0x3] =	stream.indirect_vreg.gather [hbm4b:s15+s16], $0x80, v26, vm0, $0xb8;
	[tilespmem:$0x18C00] =	vst v63  }
0x3ba: {  	s21 =	simm.s32 $0xAD00;
	v62 =	vperm.xlane v24, v10;
	v26 =	vadd.s32 v6, v61  }
0x3bb: {  	[tilespmem:s21], [sflag:$0x3] =	stream.indirect_vreg.gather [hbm4b:s15+s16], $0x80, v27, vm0, $0xb8;
	[tilespmem:$0x18C00] =	vst v63  }
0x3bc: {  	s22 =	simm.s32 $0xAD80;
	v63 =	vperm.xlane v24, v11;
	v27 =	vadd.s32 v6, v62  }
0x3bd: {  	[tilespmem:s22], [sflag:$0x3] =	stream.indirect_vreg.gather [hbm4b:s15+s16], $0x80, v25, vm0, $0xb8;
	[tilespmem:$0x18C00] =	vst v63  }
0x3be: {  	s23 =	simm.s32 $0xAE00;
	v32 =	vperm.xlane v24, v2;
	v25 =	vadd.s32 v6, v63  }
0x3bf: {  	[tilespmem:s23], [sflag:$0x3] =	stream.indirect_vreg.gather [hbm4b:s15+s16], $0x80, v26, vm0, $0xb8;
	[tilespmem:$0x18C00] =	vst v63  }
0x3c0: {  	s24 =	simm.s32 $0xAE80;
	v33 =	vperm.xlane v24, v12;
	v26 =	vadd.s32 v6, v32  }
0x3c1: {  	[tilespmem:s24], [sflag:$0x3] =	stream.indirect_vreg.gather [hbm4b:s15+s16], $0x80, v27, vm0, $0xb8;
	[tilespmem:$0x18C00] =	vst v63  }
0x3c2: {  	s25 =	simm.s32 $0xAF00;
	v34 =	vperm.xlane v24, v13;
	v27 =	vadd.s32 v6, v33  }
0x3c3: {  	[tilespmem:s25], [sflag:$0x3] =	stream.indirect_vreg.gather [hbm4b:s15+s16], $0x80, v25, vm0, $0xb8;
	[tilespmem:$0x18C00] =	vst v63  }
0x3c4: {  	s26 =	simm.s32 $0xAF80;
	v35 =	vperm.xlane v24, v14;
	v25 =	vadd.s32 v6, v34  }
0x3c5: {  	[tilespmem:s26], [sflag:$0x3] =	stream.indirect_vreg.gather [hbm4b:s15+s16], $0x80, v26, vm0, $0xb8;
	[tilespmem:$0x18C00] =	vst v63  }
0x3c6: {  	s31 =	simm.s32 $0xB000;
	v36 =	vperm.xlane v24, v15;
	v26 =	vadd.s32 v6, v35  }
0x3c7: {  	[tilespmem:s31], [sflag:$0x3] =	stream.indirect_vreg.gather [hbm4b:s15+s16], $0x80, v27, vm0, $0xb8;
	[tilespmem:$0x18C00] =	vst v63  }
0x3c8: {  	s18 =	simm.s32 $0xB080;
	v37 =	vperm.xlane v24, v16;
	v27 =	vadd.s32 v6, v36  }
0x3c9: {  	[tilespmem:s18], [sflag:$0x3] =	stream.indirect_vreg.gather [hbm4b:s15+s16], $0x80, v25, vm0, $0xb8;
	[tilespmem:$0x18C00] =	vst v63  }
0x3ca: {  	v38 =	vperm.xlane v24, v17;
	s19 =	simm.s32 $0xB100;
	v25 =	vadd.s32 v6, v37  }
0x3cb: {  	[tilespmem:s19], [sflag:$0x3] =	stream.indirect_vreg.gather [hbm4b:s15+s16], $0x80, v26, vm0, $0xb8;
	[tilespmem:$0x18C00] =	vst v63  }
0x3cc: {  	v39 =	vperm.xlane v24, v18;
	s20 =	simm.s32 $0xB180;
	v26 =	vadd.s32 v6, v38  }
0x3cd: {  	[tilespmem:s20], [sflag:$0x3] =	stream.indirect_vreg.gather [hbm4b:s15+s16], $0x80, v27, vm0, $0xb8;
	[tilespmem:$0x18C00] =	vst v63  }
0x3ce: {  	v24 =	vperm.xlane v24, v19;
	s21 =	simm.s32 $0xB200;
	v27 =	vadd.s32 v6, v39  }
0x3cf: {  	[tilespmem:s21], [sflag:$0x3] =	stream.indirect_vreg.gather [hbm4b:s15+s16], $0x80, v25, vm0, $0xb8;
	[tilespmem:$0x18C00] =	vst v63  }
0x3d0: {  	v24 =	vadd.s32 v6, v24;
	s22 =	simm.s32 $0xB280  }
0x3d1: {  	[tilespmem:s22], [sflag:$0x3] =	stream.indirect_vreg.gather [hbm4b:s15+s16], $0x80, v26, vm0, $0xb8;
	[tilespmem:$0x18C00] =	vst v63  }
0x3d2: {  	s23 =	simm.s32 $0xB300  }
0x3d3: {  	[tilespmem:s23], [sflag:$0x3] =	stream.indirect_vreg.gather [hbm4b:s15+s16], $0x80, v27, vm0, $0xb8;
	[tilespmem:$0x18C00] =	vst v63  }
0x3d4: {  	s24 =	simm.s32 $0xB380  }
0x3d5: {  	[tilespmem:s24], [sflag:$0x3] =	stream.indirect_vreg.gather [hbm4b:s15+s16], $0x80, v24, vm0, $0xb8;
	[tilespmem:$0x18C00] =	vst v63  }
0x3d6: {  	v24 =	vld [tilespmem:$0x360];
	_ =	sdelay $0x4  }
0x3d7: {  	v25 =	vshll.u32 v24, $0x2  }
0x3d8: {  	v24 =	vand.u32 $0x7, v24;
	v25 =	vand.u32 $0xFFFFFFE0, v25  }
0x3d9: {  	v24 =	vor.u32 v24, v25  }
0x3da: {  	v25 =	vperm.xlane v24, v4;
	_ =	sdelay $0x1  }
0x3db: {  	v26 =	vperm.xlane v24, v7;
	v25 =	vadd.s32 v6, v25;
	_ =	sdelay $0x1  }
0x3dc: {  	v27 =	vperm.xlane v24, v3;
	v26 =	vadd.s32 v6, v26;
	_ =	sdelay $0x1  }
0x3dd: {  	s25 =	simm.s32 $0xB400;
	v40 =	vperm.xlane v24, v8;
	v27 =	vadd.s32 v6, v27  }
0x3de: {  	[tilespmem:s25], [sflag:$0x3] =	stream.indirect_vreg.gather [hbm4b:s15+s16], $0x80, v25, vm0, $0xb8;
	[tilespmem:$0x18C00] =	vst v63  }
0x3df: {  	s26 =	simm.s32 $0xB480;
	v41 =	vperm.xlane v24, v9;
	v25 =	vadd.s32 v6, v40  }
0x3e0: {  	[tilespmem:s26], [sflag:$0x3] =	stream.indirect_vreg.gather [hbm4b:s15+s16], $0x80, v26, vm0, $0xb8;
	[tilespmem:$0x18C00] =	vst v63  }
0x3e1: {  	s31 =	simm.s32 $0xB500;
	v42 =	vperm.xlane v24, v10;
	v26 =	vadd.s32 v6, v41  }
0x3e2: {  	[tilespmem:s31], [sflag:$0x3] =	stream.indirect_vreg.gather [hbm4b:s15+s16], $0x80, v27, vm0, $0xb8;
	[tilespmem:$0x18C00] =	vst v63  }
0x3e3: {  	s18 =	simm.s32 $0xB580;
	v43 =	vperm.xlane v24, v11;
	v27 =	vadd.s32 v6, v42  }
0x3e4: {  	[tilespmem:s18], [sflag:$0x3] =	stream.indirect_vreg.gather [hbm4b:s15+s16], $0x80, v25, vm0, $0xb8;
	[tilespmem:$0x18C00] =	vst v63  }
0x3e5: {  	s19 =	simm.s32 $0xB600;
	v44 =	vperm.xlane v24, v2;
	v25 =	vadd.s32 v6, v43  }
0x3e6: {  	[tilespmem:s19], [sflag:$0x3] =	stream.indirect_vreg.gather [hbm4b:s15+s16], $0x80, v26, vm0, $0xb8;
	[tilespmem:$0x18C00] =	vst v63  }
0x3e7: {  	s20 =	simm.s32 $0xB680;
	v45 =	vperm.xlane v24, v12;
	v26 =	vadd.s32 v6, v44  }
0x3e8: {  	[tilespmem:s20], [sflag:$0x3] =	stream.indirect_vreg.gather [hbm4b:s15+s16], $0x80, v27, vm0, $0xb8;
	[tilespmem:$0x18C00] =	vst v63  }
0x3e9: {  	s21 =	simm.s32 $0xB700;
	v46 =	vperm.xlane v24, v13;
	v27 =	vadd.s32 v6, v45  }
0x3ea: {  	[tilespmem:s21], [sflag:$0x3] =	stream.indirect_vreg.gather [hbm4b:s15+s16], $0x80, v25, vm0, $0xb8;
	[tilespmem:$0x18C00] =	vst v63  }
0x3eb: {  	s22 =	simm.s32 $0xB780;
	v47 =	vperm.xlane v24, v14;
	v25 =	vadd.s32 v6, v46  }
0x3ec: {  	[tilespmem:s22], [sflag:$0x3] =	stream.indirect_vreg.gather [hbm4b:s15+s16], $0x80, v26, vm0, $0xb8;
	[tilespmem:$0x18C00] =	vst v63  }
0x3ed: {  	s23 =	simm.s32 $0xB800;
	v48 =	vperm.xlane v24, v15;
	v26 =	vadd.s32 v6, v47  }
0x3ee: {  	[tilespmem:s23], [sflag:$0x3] =	stream.indirect_vreg.gather [hbm4b:s15+s16], $0x80, v27, vm0, $0xb8;
	[tilespmem:$0x18C00] =	vst v63  }
0x3ef: {  	s24 =	simm.s32 $0xB880;
	v49 =	vperm.xlane v24, v16;
	v27 =	vadd.s32 v6, v48  }
0x3f0: {  	[tilespmem:s24], [sflag:$0x3] =	stream.indirect_vreg.gather [hbm4b:s15+s16], $0x80, v25, vm0, $0xb8;
	[tilespmem:$0x18C00] =	vst v63  }
0x3f1: {  	v50 =	vperm.xlane v24, v17;
	s25 =	simm.s32 $0xB900;
	v25 =	vadd.s32 v6, v49  }
0x3f2: {  	[tilespmem:s25], [sflag:$0x3] =	stream.indirect_vreg.gather [hbm4b:s15+s16], $0x80, v26, vm0, $0xb8;
	[tilespmem:$0x18C00] =	vst v63  }
0x3f3: {  	v51 =	vperm.xlane v24, v18;
	s26 =	simm.s32 $0xB980;
	v26 =	vadd.s32 v6, v50  }
0x3f4: {  	[tilespmem:s26], [sflag:$0x3] =	stream.indirect_vreg.gather [hbm4b:s15+s16], $0x80, v27, vm0, $0xb8;
	[tilespmem:$0x18C00] =	vst v63  }
0x3f5: {  	v24 =	vperm.xlane v24, v19;
	s31 =	simm.s32 $0xBA00;
	v27 =	vadd.s32 v6, v51  }
0x3f6: {  	[tilespmem:s31], [sflag:$0x3] =	stream.indirect_vreg.gather [hbm4b:s15+s16], $0x80, v25, vm0, $0xb8;
	[tilespmem:$0x18C00] =	vst v63  }
0x3f7: {  	v24 =	vadd.s32 v6, v24;
	s18 =	simm.s32 $0xBA80  }
0x3f8: {  	[tilespmem:s18], [sflag:$0x3] =	stream.indirect_vreg.gather [hbm4b:s15+s16], $0x80, v26, vm0, $0xb8;
	[tilespmem:$0x18C00] =	vst v63  }
0x3f9: {  	s19 =	simm.s32 $0xBB00  }
0x3fa: {  	[tilespmem:s19], [sflag:$0x3] =	stream.indirect_vreg.gather [hbm4b:s15+s16], $0x80, v27, vm0, $0xb8;
	[tilespmem:$0x18C00] =	vst v63  }
0x3fb: {  	s20 =	simm.s32 $0xBB80  }
0x3fc: {  	[tilespmem:s20], [sflag:$0x3] =	stream.indirect_vreg.gather [hbm4b:s15+s16], $0x80, v24, vm0, $0xb8;
	[tilespmem:$0x18C00] =	vst v63  }
0x3fd: {  	v24 =	vld [tilespmem:$0x370];
	_ =	sdelay $0x4  }
0x3fe: {  	v25 =	vshll.u32 v24, $0x2  }
0x3ff: {  	v24 =	vand.u32 $0x7, v24;
	v25 =	vand.u32 $0xFFFFFFE0, v25  }
0x400: {  	v24 =	vor.u32 v24, v25  }
0x401: {  	v25 =	vperm.xlane v24, v4;
	_ =	sdelay $0x1  }
0x402: {  	v26 =	vperm.xlane v24, v7;
	v25 =	vadd.s32 v6, v25;
	_ =	sdelay $0x1  }
0x403: {  	v27 =	vperm.xlane v24, v3;
	v26 =	vadd.s32 v6, v26;
	_ =	sdelay $0x1  }
0x404: {  	s21 =	simm.s32 $0xBC00;
	v52 =	vperm.xlane v24, v8;
	v27 =	vadd.s32 v6, v27  }
0x405: {  	[tilespmem:s21], [sflag:$0x3] =	stream.indirect_vreg.gather [hbm4b:s15+s16], $0x80, v25, vm0, $0xb8;
	[tilespmem:$0x18C00] =	vst v63  }
0x406: {  	s22 =	simm.s32 $0xBC80;
	v53 =	vperm.xlane v24, v9;
	v25 =	vadd.s32 v6, v52  }
0x407: {  	[tilespmem:s22], [sflag:$0x3] =	stream.indirect_vreg.gather [hbm4b:s15+s16], $0x80, v26, vm0, $0xb8;
	[tilespmem:$0x18C00] =	vst v63  }
0x408: {  	s23 =	simm.s32 $0xBD00;
	v54 =	vperm.xlane v24, v10;
	v26 =	vadd.s32 v6, v53  }
0x409: {  	[tilespmem:s23], [sflag:$0x3] =	stream.indirect_vreg.gather [hbm4b:s15+s16], $0x80, v27, vm0, $0xb8;
	[tilespmem:$0x18C00] =	vst v63  }
0x40a: {  	s24 =	simm.s32 $0xBD80;
	v55 =	vperm.xlane v24, v11;
	v27 =	vadd.s32 v6, v54  }
0x40b: {  	[tilespmem:s24], [sflag:$0x3] =	stream.indirect_vreg.gather [hbm4b:s15+s16], $0x80, v25, vm0, $0xb8;
	[tilespmem:$0x18C00] =	vst v63  }
0x40c: {  	s25 =	simm.s32 $0xBE00;
	v56 =	vperm.xlane v24, v2;
	v25 =	vadd.s32 v6, v55  }
0x40d: {  	[tilespmem:s25], [sflag:$0x3] =	stream.indirect_vreg.gather [hbm4b:s15+s16], $0x80, v26, vm0, $0xb8;
	[tilespmem:$0x18C00] =	vst v63  }
0x40e: {  	s26 =	simm.s32 $0xBE80;
	v57 =	vperm.xlane v24, v12;
	v26 =	vadd.s32 v6, v56  }
0x40f: {  	[tilespmem:s26], [sflag:$0x3] =	stream.indirect_vreg.gather [hbm4b:s15+s16], $0x80, v27, vm0, $0xb8;
	[tilespmem:$0x18C00] =	vst v63  }
0x410: {  	s31 =	simm.s32 $0xBF00;
	v58 =	vperm.xlane v24, v13;
	v27 =	vadd.s32 v6, v57  }
0x411: {  	[tilespmem:s31], [sflag:$0x3] =	stream.indirect_vreg.gather [hbm4b:s15+s16], $0x80, v25, vm0, $0xb8;
	[tilespmem:$0x18C00] =	vst v63  }
0x412: {  	s18 =	simm.s32 $0xBF80;
	v59 =	vperm.xlane v24, v14;
	v25 =	vadd.s32 v6, v58  }
0x413: {  	[tilespmem:s18], [sflag:$0x3] =	stream.indirect_vreg.gather [hbm4b:s15+s16], $0x80, v26, vm0, $0xb8;
	[tilespmem:$0x18C00] =	vst v63  }
0x414: {  	s19 =	simm.s32 $0xC000;
	v60 =	vperm.xlane v24, v15;
	v26 =	vadd.s32 v6, v59  }
0x415: {  	[tilespmem:s19], [sflag:$0x3] =	stream.indirect_vreg.gather [hbm4b:s15+s16], $0x80, v27, vm0, $0xb8;
	[tilespmem:$0x18C00] =	vst v63  }
0x416: {  	s20 =	simm.s32 $0xC080;
	v61 =	vperm.xlane v24, v16;
	v27 =	vadd.s32 v6, v60  }
0x417: {  	[tilespmem:s20], [sflag:$0x3] =	stream.indirect_vreg.gather [hbm4b:s15+s16], $0x80, v25, vm0, $0xb8;
	[tilespmem:$0x18C00] =	vst v63  }
0x418: {  	v62 =	vperm.xlane v24, v17;
	s21 =	simm.s32 $0xC100;
	v25 =	vadd.s32 v6, v61  }
0x419: {  	[tilespmem:s21], [sflag:$0x3] =	stream.indirect_vreg.gather [hbm4b:s15+s16], $0x80, v26, vm0, $0xb8;
	[tilespmem:$0x18C00] =	vst v63  }
0x41a: {  	s22 =	simm.s32 $0xC180;
	v26 =	vadd.s32 v6, v62  }
0x41b: {  	v63 =	vperm.xlane v24, v18;
	[tilespmem:s22], [sflag:$0x3] =	stream.indirect_vreg.gather [hbm4b:s15+s16], $0x80, v27, vm0, $0xb8;
	[tilespmem:$0x18C00] =	vst v63  }
0x41c: {  	s23 =	simm.s32 $0xC200  }
0x41d: {  	v24 =	vperm.xlane v24, v19;
	v27 =	vadd.s32 v6, v63;
	[tilespmem:s23], [sflag:$0x3] =	stream.indirect_vreg.gather [hbm4b:s15+s16], $0x80, v25, vm0, $0xb8;
	[tilespmem:$0x18C00] =	vst v63  }
0x41e: {  	s24 =	simm.s32 $0xC280  }
0x41f: {  	v24 =	vadd.s32 v6, v24;
	[tilespmem:s24], [sflag:$0x3] =	stream.indirect_vreg.gather [hbm4b:s15+s16], $0x80, v26, vm0, $0xb8;
	[tilespmem:$0x18C00] =	vst v63  }
.Ltmp3:
0x420: {  	_ = 	snop;
	(pc) =	sbr.rel .LBB2_3-.Ltmp3, $4  }
0x421: {  	s25 =	simm.s32 $0xC300;
	s26 =	sand.u32 $0xFFFFFF80, s17  }
0x422: {  	[tilespmem:s25], [sflag:$0x3] =	stream.indirect_vreg.gather [hbm4b:s15+s16], $0x80, v27, vm0, $0xb8;
	[tilespmem:$0x18C00] =	vst v63  }
0x423: {  	s17 =	sxor.u32 $0x80000000, s26;
	s31 =	simm.s32 $0xC380  }
0x424: {  	[tilespmem:s31], [sflag:$0x3] =	stream.indirect_vreg.gather [hbm4b:s15+s16], $0x80, v24, vm0, $0xb8;
	v24 =	vmov s17;
	[tilespmem:$0x18C00] =	vst v63  }
.LBB2_9:
0x425: {  	_ =	swait.ge [sflag:s30], $0x4000  }
0x426: {  	[sflag:s30] =	ssyncset.done $0x0  }
0x427: {  	[sflag:s30] =	ssyncadd.s32 $0xFFFFC000  }
0x428: {  	v33 =	vld [tilespmem:$0x180];
	_ =	sdelay $0x4  }
0x429: {  	v34 =	vsub.s32 v33, v24  }
0x42a: {  	v33 =	vand.u32 $0x7F, v33;
	v34 =	vand.u32 $0xFFFFFF80, v34  }
0x42b: {  	v33 =	vor.u32 v33, v34  }
0x42c: {  	v25 =	vadd.s32 v25, v33;
	_ =	sdelay $0x4  }
0x42d: {  	v25 =	vld.idx.msk [tilespmem:v25+s8+$0x0], $0xffff;
	_ =	sdelay $0x4  }
0x42e: {  	[tilespmem:s17+$0x18880] =	vst v25  }
0x42f: {  	v25 =	vld [tilespmem:$0x190];
	_ =	sdelay $0x4  }
0x430: {  	v63 =	vsub.s32 v25, v24  }
0x431: {  	v25 =	vand.u32 $0x7F, v25;
	v33 =	vand.u32 $0xFFFFFF80, v63  }
0x432: {  	v25 =	vor.u32 v25, v33  }
0x433: {  	v25 =	vadd.s32 v26, v25;
	_ =	sdelay $0x4  }
0x434: {  	v25 =	vld.idx.msk [tilespmem:v25+s8+$0x0], $0xffff;
	_ =	sdelay $0x4  }
0x435: {  	[tilespmem:s17+$0x18890] =	vst v25  }
0x436: {  	v25 =	vld [tilespmem:$0x1A0];
	_ =	sdelay $0x4  }
0x437: {  	v26 =	vsub.s32 v25, v24  }
0x438: {  	v25 =	vand.u32 $0x7F, v25;
	v26 =	vand.u32 $0xFFFFFF80, v26  }
0x439: {  	v25 =	vor.u32 v25, v26  }
0x43a: {  	v25 =	vadd.s32 v27, v25;
	_ =	sdelay $0x4  }
0x43b: {  	v25 =	vld.idx.msk [tilespmem:v25+s8+$0x0], $0xffff;
	_ =	sdelay $0x4  }
0x43c: {  	[tilespmem:s17+$0x188A0] =	vst v25  }
0x43d: {  	v25 =	vld [tilespmem:$0x1B0];
	_ =	sdelay $0x4  }
0x43e: {  	v26 =	vsub.s32 v25, v24  }
0x43f: {  	v25 =	vand.u32 $0x7F, v25;
	v26 =	vand.u32 $0xFFFFFF80, v26  }
0x440: {  	v25 =	vor.u32 v25, v26  }
0x441: {  	v25 =	vadd.s32 v28, v25;
	_ =	sdelay $0x4  }
0x442: {  	v25 =	vld.idx.msk [tilespmem:v25+s8+$0x0], $0xffff;
	_ =	sdelay $0x4  }
0x443: {  	[tilespmem:s17+$0x188B0] =	vst v25  }
0x444: {  	v25 =	vld [tilespmem:$0x1C0];
	_ =	sdelay $0x4  }
0x445: {  	v26 =	vsub.s32 v25, v24  }
0x446: {  	v25 =	vand.u32 $0x7F, v25;
	v26 =	vand.u32 $0xFFFFFF80, v26  }
0x447: {  	v25 =	vor.u32 v25, v26  }
0x448: {  	v25 =	vadd.s32 v29, v25;
	_ =	sdelay $0x4  }
0x449: {  	v25 =	vld.idx.msk [tilespmem:v25+s8+$0x0], $0xffff;
	_ =	sdelay $0x4  }
0x44a: {  	[tilespmem:s17+$0x188C0] =	vst v25  }
0x44b: {  	v25 =	vld [tilespmem:$0x1D0];
	_ =	sdelay $0x4  }
0x44c: {  	v26 =	vsub.s32 v25, v24  }
0x44d: {  	v25 =	vand.u32 $0x7F, v25;
	v26 =	vand.u32 $0xFFFFFF80, v26  }
0x44e: {  	v25 =	vor.u32 v25, v26  }
0x44f: {  	v25 =	vadd.s32 v30, v25;
	_ =	sdelay $0x4  }
0x450: {  	v25 =	vld.idx.msk [tilespmem:v25+s8+$0x0], $0xffff;
	_ =	sdelay $0x4  }
0x451: {  	[tilespmem:s17+$0x188D0] =	vst v25  }
0x452: {  	v25 =	vld [tilespmem:$0x1E0];
	_ =	sdelay $0x4  }
0x453: {  	v26 =	vsub.s32 v25, v24  }
0x454: {  	v25 =	vand.u32 $0x7F, v25;
	v26 =	vand.u32 $0xFFFFFF80, v26  }
0x455: {  	v25 =	vor.u32 v25, v26  }
0x456: {  	v25 =	vadd.s32 v31, v25;
	_ =	sdelay $0x4  }
0x457: {  	v25 =	vld.idx.msk [tilespmem:v25+s8+$0x0], $0xffff;
	_ =	sdelay $0x4  }
0x458: {  	[tilespmem:s17+$0x188E0] =	vst v25  }
0x459: {  	v25 =	vld [tilespmem:$0x1F0];
	_ =	sdelay $0x4  }
0x45a: {  	v26 =	vsub.s32 v25, v24  }
0x45b: {  	v25 =	vand.u32 $0x7F, v25;
	v26 =	vand.u32 $0xFFFFFF80, v26  }
0x45c: {  	v25 =	vor.u32 v25, v26  }
0x45d: {  	v25 =	vadd.s32 v32, v25;
	_ =	sdelay $0x3  }
0x45e: {  	s16 =	sadd.s32 $0x400, s16  }
0x45f: {  	p0 =	seq.s32 s16, $0x1000;
	v25 =	vld.idx.msk [tilespmem:v25+s8+$0x0], $0xffff  }
.Ltmp4:
0x460: {  	_ = 	snop;
	(pc) =	sbr.rel @p0 .LBB2_11-.Ltmp4, $2  }
0x461: {  	_ =	sdelay $0x2  }
0x462: {  	[tilespmem:s17+$0x188F0] =	vst v25  }
.LBB2_3:
0x463: {  	v25 =	vld [tilespmem:$0x80];
	_ =	sdelay $0x2  }
0x464: {  	s18 =	sadd.s32 s16, s9;
	v26 =	vld [tilespmem:$0x90]  }
0x465: {  	v27 =	vld [tilespmem:$0xA0];
	s17 =	sadd.s32 $0x200, s18  }
0x466: {  	v29 =	vld [tilespmem:$0xB0];
	v28 =	vadd.s32 s17, v25  }
0x467: {  	v30 =	vld [tilespmem:$0xC0];
	v31 =	vshll.u32 v28, $0x2  }
0x468: {  	v32 =	vld [tilespmem:$0xD0];
	v25 =	vand.u32 $0x7, v25;
	v31 =	vand.u32 $0xFFFFFFE0, v31  }
0x469: {  	v26 =	vadd.s32 s17, v26;
	[tilespmem:$0x380] =	vst v28;
	v28 =	vld [tilespmem:$0xE0];
	v25 =	vor.u32 v25, v31  }
0x46a: {  	[tilespmem:$0x390] =	vst v26;
	v26 =	vadd.s32 s17, v27;
	v27 =	vld [tilespmem:$0xF0];
	v31 =	vperm.xlane v25, v4  }
0x46b: {  	[tilespmem:$0x3A0] =	vst v26;
	v26 =	vadd.s32 s17, v29  }
0x46c: {  	[tilespmem:$0x3B0] =	vst v26;
	v26 =	vadd.s32 s17, v30;
	v30 =	vperm.xlane v25, v7;
	v29 =	vadd.s32 v6, v31  }
0x46d: {  	[tilespmem:$0x3C0] =	vst v26;
	v26 =	vadd.s32 s17, v32  }
0x46e: {  	[tilespmem:$0x3D0] =	vst v26;
	v26 =	vadd.s32 s17, v28;
	v28 =	vadd.s32 v6, v30;
	v30 =	vperm.xlane v25, v3  }
0x46f: {  	[tilespmem:$0x3E0] =	vst v26;
	v26 =	vadd.s32 s17, v27  }
0x470: {  	v27 =	vperm.xlane v25, v8;
	[tilespmem:$0x3F0] =	vst v26;
	v26 =	vadd.s32 v6, v30  }
0x471: {  	[tilespmem:s8], [sflag:$0x4] =	stream.indirect_vreg.gather [hbm4b:s15+s4], $0x80, v29, vm0, $0xb8;
	[tilespmem:$0x18C00] =	vst v63  }
0x472: {  	s0 =	simm.s32 $0xC480;
	v27 =	vadd.s32 v6, v27;
	v29 =	vperm.xlane v25, v9  }
0x473: {  	[tilespmem:s0], [sflag:$0x4] =	stream.indirect_vreg.gather [hbm4b:s15+s4], $0x80, v28, vm0, $0xb8;
	[tilespmem:$0x18C00] =	vst v63  }
0x474: {  	s23 =	simm.s32 $0xC500;
	v28 =	vadd.s32 v6, v29;
	v29 =	vperm.xlane v25, v10  }
0x475: {  	[tilespmem:s23], [sflag:$0x4] =	stream.indirect_vreg.gather [hbm4b:s15+s4], $0x80, v26, vm0, $0xb8;
	[tilespmem:$0x18C00] =	vst v63  }
0x476: {  	s24 =	simm.s32 $0xC580;
	v26 =	vadd.s32 v6, v29;
	v29 =	vperm.xlane v25, v11  }
0x477: {  	[tilespmem:s24], [sflag:$0x4] =	stream.indirect_vreg.gather [hbm4b:s15+s4], $0x80, v27, vm0, $0xb8;
	[tilespmem:$0x18C00] =	vst v63  }
0x478: {  	s25 =	simm.s32 $0xC600;
	v27 =	vadd.s32 v6, v29;
	v29 =	vperm.xlane v25, v2  }
0x479: {  	[tilespmem:s25], [sflag:$0x4] =	stream.indirect_vreg.gather [hbm4b:s15+s4], $0x80, v28, vm0, $0xb8;
	[tilespmem:$0x18C00] =	vst v63  }
0x47a: {  	s26 =	simm.s32 $0xC680;
	v28 =	vadd.s32 v6, v29;
	v29 =	vperm.xlane v25, v12  }
0x47b: {  	[tilespmem:s26], [sflag:$0x4] =	stream.indirect_vreg.gather [hbm4b:s15+s4], $0x80, v26, vm0, $0xb8;
	[tilespmem:$0x18C00] =	vst v63  }
0x47c: {  	s31 =	simm.s32 $0xC700;
	v26 =	vadd.s32 v6, v29;
	v29 =	vperm.xlane v25, v13  }
0x47d: {  	[tilespmem:s31], [sflag:$0x4] =	stream.indirect_vreg.gather [hbm4b:s15+s4], $0x80, v27, vm0, $0xb8;
	[tilespmem:$0x18C00] =	vst v63  }
0x47e: {  	s17 =	simm.s32 $0xC780;
	v27 =	vadd.s32 v6, v29;
	v29 =	vperm.xlane v25, v14  }
0x47f: {  	[tilespmem:s17], [sflag:$0x4] =	stream.indirect_vreg.gather [hbm4b:s15+s4], $0x80, v28, vm0, $0xb8;
	[tilespmem:$0x18C00] =	vst v63  }
0x480: {  	s19 =	simm.s32 $0xC800;
	v28 =	vadd.s32 v6, v29;
	v29 =	vperm.xlane v25, v15  }
0x481: {  	[tilespmem:s19], [sflag:$0x4] =	stream.indirect_vreg.gather [hbm4b:s15+s4], $0x80, v26, vm0, $0xb8;
	[tilespmem:$0x18C00] =	vst v63  }
0x482: {  	s20 =	simm.s32 $0xC880;
	v26 =	vadd.s32 v6, v29;
	v29 =	vperm.xlane v25, v16  }
0x483: {  	[tilespmem:s20], [sflag:$0x4] =	stream.indirect_vreg.gather [hbm4b:s15+s4], $0x80, v27, vm0, $0xb8;
	[tilespmem:$0x18C00] =	vst v63  }
0x484: {  	s21 =	simm.s32 $0xC900;
	v27 =	vadd.s32 v6, v29;
	v29 =	vperm.xlane v25, v17  }
0x485: {  	[tilespmem:s21], [sflag:$0x4] =	stream.indirect_vreg.gather [hbm4b:s15+s4], $0x80, v28, vm0, $0xb8;
	[tilespmem:$0x18C00] =	vst v63  }
0x486: {  	s22 =	simm.s32 $0xC980;
	v28 =	vadd.s32 v6, v29;
	v29 =	vperm.xlane v25, v18  }
0x487: {  	[tilespmem:s22], [sflag:$0x4] =	stream.indirect_vreg.gather [hbm4b:s15+s4], $0x80, v26, vm0, $0xb8;
	[tilespmem:$0x18C00] =	vst v63  }
0x488: {  	s23 =	simm.s32 $0xCA00;
	v25 =	vperm.xlane v25, v19;
	v26 =	vadd.s32 v6, v29  }
0x489: {  	[tilespmem:s23], [sflag:$0x4] =	stream.indirect_vreg.gather [hbm4b:s15+s4], $0x80, v27, vm0, $0xb8;
	[tilespmem:$0x18C00] =	vst v63  }
0x48a: {  	s24 =	simm.s32 $0xCA80;
	v25 =	vadd.s32 v6, v25  }
0x48b: {  	[tilespmem:s24], [sflag:$0x4] =	stream.indirect_vreg.gather [hbm4b:s15+s4], $0x80, v28, vm0, $0xb8;
	[tilespmem:$0x18C00] =	vst v63  }
0x48c: {  	s25 =	simm.s32 $0xCB00  }
0x48d: {  	[tilespmem:s25], [sflag:$0x4] =	stream.indirect_vreg.gather [hbm4b:s15+s4], $0x80, v26, vm0, $0xb8;
	[tilespmem:$0x18C00] =	vst v63  }
0x48e: {  	s26 =	simm.s32 $0xCB80  }
0x48f: {  	[tilespmem:s26], [sflag:$0x4] =	stream.indirect_vreg.gather [hbm4b:s15+s4], $0x80, v25, vm0, $0xb8;
	[tilespmem:$0x18C00] =	vst v63  }
0x490: {  	v25 =	vld [tilespmem:$0x390];
	_ =	sdelay $0x4  }
0x491: {  	v26 =	vshll.u32 v25, $0x2  }
0x492: {  	v25 =	vand.u32 $0x7, v25;
	v26 =	vand.u32 $0xFFFFFFE0, v26  }
0x493: {  	v25 =	vor.u32 v25, v26  }
0x494: {  	v26 =	vperm.xlane v25, v4;
	_ =	sdelay $0x1  }
0x495: {  	v27 =	vperm.xlane v25, v7;
	v26 =	vadd.s32 v6, v26;
	_ =	sdelay $0x1  }
0x496: {  	v28 =	vperm.xlane v25, v3;
	v27 =	vadd.s32 v6, v27;
	_ =	sdelay $0x1  }
0x497: {  	s31 =	simm.s32 $0xCC00;
	v29 =	vperm.xlane v25, v8;
	v28 =	vadd.s32 v6, v28  }
0x498: {  	[tilespmem:s31], [sflag:$0x4] =	stream.indirect_vreg.gather [hbm4b:s15+s4], $0x80, v26, vm0, $0xb8;
	[tilespmem:$0x18C00] =	vst v63  }
0x499: {  	s17 =	simm.s32 $0xCC80;
	v26 =	vadd.s32 v6, v29;
	v29 =	vperm.xlane v25, v9  }
0x49a: {  	[tilespmem:s17], [sflag:$0x4] =	stream.indirect_vreg.gather [hbm4b:s15+s4], $0x80, v27, vm0, $0xb8;
	[tilespmem:$0x18C00] =	vst v63  }
0x49b: {  	s19 =	simm.s32 $0xCD00;
	v27 =	vadd.s32 v6, v29;
	v29 =	vperm.xlane v25, v10  }
0x49c: {  	[tilespmem:s19], [sflag:$0x4] =	stream.indirect_vreg.gather [hbm4b:s15+s4], $0x80, v28, vm0, $0xb8;
	[tilespmem:$0x18C00] =	vst v63  }
0x49d: {  	s20 =	simm.s32 $0xCD80;
	v28 =	vadd.s32 v6, v29;
	v29 =	vperm.xlane v25, v11  }
0x49e: {  	[tilespmem:s20], [sflag:$0x4] =	stream.indirect_vreg.gather [hbm4b:s15+s4], $0x80, v26, vm0, $0xb8;
	[tilespmem:$0x18C00] =	vst v63  }
0x49f: {  	s21 =	simm.s32 $0xCE00;
	v26 =	vadd.s32 v6, v29;
	v29 =	vperm.xlane v25, v2  }
0x4a0: {  	[tilespmem:s21], [sflag:$0x4] =	stream.indirect_vreg.gather [hbm4b:s15+s4], $0x80, v27, vm0, $0xb8;
	[tilespmem:$0x18C00] =	vst v63  }
0x4a1: {  	s22 =	simm.s32 $0xCE80;
	v27 =	vadd.s32 v6, v29;
	v29 =	vperm.xlane v25, v12  }
0x4a2: {  	[tilespmem:s22], [sflag:$0x4] =	stream.indirect_vreg.gather [hbm4b:s15+s4], $0x80, v28, vm0, $0xb8;
	[tilespmem:$0x18C00] =	vst v63  }
0x4a3: {  	s23 =	simm.s32 $0xCF00;
	v28 =	vadd.s32 v6, v29;
	v29 =	vperm.xlane v25, v13  }
0x4a4: {  	[tilespmem:s23], [sflag:$0x4] =	stream.indirect_vreg.gather [hbm4b:s15+s4], $0x80, v26, vm0, $0xb8;
	[tilespmem:$0x18C00] =	vst v63  }
0x4a5: {  	s24 =	simm.s32 $0xCF80;
	v26 =	vadd.s32 v6, v29;
	v29 =	vperm.xlane v25, v14  }
0x4a6: {  	[tilespmem:s24], [sflag:$0x4] =	stream.indirect_vreg.gather [hbm4b:s15+s4], $0x80, v27, vm0, $0xb8;
	[tilespmem:$0x18C00] =	vst v63  }
0x4a7: {  	s25 =	simm.s32 $0xD000;
	v27 =	vadd.s32 v6, v29;
	v29 =	vperm.xlane v25, v15  }
0x4a8: {  	[tilespmem:s25], [sflag:$0x4] =	stream.indirect_vreg.gather [hbm4b:s15+s4], $0x80, v28, vm0, $0xb8;
	[tilespmem:$0x18C00] =	vst v63  }
0x4a9: {  	s26 =	simm.s32 $0xD080;
	v28 =	vadd.s32 v6, v29;
	v29 =	vperm.xlane v25, v16  }
0x4aa: {  	[tilespmem:s26], [sflag:$0x4] =	stream.indirect_vreg.gather [hbm4b:s15+s4], $0x80, v26, vm0, $0xb8;
	[tilespmem:$0x18C00] =	vst v63  }
0x4ab: {  	s31 =	simm.s32 $0xD100;
	v26 =	vadd.s32 v6, v29;
	v29 =	vperm.xlane v25, v17  }
0x4ac: {  	[tilespmem:s31], [sflag:$0x4] =	stream.indirect_vreg.gather [hbm4b:s15+s4], $0x80, v27, vm0, $0xb8;
	[tilespmem:$0x18C00] =	vst v63  }
0x4ad: {  	s17 =	simm.s32 $0xD180;
	v27 =	vadd.s32 v6, v29;
	v29 =	vperm.xlane v25, v18  }
0x4ae: {  	[tilespmem:s17], [sflag:$0x4] =	stream.indirect_vreg.gather [hbm4b:s15+s4], $0x80, v28, vm0, $0xb8;
	[tilespmem:$0x18C00] =	vst v63  }
0x4af: {  	s19 =	simm.s32 $0xD200;
	v25 =	vperm.xlane v25, v19;
	v28 =	vadd.s32 v6, v29  }
0x4b0: {  	[tilespmem:s19], [sflag:$0x4] =	stream.indirect_vreg.gather [hbm4b:s15+s4], $0x80, v26, vm0, $0xb8;
	[tilespmem:$0x18C00] =	vst v63  }
0x4b1: {  	s20 =	simm.s32 $0xD280;
	v25 =	vadd.s32 v6, v25  }
0x4b2: {  	[tilespmem:s20], [sflag:$0x4] =	stream.indirect_vreg.gather [hbm4b:s15+s4], $0x80, v27, vm0, $0xb8;
	[tilespmem:$0x18C00] =	vst v63  }
0x4b3: {  	s21 =	simm.s32 $0xD300  }
0x4b4: {  	[tilespmem:s21], [sflag:$0x4] =	stream.indirect_vreg.gather [hbm4b:s15+s4], $0x80, v28, vm0, $0xb8;
	[tilespmem:$0x18C00] =	vst v63  }
0x4b5: {  	s22 =	simm.s32 $0xD380  }
0x4b6: {  	[tilespmem:s22], [sflag:$0x4] =	stream.indirect_vreg.gather [hbm4b:s15+s4], $0x80, v25, vm0, $0xb8;
	[tilespmem:$0x18C00] =	vst v63  }
0x4b7: {  	v25 =	vld [tilespmem:$0x3A0];
	_ =	sdelay $0x4  }
0x4b8: {  	v26 =	vshll.u32 v25, $0x2  }
0x4b9: {  	v25 =	vand.u32 $0x7, v25;
	v26 =	vand.u32 $0xFFFFFFE0, v26  }
0x4ba: {  	v25 =	vor.u32 v25, v26  }
0x4bb: {  	v26 =	vperm.xlane v25, v4;
	_ =	sdelay $0x1  }
0x4bc: {  	v27 =	vperm.xlane v25, v7;
	v26 =	vadd.s32 v6, v26;
	_ =	sdelay $0x1  }
0x4bd: {  	v28 =	vperm.xlane v25, v3;
	v27 =	vadd.s32 v6, v27;
	_ =	sdelay $0x1  }
0x4be: {  	s23 =	simm.s32 $0xD400;
	v29 =	vperm.xlane v25, v8;
	v28 =	vadd.s32 v6, v28  }
0x4bf: {  	[tilespmem:s23], [sflag:$0x4] =	stream.indirect_vreg.gather [hbm4b:s15+s4], $0x80, v26, vm0, $0xb8;
	[tilespmem:$0x18C00] =	vst v63  }
0x4c0: {  	s24 =	simm.s32 $0xD480;
	v26 =	vadd.s32 v6, v29;
	v29 =	vperm.xlane v25, v9  }
0x4c1: {  	[tilespmem:s24], [sflag:$0x4] =	stream.indirect_vreg.gather [hbm4b:s15+s4], $0x80, v27, vm0, $0xb8;
	[tilespmem:$0x18C00] =	vst v63  }
0x4c2: {  	s25 =	simm.s32 $0xD500;
	v27 =	vadd.s32 v6, v29;
	v29 =	vperm.xlane v25, v10  }
0x4c3: {  	[tilespmem:s25], [sflag:$0x4] =	stream.indirect_vreg.gather [hbm4b:s15+s4], $0x80, v28, vm0, $0xb8;
	[tilespmem:$0x18C00] =	vst v63  }
0x4c4: {  	s26 =	simm.s32 $0xD580;
	v28 =	vadd.s32 v6, v29;
	v29 =	vperm.xlane v25, v11  }
0x4c5: {  	[tilespmem:s26], [sflag:$0x4] =	stream.indirect_vreg.gather [hbm4b:s15+s4], $0x80, v26, vm0, $0xb8;
	[tilespmem:$0x18C00] =	vst v63  }
0x4c6: {  	s31 =	simm.s32 $0xD600;
	v26 =	vadd.s32 v6, v29;
	v29 =	vperm.xlane v25, v2  }
0x4c7: {  	[tilespmem:s31], [sflag:$0x4] =	stream.indirect_vreg.gather [hbm4b:s15+s4], $0x80, v27, vm0, $0xb8;
	[tilespmem:$0x18C00] =	vst v63  }
0x4c8: {  	s17 =	simm.s32 $0xD680;
	v27 =	vadd.s32 v6, v29;
	v29 =	vperm.xlane v25, v12  }
0x4c9: {  	[tilespmem:s17], [sflag:$0x4] =	stream.indirect_vreg.gather [hbm4b:s15+s4], $0x80, v28, vm0, $0xb8;
	[tilespmem:$0x18C00] =	vst v63  }
0x4ca: {  	s19 =	simm.s32 $0xD700;
	v28 =	vadd.s32 v6, v29;
	v29 =	vperm.xlane v25, v13  }
0x4cb: {  	[tilespmem:s19], [sflag:$0x4] =	stream.indirect_vreg.gather [hbm4b:s15+s4], $0x80, v26, vm0, $0xb8;
	[tilespmem:$0x18C00] =	vst v63  }
0x4cc: {  	s20 =	simm.s32 $0xD780;
	v26 =	vadd.s32 v6, v29;
	v29 =	vperm.xlane v25, v14  }
0x4cd: {  	[tilespmem:s20], [sflag:$0x4] =	stream.indirect_vreg.gather [hbm4b:s15+s4], $0x80, v27, vm0, $0xb8;
	[tilespmem:$0x18C00] =	vst v63  }
0x4ce: {  	s21 =	simm.s32 $0xD800;
	v27 =	vadd.s32 v6, v29;
	v29 =	vperm.xlane v25, v15  }
0x4cf: {  	[tilespmem:s21], [sflag:$0x4] =	stream.indirect_vreg.gather [hbm4b:s15+s4], $0x80, v28, vm0, $0xb8;
	[tilespmem:$0x18C00] =	vst v63  }
0x4d0: {  	s22 =	simm.s32 $0xD880;
	v28 =	vadd.s32 v6, v29;
	v29 =	vperm.xlane v25, v16  }
0x4d1: {  	[tilespmem:s22], [sflag:$0x4] =	stream.indirect_vreg.gather [hbm4b:s15+s4], $0x80, v26, vm0, $0xb8;
	[tilespmem:$0x18C00] =	vst v63  }
0x4d2: {  	s23 =	simm.s32 $0xD900;
	v26 =	vadd.s32 v6, v29;
	v29 =	vperm.xlane v25, v17  }
0x4d3: {  	[tilespmem:s23], [sflag:$0x4] =	stream.indirect_vreg.gather [hbm4b:s15+s4], $0x80, v27, vm0, $0xb8;
	[tilespmem:$0x18C00] =	vst v63  }
0x4d4: {  	s24 =	simm.s32 $0xD980;
	v27 =	vadd.s32 v6, v29;
	v29 =	vperm.xlane v25, v18  }
0x4d5: {  	[tilespmem:s24], [sflag:$0x4] =	stream.indirect_vreg.gather [hbm4b:s15+s4], $0x80, v28, vm0, $0xb8;
	[tilespmem:$0x18C00] =	vst v63  }
0x4d6: {  	s25 =	simm.s32 $0xDA00;
	v25 =	vperm.xlane v25, v19;
	v28 =	vadd.s32 v6, v29  }
0x4d7: {  	[tilespmem:s25], [sflag:$0x4] =	stream.indirect_vreg.gather [hbm4b:s15+s4], $0x80, v26, vm0, $0xb8;
	[tilespmem:$0x18C00] =	vst v63  }
0x4d8: {  	s26 =	simm.s32 $0xDA80;
	v25 =	vadd.s32 v6, v25  }
0x4d9: {  	[tilespmem:s26], [sflag:$0x4] =	stream.indirect_vreg.gather [hbm4b:s15+s4], $0x80, v27, vm0, $0xb8;
	[tilespmem:$0x18C00] =	vst v63  }
0x4da: {  	s31 =	simm.s32 $0xDB00  }
0x4db: {  	[tilespmem:s31], [sflag:$0x4] =	stream.indirect_vreg.gather [hbm4b:s15+s4], $0x80, v28, vm0, $0xb8;
	[tilespmem:$0x18C00] =	vst v63  }
0x4dc: {  	s17 =	simm.s32 $0xDB80  }
0x4dd: {  	[tilespmem:s17], [sflag:$0x4] =	stream.indirect_vreg.gather [hbm4b:s15+s4], $0x80, v25, vm0, $0xb8;
	[tilespmem:$0x18C00] =	vst v63  }
0x4de: {  	v25 =	vld [tilespmem:$0x3B0];
	_ =	sdelay $0x4  }
0x4df: {  	v26 =	vshll.u32 v25, $0x2  }
0x4e0: {  	v25 =	vand.u32 $0x7, v25;
	v26 =	vand.u32 $0xFFFFFFE0, v26  }
0x4e1: {  	v25 =	vor.u32 v25, v26  }
0x4e2: {  	v26 =	vperm.xlane v25, v4;
	_ =	sdelay $0x1  }
0x4e3: {  	v27 =	vperm.xlane v25, v7;
	v26 =	vadd.s32 v6, v26;
	_ =	sdelay $0x1  }
0x4e4: {  	v28 =	vperm.xlane v25, v3;
	v27 =	vadd.s32 v6, v27;
	_ =	sdelay $0x1  }
0x4e5: {  	s19 =	simm.s32 $0xDC00;
	v29 =	vperm.xlane v25, v8;
	v28 =	vadd.s32 v6, v28  }
0x4e6: {  	[tilespmem:s19], [sflag:$0x4] =	stream.indirect_vreg.gather [hbm4b:s15+s4], $0x80, v26, vm0, $0xb8;
	[tilespmem:$0x18C00] =	vst v63  }
0x4e7: {  	s20 =	simm.s32 $0xDC80;
	v26 =	vadd.s32 v6, v29;
	v29 =	vperm.xlane v25, v9  }
0x4e8: {  	[tilespmem:s20], [sflag:$0x4] =	stream.indirect_vreg.gather [hbm4b:s15+s4], $0x80, v27, vm0, $0xb8;
	[tilespmem:$0x18C00] =	vst v63  }
0x4e9: {  	s21 =	simm.s32 $0xDD00;
	v27 =	vadd.s32 v6, v29;
	v29 =	vperm.xlane v25, v10  }
0x4ea: {  	[tilespmem:s21], [sflag:$0x4] =	stream.indirect_vreg.gather [hbm4b:s15+s4], $0x80, v28, vm0, $0xb8;
	[tilespmem:$0x18C00] =	vst v63  }
0x4eb: {  	s22 =	simm.s32 $0xDD80;
	v28 =	vadd.s32 v6, v29;
	v29 =	vperm.xlane v25, v11  }
0x4ec: {  	[tilespmem:s22], [sflag:$0x4] =	stream.indirect_vreg.gather [hbm4b:s15+s4], $0x80, v26, vm0, $0xb8;
	[tilespmem:$0x18C00] =	vst v63  }
0x4ed: {  	s23 =	simm.s32 $0xDE00;
	v26 =	vadd.s32 v6, v29;
	v29 =	vperm.xlane v25, v2  }
0x4ee: {  	[tilespmem:s23], [sflag:$0x4] =	stream.indirect_vreg.gather [hbm4b:s15+s4], $0x80, v27, vm0, $0xb8;
	[tilespmem:$0x18C00] =	vst v63  }
0x4ef: {  	s24 =	simm.s32 $0xDE80;
	v27 =	vadd.s32 v6, v29;
	v29 =	vperm.xlane v25, v12  }
0x4f0: {  	[tilespmem:s24], [sflag:$0x4] =	stream.indirect_vreg.gather [hbm4b:s15+s4], $0x80, v28, vm0, $0xb8;
	[tilespmem:$0x18C00] =	vst v63  }
0x4f1: {  	s25 =	simm.s32 $0xDF00;
	v28 =	vadd.s32 v6, v29;
	v29 =	vperm.xlane v25, v13  }
0x4f2: {  	[tilespmem:s25], [sflag:$0x4] =	stream.indirect_vreg.gather [hbm4b:s15+s4], $0x80, v26, vm0, $0xb8;
	[tilespmem:$0x18C00] =	vst v63  }
0x4f3: {  	s26 =	simm.s32 $0xDF80;
	v26 =	vadd.s32 v6, v29;
	v29 =	vperm.xlane v25, v14  }
0x4f4: {  	[tilespmem:s26], [sflag:$0x4] =	stream.indirect_vreg.gather [hbm4b:s15+s4], $0x80, v27, vm0, $0xb8;
	[tilespmem:$0x18C00] =	vst v63  }
0x4f5: {  	s31 =	simm.s32 $0xE000;
	v27 =	vadd.s32 v6, v29;
	v29 =	vperm.xlane v25, v15  }
0x4f6: {  	[tilespmem:s31], [sflag:$0x4] =	stream.indirect_vreg.gather [hbm4b:s15+s4], $0x80, v28, vm0, $0xb8;
	[tilespmem:$0x18C00] =	vst v63  }
0x4f7: {  	s17 =	simm.s32 $0xE080;
	v28 =	vadd.s32 v6, v29;
	v29 =	vperm.xlane v25, v16  }
0x4f8: {  	[tilespmem:s17], [sflag:$0x4] =	stream.indirect_vreg.gather [hbm4b:s15+s4], $0x80, v26, vm0, $0xb8;
	[tilespmem:$0x18C00] =	vst v63  }
0x4f9: {  	s19 =	simm.s32 $0xE100;
	v26 =	vadd.s32 v6, v29;
	v29 =	vperm.xlane v25, v17  }
0x4fa: {  	[tilespmem:s19], [sflag:$0x4] =	stream.indirect_vreg.gather [hbm4b:s15+s4], $0x80, v27, vm0, $0xb8;
	[tilespmem:$0x18C00] =	vst v63  }
0x4fb: {  	s20 =	simm.s32 $0xE180;
	v27 =	vadd.s32 v6, v29;
	v29 =	vperm.xlane v25, v18  }
0x4fc: {  	[tilespmem:s20], [sflag:$0x4] =	stream.indirect_vreg.gather [hbm4b:s15+s4], $0x80, v28, vm0, $0xb8;
	[tilespmem:$0x18C00] =	vst v63  }
0x4fd: {  	s21 =	simm.s32 $0xE200;
	v25 =	vperm.xlane v25, v19;
	v28 =	vadd.s32 v6, v29  }
0x4fe: {  	[tilespmem:s21], [sflag:$0x4] =	stream.indirect_vreg.gather [hbm4b:s15+s4], $0x80, v26, vm0, $0xb8;
	[tilespmem:$0x18C00] =	vst v63  }
0x4ff: {  	s22 =	simm.s32 $0xE280;
	v25 =	vadd.s32 v6, v25  }
0x500: {  	[tilespmem:s22], [sflag:$0x4] =	stream.indirect_vreg.gather [hbm4b:s15+s4], $0x80, v27, vm0, $0xb8;
	[tilespmem:$0x18C00] =	vst v63  }
0x501: {  	s23 =	simm.s32 $0xE300  }
0x502: {  	[tilespmem:s23], [sflag:$0x4] =	stream.indirect_vreg.gather [hbm4b:s15+s4], $0x80, v28, vm0, $0xb8;
	[tilespmem:$0x18C00] =	vst v63  }
0x503: {  	s24 =	simm.s32 $0xE380  }
0x504: {  	[tilespmem:s24], [sflag:$0x4] =	stream.indirect_vreg.gather [hbm4b:s15+s4], $0x80, v25, vm0, $0xb8;
	[tilespmem:$0x18C00] =	vst v63  }
0x505: {  	v25 =	vld [tilespmem:$0x3C0];
	_ =	sdelay $0x4  }
0x506: {  	v26 =	vshll.u32 v25, $0x2  }
0x507: {  	v25 =	vand.u32 $0x7, v25;
	v26 =	vand.u32 $0xFFFFFFE0, v26  }
0x508: {  	v25 =	vor.u32 v25, v26  }
0x509: {  	v26 =	vperm.xlane v25, v4;
	_ =	sdelay $0x1  }
0x50a: {  	v27 =	vperm.xlane v25, v7;
	v26 =	vadd.s32 v6, v26;
	_ =	sdelay $0x1  }
0x50b: {  	v28 =	vperm.xlane v25, v3;
	v27 =	vadd.s32 v6, v27;
	_ =	sdelay $0x1  }
0x50c: {  	s25 =	simm.s32 $0xE400;
	v29 =	vperm.xlane v25, v8;
	v28 =	vadd.s32 v6, v28  }
0x50d: {  	[tilespmem:s25], [sflag:$0x4] =	stream.indirect_vreg.gather [hbm4b:s15+s4], $0x80, v26, vm0, $0xb8;
	[tilespmem:$0x18C00] =	vst v63  }
0x50e: {  	s26 =	simm.s32 $0xE480;
	v26 =	vadd.s32 v6, v29;
	v29 =	vperm.xlane v25, v9  }
0x50f: {  	[tilespmem:s26], [sflag:$0x4] =	stream.indirect_vreg.gather [hbm4b:s15+s4], $0x80, v27, vm0, $0xb8;
	[tilespmem:$0x18C00] =	vst v63  }
0x510: {  	s31 =	simm.s32 $0xE500;
	v27 =	vadd.s32 v6, v29;
	v29 =	vperm.xlane v25, v10  }
0x511: {  	[tilespmem:s31], [sflag:$0x4] =	stream.indirect_vreg.gather [hbm4b:s15+s4], $0x80, v28, vm0, $0xb8;
	[tilespmem:$0x18C00] =	vst v63  }
0x512: {  	s17 =	simm.s32 $0xE580;
	v28 =	vadd.s32 v6, v29;
	v29 =	vperm.xlane v25, v11  }
0x513: {  	[tilespmem:s17], [sflag:$0x4] =	stream.indirect_vreg.gather [hbm4b:s15+s4], $0x80, v26, vm0, $0xb8;
	[tilespmem:$0x18C00] =	vst v63  }
0x514: {  	s19 =	simm.s32 $0xE600;
	v26 =	vadd.s32 v6, v29;
	v29 =	vperm.xlane v25, v2  }
0x515: {  	[tilespmem:s19], [sflag:$0x4] =	stream.indirect_vreg.gather [hbm4b:s15+s4], $0x80, v27, vm0, $0xb8;
	[tilespmem:$0x18C00] =	vst v63  }
0x516: {  	s20 =	simm.s32 $0xE680;
	v27 =	vadd.s32 v6, v29;
	v29 =	vperm.xlane v25, v12  }
0x517: {  	[tilespmem:s20], [sflag:$0x4] =	stream.indirect_vreg.gather [hbm4b:s15+s4], $0x80, v28, vm0, $0xb8;
	[tilespmem:$0x18C00] =	vst v63  }
0x518: {  	s21 =	simm.s32 $0xE700;
	v28 =	vadd.s32 v6, v29;
	v29 =	vperm.xlane v25, v13  }
0x519: {  	[tilespmem:s21], [sflag:$0x4] =	stream.indirect_vreg.gather [hbm4b:s15+s4], $0x80, v26, vm0, $0xb8;
	[tilespmem:$0x18C00] =	vst v63  }
0x51a: {  	s22 =	simm.s32 $0xE780;
	v26 =	vadd.s32 v6, v29;
	v29 =	vperm.xlane v25, v14  }
0x51b: {  	[tilespmem:s22], [sflag:$0x4] =	stream.indirect_vreg.gather [hbm4b:s15+s4], $0x80, v27, vm0, $0xb8;
	[tilespmem:$0x18C00] =	vst v63  }
0x51c: {  	s23 =	simm.s32 $0xE800;
	v27 =	vadd.s32 v6, v29;
	v29 =	vperm.xlane v25, v15  }
0x51d: {  	[tilespmem:s23], [sflag:$0x4] =	stream.indirect_vreg.gather [hbm4b:s15+s4], $0x80, v28, vm0, $0xb8;
	[tilespmem:$0x18C00] =	vst v63  }
0x51e: {  	s24 =	simm.s32 $0xE880;
	v28 =	vadd.s32 v6, v29;
	v29 =	vperm.xlane v25, v16  }
0x51f: {  	[tilespmem:s24], [sflag:$0x4] =	stream.indirect_vreg.gather [hbm4b:s15+s4], $0x80, v26, vm0, $0xb8;
	[tilespmem:$0x18C00] =	vst v63  }
0x520: {  	s25 =	simm.s32 $0xE900;
	v26 =	vadd.s32 v6, v29;
	v29 =	vperm.xlane v25, v17  }
0x521: {  	[tilespmem:s25], [sflag:$0x4] =	stream.indirect_vreg.gather [hbm4b:s15+s4], $0x80, v27, vm0, $0xb8;
	[tilespmem:$0x18C00] =	vst v63  }
0x522: {  	s26 =	simm.s32 $0xE980;
	v27 =	vadd.s32 v6, v29;
	v29 =	vperm.xlane v25, v18  }
0x523: {  	[tilespmem:s26], [sflag:$0x4] =	stream.indirect_vreg.gather [hbm4b:s15+s4], $0x80, v28, vm0, $0xb8;
	[tilespmem:$0x18C00] =	vst v63  }
0x524: {  	s31 =	simm.s32 $0xEA00;
	v25 =	vperm.xlane v25, v19;
	v28 =	vadd.s32 v6, v29  }
0x525: {  	[tilespmem:s31], [sflag:$0x4] =	stream.indirect_vreg.gather [hbm4b:s15+s4], $0x80, v26, vm0, $0xb8;
	[tilespmem:$0x18C00] =	vst v63  }
0x526: {  	s17 =	simm.s32 $0xEA80;
	v25 =	vadd.s32 v6, v25  }
0x527: {  	[tilespmem:s17], [sflag:$0x4] =	stream.indirect_vreg.gather [hbm4b:s15+s4], $0x80, v27, vm0, $0xb8;
	[tilespmem:$0x18C00] =	vst v63  }
0x528: {  	s19 =	simm.s32 $0xEB00  }
0x529: {  	[tilespmem:s19], [sflag:$0x4] =	stream.indirect_vreg.gather [hbm4b:s15+s4], $0x80, v28, vm0, $0xb8;
	[tilespmem:$0x18C00] =	vst v63  }
0x52a: {  	s20 =	simm.s32 $0xEB80  }
0x52b: {  	[tilespmem:s20], [sflag:$0x4] =	stream.indirect_vreg.gather [hbm4b:s15+s4], $0x80, v25, vm0, $0xb8;
	[tilespmem:$0x18C00] =	vst v63  }
0x52c: {  	v25 =	vld [tilespmem:$0x3D0];
	_ =	sdelay $0x4  }
0x52d: {  	v26 =	vshll.u32 v25, $0x2  }
0x52e: {  	v25 =	vand.u32 $0x7, v25;
	v26 =	vand.u32 $0xFFFFFFE0, v26  }
0x52f: {  	v25 =	vor.u32 v25, v26  }
0x530: {  	v26 =	vperm.xlane v25, v4;
	_ =	sdelay $0x1  }
0x531: {  	v27 =	vperm.xlane v25, v7;
	v26 =	vadd.s32 v6, v26;
	_ =	sdelay $0x1  }
0x532: {  	v28 =	vperm.xlane v25, v3;
	v27 =	vadd.s32 v6, v27;
	_ =	sdelay $0x1  }
0x533: {  	s21 =	simm.s32 $0xEC00;
	v29 =	vperm.xlane v25, v8;
	v28 =	vadd.s32 v6, v28  }
0x534: {  	[tilespmem:s21], [sflag:$0x4] =	stream.indirect_vreg.gather [hbm4b:s15+s4], $0x80, v26, vm0, $0xb8;
	[tilespmem:$0x18C00] =	vst v63  }
0x535: {  	s22 =	simm.s32 $0xEC80;
	v26 =	vadd.s32 v6, v29;
	v29 =	vperm.xlane v25, v9  }
0x536: {  	[tilespmem:s22], [sflag:$0x4] =	stream.indirect_vreg.gather [hbm4b:s15+s4], $0x80, v27, vm0, $0xb8;
	[tilespmem:$0x18C00] =	vst v63  }
0x537: {  	s23 =	simm.s32 $0xED00;
	v27 =	vadd.s32 v6, v29;
	v29 =	vperm.xlane v25, v10  }
0x538: {  	[tilespmem:s23], [sflag:$0x4] =	stream.indirect_vreg.gather [hbm4b:s15+s4], $0x80, v28, vm0, $0xb8;
	[tilespmem:$0x18C00] =	vst v63  }
0x539: {  	s24 =	simm.s32 $0xED80;
	v28 =	vadd.s32 v6, v29;
	v29 =	vperm.xlane v25, v11  }
0x53a: {  	[tilespmem:s24], [sflag:$0x4] =	stream.indirect_vreg.gather [hbm4b:s15+s4], $0x80, v26, vm0, $0xb8;
	[tilespmem:$0x18C00] =	vst v63  }
0x53b: {  	s25 =	simm.s32 $0xEE00;
	v26 =	vadd.s32 v6, v29;
	v29 =	vperm.xlane v25, v2  }
0x53c: {  	[tilespmem:s25], [sflag:$0x4] =	stream.indirect_vreg.gather [hbm4b:s15+s4], $0x80, v27, vm0, $0xb8;
	[tilespmem:$0x18C00] =	vst v63  }
0x53d: {  	s26 =	simm.s32 $0xEE80;
	v27 =	vadd.s32 v6, v29;
	v29 =	vperm.xlane v25, v12  }
0x53e: {  	[tilespmem:s26], [sflag:$0x4] =	stream.indirect_vreg.gather [hbm4b:s15+s4], $0x80, v28, vm0, $0xb8;
	[tilespmem:$0x18C00] =	vst v63  }
0x53f: {  	s31 =	simm.s32 $0xEF00;
	v28 =	vadd.s32 v6, v29;
	v29 =	vperm.xlane v25, v13  }
0x540: {  	[tilespmem:s31], [sflag:$0x4] =	stream.indirect_vreg.gather [hbm4b:s15+s4], $0x80, v26, vm0, $0xb8;
	[tilespmem:$0x18C00] =	vst v63  }
0x541: {  	s17 =	simm.s32 $0xEF80;
	v26 =	vadd.s32 v6, v29;
	v29 =	vperm.xlane v25, v14  }
0x542: {  	[tilespmem:s17], [sflag:$0x4] =	stream.indirect_vreg.gather [hbm4b:s15+s4], $0x80, v27, vm0, $0xb8;
	[tilespmem:$0x18C00] =	vst v63  }
0x543: {  	s19 =	simm.s32 $0xF000;
	v27 =	vadd.s32 v6, v29;
	v29 =	vperm.xlane v25, v15  }
0x544: {  	[tilespmem:s19], [sflag:$0x4] =	stream.indirect_vreg.gather [hbm4b:s15+s4], $0x80, v28, vm0, $0xb8;
	[tilespmem:$0x18C00] =	vst v63  }
0x545: {  	s20 =	simm.s32 $0xF080;
	v28 =	vadd.s32 v6, v29;
	v29 =	vperm.xlane v25, v16  }
0x546: {  	[tilespmem:s20], [sflag:$0x4] =	stream.indirect_vreg.gather [hbm4b:s15+s4], $0x80, v26, vm0, $0xb8;
	[tilespmem:$0x18C00] =	vst v63  }
0x547: {  	s21 =	simm.s32 $0xF100;
	v26 =	vadd.s32 v6, v29;
	v29 =	vperm.xlane v25, v17  }
0x548: {  	[tilespmem:s21], [sflag:$0x4] =	stream.indirect_vreg.gather [hbm4b:s15+s4], $0x80, v27, vm0, $0xb8;
	[tilespmem:$0x18C00] =	vst v63  }
0x549: {  	s22 =	simm.s32 $0xF180;
	v27 =	vadd.s32 v6, v29;
	v29 =	vperm.xlane v25, v18  }
0x54a: {  	[tilespmem:s22], [sflag:$0x4] =	stream.indirect_vreg.gather [hbm4b:s15+s4], $0x80, v28, vm0, $0xb8;
	[tilespmem:$0x18C00] =	vst v63  }
0x54b: {  	s23 =	simm.s32 $0xF200;
	v25 =	vperm.xlane v25, v19;
	v28 =	vadd.s32 v6, v29  }
0x54c: {  	[tilespmem:s23], [sflag:$0x4] =	stream.indirect_vreg.gather [hbm4b:s15+s4], $0x80, v26, vm0, $0xb8;
	[tilespmem:$0x18C00] =	vst v63  }
0x54d: {  	s24 =	simm.s32 $0xF280;
	v25 =	vadd.s32 v6, v25  }
0x54e: {  	[tilespmem:s24], [sflag:$0x4] =	stream.indirect_vreg.gather [hbm4b:s15+s4], $0x80, v27, vm0, $0xb8;
	[tilespmem:$0x18C00] =	vst v63  }
0x54f: {  	s25 =	simm.s32 $0xF300  }
0x550: {  	[tilespmem:s25], [sflag:$0x4] =	stream.indirect_vreg.gather [hbm4b:s15+s4], $0x80, v28, vm0, $0xb8;
	[tilespmem:$0x18C00] =	vst v63  }
0x551: {  	s26 =	simm.s32 $0xF380  }
0x552: {  	[tilespmem:s26], [sflag:$0x4] =	stream.indirect_vreg.gather [hbm4b:s15+s4], $0x80, v25, vm0, $0xb8;
	[tilespmem:$0x18C00] =	vst v63  }
0x553: {  	v25 =	vld [tilespmem:$0x3E0];
	_ =	sdelay $0x4  }
0x554: {  	v26 =	vshll.u32 v25, $0x2  }
0x555: {  	v25 =	vand.u32 $0x7, v25;
	v26 =	vand.u32 $0xFFFFFFE0, v26  }
0x556: {  	v25 =	vor.u32 v25, v26  }
0x557: {  	v26 =	vperm.xlane v25, v4;
	_ =	sdelay $0x1  }
0x558: {  	v27 =	vperm.xlane v25, v7;
	v26 =	vadd.s32 v6, v26;
	_ =	sdelay $0x1  }
0x559: {  	v28 =	vperm.xlane v25, v3;
	v27 =	vadd.s32 v6, v27;
	_ =	sdelay $0x1  }
0x55a: {  	s31 =	simm.s32 $0xF400;
	v29 =	vperm.xlane v25, v8;
	v28 =	vadd.s32 v6, v28  }
0x55b: {  	[tilespmem:s31], [sflag:$0x4] =	stream.indirect_vreg.gather [hbm4b:s15+s4], $0x80, v26, vm0, $0xb8;
	[tilespmem:$0x18C00] =	vst v63  }
0x55c: {  	s17 =	simm.s32 $0xF480;
	v26 =	vadd.s32 v6, v29;
	v29 =	vperm.xlane v25, v9  }
0x55d: {  	[tilespmem:s17], [sflag:$0x4] =	stream.indirect_vreg.gather [hbm4b:s15+s4], $0x80, v27, vm0, $0xb8;
	[tilespmem:$0x18C00] =	vst v63  }
0x55e: {  	s19 =	simm.s32 $0xF500;
	v27 =	vadd.s32 v6, v29;
	v29 =	vperm.xlane v25, v10  }
0x55f: {  	[tilespmem:s19], [sflag:$0x4] =	stream.indirect_vreg.gather [hbm4b:s15+s4], $0x80, v28, vm0, $0xb8;
	[tilespmem:$0x18C00] =	vst v63  }
0x560: {  	s20 =	simm.s32 $0xF580;
	v28 =	vadd.s32 v6, v29;
	v29 =	vperm.xlane v25, v11  }
0x561: {  	[tilespmem:s20], [sflag:$0x4] =	stream.indirect_vreg.gather [hbm4b:s15+s4], $0x80, v26, vm0, $0xb8;
	[tilespmem:$0x18C00] =	vst v63  }
0x562: {  	s21 =	simm.s32 $0xF600;
	v26 =	vadd.s32 v6, v29;
	v29 =	vperm.xlane v25, v2  }
0x563: {  	[tilespmem:s21], [sflag:$0x4] =	stream.indirect_vreg.gather [hbm4b:s15+s4], $0x80, v27, vm0, $0xb8;
	[tilespmem:$0x18C00] =	vst v63  }
0x564: {  	s22 =	simm.s32 $0xF680;
	v27 =	vadd.s32 v6, v29;
	v29 =	vperm.xlane v25, v12  }
0x565: {  	[tilespmem:s22], [sflag:$0x4] =	stream.indirect_vreg.gather [hbm4b:s15+s4], $0x80, v28, vm0, $0xb8;
	[tilespmem:$0x18C00] =	vst v63  }
0x566: {  	s23 =	simm.s32 $0xF700;
	v28 =	vadd.s32 v6, v29;
	v29 =	vperm.xlane v25, v13  }
0x567: {  	[tilespmem:s23], [sflag:$0x4] =	stream.indirect_vreg.gather [hbm4b:s15+s4], $0x80, v26, vm0, $0xb8;
	[tilespmem:$0x18C00] =	vst v63  }
0x568: {  	s24 =	simm.s32 $0xF780;
	v26 =	vadd.s32 v6, v29;
	v29 =	vperm.xlane v25, v14  }
0x569: {  	[tilespmem:s24], [sflag:$0x4] =	stream.indirect_vreg.gather [hbm4b:s15+s4], $0x80, v27, vm0, $0xb8;
	[tilespmem:$0x18C00] =	vst v63  }
0x56a: {  	s25 =	simm.s32 $0xF800;
	v27 =	vadd.s32 v6, v29;
	v29 =	vperm.xlane v25, v15  }
0x56b: {  	[tilespmem:s25], [sflag:$0x4] =	stream.indirect_vreg.gather [hbm4b:s15+s4], $0x80, v28, vm0, $0xb8;
	[tilespmem:$0x18C00] =	vst v63  }
0x56c: {  	s26 =	simm.s32 $0xF880;
	v28 =	vadd.s32 v6, v29;
	v29 =	vperm.xlane v25, v16  }
0x56d: {  	[tilespmem:s26], [sflag:$0x4] =	stream.indirect_vreg.gather [hbm4b:s15+s4], $0x80, v26, vm0, $0xb8;
	[tilespmem:$0x18C00] =	vst v63  }
0x56e: {  	s31 =	simm.s32 $0xF900;
	v26 =	vadd.s32 v6, v29;
	v29 =	vperm.xlane v25, v17  }
0x56f: {  	[tilespmem:s31], [sflag:$0x4] =	stream.indirect_vreg.gather [hbm4b:s15+s4], $0x80, v27, vm0, $0xb8;
	[tilespmem:$0x18C00] =	vst v63  }
0x570: {  	s17 =	simm.s32 $0xF980;
	v27 =	vadd.s32 v6, v29;
	v29 =	vperm.xlane v25, v18  }
0x571: {  	[tilespmem:s17], [sflag:$0x4] =	stream.indirect_vreg.gather [hbm4b:s15+s4], $0x80, v28, vm0, $0xb8;
	[tilespmem:$0x18C00] =	vst v63  }
0x572: {  	s19 =	simm.s32 $0xFA00;
	v25 =	vperm.xlane v25, v19;
	v28 =	vadd.s32 v6, v29  }
0x573: {  	[tilespmem:s19], [sflag:$0x4] =	stream.indirect_vreg.gather [hbm4b:s15+s4], $0x80, v26, vm0, $0xb8;
	[tilespmem:$0x18C00] =	vst v63  }
0x574: {  	s20 =	simm.s32 $0xFA80;
	v25 =	vadd.s32 v6, v25  }
0x575: {  	[tilespmem:s20], [sflag:$0x4] =	stream.indirect_vreg.gather [hbm4b:s15+s4], $0x80, v27, vm0, $0xb8;
	[tilespmem:$0x18C00] =	vst v63  }
0x576: {  	s21 =	simm.s32 $0xFB00  }
0x577: {  	[tilespmem:s21], [sflag:$0x4] =	stream.indirect_vreg.gather [hbm4b:s15+s4], $0x80, v28, vm0, $0xb8;
	[tilespmem:$0x18C00] =	vst v63  }
0x578: {  	s22 =	simm.s32 $0xFB80  }
0x579: {  	[tilespmem:s22], [sflag:$0x4] =	stream.indirect_vreg.gather [hbm4b:s15+s4], $0x80, v25, vm0, $0xb8;
	[tilespmem:$0x18C00] =	vst v63  }
0x57a: {  	v25 =	vld [tilespmem:$0x3F0];
	_ =	sdelay $0x4  }
0x57b: {  	v26 =	vshll.u32 v25, $0x2  }
0x57c: {  	v25 =	vand.u32 $0x7, v25;
	v26 =	vand.u32 $0xFFFFFFE0, v26  }
0x57d: {  	v25 =	vor.u32 v25, v26  }
0x57e: {  	v26 =	vperm.xlane v25, v4;
	_ =	sdelay $0x1  }
0x57f: {  	v27 =	vperm.xlane v25, v7;
	v26 =	vadd.s32 v6, v26;
	_ =	sdelay $0x1  }
0x580: {  	v28 =	vperm.xlane v25, v3;
	v27 =	vadd.s32 v6, v27;
	_ =	sdelay $0x1  }
0x581: {  	s23 =	simm.s32 $0xFC00;
	v29 =	vperm.xlane v25, v8;
	v28 =	vadd.s32 v6, v28  }
0x582: {  	[tilespmem:s23], [sflag:$0x4] =	stream.indirect_vreg.gather [hbm4b:s15+s4], $0x80, v26, vm0, $0xb8;
	[tilespmem:$0x18C00] =	vst v63  }
0x583: {  	s24 =	simm.s32 $0xFC80;
	v26 =	vadd.s32 v6, v29;
	v29 =	vperm.xlane v25, v9  }
0x584: {  	[tilespmem:s24], [sflag:$0x4] =	stream.indirect_vreg.gather [hbm4b:s15+s4], $0x80, v27, vm0, $0xb8;
	[tilespmem:$0x18C00] =	vst v63  }
0x585: {  	s25 =	simm.s32 $0xFD00;
	v27 =	vadd.s32 v6, v29;
	v29 =	vperm.xlane v25, v10  }
0x586: {  	[tilespmem:s25], [sflag:$0x4] =	stream.indirect_vreg.gather [hbm4b:s15+s4], $0x80, v28, vm0, $0xb8;
	[tilespmem:$0x18C00] =	vst v63  }
0x587: {  	s26 =	simm.s32 $0xFD80;
	v28 =	vadd.s32 v6, v29;
	v29 =	vperm.xlane v25, v11  }
0x588: {  	[tilespmem:s26], [sflag:$0x4] =	stream.indirect_vreg.gather [hbm4b:s15+s4], $0x80, v26, vm0, $0xb8;
	[tilespmem:$0x18C00] =	vst v63  }
0x589: {  	s31 =	simm.s32 $0xFE00;
	v26 =	vadd.s32 v6, v29;
	v29 =	vperm.xlane v25, v2  }
0x58a: {  	[tilespmem:s31], [sflag:$0x4] =	stream.indirect_vreg.gather [hbm4b:s15+s4], $0x80, v27, vm0, $0xb8;
	[tilespmem:$0x18C00] =	vst v63  }
0x58b: {  	s17 =	simm.s32 $0xFE80;
	v27 =	vadd.s32 v6, v29;
	v29 =	vperm.xlane v25, v12  }
0x58c: {  	[tilespmem:s17], [sflag:$0x4] =	stream.indirect_vreg.gather [hbm4b:s15+s4], $0x80, v28, vm0, $0xb8;
	[tilespmem:$0x18C00] =	vst v63  }
0x58d: {  	s19 =	simm.s32 $0xFF00;
	v28 =	vadd.s32 v6, v29;
	v29 =	vperm.xlane v25, v13  }
0x58e: {  	[tilespmem:s19], [sflag:$0x4] =	stream.indirect_vreg.gather [hbm4b:s15+s4], $0x80, v26, vm0, $0xb8;
	[tilespmem:$0x18C00] =	vst v63  }
0x58f: {  	s20 =	simm.s32 $0xFF80;
	v26 =	vadd.s32 v6, v29;
	v29 =	vperm.xlane v25, v14  }
0x590: {  	[tilespmem:s20], [sflag:$0x4] =	stream.indirect_vreg.gather [hbm4b:s15+s4], $0x80, v27, vm0, $0xb8;
	[tilespmem:$0x18C00] =	vst v63  }
0x591: {  	s21 =	simm.s32 $0x10000;
	v27 =	vadd.s32 v6, v29;
	v29 =	vperm.xlane v25, v15  }
0x592: {  	[tilespmem:s21], [sflag:$0x4] =	stream.indirect_vreg.gather [hbm4b:s15+s4], $0x80, v28, vm0, $0xb8;
	[tilespmem:$0x18C00] =	vst v63  }
0x593: {  	s22 =	simm.s32 $0x10080;
	v28 =	vadd.s32 v6, v29;
	v29 =	vperm.xlane v25, v16  }
0x594: {  	[tilespmem:s22], [sflag:$0x4] =	stream.indirect_vreg.gather [hbm4b:s15+s4], $0x80, v26, vm0, $0xb8;
	[tilespmem:$0x18C00] =	vst v63  }
0x595: {  	s23 =	simm.s32 $0x10100;
	v26 =	vadd.s32 v6, v29;
	v29 =	vperm.xlane v25, v17  }
0x596: {  	[tilespmem:s23], [sflag:$0x4] =	stream.indirect_vreg.gather [hbm4b:s15+s4], $0x80, v27, vm0, $0xb8;
	[tilespmem:$0x18C00] =	vst v63  }
0x597: {  	s24 =	simm.s32 $0x10180;
	v27 =	vadd.s32 v6, v29;
	v29 =	vperm.xlane v25, v18  }
0x598: {  	[tilespmem:s24], [sflag:$0x4] =	stream.indirect_vreg.gather [hbm4b:s15+s4], $0x80, v28, vm0, $0xb8;
	[tilespmem:$0x18C00] =	vst v63  }
0x599: {  	s25 =	simm.s32 $0x10200;
	v25 =	vperm.xlane v25, v19;
	v28 =	vadd.s32 v6, v29  }
0x59a: {  	[tilespmem:s25], [sflag:$0x4] =	stream.indirect_vreg.gather [hbm4b:s15+s4], $0x80, v26, vm0, $0xb8;
	[tilespmem:$0x18C00] =	vst v63  }
0x59b: {  	s26 =	simm.s32 $0x10280;
	v25 =	vadd.s32 v6, v25  }
0x59c: {  	[tilespmem:s26], [sflag:$0x4] =	stream.indirect_vreg.gather [hbm4b:s15+s4], $0x80, v27, vm0, $0xb8;
	[tilespmem:$0x18C00] =	vst v63  }
0x59d: {  	s31 =	simm.s32 $0x10300  }
0x59e: {  	[tilespmem:s31], [sflag:$0x4] =	stream.indirect_vreg.gather [hbm4b:s15+s4], $0x80, v28, vm0, $0xb8;
	[tilespmem:$0x18C00] =	vst v63  }
0x59f: {  	_ = 	snop  }
0x5a0: {  	[tilespmem:s2], [sflag:$0x4] =	stream.indirect_vreg.gather [hbm4b:s15+s4], $0x80, v25, vm0, $0xb8;
	[tilespmem:$0x18C00] =	vst v63  }
0x5a1: {  	_ =	swait.ge [sflag:s7], $0x4000  }
0x5a2: {  	[sflag:s7] =	ssyncset.done $0x0  }
0x5a3: {  	[sflag:s7] =	ssyncadd.s32 $0xFFFFC000  }
0x5a4: {  	v25 =	vld [tilespmem:$0x100];
	_ =	sdelay $0x4  }
0x5a5: {  	v26 =	vsub.s32 v25, v24  }
0x5a6: {  	v27 =	vand.u32 $0x7F, v25;
	v25 =	vmul.u32 $0x80, v5;
	v26 =	vand.u32 $0xFFFFFF80, v26  }
0x5a7: {  	v26 =	vor.u32 v27, v26  }
0x5a8: {  	v26 =	vadd.s32 v25, v26;
	_ =	sdelay $0x4  }
0x5a9: {  	v26 =	vld.idx.msk [tilespmem:v26+s11+$0x0], $0xffff;
	_ =	sdelay $0x3  }
0x5aa: {  	s17 =	sshra.s32 s16, $0x2  }
0x5ab: {  	[tilespmem:s17+$0x18400] =	vst v26  }
0x5ac: {  	v26 =	vld [tilespmem:$0x110];
	_ =	sdelay $0x4  }
0x5ad: {  	v27 =	vsub.s32 v26, v24  }
0x5ae: {  	v26 =	vand.u32 $0x7F, v26;
	v27 =	vand.u32 $0xFFFFFF80, v27  }
0x5af: {  	v27 =	vor.u32 v26, v27;
	v26 =	vor.u32 $0x800, v25  }
0x5b0: {  	v27 =	vadd.s32 v26, v27;
	_ =	sdelay $0x4  }
0x5b1: {  	v27 =	vld.idx.msk [tilespmem:v27+s11+$0x0], $0xffff;
	_ =	sdelay $0x4  }
0x5b2: {  	[tilespmem:s17+$0x18410] =	vst v27  }
0x5b3: {  	v27 =	vld [tilespmem:$0x120];
	_ =	sdelay $0x4  }
0x5b4: {  	v28 =	vsub.s32 v27, v24  }
0x5b5: {  	v27 =	vand.u32 $0x7F, v27;
	v28 =	vand.u32 $0xFFFFFF80, v28  }
0x5b6: {  	v28 =	vor.u32 v27, v28;
	v27 =	vor.u32 $0x1000, v25  }
0x5b7: {  	v28 =	vadd.s32 v27, v28;
	_ =	sdelay $0x4  }
0x5b8: {  	v28 =	vld.idx.msk [tilespmem:v28+s11+$0x0], $0xffff;
	_ =	sdelay $0x4  }
0x5b9: {  	[tilespmem:s17+$0x18420] =	vst v28  }
0x5ba: {  	v28 =	vld [tilespmem:$0x130];
	_ =	sdelay $0x4  }
0x5bb: {  	v29 =	vsub.s32 v28, v24  }
0x5bc: {  	v28 =	vand.u32 $0x7F, v28;
	v29 =	vand.u32 $0xFFFFFF80, v29  }
0x5bd: {  	v29 =	vor.u32 v28, v29;
	v28 =	vor.u32 $0x1800, v25  }
0x5be: {  	v29 =	vadd.s32 v28, v29;
	_ =	sdelay $0x4  }
0x5bf: {  	v29 =	vld.idx.msk [tilespmem:v29+s11+$0x0], $0xffff;
	_ =	sdelay $0x4  }
0x5c0: {  	[tilespmem:s17+$0x18430] =	vst v29  }
0x5c1: {  	v29 =	vld [tilespmem:$0x140];
	_ =	sdelay $0x4  }
0x5c2: {  	v30 =	vsub.s32 v29, v24  }
0x5c3: {  	v29 =	vand.u32 $0x7F, v29;
	v30 =	vand.u32 $0xFFFFFF80, v30  }
0x5c4: {  	v30 =	vor.u32 v29, v30;
	v29 =	vor.u32 $0x2000, v25  }
0x5c5: {  	v30 =	vadd.s32 v29, v30;
	_ =	sdelay $0x4  }
0x5c6: {  	v30 =	vld.idx.msk [tilespmem:v30+s11+$0x0], $0xffff;
	_ =	sdelay $0x4  }
0x5c7: {  	[tilespmem:s17+$0x18440] =	vst v30  }
0x5c8: {  	v30 =	vld [tilespmem:$0x150];
	_ =	sdelay $0x4  }
0x5c9: {  	v31 =	vsub.s32 v30, v24  }
0x5ca: {  	v30 =	vand.u32 $0x7F, v30;
	v31 =	vand.u32 $0xFFFFFF80, v31  }
0x5cb: {  	v31 =	vor.u32 v30, v31;
	v30 =	vor.u32 $0x2800, v25  }
0x5cc: {  	v31 =	vadd.s32 v30, v31;
	_ =	sdelay $0x4  }
0x5cd: {  	v31 =	vld.idx.msk [tilespmem:v31+s11+$0x0], $0xffff;
	_ =	sdelay $0x4  }
0x5ce: {  	[tilespmem:s17+$0x18450] =	vst v31  }
0x5cf: {  	v31 =	vld [tilespmem:$0x160];
	_ =	sdelay $0x4  }
0x5d0: {  	v63 =	vsub.s32 v31, v24  }
0x5d1: {  	v31 =	vand.u32 $0x7F, v31;
	v32 =	vand.u32 $0xFFFFFF80, v63  }
0x5d2: {  	v32 =	vor.u32 v31, v32;
	v31 =	vor.u32 $0x3000, v25  }
0x5d3: {  	v32 =	vadd.s32 v31, v32;
	_ =	sdelay $0x4  }
0x5d4: {  	v32 =	vld.idx.msk [tilespmem:v32+s11+$0x0], $0xffff;
	_ =	sdelay $0x4  }
0x5d5: {  	[tilespmem:s17+$0x18460] =	vst v32  }
0x5d6: {  	v32 =	vld [tilespmem:$0x170];
	_ =	sdelay $0x4  }
0x5d7: {  	v33 =	vsub.s32 v32, v24  }
0x5d8: {  	v32 =	vand.u32 $0x7F, v32;
	v33 =	vand.u32 $0xFFFFFF80, v33  }
0x5d9: {  	v33 =	vor.u32 v32, v33;
	v32 =	vor.u32 $0x3800, v25  }
0x5da: {  	v33 =	vadd.s32 v32, v33;
	_ =	sdelay $0x4  }
0x5db: {  	p0 =	seq.s32 s16, $0xC00;
	v33 =	vld.idx.msk [tilespmem:v33+s11+$0x0], $0xffff  }
.Ltmp5:
0x5dc: {  	_ = 	snop;
	(pc) =	sbr.rel @p0 .LBB2_5-.Ltmp5, $2  }
0x5dd: {  	_ =	sdelay $0x2  }
0x5de: {  	[tilespmem:s17+$0x18470] =	vst v33  }
0x5df: {  	v33 =	vld [tilespmem:$0x0];
	_ =	sdelay $0x2  }
0x5e0: {  	v34 =	vld [tilespmem:$0x10]  }
0x5e1: {  	s19 =	sadd.s32 $0x400, s18;
	v35 =	vld [tilespmem:$0x20]  }
0x5e2: {  	v37 =	vld [tilespmem:$0x30];
	v36 =	vadd.s32 s19, v33  }
0x5e3: {  	v38 =	vld [tilespmem:$0x40];
	v39 =	vshll.u32 v36, $0x2  }
0x5e4: {  	v59 =	vld [tilespmem:$0x70];
	v33 =	vand.u32 $0x7, v33;
	v39 =	vand.u32 $0xFFFFFFE0, v39  }
0x5e5: {  	v40 =	vld [tilespmem:$0x50];
	v34 =	vadd.s32 s19, v34;
	[tilespmem:$0x200] =	vst v36;
	v33 =	vor.u32 v33, v39  }
0x5e6: {  	v57 =	vld [tilespmem:$0x60];
	v58 =	vadd.s32 s19, v35;
	[tilespmem:$0x210] =	vst v34;
	v39 =	vperm.xlane v33, v4  }
0x5e7: {  	v60 =	vadd.s32 s19, v37;
	[tilespmem:$0x220] =	vst v58  }
0x5e8: {  	v61 =	vadd.s32 s19, v38;
	[tilespmem:$0x230] =	vst v60;
	v63 =	vperm.xlane v33, v7;
	v62 =	vadd.s32 v6, v39  }
0x5e9: {  	v35 =	vadd.s32 s19, v59;
	[tilespmem:$0x240] =	vst v61  }
0x5ea: {  	[tilespmem:$0x270] =	vst v35;
	v42 =	vperm.xlane v33, v3;
	v39 =	vadd.s32 s19, v40;
	v41 =	vadd.s32 v6, v63  }
0x5eb: {  	v40 =	vadd.s32 s19, v57;
	[tilespmem:$0x250] =	vst v39  }
0x5ec: {  	v44 =	vperm.xlane v33, v8;
	v43 =	vadd.s32 v6, v42;
	[tilespmem:$0x260] =	vst v40  }
0x5ed: {  	[tilespmem:s11], [sflag:$0x1] =	stream.indirect_vreg.gather [hbm4b:s15+s4], $0x80, v62, vm0, $0xb8;
	[tilespmem:$0x18C00] =	vst v63  }
0x5ee: {  	s0 =	simm.s32 $0x480;
	v45 =	vperm.xlane v33, v9;
	v35 =	vadd.s32 v6, v44  }
0x5ef: {  	[tilespmem:s0], [sflag:$0x1] =	stream.indirect_vreg.gather [hbm4b:s15+s4], $0x80, v41, vm0, $0xb8;
	[tilespmem:$0x18C00] =	vst v63  }
0x5f0: {  	v47 =	vperm.xlane v33, v10;
	v46 =	vadd.s32 v6, v45;
	s19 =	simm.s32 $0x500  }
0x5f1: {  	[tilespmem:s19], [sflag:$0x1] =	stream.indirect_vreg.gather [hbm4b:s15+s4], $0x80, v43, vm0, $0xb8;
	[tilespmem:$0x18C00] =	vst v63  }
0x5f2: {  	s20 =	simm.s32 $0x580;
	v49 =	vperm.xlane v33, v11;
	v48 =	vadd.s32 v6, v47  }
0x5f3: {  	[tilespmem:s20], [sflag:$0x1] =	stream.indirect_vreg.gather [hbm4b:s15+s4], $0x80, v35, vm0, $0xb8;
	[tilespmem:$0x18C00] =	vst v63  }
0x5f4: {  	s21 =	simm.s32 $0x600;
	v51 =	vperm.xlane v33, v2;
	v50 =	vadd.s32 v6, v49  }
0x5f5: {  	[tilespmem:s21], [sflag:$0x1] =	stream.indirect_vreg.gather [hbm4b:s15+s4], $0x80, v46, vm0, $0xb8;
	[tilespmem:$0x18C00] =	vst v63  }
0x5f6: {  	s22 =	simm.s32 $0x680;
	v53 =	vperm.xlane v33, v12;
	v52 =	vadd.s32 v6, v51  }
0x5f7: {  	[tilespmem:s22], [sflag:$0x1] =	stream.indirect_vreg.gather [hbm4b:s15+s4], $0x80, v48, vm0, $0xb8;
	[tilespmem:$0x18C00] =	vst v63  }
0x5f8: {  	s23 =	simm.s32 $0x700;
	v55 =	vperm.xlane v33, v13;
	v54 =	vadd.s32 v6, v53  }
0x5f9: {  	[tilespmem:s23], [sflag:$0x1] =	stream.indirect_vreg.gather [hbm4b:s15+s4], $0x80, v50, vm0, $0xb8;
	[tilespmem:$0x18C00] =	vst v63  }
0x5fa: {  	s24 =	simm.s32 $0x780;
	v56 =	vadd.s32 v6, v55;
	v57 =	vperm.xlane v33, v14  }
0x5fb: {  	[tilespmem:s24], [sflag:$0x1] =	stream.indirect_vreg.gather [hbm4b:s15+s4], $0x80, v52, vm0, $0xb8;
	[tilespmem:$0x18C00] =	vst v63  }
0x5fc: {  	s25 =	simm.s32 $0x800;
	v59 =	vperm.xlane v33, v15;
	v58 =	vadd.s32 v6, v57  }
0x5fd: {  	[tilespmem:s25], [sflag:$0x1] =	stream.indirect_vreg.gather [hbm4b:s15+s4], $0x80, v54, vm0, $0xb8;
	[tilespmem:$0x18C00] =	vst v63  }
0x5fe: {  	s26 =	simm.s32 $0x880;
	v61 =	vperm.xlane v33, v16;
	v60 =	vadd.s32 v6, v59  }
0x5ff: {  	[tilespmem:s26], [sflag:$0x1] =	stream.indirect_vreg.gather [hbm4b:s15+s4], $0x80, v56, vm0, $0xb8;
	[tilespmem:$0x18C00] =	vst v63  }
0x600: {  	s31 =	simm.s32 $0x900;
	v63 =	vperm.xlane v33, v17;
	v62 =	vadd.s32 v6, v61  }
0x601: {  	[tilespmem:s31], [sflag:$0x1] =	stream.indirect_vreg.gather [hbm4b:s15+s4], $0x80, v58, vm0, $0xb8;
	[tilespmem:$0x18C00] =	vst v63  }
0x602: {  	v40 =	vadd.s32 v6, v63;
	v41 =	vperm.xlane v33, v18;
	s19 =	simm.s32 $0x980  }
0x603: {  	[tilespmem:s19], [sflag:$0x1] =	stream.indirect_vreg.gather [hbm4b:s15+s4], $0x80, v60, vm0, $0xb8;
	[tilespmem:$0x18C00] =	vst v63  }
0x604: {  	v33 =	vperm.xlane v33, v19;
	v42 =	vadd.s32 v6, v41;
	s20 =	simm.s32 $0xA00  }
0x605: {  	[tilespmem:s20], [sflag:$0x1] =	stream.indirect_vreg.gather [hbm4b:s15+s4], $0x80, v62, vm0, $0xb8;
	[tilespmem:$0x18C00] =	vst v63  }
0x606: {  	v33 =	vadd.s32 v6, v33;
	s21 =	simm.s32 $0xA80  }
0x607: {  	[tilespmem:s21], [sflag:$0x1] =	stream.indirect_vreg.gather [hbm4b:s15+s4], $0x80, v40, vm0, $0xb8;
	[tilespmem:$0x18C00] =	vst v63  }
0x608: {  	s22 =	simm.s32 $0xB00  }
0x609: {  	[tilespmem:s22], [sflag:$0x1] =	stream.indirect_vreg.gather [hbm4b:s15+s4], $0x80, v42, vm0, $0xb8;
	[tilespmem:$0x18C00] =	vst v63  }
0x60a: {  	s23 =	simm.s32 $0xB80  }
0x60b: {  	[tilespmem:s23], [sflag:$0x1] =	stream.indirect_vreg.gather [hbm4b:s15+s4], $0x80, v33, vm0, $0xb8;
	[tilespmem:$0x18C00] =	vst v63  }
0x60c: {  	v33 =	vld [tilespmem:$0x210];
	_ =	sdelay $0x4  }
0x60d: {  	v43 =	vshll.u32 v33, $0x2  }
0x60e: {  	v33 =	vand.u32 $0x7, v33;
	v34 =	vand.u32 $0xFFFFFFE0, v43  }
0x60f: {  	v33 =	vor.u32 v33, v34  }
0x610: {  	v34 =	vperm.xlane v33, v4;
	_ =	sdelay $0x1  }
0x611: {  	v44 =	vperm.xlane v33, v7;
	v34 =	vadd.s32 v6, v34;
	_ =	sdelay $0x1  }
0x612: {  	v45 =	vperm.xlane v33, v3;
	v35 =	vadd.s32 v6, v44;
	_ =	sdelay $0x1  }
0x613: {  	s24 =	simm.s32 $0xC00;
	v46 =	vperm.xlane v33, v8;
	v36 =	vadd.s32 v6, v45  }
0x614: {  	[tilespmem:s24], [sflag:$0x1] =	stream.indirect_vreg.gather [hbm4b:s15+s4], $0x80, v34, vm0, $0xb8;
	[tilespmem:$0x18C00] =	vst v63  }
0x615: {  	s25 =	simm.s32 $0xC80;
	v48 =	vperm.xlane v33, v9;
	v47 =	vadd.s32 v6, v46  }
0x616: {  	[tilespmem:s25], [sflag:$0x1] =	stream.indirect_vreg.gather [hbm4b:s15+s4], $0x80, v35, vm0, $0xb8;
	[tilespmem:$0x18C00] =	vst v63  }
0x617: {  	s26 =	simm.s32 $0xD00;
	v50 =	vperm.xlane v33, v10;
	v49 =	vadd.s32 v6, v48  }
0x618: {  	[tilespmem:s26], [sflag:$0x1] =	stream.indirect_vreg.gather [hbm4b:s15+s4], $0x80, v36, vm0, $0xb8;
	[tilespmem:$0x18C00] =	vst v63  }
0x619: {  	s31 =	simm.s32 $0xD80;
	v52 =	vperm.xlane v33, v11;
	v51 =	vadd.s32 v6, v50  }
0x61a: {  	[tilespmem:s31], [sflag:$0x1] =	stream.indirect_vreg.gather [hbm4b:s15+s4], $0x80, v47, vm0, $0xb8;
	[tilespmem:$0x18C00] =	vst v63  }
0x61b: {  	s19 =	simm.s32 $0xE00;
	v54 =	vperm.xlane v33, v2;
	v53 =	vadd.s32 v6, v52  }
0x61c: {  	[tilespmem:s19], [sflag:$0x1] =	stream.indirect_vreg.gather [hbm4b:s15+s4], $0x80, v49, vm0, $0xb8;
	[tilespmem:$0x18C00] =	vst v63  }
0x61d: {  	s20 =	simm.s32 $0xE80;
	v56 =	vperm.xlane v33, v12;
	v55 =	vadd.s32 v6, v54  }
0x61e: {  	[tilespmem:s20], [sflag:$0x1] =	stream.indirect_vreg.gather [hbm4b:s15+s4], $0x80, v51, vm0, $0xb8;
	[tilespmem:$0x18C00] =	vst v63  }
0x61f: {  	s21 =	simm.s32 $0xF00;
	v58 =	vperm.xlane v33, v13;
	v57 =	vadd.s32 v6, v56  }
0x620: {  	[tilespmem:s21], [sflag:$0x1] =	stream.indirect_vreg.gather [hbm4b:s15+s4], $0x80, v53, vm0, $0xb8;
	[tilespmem:$0x18C00] =	vst v63  }
0x621: {  	s22 =	simm.s32 $0xF80;
	v60 =	vperm.xlane v33, v14;
	v59 =	vadd.s32 v6, v58  }
0x622: {  	[tilespmem:s22], [sflag:$0x1] =	stream.indirect_vreg.gather [hbm4b:s15+s4], $0x80, v55, vm0, $0xb8;
	[tilespmem:$0x18C00] =	vst v63  }
0x623: {  	s23 =	simm.s32 $0x1000;
	v62 =	vperm.xlane v33, v15;
	v61 =	vadd.s32 v6, v60  }
0x624: {  	[tilespmem:s23], [sflag:$0x1] =	stream.indirect_vreg.gather [hbm4b:s15+s4], $0x80, v57, vm0, $0xb8;
	[tilespmem:$0x18C00] =	vst v63  }
0x625: {  	v40 =	vperm.xlane v33, v16;
	v63 =	vadd.s32 v6, v62;
	s24 =	simm.s32 $0x1080  }
0x626: {  	[tilespmem:s24], [sflag:$0x1] =	stream.indirect_vreg.gather [hbm4b:s15+s4], $0x80, v59, vm0, $0xb8;
	[tilespmem:$0x18C00] =	vst v63  }
0x627: {  	v42 =	vperm.xlane v33, v17;
	v41 =	vadd.s32 v6, v40;
	s25 =	simm.s32 $0x1100  }
0x628: {  	[tilespmem:s25], [sflag:$0x1] =	stream.indirect_vreg.gather [hbm4b:s15+s4], $0x80, v61, vm0, $0xb8;
	[tilespmem:$0x18C00] =	vst v63  }
0x629: {  	v43 =	vadd.s32 v6, v42;
	v44 =	vperm.xlane v33, v18;
	s26 =	simm.s32 $0x1180  }
0x62a: {  	[tilespmem:s26], [sflag:$0x1] =	stream.indirect_vreg.gather [hbm4b:s15+s4], $0x80, v63, vm0, $0xb8;
	[tilespmem:$0x18C00] =	vst v63  }
0x62b: {  	v33 =	vperm.xlane v33, v19;
	v45 =	vadd.s32 v6, v44;
	s31 =	simm.s32 $0x1200  }
0x62c: {  	[tilespmem:s31], [sflag:$0x1] =	stream.indirect_vreg.gather [hbm4b:s15+s4], $0x80, v41, vm0, $0xb8;
	[tilespmem:$0x18C00] =	vst v63  }
0x62d: {  	v33 =	vadd.s32 v6, v33;
	s19 =	simm.s32 $0x1280  }
0x62e: {  	[tilespmem:s19], [sflag:$0x1] =	stream.indirect_vreg.gather [hbm4b:s15+s4], $0x80, v43, vm0, $0xb8;
	[tilespmem:$0x18C00] =	vst v63  }
0x62f: {  	s20 =	simm.s32 $0x1300  }
0x630: {  	[tilespmem:s20], [sflag:$0x1] =	stream.indirect_vreg.gather [hbm4b:s15+s4], $0x80, v45, vm0, $0xb8;
	[tilespmem:$0x18C00] =	vst v63  }
0x631: {  	s21 =	simm.s32 $0x1380  }
0x632: {  	[tilespmem:s21], [sflag:$0x1] =	stream.indirect_vreg.gather [hbm4b:s15+s4], $0x80, v33, vm0, $0xb8;
	[tilespmem:$0x18C00] =	vst v63  }
0x633: {  	v33 =	vld [tilespmem:$0x220];
	_ =	sdelay $0x4  }
0x634: {  	v46 =	vshll.u32 v33, $0x2  }
0x635: {  	v33 =	vand.u32 $0x7, v33;
	v34 =	vand.u32 $0xFFFFFFE0, v46  }
0x636: {  	v33 =	vor.u32 v33, v34  }
0x637: {  	v34 =	vperm.xlane v33, v4;
	_ =	sdelay $0x1  }
0x638: {  	v47 =	vperm.xlane v33, v7;
	v34 =	vadd.s32 v6, v34;
	_ =	sdelay $0x1  }
0x639: {  	v48 =	vperm.xlane v33, v3;
	v35 =	vadd.s32 v6, v47;
	_ =	sdelay $0x1  }
0x63a: {  	s22 =	simm.s32 $0x1400;
	v49 =	vperm.xlane v33, v8;
	v36 =	vadd.s32 v6, v48  }
0x63b: {  	[tilespmem:s22], [sflag:$0x1] =	stream.indirect_vreg.gather [hbm4b:s15+s4], $0x80, v34, vm0, $0xb8;
	[tilespmem:$0x18C00] =	vst v63  }
0x63c: {  	s23 =	simm.s32 $0x1480;
	v51 =	vperm.xlane v33, v9;
	v50 =	vadd.s32 v6, v49  }
0x63d: {  	[tilespmem:s23], [sflag:$0x1] =	stream.indirect_vreg.gather [hbm4b:s15+s4], $0x80, v35, vm0, $0xb8;
	[tilespmem:$0x18C00] =	vst v63  }
0x63e: {  	s24 =	simm.s32 $0x1500;
	v53 =	vperm.xlane v33, v10;
	v52 =	vadd.s32 v6, v51  }
0x63f: {  	[tilespmem:s24], [sflag:$0x1] =	stream.indirect_vreg.gather [hbm4b:s15+s4], $0x80, v36, vm0, $0xb8;
	[tilespmem:$0x18C00] =	vst v63  }
0x640: {  	s25 =	simm.s32 $0x1580;
	v55 =	vperm.xlane v33, v11;
	v54 =	vadd.s32 v6, v53  }
0x641: {  	[tilespmem:s25], [sflag:$0x1] =	stream.indirect_vreg.gather [hbm4b:s15+s4], $0x80, v50, vm0, $0xb8;
	[tilespmem:$0x18C00] =	vst v63  }
0x642: {  	s26 =	simm.s32 $0x1600;
	v57 =	vperm.xlane v33, v2;
	v56 =	vadd.s32 v6, v55  }
0x643: {  	[tilespmem:s26], [sflag:$0x1] =	stream.indirect_vreg.gather [hbm4b:s15+s4], $0x80, v52, vm0, $0xb8;
	[tilespmem:$0x18C00] =	vst v63  }
0x644: {  	s31 =	simm.s32 $0x1680;
	v59 =	vperm.xlane v33, v12;
	v58 =	vadd.s32 v6, v57  }
0x645: {  	[tilespmem:s31], [sflag:$0x1] =	stream.indirect_vreg.gather [hbm4b:s15+s4], $0x80, v54, vm0, $0xb8;
	[tilespmem:$0x18C00] =	vst v63  }
0x646: {  	s19 =	simm.s32 $0x1700;
	v61 =	vperm.xlane v33, v13;
	v60 =	vadd.s32 v6, v59  }
0x647: {  	[tilespmem:s19], [sflag:$0x1] =	stream.indirect_vreg.gather [hbm4b:s15+s4], $0x80, v56, vm0, $0xb8;
	[tilespmem:$0x18C00] =	vst v63  }
0x648: {  	s20 =	simm.s32 $0x1780;
	v63 =	vperm.xlane v33, v14;
	v62 =	vadd.s32 v6, v61  }
0x649: {  	[tilespmem:s20], [sflag:$0x1] =	stream.indirect_vreg.gather [hbm4b:s15+s4], $0x80, v58, vm0, $0xb8;
	[tilespmem:$0x18C00] =	vst v63  }
0x64a: {  	s21 =	simm.s32 $0x1800;
	v41 =	vperm.xlane v33, v15;
	v40 =	vadd.s32 v6, v63  }
0x64b: {  	[tilespmem:s21], [sflag:$0x1] =	stream.indirect_vreg.gather [hbm4b:s15+s4], $0x80, v60, vm0, $0xb8;
	[tilespmem:$0x18C00] =	vst v63  }
0x64c: {  	v43 =	vperm.xlane v33, v16;
	v42 =	vadd.s32 v6, v41;
	s22 =	simm.s32 $0x1880  }
0x64d: {  	[tilespmem:s22], [sflag:$0x1] =	stream.indirect_vreg.gather [hbm4b:s15+s4], $0x80, v62, vm0, $0xb8;
	[tilespmem:$0x18C00] =	vst v63  }
0x64e: {  	v45 =	vperm.xlane v33, v17;
	v44 =	vadd.s32 v6, v43;
	s23 =	simm.s32 $0x1900  }
0x64f: {  	[tilespmem:s23], [sflag:$0x1] =	stream.indirect_vreg.gather [hbm4b:s15+s4], $0x80, v40, vm0, $0xb8;
	[tilespmem:$0x18C00] =	vst v63  }
0x650: {  	v46 =	vadd.s32 v6, v45;
	v47 =	vperm.xlane v33, v18;
	s24 =	simm.s32 $0x1980  }
0x651: {  	[tilespmem:s24], [sflag:$0x1] =	stream.indirect_vreg.gather [hbm4b:s15+s4], $0x80, v42, vm0, $0xb8;
	[tilespmem:$0x18C00] =	vst v63  }
0x652: {  	v33 =	vperm.xlane v33, v19;
	v48 =	vadd.s32 v6, v47;
	s25 =	simm.s32 $0x1A00  }
0x653: {  	[tilespmem:s25], [sflag:$0x1] =	stream.indirect_vreg.gather [hbm4b:s15+s4], $0x80, v44, vm0, $0xb8;
	[tilespmem:$0x18C00] =	vst v63  }
0x654: {  	v33 =	vadd.s32 v6, v33;
	s26 =	simm.s32 $0x1A80  }
0x655: {  	[tilespmem:s26], [sflag:$0x1] =	stream.indirect_vreg.gather [hbm4b:s15+s4], $0x80, v46, vm0, $0xb8;
	[tilespmem:$0x18C00] =	vst v63  }
0x656: {  	s31 =	simm.s32 $0x1B00  }
0x657: {  	[tilespmem:s31], [sflag:$0x1] =	stream.indirect_vreg.gather [hbm4b:s15+s4], $0x80, v48, vm0, $0xb8;
	[tilespmem:$0x18C00] =	vst v63  }
0x658: {  	s19 =	simm.s32 $0x1B80  }
0x659: {  	[tilespmem:s19], [sflag:$0x1] =	stream.indirect_vreg.gather [hbm4b:s15+s4], $0x80, v33, vm0, $0xb8;
	[tilespmem:$0x18C00] =	vst v63  }
0x65a: {  	v33 =	vld [tilespmem:$0x230];
	_ =	sdelay $0x4  }
0x65b: {  	v49 =	vshll.u32 v33, $0x2  }
0x65c: {  	v33 =	vand.u32 $0x7, v33;
	v34 =	vand.u32 $0xFFFFFFE0, v49  }
0x65d: {  	v33 =	vor.u32 v33, v34  }
0x65e: {  	v34 =	vperm.xlane v33, v4;
	_ =	sdelay $0x1  }
0x65f: {  	v50 =	vperm.xlane v33, v7;
	v34 =	vadd.s32 v6, v34;
	_ =	sdelay $0x1  }
0x660: {  	v51 =	vperm.xlane v33, v3;
	v35 =	vadd.s32 v6, v50;
	_ =	sdelay $0x1  }
0x661: {  	s20 =	simm.s32 $0x1C00;
	v52 =	vperm.xlane v33, v8;
	v36 =	vadd.s32 v6, v51  }
0x662: {  	[tilespmem:s20], [sflag:$0x1] =	stream.indirect_vreg.gather [hbm4b:s15+s4], $0x80, v34, vm0, $0xb8;
	[tilespmem:$0x18C00] =	vst v63  }
0x663: {  	s21 =	simm.s32 $0x1C80;
	v54 =	vperm.xlane v33, v9;
	v53 =	vadd.s32 v6, v52  }
0x664: {  	[tilespmem:s21], [sflag:$0x1] =	stream.indirect_vreg.gather [hbm4b:s15+s4], $0x80, v35, vm0, $0xb8;
	[tilespmem:$0x18C00] =	vst v63  }
0x665: {  	s22 =	simm.s32 $0x1D00;
	v56 =	vperm.xlane v33, v10;
	v55 =	vadd.s32 v6, v54  }
0x666: {  	[tilespmem:s22], [sflag:$0x1] =	stream.indirect_vreg.gather [hbm4b:s15+s4], $0x80, v36, vm0, $0xb8;
	[tilespmem:$0x18C00] =	vst v63  }
0x667: {  	s23 =	simm.s32 $0x1D80;
	v58 =	vperm.xlane v33, v11;
	v57 =	vadd.s32 v6, v56  }
0x668: {  	[tilespmem:s23], [sflag:$0x1] =	stream.indirect_vreg.gather [hbm4b:s15+s4], $0x80, v53, vm0, $0xb8;
	[tilespmem:$0x18C00] =	vst v63  }
0x669: {  	s24 =	simm.s32 $0x1E00;
	v60 =	vperm.xlane v33, v2;
	v59 =	vadd.s32 v6, v58  }
0x66a: {  	[tilespmem:s24], [sflag:$0x1] =	stream.indirect_vreg.gather [hbm4b:s15+s4], $0x80, v55, vm0, $0xb8;
	[tilespmem:$0x18C00] =	vst v63  }
0x66b: {  	s25 =	simm.s32 $0x1E80;
	v62 =	vperm.xlane v33, v12;
	v61 =	vadd.s32 v6, v60  }
0x66c: {  	[tilespmem:s25], [sflag:$0x1] =	stream.indirect_vreg.gather [hbm4b:s15+s4], $0x80, v57, vm0, $0xb8;
	[tilespmem:$0x18C00] =	vst v63  }
0x66d: {  	s26 =	simm.s32 $0x1F00;
	v40 =	vperm.xlane v33, v13;
	v63 =	vadd.s32 v6, v62  }
0x66e: {  	[tilespmem:s26], [sflag:$0x1] =	stream.indirect_vreg.gather [hbm4b:s15+s4], $0x80, v59, vm0, $0xb8;
	[tilespmem:$0x18C00] =	vst v63  }
0x66f: {  	s31 =	simm.s32 $0x1F80;
	v42 =	vperm.xlane v33, v14;
	v41 =	vadd.s32 v6, v40  }
0x670: {  	[tilespmem:s31], [sflag:$0x1] =	stream.indirect_vreg.gather [hbm4b:s15+s4], $0x80, v61, vm0, $0xb8;
	[tilespmem:$0x18C00] =	vst v63  }
0x671: {  	s19 =	simm.s32 $0x2000;
	v44 =	vperm.xlane v33, v15;
	v43 =	vadd.s32 v6, v42  }
0x672: {  	[tilespmem:s19], [sflag:$0x1] =	stream.indirect_vreg.gather [hbm4b:s15+s4], $0x80, v63, vm0, $0xb8;
	[tilespmem:$0x18C00] =	vst v63  }
0x673: {  	v46 =	vperm.xlane v33, v16;
	v45 =	vadd.s32 v6, v44;
	s20 =	simm.s32 $0x2080  }
0x674: {  	[tilespmem:s20], [sflag:$0x1] =	stream.indirect_vreg.gather [hbm4b:s15+s4], $0x80, v41, vm0, $0xb8;
	[tilespmem:$0x18C00] =	vst v63  }
0x675: {  	v48 =	vperm.xlane v33, v17;
	v47 =	vadd.s32 v6, v46;
	s21 =	simm.s32 $0x2100  }
0x676: {  	[tilespmem:s21], [sflag:$0x1] =	stream.indirect_vreg.gather [hbm4b:s15+s4], $0x80, v43, vm0, $0xb8;
	[tilespmem:$0x18C00] =	vst v63  }
0x677: {  	v49 =	vadd.s32 v6, v48;
	v50 =	vperm.xlane v33, v18;
	s22 =	simm.s32 $0x2180  }
0x678: {  	[tilespmem:s22], [sflag:$0x1] =	stream.indirect_vreg.gather [hbm4b:s15+s4], $0x80, v45, vm0, $0xb8;
	[tilespmem:$0x18C00] =	vst v63  }
0x679: {  	v33 =	vperm.xlane v33, v19;
	v51 =	vadd.s32 v6, v50;
	s23 =	simm.s32 $0x2200  }
0x67a: {  	[tilespmem:s23], [sflag:$0x1] =	stream.indirect_vreg.gather [hbm4b:s15+s4], $0x80, v47, vm0, $0xb8;
	[tilespmem:$0x18C00] =	vst v63  }
0x67b: {  	v33 =	vadd.s32 v6, v33;
	s24 =	simm.s32 $0x2280  }
0x67c: {  	[tilespmem:s24], [sflag:$0x1] =	stream.indirect_vreg.gather [hbm4b:s15+s4], $0x80, v49, vm0, $0xb8;
	[tilespmem:$0x18C00] =	vst v63  }
0x67d: {  	s25 =	simm.s32 $0x2300  }
0x67e: {  	[tilespmem:s25], [sflag:$0x1] =	stream.indirect_vreg.gather [hbm4b:s15+s4], $0x80, v51, vm0, $0xb8;
	[tilespmem:$0x18C00] =	vst v63  }
0x67f: {  	s26 =	simm.s32 $0x2380  }
0x680: {  	[tilespmem:s26], [sflag:$0x1] =	stream.indirect_vreg.gather [hbm4b:s15+s4], $0x80, v33, vm0, $0xb8;
	[tilespmem:$0x18C00] =	vst v63  }
0x681: {  	v33 =	vld [tilespmem:$0x240];
	_ =	sdelay $0x4  }
0x682: {  	v52 =	vshll.u32 v33, $0x2  }
0x683: {  	v33 =	vand.u32 $0x7, v33;
	v34 =	vand.u32 $0xFFFFFFE0, v52  }
0x684: {  	v33 =	vor.u32 v33, v34  }
0x685: {  	v34 =	vperm.xlane v33, v4;
	_ =	sdelay $0x1  }
0x686: {  	v53 =	vperm.xlane v33, v7;
	v34 =	vadd.s32 v6, v34;
	_ =	sdelay $0x1  }
0x687: {  	v54 =	vperm.xlane v33, v3;
	v35 =	vadd.s32 v6, v53;
	_ =	sdelay $0x1  }
0x688: {  	s31 =	simm.s32 $0x2400;
	v55 =	vperm.xlane v33, v8;
	v36 =	vadd.s32 v6, v54  }
0x689: {  	[tilespmem:s31], [sflag:$0x1] =	stream.indirect_vreg.gather [hbm4b:s15+s4], $0x80, v34, vm0, $0xb8;
	[tilespmem:$0x18C00] =	vst v63  }
0x68a: {  	s19 =	simm.s32 $0x2480;
	v57 =	vperm.xlane v33, v9;
	v56 =	vadd.s32 v6, v55  }
0x68b: {  	[tilespmem:s19], [sflag:$0x1] =	stream.indirect_vreg.gather [hbm4b:s15+s4], $0x80, v35, vm0, $0xb8;
	[tilespmem:$0x18C00] =	vst v63  }
0x68c: {  	s20 =	simm.s32 $0x2500;
	v59 =	vperm.xlane v33, v10;
	v58 =	vadd.s32 v6, v57  }
0x68d: {  	[tilespmem:s20], [sflag:$0x1] =	stream.indirect_vreg.gather [hbm4b:s15+s4], $0x80, v36, vm0, $0xb8;
	[tilespmem:$0x18C00] =	vst v63  }
0x68e: {  	s21 =	simm.s32 $0x2580;
	v61 =	vperm.xlane v33, v11;
	v60 =	vadd.s32 v6, v59  }
0x68f: {  	[tilespmem:s21], [sflag:$0x1] =	stream.indirect_vreg.gather [hbm4b:s15+s4], $0x80, v56, vm0, $0xb8;
	[tilespmem:$0x18C00] =	vst v63  }
0x690: {  	s22 =	simm.s32 $0x2600;
	v63 =	vperm.xlane v33, v2;
	v62 =	vadd.s32 v6, v61  }
0x691: {  	[tilespmem:s22], [sflag:$0x1] =	stream.indirect_vreg.gather [hbm4b:s15+s4], $0x80, v58, vm0, $0xb8;
	[tilespmem:$0x18C00] =	vst v63  }
0x692: {  	s23 =	simm.s32 $0x2680;
	v41 =	vperm.xlane v33, v12;
	v40 =	vadd.s32 v6, v63  }
0x693: {  	[tilespmem:s23], [sflag:$0x1] =	stream.indirect_vreg.gather [hbm4b:s15+s4], $0x80, v60, vm0, $0xb8;
	[tilespmem:$0x18C00] =	vst v63  }
0x694: {  	s24 =	simm.s32 $0x2700;
	v43 =	vperm.xlane v33, v13;
	v42 =	vadd.s32 v6, v41  }
0x695: {  	[tilespmem:s24], [sflag:$0x1] =	stream.indirect_vreg.gather [hbm4b:s15+s4], $0x80, v62, vm0, $0xb8;
	[tilespmem:$0x18C00] =	vst v63  }
0x696: {  	s25 =	simm.s32 $0x2780;
	v45 =	vperm.xlane v33, v14;
	v44 =	vadd.s32 v6, v43  }
0x697: {  	[tilespmem:s25], [sflag:$0x1] =	stream.indirect_vreg.gather [hbm4b:s15+s4], $0x80, v40, vm0, $0xb8;
	[tilespmem:$0x18C00] =	vst v63  }
0x698: {  	s26 =	simm.s32 $0x2800;
	v47 =	vperm.xlane v33, v15;
	v46 =	vadd.s32 v6, v45  }
0x699: {  	[tilespmem:s26], [sflag:$0x1] =	stream.indirect_vreg.gather [hbm4b:s15+s4], $0x80, v42, vm0, $0xb8;
	[tilespmem:$0x18C00] =	vst v63  }
0x69a: {  	v49 =	vperm.xlane v33, v16;
	v48 =	vadd.s32 v6, v47;
	s31 =	simm.s32 $0x2880  }
0x69b: {  	[tilespmem:s31], [sflag:$0x1] =	stream.indirect_vreg.gather [hbm4b:s15+s4], $0x80, v44, vm0, $0xb8;
	[tilespmem:$0x18C00] =	vst v63  }
0x69c: {  	v51 =	vperm.xlane v33, v17;
	v50 =	vadd.s32 v6, v49;
	s19 =	simm.s32 $0x2900  }
0x69d: {  	[tilespmem:s19], [sflag:$0x1] =	stream.indirect_vreg.gather [hbm4b:s15+s4], $0x80, v46, vm0, $0xb8;
	[tilespmem:$0x18C00] =	vst v63  }
0x69e: {  	v52 =	vadd.s32 v6, v51;
	v53 =	vperm.xlane v33, v18;
	s20 =	simm.s32 $0x2980  }
0x69f: {  	[tilespmem:s20], [sflag:$0x1] =	stream.indirect_vreg.gather [hbm4b:s15+s4], $0x80, v48, vm0, $0xb8;
	[tilespmem:$0x18C00] =	vst v63  }
0x6a0: {  	v33 =	vperm.xlane v33, v19;
	v54 =	vadd.s32 v6, v53;
	s21 =	simm.s32 $0x2A00  }
0x6a1: {  	[tilespmem:s21], [sflag:$0x1] =	stream.indirect_vreg.gather [hbm4b:s15+s4], $0x80, v50, vm0, $0xb8;
	[tilespmem:$0x18C00] =	vst v63  }
0x6a2: {  	v33 =	vadd.s32 v6, v33;
	s22 =	simm.s32 $0x2A80  }
0x6a3: {  	[tilespmem:s22], [sflag:$0x1] =	stream.indirect_vreg.gather [hbm4b:s15+s4], $0x80, v52, vm0, $0xb8;
	[tilespmem:$0x18C00] =	vst v63  }
0x6a4: {  	s23 =	simm.s32 $0x2B00  }
0x6a5: {  	[tilespmem:s23], [sflag:$0x1] =	stream.indirect_vreg.gather [hbm4b:s15+s4], $0x80, v54, vm0, $0xb8;
	[tilespmem:$0x18C00] =	vst v63  }
0x6a6: {  	s24 =	simm.s32 $0x2B80  }
0x6a7: {  	[tilespmem:s24], [sflag:$0x1] =	stream.indirect_vreg.gather [hbm4b:s15+s4], $0x80, v33, vm0, $0xb8;
	[tilespmem:$0x18C00] =	vst v63  }
0x6a8: {  	v33 =	vld [tilespmem:$0x250];
	_ =	sdelay $0x4  }
0x6a9: {  	v55 =	vshll.u32 v33, $0x2  }
0x6aa: {  	v33 =	vand.u32 $0x7, v33;
	v34 =	vand.u32 $0xFFFFFFE0, v55  }
0x6ab: {  	v33 =	vor.u32 v33, v34  }
0x6ac: {  	v34 =	vperm.xlane v33, v4;
	_ =	sdelay $0x1  }
0x6ad: {  	v56 =	vperm.xlane v33, v7;
	v34 =	vadd.s32 v6, v34;
	_ =	sdelay $0x1  }
0x6ae: {  	v57 =	vperm.xlane v33, v3;
	v35 =	vadd.s32 v6, v56;
	_ =	sdelay $0x1  }
0x6af: {  	s25 =	simm.s32 $0x2C00;
	v58 =	vperm.xlane v33, v8;
	v36 =	vadd.s32 v6, v57  }
0x6b0: {  	[tilespmem:s25], [sflag:$0x1] =	stream.indirect_vreg.gather [hbm4b:s15+s4], $0x80, v34, vm0, $0xb8;
	[tilespmem:$0x18C00] =	vst v63  }
0x6b1: {  	s26 =	simm.s32 $0x2C80;
	v60 =	vperm.xlane v33, v9;
	v59 =	vadd.s32 v6, v58  }
0x6b2: {  	[tilespmem:s26], [sflag:$0x1] =	stream.indirect_vreg.gather [hbm4b:s15+s4], $0x80, v35, vm0, $0xb8;
	[tilespmem:$0x18C00] =	vst v63  }
0x6b3: {  	s31 =	simm.s32 $0x2D00;
	v62 =	vperm.xlane v33, v10;
	v61 =	vadd.s32 v6, v60  }
0x6b4: {  	[tilespmem:s31], [sflag:$0x1] =	stream.indirect_vreg.gather [hbm4b:s15+s4], $0x80, v36, vm0, $0xb8;
	[tilespmem:$0x18C00] =	vst v63  }
0x6b5: {  	s19 =	simm.s32 $0x2D80;
	v40 =	vperm.xlane v33, v11;
	v63 =	vadd.s32 v6, v62  }
0x6b6: {  	[tilespmem:s19], [sflag:$0x1] =	stream.indirect_vreg.gather [hbm4b:s15+s4], $0x80, v59, vm0, $0xb8;
	[tilespmem:$0x18C00] =	vst v63  }
0x6b7: {  	s20 =	simm.s32 $0x2E00;
	v42 =	vperm.xlane v33, v2;
	v41 =	vadd.s32 v6, v40  }
0x6b8: {  	[tilespmem:s20], [sflag:$0x1] =	stream.indirect_vreg.gather [hbm4b:s15+s4], $0x80, v61, vm0, $0xb8;
	[tilespmem:$0x18C00] =	vst v63  }
0x6b9: {  	s21 =	simm.s32 $0x2E80;
	v44 =	vperm.xlane v33, v12;
	v43 =	vadd.s32 v6, v42  }
0x6ba: {  	[tilespmem:s21], [sflag:$0x1] =	stream.indirect_vreg.gather [hbm4b:s15+s4], $0x80, v63, vm0, $0xb8;
	[tilespmem:$0x18C00] =	vst v63  }
0x6bb: {  	s22 =	simm.s32 $0x2F00;
	v46 =	vperm.xlane v33, v13;
	v45 =	vadd.s32 v6, v44  }
0x6bc: {  	[tilespmem:s22], [sflag:$0x1] =	stream.indirect_vreg.gather [hbm4b:s15+s4], $0x80, v41, vm0, $0xb8;
	[tilespmem:$0x18C00] =	vst v63  }
0x6bd: {  	s23 =	simm.s32 $0x2F80;
	v48 =	vperm.xlane v33, v14;
	v47 =	vadd.s32 v6, v46  }
0x6be: {  	[tilespmem:s23], [sflag:$0x1] =	stream.indirect_vreg.gather [hbm4b:s15+s4], $0x80, v43, vm0, $0xb8;
	[tilespmem:$0x18C00] =	vst v63  }
0x6bf: {  	s24 =	simm.s32 $0x3000;
	v50 =	vperm.xlane v33, v15;
	v49 =	vadd.s32 v6, v48  }
0x6c0: {  	[tilespmem:s24], [sflag:$0x1] =	stream.indirect_vreg.gather [hbm4b:s15+s4], $0x80, v45, vm0, $0xb8;
	[tilespmem:$0x18C00] =	vst v63  }
0x6c1: {  	v52 =	vperm.xlane v33, v16;
	v51 =	vadd.s32 v6, v50;
	s25 =	simm.s32 $0x3080  }
0x6c2: {  	[tilespmem:s25], [sflag:$0x1] =	stream.indirect_vreg.gather [hbm4b:s15+s4], $0x80, v47, vm0, $0xb8;
	[tilespmem:$0x18C00] =	vst v63  }
0x6c3: {  	v54 =	vperm.xlane v33, v17;
	v53 =	vadd.s32 v6, v52;
	s26 =	simm.s32 $0x3100  }
0x6c4: {  	[tilespmem:s26], [sflag:$0x1] =	stream.indirect_vreg.gather [hbm4b:s15+s4], $0x80, v49, vm0, $0xb8;
	[tilespmem:$0x18C00] =	vst v63  }
0x6c5: {  	v55 =	vadd.s32 v6, v54;
	v56 =	vperm.xlane v33, v18;
	s31 =	simm.s32 $0x3180  }
0x6c6: {  	[tilespmem:s31], [sflag:$0x1] =	stream.indirect_vreg.gather [hbm4b:s15+s4], $0x80, v51, vm0, $0xb8;
	[tilespmem:$0x18C00] =	vst v63  }
0x6c7: {  	v33 =	vperm.xlane v33, v19;
	v57 =	vadd.s32 v6, v56;
	s19 =	simm.s32 $0x3200  }
0x6c8: {  	[tilespmem:s19], [sflag:$0x1] =	stream.indirect_vreg.gather [hbm4b:s15+s4], $0x80, v53, vm0, $0xb8;
	[tilespmem:$0x18C00] =	vst v63  }
0x6c9: {  	v33 =	vadd.s32 v6, v33;
	s20 =	simm.s32 $0x3280  }
0x6ca: {  	[tilespmem:s20], [sflag:$0x1] =	stream.indirect_vreg.gather [hbm4b:s15+s4], $0x80, v55, vm0, $0xb8;
	[tilespmem:$0x18C00] =	vst v63  }
0x6cb: {  	s21 =	simm.s32 $0x3300  }
0x6cc: {  	[tilespmem:s21], [sflag:$0x1] =	stream.indirect_vreg.gather [hbm4b:s15+s4], $0x80, v57, vm0, $0xb8;
	[tilespmem:$0x18C00] =	vst v63  }
0x6cd: {  	s22 =	simm.s32 $0x3380  }
0x6ce: {  	[tilespmem:s22], [sflag:$0x1] =	stream.indirect_vreg.gather [hbm4b:s15+s4], $0x80, v33, vm0, $0xb8;
	[tilespmem:$0x18C00] =	vst v63  }
0x6cf: {  	v33 =	vld [tilespmem:$0x260];
	_ =	sdelay $0x4  }
0x6d0: {  	v58 =	vshll.u32 v33, $0x2  }
0x6d1: {  	v33 =	vand.u32 $0x7, v33;
	v34 =	vand.u32 $0xFFFFFFE0, v58  }
0x6d2: {  	v33 =	vor.u32 v33, v34  }
0x6d3: {  	v34 =	vperm.xlane v33, v4;
	_ =	sdelay $0x1  }
0x6d4: {  	v59 =	vperm.xlane v33, v7;
	v34 =	vadd.s32 v6, v34;
	_ =	sdelay $0x1  }
0x6d5: {  	v60 =	vperm.xlane v33, v3;
	v35 =	vadd.s32 v6, v59;
	_ =	sdelay $0x1  }
0x6d6: {  	s23 =	simm.s32 $0x3400;
	v61 =	vperm.xlane v33, v8;
	v36 =	vadd.s32 v6, v60  }
0x6d7: {  	[tilespmem:s23], [sflag:$0x1] =	stream.indirect_vreg.gather [hbm4b:s15+s4], $0x80, v34, vm0, $0xb8;
	[tilespmem:$0x18C00] =	vst v63  }
0x6d8: {  	s24 =	simm.s32 $0x3480;
	v63 =	vperm.xlane v33, v9;
	v62 =	vadd.s32 v6, v61  }
0x6d9: {  	[tilespmem:s24], [sflag:$0x1] =	stream.indirect_vreg.gather [hbm4b:s15+s4], $0x80, v35, vm0, $0xb8;
	[tilespmem:$0x18C00] =	vst v63  }
0x6da: {  	s25 =	simm.s32 $0x3500;
	v41 =	vperm.xlane v33, v10;
	v40 =	vadd.s32 v6, v63  }
0x6db: {  	[tilespmem:s25], [sflag:$0x1] =	stream.indirect_vreg.gather [hbm4b:s15+s4], $0x80, v36, vm0, $0xb8;
	[tilespmem:$0x18C00] =	vst v63  }
0x6dc: {  	s26 =	simm.s32 $0x3580;
	v43 =	vperm.xlane v33, v11;
	v42 =	vadd.s32 v6, v41  }
0x6dd: {  	[tilespmem:s26], [sflag:$0x1] =	stream.indirect_vreg.gather [hbm4b:s15+s4], $0x80, v62, vm0, $0xb8;
	[tilespmem:$0x18C00] =	vst v63  }
0x6de: {  	s31 =	simm.s32 $0x3600;
	v45 =	vperm.xlane v33, v2;
	v44 =	vadd.s32 v6, v43  }
0x6df: {  	[tilespmem:s31], [sflag:$0x1] =	stream.indirect_vreg.gather [hbm4b:s15+s4], $0x80, v40, vm0, $0xb8;
	[tilespmem:$0x18C00] =	vst v63  }
0x6e0: {  	s19 =	simm.s32 $0x3680;
	v47 =	vperm.xlane v33, v12;
	v46 =	vadd.s32 v6, v45  }
0x6e1: {  	[tilespmem:s19], [sflag:$0x1] =	stream.indirect_vreg.gather [hbm4b:s15+s4], $0x80, v42, vm0, $0xb8;
	[tilespmem:$0x18C00] =	vst v63  }
0x6e2: {  	s20 =	simm.s32 $0x3700;
	v49 =	vperm.xlane v33, v13;
	v48 =	vadd.s32 v6, v47  }
0x6e3: {  	[tilespmem:s20], [sflag:$0x1] =	stream.indirect_vreg.gather [hbm4b:s15+s4], $0x80, v44, vm0, $0xb8;
	[tilespmem:$0x18C00] =	vst v63  }
0x6e4: {  	s21 =	simm.s32 $0x3780;
	v51 =	vperm.xlane v33, v14;
	v50 =	vadd.s32 v6, v49  }
0x6e5: {  	[tilespmem:s21], [sflag:$0x1] =	stream.indirect_vreg.gather [hbm4b:s15+s4], $0x80, v46, vm0, $0xb8;
	[tilespmem:$0x18C00] =	vst v63  }
0x6e6: {  	s22 =	simm.s32 $0x3800;
	v53 =	vperm.xlane v33, v15;
	v52 =	vadd.s32 v6, v51  }
0x6e7: {  	[tilespmem:s22], [sflag:$0x1] =	stream.indirect_vreg.gather [hbm4b:s15+s4], $0x80, v48, vm0, $0xb8;
	[tilespmem:$0x18C00] =	vst v63  }
0x6e8: {  	v55 =	vperm.xlane v33, v16;
	v54 =	vadd.s32 v6, v53;
	s23 =	simm.s32 $0x3880  }
0x6e9: {  	[tilespmem:s23], [sflag:$0x1] =	stream.indirect_vreg.gather [hbm4b:s15+s4], $0x80, v50, vm0, $0xb8;
	[tilespmem:$0x18C00] =	vst v63  }
0x6ea: {  	v57 =	vperm.xlane v33, v17;
	v56 =	vadd.s32 v6, v55;
	s24 =	simm.s32 $0x3900  }
0x6eb: {  	[tilespmem:s24], [sflag:$0x1] =	stream.indirect_vreg.gather [hbm4b:s15+s4], $0x80, v52, vm0, $0xb8;
	[tilespmem:$0x18C00] =	vst v63  }
0x6ec: {  	v58 =	vadd.s32 v6, v57;
	v59 =	vperm.xlane v33, v18;
	s25 =	simm.s32 $0x3980  }
0x6ed: {  	[tilespmem:s25], [sflag:$0x1] =	stream.indirect_vreg.gather [hbm4b:s15+s4], $0x80, v54, vm0, $0xb8;
	[tilespmem:$0x18C00] =	vst v63  }
0x6ee: {  	v33 =	vperm.xlane v33, v19;
	v60 =	vadd.s32 v6, v59;
	s26 =	simm.s32 $0x3A00  }
0x6ef: {  	[tilespmem:s26], [sflag:$0x1] =	stream.indirect_vreg.gather [hbm4b:s15+s4], $0x80, v56, vm0, $0xb8;
	[tilespmem:$0x18C00] =	vst v63  }
0x6f0: {  	v33 =	vadd.s32 v6, v33;
	s31 =	simm.s32 $0x3A80  }
0x6f1: {  	[tilespmem:s31], [sflag:$0x1] =	stream.indirect_vreg.gather [hbm4b:s15+s4], $0x80, v58, vm0, $0xb8;
	[tilespmem:$0x18C00] =	vst v63  }
0x6f2: {  	s19 =	simm.s32 $0x3B00  }
0x6f3: {  	[tilespmem:s19], [sflag:$0x1] =	stream.indirect_vreg.gather [hbm4b:s15+s4], $0x80, v60, vm0, $0xb8;
	[tilespmem:$0x18C00] =	vst v63  }
0x6f4: {  	s20 =	simm.s32 $0x3B80  }
0x6f5: {  	[tilespmem:s20], [sflag:$0x1] =	stream.indirect_vreg.gather [hbm4b:s15+s4], $0x80, v33, vm0, $0xb8;
	[tilespmem:$0x18C00] =	vst v63  }
0x6f6: {  	v33 =	vld [tilespmem:$0x270];
	_ =	sdelay $0x4  }
0x6f7: {  	v61 =	vshll.u32 v33, $0x2  }
0x6f8: {  	v33 =	vand.u32 $0x7, v33;
	v34 =	vand.u32 $0xFFFFFFE0, v61  }
0x6f9: {  	v33 =	vor.u32 v33, v34  }
0x6fa: {  	v34 =	vperm.xlane v33, v4;
	_ =	sdelay $0x1  }
0x6fb: {  	v62 =	vperm.xlane v33, v7;
	v34 =	vadd.s32 v6, v34;
	_ =	sdelay $0x1  }
0x6fc: {  	v63 =	vperm.xlane v33, v3;
	v35 =	vadd.s32 v6, v62;
	_ =	sdelay $0x1  }
0x6fd: {  	s21 =	simm.s32 $0x3C00;
	v40 =	vperm.xlane v33, v8;
	v36 =	vadd.s32 v6, v63  }
0x6fe: {  	[tilespmem:s21], [sflag:$0x1] =	stream.indirect_vreg.gather [hbm4b:s15+s4], $0x80, v34, vm0, $0xb8;
	[tilespmem:$0x18C00] =	vst v63  }
0x6ff: {  	s22 =	simm.s32 $0x3C80;
	v42 =	vperm.xlane v33, v9;
	v41 =	vadd.s32 v6, v40  }
0x700: {  	[tilespmem:s22], [sflag:$0x1] =	stream.indirect_vreg.gather [hbm4b:s15+s4], $0x80, v35, vm0, $0xb8;
	[tilespmem:$0x18C00] =	vst v63  }
0x701: {  	s23 =	simm.s32 $0x3D00;
	v44 =	vperm.xlane v33, v10;
	v43 =	vadd.s32 v6, v42  }
0x702: {  	[tilespmem:s23], [sflag:$0x1] =	stream.indirect_vreg.gather [hbm4b:s15+s4], $0x80, v36, vm0, $0xb8;
	[tilespmem:$0x18C00] =	vst v63  }
0x703: {  	s24 =	simm.s32 $0x3D80;
	v46 =	vperm.xlane v33, v11;
	v45 =	vadd.s32 v6, v44  }
0x704: {  	[tilespmem:s24], [sflag:$0x1] =	stream.indirect_vreg.gather [hbm4b:s15+s4], $0x80, v41, vm0, $0xb8;
	[tilespmem:$0x18C00] =	vst v63  }
0x705: {  	s25 =	simm.s32 $0x3E00;
	v48 =	vperm.xlane v33, v2;
	v47 =	vadd.s32 v6, v46  }
0x706: {  	[tilespmem:s25], [sflag:$0x1] =	stream.indirect_vreg.gather [hbm4b:s15+s4], $0x80, v43, vm0, $0xb8;
	[tilespmem:$0x18C00] =	vst v63  }
0x707: {  	s26 =	simm.s32 $0x3E80;
	v50 =	vperm.xlane v33, v12;
	v49 =	vadd.s32 v6, v48  }
0x708: {  	[tilespmem:s26], [sflag:$0x1] =	stream.indirect_vreg.gather [hbm4b:s15+s4], $0x80, v45, vm0, $0xb8;
	[tilespmem:$0x18C00] =	vst v63  }
0x709: {  	s31 =	simm.s32 $0x3F00;
	v52 =	vperm.xlane v33, v13;
	v51 =	vadd.s32 v6, v50  }
0x70a: {  	[tilespmem:s31], [sflag:$0x1] =	stream.indirect_vreg.gather [hbm4b:s15+s4], $0x80, v47, vm0, $0xb8;
	[tilespmem:$0x18C00] =	vst v63  }
0x70b: {  	s19 =	simm.s32 $0x3F80;
	v54 =	vperm.xlane v33, v14;
	v53 =	vadd.s32 v6, v52  }
0x70c: {  	[tilespmem:s19], [sflag:$0x1] =	stream.indirect_vreg.gather [hbm4b:s15+s4], $0x80, v49, vm0, $0xb8;
	[tilespmem:$0x18C00] =	vst v63  }
0x70d: {  	s20 =	simm.s32 $0x4000;
	v56 =	vperm.xlane v33, v15;
	v55 =	vadd.s32 v6, v54  }
0x70e: {  	[tilespmem:s20], [sflag:$0x1] =	stream.indirect_vreg.gather [hbm4b:s15+s4], $0x80, v51, vm0, $0xb8;
	[tilespmem:$0x18C00] =	vst v63  }
0x70f: {  	v58 =	vperm.xlane v33, v16;
	v57 =	vadd.s32 v6, v56;
	s21 =	simm.s32 $0x4080  }
0x710: {  	[tilespmem:s21], [sflag:$0x1] =	stream.indirect_vreg.gather [hbm4b:s15+s4], $0x80, v53, vm0, $0xb8;
	[tilespmem:$0x18C00] =	vst v63  }
0x711: {  	v60 =	vperm.xlane v33, v17;
	v59 =	vadd.s32 v6, v58;
	s22 =	simm.s32 $0x4100  }
0x712: {  	[tilespmem:s22], [sflag:$0x1] =	stream.indirect_vreg.gather [hbm4b:s15+s4], $0x80, v55, vm0, $0xb8;
	[tilespmem:$0x18C00] =	vst v63  }
0x713: {  	v61 =	vadd.s32 v6, v60;
	v62 =	vperm.xlane v33, v18;
	s23 =	simm.s32 $0x4180  }
0x714: {  	[tilespmem:s23], [sflag:$0x1] =	stream.indirect_vreg.gather [hbm4b:s15+s4], $0x80, v57, vm0, $0xb8;
	[tilespmem:$0x18C00] =	vst v63  }
0x715: {  	v33 =	vperm.xlane v33, v19;
	v63 =	vadd.s32 v6, v62;
	s24 =	simm.s32 $0x4200  }
0x716: {  	[tilespmem:s24], [sflag:$0x1] =	stream.indirect_vreg.gather [hbm4b:s15+s4], $0x80, v59, vm0, $0xb8;
	[tilespmem:$0x18C00] =	vst v63  }
0x717: {  	v33 =	vadd.s32 v6, v33;
	s25 =	simm.s32 $0x4280  }
0x718: {  	[tilespmem:s25], [sflag:$0x1] =	stream.indirect_vreg.gather [hbm4b:s15+s4], $0x80, v61, vm0, $0xb8;
	[tilespmem:$0x18C00] =	vst v63  }
0x719: {  	s26 =	simm.s32 $0x4300  }
0x71a: {  	[tilespmem:s26], [sflag:$0x1] =	stream.indirect_vreg.gather [hbm4b:s15+s4], $0x80, v63, vm0, $0xb8;
	[tilespmem:$0x18C00] =	vst v63  }
0x71b: {  	s31 =	simm.s32 $0x4380  }
0x71c: {  	[tilespmem:s31], [sflag:$0x1] =	stream.indirect_vreg.gather [hbm4b:s15+s4], $0x80, v33, vm0, $0xb8;
	[tilespmem:$0x18C00] =	vst v63  }
.LBB2_5:
0x71d: {  	_ =	swait.ge [sflag:s10], $0x4000  }
0x71e: {  	[sflag:s10] =	ssyncset.done $0x0  }
0x71f: {  	[sflag:s10] =	ssyncadd.s32 $0xFFFFC000  }
0x720: {  	v33 =	vld [tilespmem:$0x180];
	_ =	sdelay $0x4  }
0x721: {  	v34 =	vsub.s32 v33, v24  }
0x722: {  	v33 =	vand.u32 $0x7F, v33;
	v34 =	vand.u32 $0xFFFFFF80, v34  }
0x723: {  	v33 =	vor.u32 v33, v34  }
0x724: {  	v33 =	vadd.s32 v25, v33;
	_ =	sdelay $0x4  }
0x725: {  	v33 =	vld.idx.msk [tilespmem:v33+s14+$0x0], $0xffff;
	_ =	sdelay $0x4  }
0x726: {  	[tilespmem:s17+$0x18800] =	vst v33  }
0x727: {  	v33 =	vld [tilespmem:$0x190];
	_ =	sdelay $0x4  }
0x728: {  	v57 =	vsub.s32 v33, v24  }
0x729: {  	v33 =	vand.u32 $0x7F, v33;
	v34 =	vand.u32 $0xFFFFFF80, v57  }
0x72a: {  	v33 =	vor.u32 v33, v34  }
0x72b: {  	v33 =	vadd.s32 v26, v33;
	_ =	sdelay $0x4  }
0x72c: {  	v33 =	vld.idx.msk [tilespmem:v33+s14+$0x0], $0xffff;
	_ =	sdelay $0x4  }
0x72d: {  	[tilespmem:s17+$0x18810] =	vst v33  }
0x72e: {  	v33 =	vld [tilespmem:$0x1A0];
	_ =	sdelay $0x4  }
0x72f: {  	v58 =	vsub.s32 v33, v24  }
0x730: {  	v33 =	vand.u32 $0x7F, v33;
	v34 =	vand.u32 $0xFFFFFF80, v58  }
0x731: {  	v33 =	vor.u32 v33, v34  }
0x732: {  	v33 =	vadd.s32 v27, v33;
	_ =	sdelay $0x4  }
0x733: {  	v33 =	vld.idx.msk [tilespmem:v33+s14+$0x0], $0xffff;
	_ =	sdelay $0x4  }
0x734: {  	[tilespmem:s17+$0x18820] =	vst v33  }
0x735: {  	v33 =	vld [tilespmem:$0x1B0];
	_ =	sdelay $0x4  }
0x736: {  	v59 =	vsub.s32 v33, v24  }
0x737: {  	v33 =	vand.u32 $0x7F, v33;
	v34 =	vand.u32 $0xFFFFFF80, v59  }
0x738: {  	v33 =	vor.u32 v33, v34  }
0x739: {  	v33 =	vadd.s32 v28, v33;
	_ =	sdelay $0x4  }
0x73a: {  	v33 =	vld.idx.msk [tilespmem:v33+s14+$0x0], $0xffff;
	_ =	sdelay $0x4  }
0x73b: {  	[tilespmem:s17+$0x18830] =	vst v33  }
0x73c: {  	v33 =	vld [tilespmem:$0x1C0];
	_ =	sdelay $0x4  }
0x73d: {  	v60 =	vsub.s32 v33, v24  }
0x73e: {  	v33 =	vand.u32 $0x7F, v33;
	v34 =	vand.u32 $0xFFFFFF80, v60  }
0x73f: {  	v33 =	vor.u32 v33, v34  }
0x740: {  	v33 =	vadd.s32 v29, v33;
	_ =	sdelay $0x4  }
0x741: {  	v33 =	vld.idx.msk [tilespmem:v33+s14+$0x0], $0xffff;
	_ =	sdelay $0x4  }
0x742: {  	[tilespmem:s17+$0x18840] =	vst v33  }
0x743: {  	v33 =	vld [tilespmem:$0x1D0];
	_ =	sdelay $0x4  }
0x744: {  	v61 =	vsub.s32 v33, v24  }
0x745: {  	v33 =	vand.u32 $0x7F, v33;
	v34 =	vand.u32 $0xFFFFFF80, v61  }
0x746: {  	v33 =	vor.u32 v33, v34  }
0x747: {  	v33 =	vadd.s32 v30, v33;
	_ =	sdelay $0x4  }
0x748: {  	v33 =	vld.idx.msk [tilespmem:v33+s14+$0x0], $0xffff;
	_ =	sdelay $0x4  }
0x749: {  	[tilespmem:s17+$0x18850] =	vst v33  }
0x74a: {  	v33 =	vld [tilespmem:$0x1E0];
	_ =	sdelay $0x4  }
0x74b: {  	v62 =	vsub.s32 v33, v24  }
0x74c: {  	v33 =	vand.u32 $0x7F, v33;
	v34 =	vand.u32 $0xFFFFFF80, v62  }
0x74d: {  	v33 =	vor.u32 v33, v34  }
0x74e: {  	v33 =	vadd.s32 v31, v33;
	_ =	sdelay $0x4  }
0x74f: {  	v33 =	vld.idx.msk [tilespmem:v33+s14+$0x0], $0xffff;
	_ =	sdelay $0x4  }
0x750: {  	[tilespmem:s17+$0x18860] =	vst v33  }
0x751: {  	v33 =	vld [tilespmem:$0x1F0];
	_ =	sdelay $0x4  }
0x752: {  	v63 =	vsub.s32 v33, v24  }
0x753: {  	v33 =	vand.u32 $0x7F, v33;
	v34 =	vand.u32 $0xFFFFFF80, v63  }
0x754: {  	v33 =	vor.u32 v33, v34  }
0x755: {  	v33 =	vadd.s32 v32, v33;
	_ =	sdelay $0x4  }
0x756: {  	v33 =	vld.idx.msk [tilespmem:v33+s14+$0x0], $0xffff  }
.Ltmp6:
0x757: {  	_ = 	snop;
	(pc) =	sbr.rel @p0 .LBB2_7-.Ltmp6, $2  }
0x758: {  	_ =	sdelay $0x2  }
0x759: {  	[tilespmem:s17+$0x18870] =	vst v33  }
0x75a: {  	v33 =	vld [tilespmem:$0x80];
	_ =	sdelay $0x2  }
0x75b: {  	v34 =	vld [tilespmem:$0x90]  }
0x75c: {  	s19 =	sadd.s32 $0x400, s18;
	v35 =	vld [tilespmem:$0xA0]  }
0x75d: {  	v37 =	vld [tilespmem:$0xB0];
	v36 =	vadd.s32 s19, v33  }
0x75e: {  	v38 =	vld [tilespmem:$0xC0];
	v39 =	vshll.u32 v36, $0x2  }
0x75f: {  	v59 =	vld [tilespmem:$0xF0];
	v33 =	vand.u32 $0x7, v33;
	v39 =	vand.u32 $0xFFFFFFE0, v39  }
0x760: {  	v40 =	vld [tilespmem:$0xD0];
	v34 =	vadd.s32 s19, v34;
	[tilespmem:$0x280] =	vst v36;
	v33 =	vor.u32 v33, v39  }
0x761: {  	v57 =	vld [tilespmem:$0xE0];
	v58 =	vadd.s32 s19, v35;
	[tilespmem:$0x290] =	vst v34;
	v39 =	vperm.xlane v33, v4  }
0x762: {  	v60 =	vadd.s32 s19, v37;
	[tilespmem:$0x2A0] =	vst v58  }
0x763: {  	v61 =	vadd.s32 s19, v38;
	[tilespmem:$0x2B0] =	vst v60;
	v63 =	vperm.xlane v33, v7;
	v62 =	vadd.s32 v6, v39  }
0x764: {  	v35 =	vadd.s32 s19, v59;
	[tilespmem:$0x2C0] =	vst v61  }
0x765: {  	[tilespmem:$0x2F0] =	vst v35;
	v42 =	vperm.xlane v33, v3;
	v39 =	vadd.s32 s19, v40;
	v41 =	vadd.s32 v6, v63  }
0x766: {  	v40 =	vadd.s32 s19, v57;
	[tilespmem:$0x2D0] =	vst v39  }
0x767: {  	v44 =	vperm.xlane v33, v8;
	v43 =	vadd.s32 v6, v42;
	[tilespmem:$0x2E0] =	vst v40  }
0x768: {  	[tilespmem:s14], [sflag:$0x2] =	stream.indirect_vreg.gather [hbm4b:s15+s4], $0x80, v62, vm0, $0xb8;
	[tilespmem:$0x18C00] =	vst v63  }
0x769: {  	s0 =	simm.s32 $0x4480;
	v45 =	vperm.xlane v33, v9;
	v35 =	vadd.s32 v6, v44  }
0x76a: {  	[tilespmem:s0], [sflag:$0x2] =	stream.indirect_vreg.gather [hbm4b:s15+s4], $0x80, v41, vm0, $0xb8;
	[tilespmem:$0x18C00] =	vst v63  }
0x76b: {  	v47 =	vperm.xlane v33, v10;
	v46 =	vadd.s32 v6, v45;
	s19 =	simm.s32 $0x4500  }
0x76c: {  	[tilespmem:s19], [sflag:$0x2] =	stream.indirect_vreg.gather [hbm4b:s15+s4], $0x80, v43, vm0, $0xb8;
	[tilespmem:$0x18C00] =	vst v63  }
0x76d: {  	s20 =	simm.s32 $0x4580;
	v49 =	vperm.xlane v33, v11;
	v48 =	vadd.s32 v6, v47  }
0x76e: {  	[tilespmem:s20], [sflag:$0x2] =	stream.indirect_vreg.gather [hbm4b:s15+s4], $0x80, v35, vm0, $0xb8;
	[tilespmem:$0x18C00] =	vst v63  }
0x76f: {  	s21 =	simm.s32 $0x4600;
	v51 =	vperm.xlane v33, v2;
	v50 =	vadd.s32 v6, v49  }
0x770: {  	[tilespmem:s21], [sflag:$0x2] =	stream.indirect_vreg.gather [hbm4b:s15+s4], $0x80, v46, vm0, $0xb8;
	[tilespmem:$0x18C00] =	vst v63  }
0x771: {  	s22 =	simm.s32 $0x4680;
	v53 =	vperm.xlane v33, v12;
	v52 =	vadd.s32 v6, v51  }
0x772: {  	[tilespmem:s22], [sflag:$0x2] =	stream.indirect_vreg.gather [hbm4b:s15+s4], $0x80, v48, vm0, $0xb8;
	[tilespmem:$0x18C00] =	vst v63  }
0x773: {  	s23 =	simm.s32 $0x4700;
	v55 =	vperm.xlane v33, v13;
	v54 =	vadd.s32 v6, v53  }
0x774: {  	[tilespmem:s23], [sflag:$0x2] =	stream.indirect_vreg.gather [hbm4b:s15+s4], $0x80, v50, vm0, $0xb8;
	[tilespmem:$0x18C00] =	vst v63  }
0x775: {  	s24 =	simm.s32 $0x4780;
	v56 =	vadd.s32 v6, v55;
	v57 =	vperm.xlane v33, v14  }
0x776: {  	[tilespmem:s24], [sflag:$0x2] =	stream.indirect_vreg.gather [hbm4b:s15+s4], $0x80, v52, vm0, $0xb8;
	[tilespmem:$0x18C00] =	vst v63  }
0x777: {  	s25 =	simm.s32 $0x4800;
	v59 =	vperm.xlane v33, v15;
	v58 =	vadd.s32 v6, v57  }
0x778: {  	[tilespmem:s25], [sflag:$0x2] =	stream.indirect_vreg.gather [hbm4b:s15+s4], $0x80, v54, vm0, $0xb8;
	[tilespmem:$0x18C00] =	vst v63  }
0x779: {  	s26 =	simm.s32 $0x4880;
	v61 =	vperm.xlane v33, v16;
	v60 =	vadd.s32 v6, v59  }
0x77a: {  	[tilespmem:s26], [sflag:$0x2] =	stream.indirect_vreg.gather [hbm4b:s15+s4], $0x80, v56, vm0, $0xb8;
	[tilespmem:$0x18C00] =	vst v63  }
0x77b: {  	s31 =	simm.s32 $0x4900;
	v63 =	vperm.xlane v33, v17;
	v62 =	vadd.s32 v6, v61  }
0x77c: {  	[tilespmem:s31], [sflag:$0x2] =	stream.indirect_vreg.gather [hbm4b:s15+s4], $0x80, v58, vm0, $0xb8;
	[tilespmem:$0x18C00] =	vst v63  }
0x77d: {  	v40 =	vadd.s32 v6, v63;
	v41 =	vperm.xlane v33, v18;
	s19 =	simm.s32 $0x4980  }
0x77e: {  	[tilespmem:s19], [sflag:$0x2] =	stream.indirect_vreg.gather [hbm4b:s15+s4], $0x80, v60, vm0, $0xb8;
	[tilespmem:$0x18C00] =	vst v63  }
0x77f: {  	v33 =	vperm.xlane v33, v19;
	v42 =	vadd.s32 v6, v41;
	s20 =	simm.s32 $0x4A00  }
0x780: {  	[tilespmem:s20], [sflag:$0x2] =	stream.indirect_vreg.gather [hbm4b:s15+s4], $0x80, v62, vm0, $0xb8;
	[tilespmem:$0x18C00] =	vst v63  }
0x781: {  	v33 =	vadd.s32 v6, v33;
	s21 =	simm.s32 $0x4A80  }
0x782: {  	[tilespmem:s21], [sflag:$0x2] =	stream.indirect_vreg.gather [hbm4b:s15+s4], $0x80, v40, vm0, $0xb8;
	[tilespmem:$0x18C00] =	vst v63  }
0x783: {  	s22 =	simm.s32 $0x4B00  }
0x784: {  	[tilespmem:s22], [sflag:$0x2] =	stream.indirect_vreg.gather [hbm4b:s15+s4], $0x80, v42, vm0, $0xb8;
	[tilespmem:$0x18C00] =	vst v63  }
0x785: {  	s23 =	simm.s32 $0x4B80  }
0x786: {  	[tilespmem:s23], [sflag:$0x2] =	stream.indirect_vreg.gather [hbm4b:s15+s4], $0x80, v33, vm0, $0xb8;
	[tilespmem:$0x18C00] =	vst v63  }
0x787: {  	v33 =	vld [tilespmem:$0x290];
	_ =	sdelay $0x4  }
0x788: {  	v43 =	vshll.u32 v33, $0x2  }
0x789: {  	v33 =	vand.u32 $0x7, v33;
	v34 =	vand.u32 $0xFFFFFFE0, v43  }
0x78a: {  	v33 =	vor.u32 v33, v34  }
0x78b: {  	v34 =	vperm.xlane v33, v4;
	_ =	sdelay $0x1  }
0x78c: {  	v44 =	vperm.xlane v33, v7;
	v34 =	vadd.s32 v6, v34;
	_ =	sdelay $0x1  }
0x78d: {  	v45 =	vperm.xlane v33, v3;
	v35 =	vadd.s32 v6, v44;
	_ =	sdelay $0x1  }
0x78e: {  	s24 =	simm.s32 $0x4C00;
	v46 =	vperm.xlane v33, v8;
	v36 =	vadd.s32 v6, v45  }
0x78f: {  	[tilespmem:s24], [sflag:$0x2] =	stream.indirect_vreg.gather [hbm4b:s15+s4], $0x80, v34, vm0, $0xb8;
	[tilespmem:$0x18C00] =	vst v63  }
0x790: {  	s25 =	simm.s32 $0x4C80;
	v48 =	vperm.xlane v33, v9;
	v47 =	vadd.s32 v6, v46  }
0x791: {  	[tilespmem:s25], [sflag:$0x2] =	stream.indirect_vreg.gather [hbm4b:s15+s4], $0x80, v35, vm0, $0xb8;
	[tilespmem:$0x18C00] =	vst v63  }
0x792: {  	s26 =	simm.s32 $0x4D00;
	v50 =	vperm.xlane v33, v10;
	v49 =	vadd.s32 v6, v48  }
0x793: {  	[tilespmem:s26], [sflag:$0x2] =	stream.indirect_vreg.gather [hbm4b:s15+s4], $0x80, v36, vm0, $0xb8;
	[tilespmem:$0x18C00] =	vst v63  }
0x794: {  	s31 =	simm.s32 $0x4D80;
	v52 =	vperm.xlane v33, v11;
	v51 =	vadd.s32 v6, v50  }
0x795: {  	[tilespmem:s31], [sflag:$0x2] =	stream.indirect_vreg.gather [hbm4b:s15+s4], $0x80, v47, vm0, $0xb8;
	[tilespmem:$0x18C00] =	vst v63  }
0x796: {  	s19 =	simm.s32 $0x4E00;
	v54 =	vperm.xlane v33, v2;
	v53 =	vadd.s32 v6, v52  }
0x797: {  	[tilespmem:s19], [sflag:$0x2] =	stream.indirect_vreg.gather [hbm4b:s15+s4], $0x80, v49, vm0, $0xb8;
	[tilespmem:$0x18C00] =	vst v63  }
0x798: {  	s20 =	simm.s32 $0x4E80;
	v56 =	vperm.xlane v33, v12;
	v55 =	vadd.s32 v6, v54  }
0x799: {  	[tilespmem:s20], [sflag:$0x2] =	stream.indirect_vreg.gather [hbm4b:s15+s4], $0x80, v51, vm0, $0xb8;
	[tilespmem:$0x18C00] =	vst v63  }
0x79a: {  	s21 =	simm.s32 $0x4F00;
	v58 =	vperm.xlane v33, v13;
	v57 =	vadd.s32 v6, v56  }
0x79b: {  	[tilespmem:s21], [sflag:$0x2] =	stream.indirect_vreg.gather [hbm4b:s15+s4], $0x80, v53, vm0, $0xb8;
	[tilespmem:$0x18C00] =	vst v63  }
0x79c: {  	s22 =	simm.s32 $0x4F80;
	v60 =	vperm.xlane v33, v14;
	v59 =	vadd.s32 v6, v58  }
0x79d: {  	[tilespmem:s22], [sflag:$0x2] =	stream.indirect_vreg.gather [hbm4b:s15+s4], $0x80, v55, vm0, $0xb8;
	[tilespmem:$0x18C00] =	vst v63  }
0x79e: {  	s23 =	simm.s32 $0x5000;
	v62 =	vperm.xlane v33, v15;
	v61 =	vadd.s32 v6, v60  }
0x79f: {  	[tilespmem:s23], [sflag:$0x2] =	stream.indirect_vreg.gather [hbm4b:s15+s4], $0x80, v57, vm0, $0xb8;
	[tilespmem:$0x18C00] =	vst v63  }
0x7a0: {  	v40 =	vperm.xlane v33, v16;
	v63 =	vadd.s32 v6, v62;
	s24 =	simm.s32 $0x5080  }
0x7a1: {  	[tilespmem:s24], [sflag:$0x2] =	stream.indirect_vreg.gather [hbm4b:s15+s4], $0x80, v59, vm0, $0xb8;
	[tilespmem:$0x18C00] =	vst v63  }
0x7a2: {  	v42 =	vperm.xlane v33, v17;
	v41 =	vadd.s32 v6, v40;
	s25 =	simm.s32 $0x5100  }
0x7a3: {  	[tilespmem:s25], [sflag:$0x2] =	stream.indirect_vreg.gather [hbm4b:s15+s4], $0x80, v61, vm0, $0xb8;
	[tilespmem:$0x18C00] =	vst v63  }
0x7a4: {  	v43 =	vadd.s32 v6, v42;
	v44 =	vperm.xlane v33, v18;
	s26 =	simm.s32 $0x5180  }
0x7a5: {  	[tilespmem:s26], [sflag:$0x2] =	stream.indirect_vreg.gather [hbm4b:s15+s4], $0x80, v63, vm0, $0xb8;
	[tilespmem:$0x18C00] =	vst v63  }
0x7a6: {  	v33 =	vperm.xlane v33, v19;
	v45 =	vadd.s32 v6, v44;
	s31 =	simm.s32 $0x5200  }
0x7a7: {  	[tilespmem:s31], [sflag:$0x2] =	stream.indirect_vreg.gather [hbm4b:s15+s4], $0x80, v41, vm0, $0xb8;
	[tilespmem:$0x18C00] =	vst v63  }
0x7a8: {  	v33 =	vadd.s32 v6, v33;
	s19 =	simm.s32 $0x5280  }
0x7a9: {  	[tilespmem:s19], [sflag:$0x2] =	stream.indirect_vreg.gather [hbm4b:s15+s4], $0x80, v43, vm0, $0xb8;
	[tilespmem:$0x18C00] =	vst v63  }
0x7aa: {  	s20 =	simm.s32 $0x5300  }
0x7ab: {  	[tilespmem:s20], [sflag:$0x2] =	stream.indirect_vreg.gather [hbm4b:s15+s4], $0x80, v45, vm0, $0xb8;
	[tilespmem:$0x18C00] =	vst v63  }
0x7ac: {  	s21 =	simm.s32 $0x5380  }
0x7ad: {  	[tilespmem:s21], [sflag:$0x2] =	stream.indirect_vreg.gather [hbm4b:s15+s4], $0x80, v33, vm0, $0xb8;
	[tilespmem:$0x18C00] =	vst v63  }
0x7ae: {  	v33 =	vld [tilespmem:$0x2A0];
	_ =	sdelay $0x4  }
0x7af: {  	v46 =	vshll.u32 v33, $0x2  }
0x7b0: {  	v33 =	vand.u32 $0x7, v33;
	v34 =	vand.u32 $0xFFFFFFE0, v46  }
0x7b1: {  	v33 =	vor.u32 v33, v34  }
0x7b2: {  	v34 =	vperm.xlane v33, v4;
	_ =	sdelay $0x1  }
0x7b3: {  	v47 =	vperm.xlane v33, v7;
	v34 =	vadd.s32 v6, v34;
	_ =	sdelay $0x1  }
0x7b4: {  	v48 =	vperm.xlane v33, v3;
	v35 =	vadd.s32 v6, v47;
	_ =	sdelay $0x1  }
0x7b5: {  	s22 =	simm.s32 $0x5400;
	v49 =	vperm.xlane v33, v8;
	v36 =	vadd.s32 v6, v48  }
0x7b6: {  	[tilespmem:s22], [sflag:$0x2] =	stream.indirect_vreg.gather [hbm4b:s15+s4], $0x80, v34, vm0, $0xb8;
	[tilespmem:$0x18C00] =	vst v63  }
0x7b7: {  	s23 =	simm.s32 $0x5480;
	v51 =	vperm.xlane v33, v9;
	v50 =	vadd.s32 v6, v49  }
0x7b8: {  	[tilespmem:s23], [sflag:$0x2] =	stream.indirect_vreg.gather [hbm4b:s15+s4], $0x80, v35, vm0, $0xb8;
	[tilespmem:$0x18C00] =	vst v63  }
0x7b9: {  	s24 =	simm.s32 $0x5500;
	v53 =	vperm.xlane v33, v10;
	v52 =	vadd.s32 v6, v51  }
0x7ba: {  	[tilespmem:s24], [sflag:$0x2] =	stream.indirect_vreg.gather [hbm4b:s15+s4], $0x80, v36, vm0, $0xb8;
	[tilespmem:$0x18C00] =	vst v63  }
0x7bb: {  	s25 =	simm.s32 $0x5580;
	v55 =	vperm.xlane v33, v11;
	v54 =	vadd.s32 v6, v53  }
0x7bc: {  	[tilespmem:s25], [sflag:$0x2] =	stream.indirect_vreg.gather [hbm4b:s15+s4], $0x80, v50, vm0, $0xb8;
	[tilespmem:$0x18C00] =	vst v63  }
0x7bd: {  	s26 =	simm.s32 $0x5600;
	v57 =	vperm.xlane v33, v2;
	v56 =	vadd.s32 v6, v55  }
0x7be: {  	[tilespmem:s26], [sflag:$0x2] =	stream.indirect_vreg.gather [hbm4b:s15+s4], $0x80, v52, vm0, $0xb8;
	[tilespmem:$0x18C00] =	vst v63  }
0x7bf: {  	s31 =	simm.s32 $0x5680;
	v59 =	vperm.xlane v33, v12;
	v58 =	vadd.s32 v6, v57  }
0x7c0: {  	[tilespmem:s31], [sflag:$0x2] =	stream.indirect_vreg.gather [hbm4b:s15+s4], $0x80, v54, vm0, $0xb8;
	[tilespmem:$0x18C00] =	vst v63  }
0x7c1: {  	s19 =	simm.s32 $0x5700;
	v61 =	vperm.xlane v33, v13;
	v60 =	vadd.s32 v6, v59  }
0x7c2: {  	[tilespmem:s19], [sflag:$0x2] =	stream.indirect_vreg.gather [hbm4b:s15+s4], $0x80, v56, vm0, $0xb8;
	[tilespmem:$0x18C00] =	vst v63  }
0x7c3: {  	s20 =	simm.s32 $0x5780;
	v63 =	vperm.xlane v33, v14;
	v62 =	vadd.s32 v6, v61  }
0x7c4: {  	[tilespmem:s20], [sflag:$0x2] =	stream.indirect_vreg.gather [hbm4b:s15+s4], $0x80, v58, vm0, $0xb8;
	[tilespmem:$0x18C00] =	vst v63  }
0x7c5: {  	s21 =	simm.s32 $0x5800;
	v41 =	vperm.xlane v33, v15;
	v40 =	vadd.s32 v6, v63  }
0x7c6: {  	[tilespmem:s21], [sflag:$0x2] =	stream.indirect_vreg.gather [hbm4b:s15+s4], $0x80, v60, vm0, $0xb8;
	[tilespmem:$0x18C00] =	vst v63  }
0x7c7: {  	v43 =	vperm.xlane v33, v16;
	v42 =	vadd.s32 v6, v41;
	s22 =	simm.s32 $0x5880  }
0x7c8: {  	[tilespmem:s22], [sflag:$0x2] =	stream.indirect_vreg.gather [hbm4b:s15+s4], $0x80, v62, vm0, $0xb8;
	[tilespmem:$0x18C00] =	vst v63  }
0x7c9: {  	v45 =	vperm.xlane v33, v17;
	v44 =	vadd.s32 v6, v43;
	s23 =	simm.s32 $0x5900  }
0x7ca: {  	[tilespmem:s23], [sflag:$0x2] =	stream.indirect_vreg.gather [hbm4b:s15+s4], $0x80, v40, vm0, $0xb8;
	[tilespmem:$0x18C00] =	vst v63  }
0x7cb: {  	v46 =	vadd.s32 v6, v45;
	v47 =	vperm.xlane v33, v18;
	s24 =	simm.s32 $0x5980  }
0x7cc: {  	[tilespmem:s24], [sflag:$0x2] =	stream.indirect_vreg.gather [hbm4b:s15+s4], $0x80, v42, vm0, $0xb8;
	[tilespmem:$0x18C00] =	vst v63  }
0x7cd: {  	v33 =	vperm.xlane v33, v19;
	v48 =	vadd.s32 v6, v47;
	s25 =	simm.s32 $0x5A00  }
0x7ce: {  	[tilespmem:s25], [sflag:$0x2] =	stream.indirect_vreg.gather [hbm4b:s15+s4], $0x80, v44, vm0, $0xb8;
	[tilespmem:$0x18C00] =	vst v63  }
0x7cf: {  	v33 =	vadd.s32 v6, v33;
	s26 =	simm.s32 $0x5A80  }
0x7d0: {  	[tilespmem:s26], [sflag:$0x2] =	stream.indirect_vreg.gather [hbm4b:s15+s4], $0x80, v46, vm0, $0xb8;
	[tilespmem:$0x18C00] =	vst v63  }
0x7d1: {  	s31 =	simm.s32 $0x5B00  }
0x7d2: {  	[tilespmem:s31], [sflag:$0x2] =	stream.indirect_vreg.gather [hbm4b:s15+s4], $0x80, v48, vm0, $0xb8;
	[tilespmem:$0x18C00] =	vst v63  }
0x7d3: {  	s19 =	simm.s32 $0x5B80  }
0x7d4: {  	[tilespmem:s19], [sflag:$0x2] =	stream.indirect_vreg.gather [hbm4b:s15+s4], $0x80, v33, vm0, $0xb8;
	[tilespmem:$0x18C00] =	vst v63  }
0x7d5: {  	v33 =	vld [tilespmem:$0x2B0];
	_ =	sdelay $0x4  }
0x7d6: {  	v49 =	vshll.u32 v33, $0x2  }
0x7d7: {  	v33 =	vand.u32 $0x7, v33;
	v34 =	vand.u32 $0xFFFFFFE0, v49  }
0x7d8: {  	v33 =	vor.u32 v33, v34  }
0x7d9: {  	v34 =	vperm.xlane v33, v4;
	_ =	sdelay $0x1  }
0x7da: {  	v50 =	vperm.xlane v33, v7;
	v34 =	vadd.s32 v6, v34;
	_ =	sdelay $0x1  }
0x7db: {  	v51 =	vperm.xlane v33, v3;
	v35 =	vadd.s32 v6, v50;
	_ =	sdelay $0x1  }
0x7dc: {  	s20 =	simm.s32 $0x5C00;
	v52 =	vperm.xlane v33, v8;
	v36 =	vadd.s32 v6, v51  }
0x7dd: {  	[tilespmem:s20], [sflag:$0x2] =	stream.indirect_vreg.gather [hbm4b:s15+s4], $0x80, v34, vm0, $0xb8;
	[tilespmem:$0x18C00] =	vst v63  }
0x7de: {  	s21 =	simm.s32 $0x5C80;
	v54 =	vperm.xlane v33, v9;
	v53 =	vadd.s32 v6, v52  }
0x7df: {  	[tilespmem:s21], [sflag:$0x2] =	stream.indirect_vreg.gather [hbm4b:s15+s4], $0x80, v35, vm0, $0xb8;
	[tilespmem:$0x18C00] =	vst v63  }
0x7e0: {  	s22 =	simm.s32 $0x5D00;
	v56 =	vperm.xlane v33, v10;
	v55 =	vadd.s32 v6, v54  }
0x7e1: {  	[tilespmem:s22], [sflag:$0x2] =	stream.indirect_vreg.gather [hbm4b:s15+s4], $0x80, v36, vm0, $0xb8;
	[tilespmem:$0x18C00] =	vst v63  }
0x7e2: {  	s23 =	simm.s32 $0x5D80;
	v58 =	vperm.xlane v33, v11;
	v57 =	vadd.s32 v6, v56  }
0x7e3: {  	[tilespmem:s23], [sflag:$0x2] =	stream.indirect_vreg.gather [hbm4b:s15+s4], $0x80, v53, vm0, $0xb8;
	[tilespmem:$0x18C00] =	vst v63  }
0x7e4: {  	s24 =	simm.s32 $0x5E00;
	v60 =	vperm.xlane v33, v2;
	v59 =	vadd.s32 v6, v58  }
0x7e5: {  	[tilespmem:s24], [sflag:$0x2] =	stream.indirect_vreg.gather [hbm4b:s15+s4], $0x80, v55, vm0, $0xb8;
	[tilespmem:$0x18C00] =	vst v63  }
0x7e6: {  	s25 =	simm.s32 $0x5E80;
	v62 =	vperm.xlane v33, v12;
	v61 =	vadd.s32 v6, v60  }
0x7e7: {  	[tilespmem:s25], [sflag:$0x2] =	stream.indirect_vreg.gather [hbm4b:s15+s4], $0x80, v57, vm0, $0xb8;
	[tilespmem:$0x18C00] =	vst v63  }
0x7e8: {  	s26 =	simm.s32 $0x5F00;
	v40 =	vperm.xlane v33, v13;
	v63 =	vadd.s32 v6, v62  }
0x7e9: {  	[tilespmem:s26], [sflag:$0x2] =	stream.indirect_vreg.gather [hbm4b:s15+s4], $0x80, v59, vm0, $0xb8;
	[tilespmem:$0x18C00] =	vst v63  }
0x7ea: {  	s31 =	simm.s32 $0x5F80;
	v42 =	vperm.xlane v33, v14;
	v41 =	vadd.s32 v6, v40  }
0x7eb: {  	[tilespmem:s31], [sflag:$0x2] =	stream.indirect_vreg.gather [hbm4b:s15+s4], $0x80, v61, vm0, $0xb8;
	[tilespmem:$0x18C00] =	vst v63  }
0x7ec: {  	s19 =	simm.s32 $0x6000;
	v44 =	vperm.xlane v33, v15;
	v43 =	vadd.s32 v6, v42  }
0x7ed: {  	[tilespmem:s19], [sflag:$0x2] =	stream.indirect_vreg.gather [hbm4b:s15+s4], $0x80, v63, vm0, $0xb8;
	[tilespmem:$0x18C00] =	vst v63  }
0x7ee: {  	v46 =	vperm.xlane v33, v16;
	v45 =	vadd.s32 v6, v44;
	s20 =	simm.s32 $0x6080  }
0x7ef: {  	[tilespmem:s20], [sflag:$0x2] =	stream.indirect_vreg.gather [hbm4b:s15+s4], $0x80, v41, vm0, $0xb8;
	[tilespmem:$0x18C00] =	vst v63  }
0x7f0: {  	v48 =	vperm.xlane v33, v17;
	v47 =	vadd.s32 v6, v46;
	s21 =	simm.s32 $0x6100  }
0x7f1: {  	[tilespmem:s21], [sflag:$0x2] =	stream.indirect_vreg.gather [hbm4b:s15+s4], $0x80, v43, vm0, $0xb8;
	[tilespmem:$0x18C00] =	vst v63  }
0x7f2: {  	v49 =	vadd.s32 v6, v48;
	v50 =	vperm.xlane v33, v18;
	s22 =	simm.s32 $0x6180  }
0x7f3: {  	[tilespmem:s22], [sflag:$0x2] =	stream.indirect_vreg.gather [hbm4b:s15+s4], $0x80, v45, vm0, $0xb8;
	[tilespmem:$0x18C00] =	vst v63  }
0x7f4: {  	v33 =	vperm.xlane v33, v19;
	v51 =	vadd.s32 v6, v50;
	s23 =	simm.s32 $0x6200  }
0x7f5: {  	[tilespmem:s23], [sflag:$0x2] =	stream.indirect_vreg.gather [hbm4b:s15+s4], $0x80, v47, vm0, $0xb8;
	[tilespmem:$0x18C00] =	vst v63  }
0x7f6: {  	v33 =	vadd.s32 v6, v33;
	s24 =	simm.s32 $0x6280  }
0x7f7: {  	[tilespmem:s24], [sflag:$0x2] =	stream.indirect_vreg.gather [hbm4b:s15+s4], $0x80, v49, vm0, $0xb8;
	[tilespmem:$0x18C00] =	vst v63  }
0x7f8: {  	s25 =	simm.s32 $0x6300  }
0x7f9: {  	[tilespmem:s25], [sflag:$0x2] =	stream.indirect_vreg.gather [hbm4b:s15+s4], $0x80, v51, vm0, $0xb8;
	[tilespmem:$0x18C00] =	vst v63  }
0x7fa: {  	s26 =	simm.s32 $0x6380  }
0x7fb: {  	[tilespmem:s26], [sflag:$0x2] =	stream.indirect_vreg.gather [hbm4b:s15+s4], $0x80, v33, vm0, $0xb8;
	[tilespmem:$0x18C00] =	vst v63  }
0x7fc: {  	v33 =	vld [tilespmem:$0x2C0];
	_ =	sdelay $0x4  }
0x7fd: {  	v52 =	vshll.u32 v33, $0x2  }
0x7fe: {  	v33 =	vand.u32 $0x7, v33;
	v34 =	vand.u32 $0xFFFFFFE0, v52  }
0x7ff: {  	v33 =	vor.u32 v33, v34  }
0x800: {  	v34 =	vperm.xlane v33, v4;
	_ =	sdelay $0x1  }
0x801: {  	v53 =	vperm.xlane v33, v7;
	v34 =	vadd.s32 v6, v34;
	_ =	sdelay $0x1  }
0x802: {  	v54 =	vperm.xlane v33, v3;
	v35 =	vadd.s32 v6, v53;
	_ =	sdelay $0x1  }
0x803: {  	s31 =	simm.s32 $0x6400;
	v55 =	vperm.xlane v33, v8;
	v36 =	vadd.s32 v6, v54  }
0x804: {  	[tilespmem:s31], [sflag:$0x2] =	stream.indirect_vreg.gather [hbm4b:s15+s4], $0x80, v34, vm0, $0xb8;
	[tilespmem:$0x18C00] =	vst v63  }
0x805: {  	s19 =	simm.s32 $0x6480;
	v57 =	vperm.xlane v33, v9;
	v56 =	vadd.s32 v6, v55  }
0x806: {  	[tilespmem:s19], [sflag:$0x2] =	stream.indirect_vreg.gather [hbm4b:s15+s4], $0x80, v35, vm0, $0xb8;
	[tilespmem:$0x18C00] =	vst v63  }
0x807: {  	s20 =	simm.s32 $0x6500;
	v59 =	vperm.xlane v33, v10;
	v58 =	vadd.s32 v6, v57  }
0x808: {  	[tilespmem:s20], [sflag:$0x2] =	stream.indirect_vreg.gather [hbm4b:s15+s4], $0x80, v36, vm0, $0xb8;
	[tilespmem:$0x18C00] =	vst v63  }
0x809: {  	s21 =	simm.s32 $0x6580;
	v61 =	vperm.xlane v33, v11;
	v60 =	vadd.s32 v6, v59  }
0x80a: {  	[tilespmem:s21], [sflag:$0x2] =	stream.indirect_vreg.gather [hbm4b:s15+s4], $0x80, v56, vm0, $0xb8;
	[tilespmem:$0x18C00] =	vst v63  }
0x80b: {  	s22 =	simm.s32 $0x6600;
	v63 =	vperm.xlane v33, v2;
	v62 =	vadd.s32 v6, v61  }
0x80c: {  	[tilespmem:s22], [sflag:$0x2] =	stream.indirect_vreg.gather [hbm4b:s15+s4], $0x80, v58, vm0, $0xb8;
	[tilespmem:$0x18C00] =	vst v63  }
0x80d: {  	s23 =	simm.s32 $0x6680;
	v41 =	vperm.xlane v33, v12;
	v40 =	vadd.s32 v6, v63  }
0x80e: {  	[tilespmem:s23], [sflag:$0x2] =	stream.indirect_vreg.gather [hbm4b:s15+s4], $0x80, v60, vm0, $0xb8;
	[tilespmem:$0x18C00] =	vst v63  }
0x80f: {  	s24 =	simm.s32 $0x6700;
	v43 =	vperm.xlane v33, v13;
	v42 =	vadd.s32 v6, v41  }
0x810: {  	[tilespmem:s24], [sflag:$0x2] =	stream.indirect_vreg.gather [hbm4b:s15+s4], $0x80, v62, vm0, $0xb8;
	[tilespmem:$0x18C00] =	vst v63  }
0x811: {  	s25 =	simm.s32 $0x6780;
	v45 =	vperm.xlane v33, v14;
	v44 =	vadd.s32 v6, v43  }
0x812: {  	[tilespmem:s25], [sflag:$0x2] =	stream.indirect_vreg.gather [hbm4b:s15+s4], $0x80, v40, vm0, $0xb8;
	[tilespmem:$0x18C00] =	vst v63  }
0x813: {  	s26 =	simm.s32 $0x6800;
	v47 =	vperm.xlane v33, v15;
	v46 =	vadd.s32 v6, v45  }
0x814: {  	[tilespmem:s26], [sflag:$0x2] =	stream.indirect_vreg.gather [hbm4b:s15+s4], $0x80, v42, vm0, $0xb8;
	[tilespmem:$0x18C00] =	vst v63  }
0x815: {  	v49 =	vperm.xlane v33, v16;
	v48 =	vadd.s32 v6, v47;
	s31 =	simm.s32 $0x6880  }
0x816: {  	[tilespmem:s31], [sflag:$0x2] =	stream.indirect_vreg.gather [hbm4b:s15+s4], $0x80, v44, vm0, $0xb8;
	[tilespmem:$0x18C00] =	vst v63  }
0x817: {  	v51 =	vperm.xlane v33, v17;
	v50 =	vadd.s32 v6, v49;
	s19 =	simm.s32 $0x6900  }
0x818: {  	[tilespmem:s19], [sflag:$0x2] =	stream.indirect_vreg.gather [hbm4b:s15+s4], $0x80, v46, vm0, $0xb8;
	[tilespmem:$0x18C00] =	vst v63  }
0x819: {  	v52 =	vadd.s32 v6, v51;
	v53 =	vperm.xlane v33, v18;
	s20 =	simm.s32 $0x6980  }
0x81a: {  	[tilespmem:s20], [sflag:$0x2] =	stream.indirect_vreg.gather [hbm4b:s15+s4], $0x80, v48, vm0, $0xb8;
	[tilespmem:$0x18C00] =	vst v63  }
0x81b: {  	v33 =	vperm.xlane v33, v19;
	v54 =	vadd.s32 v6, v53;
	s21 =	simm.s32 $0x6A00  }
0x81c: {  	[tilespmem:s21], [sflag:$0x2] =	stream.indirect_vreg.gather [hbm4b:s15+s4], $0x80, v50, vm0, $0xb8;
	[tilespmem:$0x18C00] =	vst v63  }
0x81d: {  	v33 =	vadd.s32 v6, v33;
	s22 =	simm.s32 $0x6A80  }
0x81e: {  	[tilespmem:s22], [sflag:$0x2] =	stream.indirect_vreg.gather [hbm4b:s15+s4], $0x80, v52, vm0, $0xb8;
	[tilespmem:$0x18C00] =	vst v63  }
0x81f: {  	s23 =	simm.s32 $0x6B00  }
0x820: {  	[tilespmem:s23], [sflag:$0x2] =	stream.indirect_vreg.gather [hbm4b:s15+s4], $0x80, v54, vm0, $0xb8;
	[tilespmem:$0x18C00] =	vst v63  }
0x821: {  	s24 =	simm.s32 $0x6B80  }
0x822: {  	[tilespmem:s24], [sflag:$0x2] =	stream.indirect_vreg.gather [hbm4b:s15+s4], $0x80, v33, vm0, $0xb8;
	[tilespmem:$0x18C00] =	vst v63  }
0x823: {  	v33 =	vld [tilespmem:$0x2D0];
	_ =	sdelay $0x4  }
0x824: {  	v55 =	vshll.u32 v33, $0x2  }
0x825: {  	v33 =	vand.u32 $0x7, v33;
	v34 =	vand.u32 $0xFFFFFFE0, v55  }
0x826: {  	v33 =	vor.u32 v33, v34  }
0x827: {  	v34 =	vperm.xlane v33, v4;
	_ =	sdelay $0x1  }
0x828: {  	v56 =	vperm.xlane v33, v7;
	v34 =	vadd.s32 v6, v34;
	_ =	sdelay $0x1  }
0x829: {  	v57 =	vperm.xlane v33, v3;
	v35 =	vadd.s32 v6, v56;
	_ =	sdelay $0x1  }
0x82a: {  	s25 =	simm.s32 $0x6C00;
	v58 =	vperm.xlane v33, v8;
	v36 =	vadd.s32 v6, v57  }
0x82b: {  	[tilespmem:s25], [sflag:$0x2] =	stream.indirect_vreg.gather [hbm4b:s15+s4], $0x80, v34, vm0, $0xb8;
	[tilespmem:$0x18C00] =	vst v63  }
0x82c: {  	s26 =	simm.s32 $0x6C80;
	v60 =	vperm.xlane v33, v9;
	v59 =	vadd.s32 v6, v58  }
0x82d: {  	[tilespmem:s26], [sflag:$0x2] =	stream.indirect_vreg.gather [hbm4b:s15+s4], $0x80, v35, vm0, $0xb8;
	[tilespmem:$0x18C00] =	vst v63  }
0x82e: {  	s31 =	simm.s32 $0x6D00;
	v62 =	vperm.xlane v33, v10;
	v61 =	vadd.s32 v6, v60  }
0x82f: {  	[tilespmem:s31], [sflag:$0x2] =	stream.indirect_vreg.gather [hbm4b:s15+s4], $0x80, v36, vm0, $0xb8;
	[tilespmem:$0x18C00] =	vst v63  }
0x830: {  	s19 =	simm.s32 $0x6D80;
	v40 =	vperm.xlane v33, v11;
	v63 =	vadd.s32 v6, v62  }
0x831: {  	[tilespmem:s19], [sflag:$0x2] =	stream.indirect_vreg.gather [hbm4b:s15+s4], $0x80, v59, vm0, $0xb8;
	[tilespmem:$0x18C00] =	vst v63  }
0x832: {  	s20 =	simm.s32 $0x6E00;
	v42 =	vperm.xlane v33, v2;
	v41 =	vadd.s32 v6, v40  }
0x833: {  	[tilespmem:s20], [sflag:$0x2] =	stream.indirect_vreg.gather [hbm4b:s15+s4], $0x80, v61, vm0, $0xb8;
	[tilespmem:$0x18C00] =	vst v63  }
0x834: {  	s21 =	simm.s32 $0x6E80;
	v44 =	vperm.xlane v33, v12;
	v43 =	vadd.s32 v6, v42  }
0x835: {  	[tilespmem:s21], [sflag:$0x2] =	stream.indirect_vreg.gather [hbm4b:s15+s4], $0x80, v63, vm0, $0xb8;
	[tilespmem:$0x18C00] =	vst v63  }
0x836: {  	s22 =	simm.s32 $0x6F00;
	v46 =	vperm.xlane v33, v13;
	v45 =	vadd.s32 v6, v44  }
0x837: {  	[tilespmem:s22], [sflag:$0x2] =	stream.indirect_vreg.gather [hbm4b:s15+s4], $0x80, v41, vm0, $0xb8;
	[tilespmem:$0x18C00] =	vst v63  }
0x838: {  	s23 =	simm.s32 $0x6F80;
	v48 =	vperm.xlane v33, v14;
	v47 =	vadd.s32 v6, v46  }
0x839: {  	[tilespmem:s23], [sflag:$0x2] =	stream.indirect_vreg.gather [hbm4b:s15+s4], $0x80, v43, vm0, $0xb8;
	[tilespmem:$0x18C00] =	vst v63  }
0x83a: {  	s24 =	simm.s32 $0x7000;
	v50 =	vperm.xlane v33, v15;
	v49 =	vadd.s32 v6, v48  }
0x83b: {  	[tilespmem:s24], [sflag:$0x2] =	stream.indirect_vreg.gather [hbm4b:s15+s4], $0x80, v45, vm0, $0xb8;
	[tilespmem:$0x18C00] =	vst v63  }
0x83c: {  	v52 =	vperm.xlane v33, v16;
	v51 =	vadd.s32 v6, v50;
	s25 =	simm.s32 $0x7080  }
0x83d: {  	[tilespmem:s25], [sflag:$0x2] =	stream.indirect_vreg.gather [hbm4b:s15+s4], $0x80, v47, vm0, $0xb8;
	[tilespmem:$0x18C00] =	vst v63  }
0x83e: {  	v54 =	vperm.xlane v33, v17;
	v53 =	vadd.s32 v6, v52;
	s26 =	simm.s32 $0x7100  }
0x83f: {  	[tilespmem:s26], [sflag:$0x2] =	stream.indirect_vreg.gather [hbm4b:s15+s4], $0x80, v49, vm0, $0xb8;
	[tilespmem:$0x18C00] =	vst v63  }
0x840: {  	v55 =	vadd.s32 v6, v54;
	v56 =	vperm.xlane v33, v18;
	s31 =	simm.s32 $0x7180  }
0x841: {  	[tilespmem:s31], [sflag:$0x2] =	stream.indirect_vreg.gather [hbm4b:s15+s4], $0x80, v51, vm0, $0xb8;
	[tilespmem:$0x18C00] =	vst v63  }
0x842: {  	v33 =	vperm.xlane v33, v19;
	v57 =	vadd.s32 v6, v56;
	s19 =	simm.s32 $0x7200  }
0x843: {  	[tilespmem:s19], [sflag:$0x2] =	stream.indirect_vreg.gather [hbm4b:s15+s4], $0x80, v53, vm0, $0xb8;
	[tilespmem:$0x18C00] =	vst v63  }
0x844: {  	v33 =	vadd.s32 v6, v33;
	s20 =	simm.s32 $0x7280  }
0x845: {  	[tilespmem:s20], [sflag:$0x2] =	stream.indirect_vreg.gather [hbm4b:s15+s4], $0x80, v55, vm0, $0xb8;
	[tilespmem:$0x18C00] =	vst v63  }
0x846: {  	s21 =	simm.s32 $0x7300  }
0x847: {  	[tilespmem:s21], [sflag:$0x2] =	stream.indirect_vreg.gather [hbm4b:s15+s4], $0x80, v57, vm0, $0xb8;
	[tilespmem:$0x18C00] =	vst v63  }
0x848: {  	s22 =	simm.s32 $0x7380  }
0x849: {  	[tilespmem:s22], [sflag:$0x2] =	stream.indirect_vreg.gather [hbm4b:s15+s4], $0x80, v33, vm0, $0xb8;
	[tilespmem:$0x18C00] =	vst v63  }
0x84a: {  	v33 =	vld [tilespmem:$0x2E0];
	_ =	sdelay $0x4  }
0x84b: {  	v58 =	vshll.u32 v33, $0x2  }
0x84c: {  	v33 =	vand.u32 $0x7, v33;
	v34 =	vand.u32 $0xFFFFFFE0, v58  }
0x84d: {  	v33 =	vor.u32 v33, v34  }
0x84e: {  	v34 =	vperm.xlane v33, v4;
	_ =	sdelay $0x1  }
0x84f: {  	v59 =	vperm.xlane v33, v7;
	v34 =	vadd.s32 v6, v34;
	_ =	sdelay $0x1  }
0x850: {  	v60 =	vperm.xlane v33, v3;
	v35 =	vadd.s32 v6, v59;
	_ =	sdelay $0x1  }
0x851: {  	s23 =	simm.s32 $0x7400;
	v61 =	vperm.xlane v33, v8;
	v36 =	vadd.s32 v6, v60  }
0x852: {  	[tilespmem:s23], [sflag:$0x2] =	stream.indirect_vreg.gather [hbm4b:s15+s4], $0x80, v34, vm0, $0xb8;
	[tilespmem:$0x18C00] =	vst v63  }
0x853: {  	s24 =	simm.s32 $0x7480;
	v63 =	vperm.xlane v33, v9;
	v62 =	vadd.s32 v6, v61  }
0x854: {  	[tilespmem:s24], [sflag:$0x2] =	stream.indirect_vreg.gather [hbm4b:s15+s4], $0x80, v35, vm0, $0xb8;
	[tilespmem:$0x18C00] =	vst v63  }
0x855: {  	s25 =	simm.s32 $0x7500;
	v41 =	vperm.xlane v33, v10;
	v40 =	vadd.s32 v6, v63  }
0x856: {  	[tilespmem:s25], [sflag:$0x2] =	stream.indirect_vreg.gather [hbm4b:s15+s4], $0x80, v36, vm0, $0xb8;
	[tilespmem:$0x18C00] =	vst v63  }
0x857: {  	s26 =	simm.s32 $0x7580;
	v43 =	vperm.xlane v33, v11;
	v42 =	vadd.s32 v6, v41  }
0x858: {  	[tilespmem:s26], [sflag:$0x2] =	stream.indirect_vreg.gather [hbm4b:s15+s4], $0x80, v62, vm0, $0xb8;
	[tilespmem:$0x18C00] =	vst v63  }
0x859: {  	s31 =	simm.s32 $0x7600;
	v45 =	vperm.xlane v33, v2;
	v44 =	vadd.s32 v6, v43  }
0x85a: {  	[tilespmem:s31], [sflag:$0x2] =	stream.indirect_vreg.gather [hbm4b:s15+s4], $0x80, v40, vm0, $0xb8;
	[tilespmem:$0x18C00] =	vst v63  }
0x85b: {  	s19 =	simm.s32 $0x7680;
	v47 =	vperm.xlane v33, v12;
	v46 =	vadd.s32 v6, v45  }
0x85c: {  	[tilespmem:s19], [sflag:$0x2] =	stream.indirect_vreg.gather [hbm4b:s15+s4], $0x80, v42, vm0, $0xb8;
	[tilespmem:$0x18C00] =	vst v63  }
0x85d: {  	s20 =	simm.s32 $0x7700;
	v49 =	vperm.xlane v33, v13;
	v48 =	vadd.s32 v6, v47  }
0x85e: {  	[tilespmem:s20], [sflag:$0x2] =	stream.indirect_vreg.gather [hbm4b:s15+s4], $0x80, v44, vm0, $0xb8;
	[tilespmem:$0x18C00] =	vst v63  }
0x85f: {  	s21 =	simm.s32 $0x7780;
	v51 =	vperm.xlane v33, v14;
	v50 =	vadd.s32 v6, v49  }
0x860: {  	[tilespmem:s21], [sflag:$0x2] =	stream.indirect_vreg.gather [hbm4b:s15+s4], $0x80, v46, vm0, $0xb8;
	[tilespmem:$0x18C00] =	vst v63  }
0x861: {  	s22 =	simm.s32 $0x7800;
	v53 =	vperm.xlane v33, v15;
	v52 =	vadd.s32 v6, v51  }
0x862: {  	[tilespmem:s22], [sflag:$0x2] =	stream.indirect_vreg.gather [hbm4b:s15+s4], $0x80, v48, vm0, $0xb8;
	[tilespmem:$0x18C00] =	vst v63  }
0x863: {  	v55 =	vperm.xlane v33, v16;
	v54 =	vadd.s32 v6, v53;
	s23 =	simm.s32 $0x7880  }
0x864: {  	[tilespmem:s23], [sflag:$0x2] =	stream.indirect_vreg.gather [hbm4b:s15+s4], $0x80, v50, vm0, $0xb8;
	[tilespmem:$0x18C00] =	vst v63  }
0x865: {  	v57 =	vperm.xlane v33, v17;
	v56 =	vadd.s32 v6, v55;
	s24 =	simm.s32 $0x7900  }
0x866: {  	[tilespmem:s24], [sflag:$0x2] =	stream.indirect_vreg.gather [hbm4b:s15+s4], $0x80, v52, vm0, $0xb8;
	[tilespmem:$0x18C00] =	vst v63  }
0x867: {  	v58 =	vadd.s32 v6, v57;
	v59 =	vperm.xlane v33, v18;
	s25 =	simm.s32 $0x7980  }
0x868: {  	[tilespmem:s25], [sflag:$0x2] =	stream.indirect_vreg.gather [hbm4b:s15+s4], $0x80, v54, vm0, $0xb8;
	[tilespmem:$0x18C00] =	vst v63  }
0x869: {  	v33 =	vperm.xlane v33, v19;
	v60 =	vadd.s32 v6, v59;
	s26 =	simm.s32 $0x7A00  }
0x86a: {  	[tilespmem:s26], [sflag:$0x2] =	stream.indirect_vreg.gather [hbm4b:s15+s4], $0x80, v56, vm0, $0xb8;
	[tilespmem:$0x18C00] =	vst v63  }
0x86b: {  	v33 =	vadd.s32 v6, v33;
	s31 =	simm.s32 $0x7A80  }
0x86c: {  	[tilespmem:s31], [sflag:$0x2] =	stream.indirect_vreg.gather [hbm4b:s15+s4], $0x80, v58, vm0, $0xb8;
	[tilespmem:$0x18C00] =	vst v63  }
0x86d: {  	s19 =	simm.s32 $0x7B00  }
0x86e: {  	[tilespmem:s19], [sflag:$0x2] =	stream.indirect_vreg.gather [hbm4b:s15+s4], $0x80, v60, vm0, $0xb8;
	[tilespmem:$0x18C00] =	vst v63  }
0x86f: {  	s20 =	simm.s32 $0x7B80  }
0x870: {  	[tilespmem:s20], [sflag:$0x2] =	stream.indirect_vreg.gather [hbm4b:s15+s4], $0x80, v33, vm0, $0xb8;
	[tilespmem:$0x18C00] =	vst v63  }
0x871: {  	v33 =	vld [tilespmem:$0x2F0];
	_ =	sdelay $0x4  }
0x872: {  	v61 =	vshll.u32 v33, $0x2  }
0x873: {  	v33 =	vand.u32 $0x7, v33;
	v34 =	vand.u32 $0xFFFFFFE0, v61  }
0x874: {  	v33 =	vor.u32 v33, v34  }
0x875: {  	v34 =	vperm.xlane v33, v4;
	_ =	sdelay $0x1  }
0x876: {  	v62 =	vperm.xlane v33, v7;
	v34 =	vadd.s32 v6, v34;
	_ =	sdelay $0x1  }
0x877: {  	v63 =	vperm.xlane v33, v3;
	v35 =	vadd.s32 v6, v62;
	_ =	sdelay $0x1  }
0x878: {  	s21 =	simm.s32 $0x7C00;
	v40 =	vperm.xlane v33, v8;
	v36 =	vadd.s32 v6, v63  }
0x879: {  	[tilespmem:s21], [sflag:$0x2] =	stream.indirect_vreg.gather [hbm4b:s15+s4], $0x80, v34, vm0, $0xb8;
	[tilespmem:$0x18C00] =	vst v63  }
0x87a: {  	s22 =	simm.s32 $0x7C80;
	v42 =	vperm.xlane v33, v9;
	v41 =	vadd.s32 v6, v40  }
0x87b: {  	[tilespmem:s22], [sflag:$0x2] =	stream.indirect_vreg.gather [hbm4b:s15+s4], $0x80, v35, vm0, $0xb8;
	[tilespmem:$0x18C00] =	vst v63  }
0x87c: {  	s23 =	simm.s32 $0x7D00;
	v44 =	vperm.xlane v33, v10;
	v43 =	vadd.s32 v6, v42  }
0x87d: {  	[tilespmem:s23], [sflag:$0x2] =	stream.indirect_vreg.gather [hbm4b:s15+s4], $0x80, v36, vm0, $0xb8;
	[tilespmem:$0x18C00] =	vst v63  }
0x87e: {  	s24 =	simm.s32 $0x7D80;
	v46 =	vperm.xlane v33, v11;
	v45 =	vadd.s32 v6, v44  }
0x87f: {  	[tilespmem:s24], [sflag:$0x2] =	stream.indirect_vreg.gather [hbm4b:s15+s4], $0x80, v41, vm0, $0xb8;
	[tilespmem:$0x18C00] =	vst v63  }
0x880: {  	s25 =	simm.s32 $0x7E00;
	v48 =	vperm.xlane v33, v2;
	v47 =	vadd.s32 v6, v46  }
0x881: {  	[tilespmem:s25], [sflag:$0x2] =	stream.indirect_vreg.gather [hbm4b:s15+s4], $0x80, v43, vm0, $0xb8;
	[tilespmem:$0x18C00] =	vst v63  }
0x882: {  	s26 =	simm.s32 $0x7E80;
	v50 =	vperm.xlane v33, v12;
	v49 =	vadd.s32 v6, v48  }
0x883: {  	[tilespmem:s26], [sflag:$0x2] =	stream.indirect_vreg.gather [hbm4b:s15+s4], $0x80, v45, vm0, $0xb8;
	[tilespmem:$0x18C00] =	vst v63  }
0x884: {  	s31 =	simm.s32 $0x7F00;
	v52 =	vperm.xlane v33, v13;
	v51 =	vadd.s32 v6, v50  }
0x885: {  	[tilespmem:s31], [sflag:$0x2] =	stream.indirect_vreg.gather [hbm4b:s15+s4], $0x80, v47, vm0, $0xb8;
	[tilespmem:$0x18C00] =	vst v63  }
0x886: {  	s19 =	simm.s32 $0x7F80;
	v54 =	vperm.xlane v33, v14;
	v53 =	vadd.s32 v6, v52  }
0x887: {  	[tilespmem:s19], [sflag:$0x2] =	stream.indirect_vreg.gather [hbm4b:s15+s4], $0x80, v49, vm0, $0xb8;
	[tilespmem:$0x18C00] =	vst v63  }
0x888: {  	s20 =	simm.s32 $0x8000;
	v56 =	vperm.xlane v33, v15;
	v55 =	vadd.s32 v6, v54  }
0x889: {  	[tilespmem:s20], [sflag:$0x2] =	stream.indirect_vreg.gather [hbm4b:s15+s4], $0x80, v51, vm0, $0xb8;
	[tilespmem:$0x18C00] =	vst v63  }
0x88a: {  	v58 =	vperm.xlane v33, v16;
	v57 =	vadd.s32 v6, v56;
	s21 =	simm.s32 $0x8080  }
0x88b: {  	[tilespmem:s21], [sflag:$0x2] =	stream.indirect_vreg.gather [hbm4b:s15+s4], $0x80, v53, vm0, $0xb8;
	[tilespmem:$0x18C00] =	vst v63  }
0x88c: {  	v60 =	vperm.xlane v33, v17;
	v59 =	vadd.s32 v6, v58;
	s22 =	simm.s32 $0x8100  }
0x88d: {  	[tilespmem:s22], [sflag:$0x2] =	stream.indirect_vreg.gather [hbm4b:s15+s4], $0x80, v55, vm0, $0xb8;
	[tilespmem:$0x18C00] =	vst v63  }
0x88e: {  	v61 =	vadd.s32 v6, v60;
	v62 =	vperm.xlane v33, v18;
	s23 =	simm.s32 $0x8180  }
0x88f: {  	[tilespmem:s23], [sflag:$0x2] =	stream.indirect_vreg.gather [hbm4b:s15+s4], $0x80, v57, vm0, $0xb8;
	[tilespmem:$0x18C00] =	vst v63  }
0x890: {  	v33 =	vperm.xlane v33, v19;
	v63 =	vadd.s32 v6, v62;
	s24 =	simm.s32 $0x8200  }
0x891: {  	[tilespmem:s24], [sflag:$0x2] =	stream.indirect_vreg.gather [hbm4b:s15+s4], $0x80, v59, vm0, $0xb8;
	[tilespmem:$0x18C00] =	vst v63  }
0x892: {  	v33 =	vadd.s32 v6, v33;
	s25 =	simm.s32 $0x8280  }
0x893: {  	[tilespmem:s25], [sflag:$0x2] =	stream.indirect_vreg.gather [hbm4b:s15+s4], $0x80, v61, vm0, $0xb8;
	[tilespmem:$0x18C00] =	vst v63  }
0x894: {  	s26 =	simm.s32 $0x8300  }
0x895: {  	[tilespmem:s26], [sflag:$0x2] =	stream.indirect_vreg.gather [hbm4b:s15+s4], $0x80, v63, vm0, $0xb8;
	[tilespmem:$0x18C00] =	vst v63  }
0x896: {  	s31 =	simm.s32 $0x8380  }
0x897: {  	[tilespmem:s31], [sflag:$0x2] =	stream.indirect_vreg.gather [hbm4b:s15+s4], $0x80, v33, vm0, $0xb8;
	[tilespmem:$0x18C00] =	vst v63  }
.LBB2_7:
0x898: {  	_ =	swait.ge [sflag:s3], $0x4000  }
0x899: {  	[sflag:s3] =	ssyncset.done $0x0  }
0x89a: {  	[sflag:s3] =	ssyncadd.s32 $0xFFFFC000  }
0x89b: {  	v33 =	vld [tilespmem:$0x100];
	_ =	sdelay $0x4  }
0x89c: {  	v34 =	vsub.s32 v33, v24  }
0x89d: {  	v33 =	vand.u32 $0x7F, v33;
	v34 =	vand.u32 $0xFFFFFF80, v34  }
0x89e: {  	v33 =	vor.u32 v33, v34  }
0x89f: {  	v33 =	vadd.s32 v25, v33;
	_ =	sdelay $0x4  }
0x8a0: {  	v33 =	vld.idx.msk [tilespmem:v33+s28+$0x0], $0xffff;
	_ =	sdelay $0x4  }
0x8a1: {  	[tilespmem:s17+$0x18480] =	vst v33  }
0x8a2: {  	v33 =	vld [tilespmem:$0x110];
	_ =	sdelay $0x4  }
0x8a3: {  	v57 =	vsub.s32 v33, v24  }
0x8a4: {  	v33 =	vand.u32 $0x7F, v33;
	v34 =	vand.u32 $0xFFFFFF80, v57  }
0x8a5: {  	v33 =	vor.u32 v33, v34  }
0x8a6: {  	v33 =	vadd.s32 v26, v33;
	_ =	sdelay $0x4  }
0x8a7: {  	v33 =	vld.idx.msk [tilespmem:v33+s28+$0x0], $0xffff;
	_ =	sdelay $0x4  }
0x8a8: {  	[tilespmem:s17+$0x18490] =	vst v33  }
0x8a9: {  	v33 =	vld [tilespmem:$0x120];
	_ =	sdelay $0x4  }
0x8aa: {  	v58 =	vsub.s32 v33, v24  }
0x8ab: {  	v33 =	vand.u32 $0x7F, v33;
	v34 =	vand.u32 $0xFFFFFF80, v58  }
0x8ac: {  	v33 =	vor.u32 v33, v34  }
0x8ad: {  	v33 =	vadd.s32 v27, v33;
	_ =	sdelay $0x4  }
0x8ae: {  	v33 =	vld.idx.msk [tilespmem:v33+s28+$0x0], $0xffff;
	_ =	sdelay $0x4  }
0x8af: {  	[tilespmem:s17+$0x184A0] =	vst v33  }
0x8b0: {  	v33 =	vld [tilespmem:$0x130];
	_ =	sdelay $0x4  }
0x8b1: {  	v59 =	vsub.s32 v33, v24  }
0x8b2: {  	v33 =	vand.u32 $0x7F, v33;
	v34 =	vand.u32 $0xFFFFFF80, v59  }
0x8b3: {  	v33 =	vor.u32 v33, v34  }
0x8b4: {  	v33 =	vadd.s32 v28, v33;
	_ =	sdelay $0x4  }
0x8b5: {  	v33 =	vld.idx.msk [tilespmem:v33+s28+$0x0], $0xffff;
	_ =	sdelay $0x4  }
0x8b6: {  	[tilespmem:s17+$0x184B0] =	vst v33  }
0x8b7: {  	v33 =	vld [tilespmem:$0x140];
	_ =	sdelay $0x4  }
0x8b8: {  	v60 =	vsub.s32 v33, v24  }
0x8b9: {  	v33 =	vand.u32 $0x7F, v33;
	v34 =	vand.u32 $0xFFFFFF80, v60  }
0x8ba: {  	v33 =	vor.u32 v33, v34  }
0x8bb: {  	v33 =	vadd.s32 v29, v33;
	_ =	sdelay $0x4  }
0x8bc: {  	v33 =	vld.idx.msk [tilespmem:v33+s28+$0x0], $0xffff;
	_ =	sdelay $0x4  }
0x8bd: {  	[tilespmem:s17+$0x184C0] =	vst v33  }
0x8be: {  	v33 =	vld [tilespmem:$0x150];
	_ =	sdelay $0x4  }
0x8bf: {  	v61 =	vsub.s32 v33, v24  }
0x8c0: {  	v33 =	vand.u32 $0x7F, v33;
	v34 =	vand.u32 $0xFFFFFF80, v61  }
0x8c1: {  	v33 =	vor.u32 v33, v34  }
0x8c2: {  	v33 =	vadd.s32 v30, v33;
	_ =	sdelay $0x4  }
0x8c3: {  	v33 =	vld.idx.msk [tilespmem:v33+s28+$0x0], $0xffff;
	_ =	sdelay $0x4  }
0x8c4: {  	[tilespmem:s17+$0x184D0] =	vst v33  }
0x8c5: {  	v33 =	vld [tilespmem:$0x160];
	_ =	sdelay $0x4  }
0x8c6: {  	v62 =	vsub.s32 v33, v24  }
0x8c7: {  	v33 =	vand.u32 $0x7F, v33;
	v34 =	vand.u32 $0xFFFFFF80, v62  }
0x8c8: {  	v33 =	vor.u32 v33, v34  }
0x8c9: {  	v33 =	vadd.s32 v31, v33;
	_ =	sdelay $0x4  }
0x8ca: {  	v33 =	vld.idx.msk [tilespmem:v33+s28+$0x0], $0xffff;
	_ =	sdelay $0x4  }
0x8cb: {  	[tilespmem:s17+$0x184E0] =	vst v33  }
0x8cc: {  	v33 =	vld [tilespmem:$0x170];
	_ =	sdelay $0x4  }
0x8cd: {  	v63 =	vsub.s32 v33, v24  }
0x8ce: {  	v33 =	vand.u32 $0x7F, v33;
	v34 =	vand.u32 $0xFFFFFF80, v63  }
0x8cf: {  	v33 =	vor.u32 v33, v34  }
0x8d0: {  	v33 =	vadd.s32 v32, v33;
	_ =	sdelay $0x4  }
0x8d1: {  	v33 =	vld.idx.msk [tilespmem:v33+s28+$0x0], $0xffff  }
.Ltmp7:
0x8d2: {  	_ = 	snop;
	(pc) =	sbr.rel @p0 .LBB2_9-.Ltmp7, $2  }
0x8d3: {  	_ =	sdelay $0x2  }
0x8d4: {  	[tilespmem:s17+$0x184F0] =	vst v33  }
0x8d5: {  	v33 =	vld [tilespmem:$0x0];
	_ =	sdelay $0x2  }
0x8d6: {  	v34 =	vld [tilespmem:$0x10]  }
0x8d7: {  	s18 =	sadd.s32 $0x600, s18;
	v35 =	vld [tilespmem:$0x20]  }
0x8d8: {  	v37 =	vld [tilespmem:$0x30];
	v36 =	vadd.s32 s18, v33  }
0x8d9: {  	v38 =	vld [tilespmem:$0x40];
	v39 =	vshll.u32 v36, $0x2  }
0x8da: {  	v59 =	vld [tilespmem:$0x70];
	v33 =	vand.u32 $0x7, v33;
	v39 =	vand.u32 $0xFFFFFFE0, v39  }
0x8db: {  	v40 =	vld [tilespmem:$0x50];
	v34 =	vadd.s32 s18, v34;
	[tilespmem:$0x300] =	vst v36;
	v33 =	vor.u32 v33, v39  }
0x8dc: {  	v57 =	vld [tilespmem:$0x60];
	v58 =	vadd.s32 s18, v35;
	[tilespmem:$0x310] =	vst v34;
	v39 =	vperm.xlane v33, v4  }
0x8dd: {  	v60 =	vadd.s32 s18, v37;
	[tilespmem:$0x320] =	vst v58  }
0x8de: {  	v61 =	vadd.s32 s18, v38;
	[tilespmem:$0x330] =	vst v60;
	v63 =	vperm.xlane v33, v7;
	v62 =	vadd.s32 v6, v39  }
0x8df: {  	v35 =	vadd.s32 s18, v59;
	[tilespmem:$0x340] =	vst v61  }
0x8e0: {  	[tilespmem:$0x370] =	vst v35;
	v42 =	vperm.xlane v33, v3;
	v39 =	vadd.s32 s18, v40;
	v41 =	vadd.s32 v6, v63  }
0x8e1: {  	v40 =	vadd.s32 s18, v57;
	[tilespmem:$0x350] =	vst v39  }
0x8e2: {  	v44 =	vperm.xlane v33, v8;
	v43 =	vadd.s32 v6, v42;
	[tilespmem:$0x360] =	vst v40  }
0x8e3: {  	[tilespmem:s28], [sflag:$0x3] =	stream.indirect_vreg.gather [hbm4b:s15+s4], $0x80, v62, vm0, $0xb8;
	[tilespmem:$0x18C00] =	vst v63  }
0x8e4: {  	s0 =	simm.s32 $0x8480;
	v45 =	vperm.xlane v33, v9;
	v35 =	vadd.s32 v6, v44  }
0x8e5: {  	[tilespmem:s0], [sflag:$0x3] =	stream.indirect_vreg.gather [hbm4b:s15+s4], $0x80, v41, vm0, $0xb8;
	[tilespmem:$0x18C00] =	vst v63  }
0x8e6: {  	s22 =	simm.s32 $0x8500;
	v47 =	vperm.xlane v33, v10;
	v46 =	vadd.s32 v6, v45  }
0x8e7: {  	[tilespmem:s22], [sflag:$0x3] =	stream.indirect_vreg.gather [hbm4b:s15+s4], $0x80, v43, vm0, $0xb8;
	[tilespmem:$0x18C00] =	vst v63  }
0x8e8: {  	s23 =	simm.s32 $0x8580;
	v49 =	vperm.xlane v33, v11;
	v48 =	vadd.s32 v6, v47  }
0x8e9: {  	[tilespmem:s23], [sflag:$0x3] =	stream.indirect_vreg.gather [hbm4b:s15+s4], $0x80, v35, vm0, $0xb8;
	[tilespmem:$0x18C00] =	vst v63  }
0x8ea: {  	s24 =	simm.s32 $0x8600;
	v51 =	vperm.xlane v33, v2;
	v50 =	vadd.s32 v6, v49  }
0x8eb: {  	[tilespmem:s24], [sflag:$0x3] =	stream.indirect_vreg.gather [hbm4b:s15+s4], $0x80, v46, vm0, $0xb8;
	[tilespmem:$0x18C00] =	vst v63  }
0x8ec: {  	s25 =	simm.s32 $0x8680;
	v53 =	vperm.xlane v33, v12;
	v52 =	vadd.s32 v6, v51  }
0x8ed: {  	[tilespmem:s25], [sflag:$0x3] =	stream.indirect_vreg.gather [hbm4b:s15+s4], $0x80, v48, vm0, $0xb8;
	[tilespmem:$0x18C00] =	vst v63  }
0x8ee: {  	s26 =	simm.s32 $0x8700;
	v55 =	vperm.xlane v33, v13;
	v54 =	vadd.s32 v6, v53  }
0x8ef: {  	[tilespmem:s26], [sflag:$0x3] =	stream.indirect_vreg.gather [hbm4b:s15+s4], $0x80, v50, vm0, $0xb8;
	[tilespmem:$0x18C00] =	vst v63  }
0x8f0: {  	s31 =	simm.s32 $0x8780;
	v56 =	vadd.s32 v6, v55;
	v57 =	vperm.xlane v33, v14  }
0x8f1: {  	[tilespmem:s31], [sflag:$0x3] =	stream.indirect_vreg.gather [hbm4b:s15+s4], $0x80, v52, vm0, $0xb8;
	[tilespmem:$0x18C00] =	vst v63  }
0x8f2: {  	v59 =	vperm.xlane v33, v15;
	s18 =	simm.s32 $0x8800;
	v58 =	vadd.s32 v6, v57  }
0x8f3: {  	[tilespmem:s18], [sflag:$0x3] =	stream.indirect_vreg.gather [hbm4b:s15+s4], $0x80, v54, vm0, $0xb8;
	[tilespmem:$0x18C00] =	vst v63  }
0x8f4: {  	s19 =	simm.s32 $0x8880;
	v61 =	vperm.xlane v33, v16;
	v60 =	vadd.s32 v6, v59  }
0x8f5: {  	[tilespmem:s19], [sflag:$0x3] =	stream.indirect_vreg.gather [hbm4b:s15+s4], $0x80, v56, vm0, $0xb8;
	[tilespmem:$0x18C00] =	vst v63  }
0x8f6: {  	s20 =	simm.s32 $0x8900;
	v63 =	vperm.xlane v33, v17;
	v62 =	vadd.s32 v6, v61  }
0x8f7: {  	[tilespmem:s20], [sflag:$0x3] =	stream.indirect_vreg.gather [hbm4b:s15+s4], $0x80, v58, vm0, $0xb8;
	[tilespmem:$0x18C00] =	vst v63  }
0x8f8: {  	s21 =	simm.s32 $0x8980;
	v40 =	vadd.s32 v6, v63;
	v41 =	vperm.xlane v33, v18  }
0x8f9: {  	[tilespmem:s21], [sflag:$0x3] =	stream.indirect_vreg.gather [hbm4b:s15+s4], $0x80, v60, vm0, $0xb8;
	[tilespmem:$0x18C00] =	vst v63  }
0x8fa: {  	v33 =	vperm.xlane v33, v19;
	v42 =	vadd.s32 v6, v41;
	s22 =	simm.s32 $0x8A00  }
0x8fb: {  	[tilespmem:s22], [sflag:$0x3] =	stream.indirect_vreg.gather [hbm4b:s15+s4], $0x80, v62, vm0, $0xb8;
	[tilespmem:$0x18C00] =	vst v63  }
0x8fc: {  	v33 =	vadd.s32 v6, v33;
	s23 =	simm.s32 $0x8A80  }
0x8fd: {  	[tilespmem:s23], [sflag:$0x3] =	stream.indirect_vreg.gather [hbm4b:s15+s4], $0x80, v40, vm0, $0xb8;
	[tilespmem:$0x18C00] =	vst v63  }
0x8fe: {  	s24 =	simm.s32 $0x8B00  }
0x8ff: {  	[tilespmem:s24], [sflag:$0x3] =	stream.indirect_vreg.gather [hbm4b:s15+s4], $0x80, v42, vm0, $0xb8;
	[tilespmem:$0x18C00] =	vst v63  }
0x900: {  	s25 =	simm.s32 $0x8B80  }
0x901: {  	[tilespmem:s25], [sflag:$0x3] =	stream.indirect_vreg.gather [hbm4b:s15+s4], $0x80, v33, vm0, $0xb8;
	[tilespmem:$0x18C00] =	vst v63  }
0x902: {  	v33 =	vld [tilespmem:$0x310];
	_ =	sdelay $0x4  }
0x903: {  	v43 =	vshll.u32 v33, $0x2  }
0x904: {  	v33 =	vand.u32 $0x7, v33;
	v34 =	vand.u32 $0xFFFFFFE0, v43  }
0x905: {  	v33 =	vor.u32 v33, v34  }
0x906: {  	v34 =	vperm.xlane v33, v4;
	_ =	sdelay $0x1  }
0x907: {  	v44 =	vperm.xlane v33, v7;
	v34 =	vadd.s32 v6, v34;
	_ =	sdelay $0x1  }
0x908: {  	v45 =	vperm.xlane v33, v3;
	v35 =	vadd.s32 v6, v44;
	_ =	sdelay $0x1  }
0x909: {  	s26 =	simm.s32 $0x8C00;
	v46 =	vperm.xlane v33, v8;
	v36 =	vadd.s32 v6, v45  }
0x90a: {  	[tilespmem:s26], [sflag:$0x3] =	stream.indirect_vreg.gather [hbm4b:s15+s4], $0x80, v34, vm0, $0xb8;
	[tilespmem:$0x18C00] =	vst v63  }
0x90b: {  	s31 =	simm.s32 $0x8C80;
	v48 =	vperm.xlane v33, v9;
	v47 =	vadd.s32 v6, v46  }
0x90c: {  	[tilespmem:s31], [sflag:$0x3] =	stream.indirect_vreg.gather [hbm4b:s15+s4], $0x80, v35, vm0, $0xb8;
	[tilespmem:$0x18C00] =	vst v63  }
0x90d: {  	s18 =	simm.s32 $0x8D00;
	v50 =	vperm.xlane v33, v10;
	v49 =	vadd.s32 v6, v48  }
0x90e: {  	[tilespmem:s18], [sflag:$0x3] =	stream.indirect_vreg.gather [hbm4b:s15+s4], $0x80, v36, vm0, $0xb8;
	[tilespmem:$0x18C00] =	vst v63  }
0x90f: {  	s19 =	simm.s32 $0x8D80;
	v52 =	vperm.xlane v33, v11;
	v51 =	vadd.s32 v6, v50  }
0x910: {  	[tilespmem:s19], [sflag:$0x3] =	stream.indirect_vreg.gather [hbm4b:s15+s4], $0x80, v47, vm0, $0xb8;
	[tilespmem:$0x18C00] =	vst v63  }
0x911: {  	s20 =	simm.s32 $0x8E00;
	v54 =	vperm.xlane v33, v2;
	v53 =	vadd.s32 v6, v52  }
0x912: {  	[tilespmem:s20], [sflag:$0x3] =	stream.indirect_vreg.gather [hbm4b:s15+s4], $0x80, v49, vm0, $0xb8;
	[tilespmem:$0x18C00] =	vst v63  }
0x913: {  	s21 =	simm.s32 $0x8E80;
	v56 =	vperm.xlane v33, v12;
	v55 =	vadd.s32 v6, v54  }
0x914: {  	[tilespmem:s21], [sflag:$0x3] =	stream.indirect_vreg.gather [hbm4b:s15+s4], $0x80, v51, vm0, $0xb8;
	[tilespmem:$0x18C00] =	vst v63  }
0x915: {  	s22 =	simm.s32 $0x8F00;
	v58 =	vperm.xlane v33, v13;
	v57 =	vadd.s32 v6, v56  }
0x916: {  	[tilespmem:s22], [sflag:$0x3] =	stream.indirect_vreg.gather [hbm4b:s15+s4], $0x80, v53, vm0, $0xb8;
	[tilespmem:$0x18C00] =	vst v63  }
0x917: {  	s23 =	simm.s32 $0x8F80;
	v60 =	vperm.xlane v33, v14;
	v59 =	vadd.s32 v6, v58  }
0x918: {  	[tilespmem:s23], [sflag:$0x3] =	stream.indirect_vreg.gather [hbm4b:s15+s4], $0x80, v55, vm0, $0xb8;
	[tilespmem:$0x18C00] =	vst v63  }
0x919: {  	s24 =	simm.s32 $0x9000;
	v62 =	vperm.xlane v33, v15;
	v61 =	vadd.s32 v6, v60  }
0x91a: {  	[tilespmem:s24], [sflag:$0x3] =	stream.indirect_vreg.gather [hbm4b:s15+s4], $0x80, v57, vm0, $0xb8;
	[tilespmem:$0x18C00] =	vst v63  }
0x91b: {  	s25 =	simm.s32 $0x9080;
	v40 =	vperm.xlane v33, v16;
	v63 =	vadd.s32 v6, v62  }
0x91c: {  	[tilespmem:s25], [sflag:$0x3] =	stream.indirect_vreg.gather [hbm4b:s15+s4], $0x80, v59, vm0, $0xb8;
	[tilespmem:$0x18C00] =	vst v63  }
0x91d: {  	v42 =	vperm.xlane v33, v17;
	v41 =	vadd.s32 v6, v40;
	s26 =	simm.s32 $0x9100  }
0x91e: {  	[tilespmem:s26], [sflag:$0x3] =	stream.indirect_vreg.gather [hbm4b:s15+s4], $0x80, v61, vm0, $0xb8;
	[tilespmem:$0x18C00] =	vst v63  }
0x91f: {  	v43 =	vadd.s32 v6, v42;
	v44 =	vperm.xlane v33, v18;
	s31 =	simm.s32 $0x9180  }
0x920: {  	[tilespmem:s31], [sflag:$0x3] =	stream.indirect_vreg.gather [hbm4b:s15+s4], $0x80, v63, vm0, $0xb8;
	[tilespmem:$0x18C00] =	vst v63  }
0x921: {  	v33 =	vperm.xlane v33, v19;
	v45 =	vadd.s32 v6, v44;
	s18 =	simm.s32 $0x9200  }
0x922: {  	[tilespmem:s18], [sflag:$0x3] =	stream.indirect_vreg.gather [hbm4b:s15+s4], $0x80, v41, vm0, $0xb8;
	[tilespmem:$0x18C00] =	vst v63  }
0x923: {  	v33 =	vadd.s32 v6, v33;
	s19 =	simm.s32 $0x9280  }
0x924: {  	[tilespmem:s19], [sflag:$0x3] =	stream.indirect_vreg.gather [hbm4b:s15+s4], $0x80, v43, vm0, $0xb8;
	[tilespmem:$0x18C00] =	vst v63  }
0x925: {  	s20 =	simm.s32 $0x9300  }
0x926: {  	[tilespmem:s20], [sflag:$0x3] =	stream.indirect_vreg.gather [hbm4b:s15+s4], $0x80, v45, vm0, $0xb8;
	[tilespmem:$0x18C00] =	vst v63  }
0x927: {  	s21 =	simm.s32 $0x9380  }
0x928: {  	[tilespmem:s21], [sflag:$0x3] =	stream.indirect_vreg.gather [hbm4b:s15+s4], $0x80, v33, vm0, $0xb8;
	[tilespmem:$0x18C00] =	vst v63  }
0x929: {  	v33 =	vld [tilespmem:$0x320];
	_ =	sdelay $0x4  }
0x92a: {  	v46 =	vshll.u32 v33, $0x2  }
0x92b: {  	v33 =	vand.u32 $0x7, v33;
	v34 =	vand.u32 $0xFFFFFFE0, v46  }
0x92c: {  	v33 =	vor.u32 v33, v34  }
0x92d: {  	v34 =	vperm.xlane v33, v4;
	_ =	sdelay $0x1  }
0x92e: {  	v47 =	vperm.xlane v33, v7;
	v34 =	vadd.s32 v6, v34;
	_ =	sdelay $0x1  }
0x92f: {  	v48 =	vperm.xlane v33, v3;
	v35 =	vadd.s32 v6, v47;
	_ =	sdelay $0x1  }
0x930: {  	s22 =	simm.s32 $0x9400;
	v49 =	vperm.xlane v33, v8;
	v36 =	vadd.s32 v6, v48  }
0x931: {  	[tilespmem:s22], [sflag:$0x3] =	stream.indirect_vreg.gather [hbm4b:s15+s4], $0x80, v34, vm0, $0xb8;
	[tilespmem:$0x18C00] =	vst v63  }
0x932: {  	s23 =	simm.s32 $0x9480;
	v51 =	vperm.xlane v33, v9;
	v50 =	vadd.s32 v6, v49  }
0x933: {  	[tilespmem:s23], [sflag:$0x3] =	stream.indirect_vreg.gather [hbm4b:s15+s4], $0x80, v35, vm0, $0xb8;
	[tilespmem:$0x18C00] =	vst v63  }
0x934: {  	s24 =	simm.s32 $0x9500;
	v53 =	vperm.xlane v33, v10;
	v52 =	vadd.s32 v6, v51  }
0x935: {  	[tilespmem:s24], [sflag:$0x3] =	stream.indirect_vreg.gather [hbm4b:s15+s4], $0x80, v36, vm0, $0xb8;
	[tilespmem:$0x18C00] =	vst v63  }
0x936: {  	s25 =	simm.s32 $0x9580;
	v55 =	vperm.xlane v33, v11;
	v54 =	vadd.s32 v6, v53  }
0x937: {  	[tilespmem:s25], [sflag:$0x3] =	stream.indirect_vreg.gather [hbm4b:s15+s4], $0x80, v50, vm0, $0xb8;
	[tilespmem:$0x18C00] =	vst v63  }
0x938: {  	s26 =	simm.s32 $0x9600;
	v57 =	vperm.xlane v33, v2;
	v56 =	vadd.s32 v6, v55  }
0x939: {  	[tilespmem:s26], [sflag:$0x3] =	stream.indirect_vreg.gather [hbm4b:s15+s4], $0x80, v52, vm0, $0xb8;
	[tilespmem:$0x18C00] =	vst v63  }
0x93a: {  	s31 =	simm.s32 $0x9680;
	v59 =	vperm.xlane v33, v12;
	v58 =	vadd.s32 v6, v57  }
0x93b: {  	[tilespmem:s31], [sflag:$0x3] =	stream.indirect_vreg.gather [hbm4b:s15+s4], $0x80, v54, vm0, $0xb8;
	[tilespmem:$0x18C00] =	vst v63  }
0x93c: {  	s18 =	simm.s32 $0x9700;
	v61 =	vperm.xlane v33, v13;
	v60 =	vadd.s32 v6, v59  }
0x93d: {  	[tilespmem:s18], [sflag:$0x3] =	stream.indirect_vreg.gather [hbm4b:s15+s4], $0x80, v56, vm0, $0xb8;
	[tilespmem:$0x18C00] =	vst v63  }
0x93e: {  	s19 =	simm.s32 $0x9780;
	v63 =	vperm.xlane v33, v14;
	v62 =	vadd.s32 v6, v61  }
0x93f: {  	[tilespmem:s19], [sflag:$0x3] =	stream.indirect_vreg.gather [hbm4b:s15+s4], $0x80, v58, vm0, $0xb8;
	[tilespmem:$0x18C00] =	vst v63  }
0x940: {  	s20 =	simm.s32 $0x9800;
	v41 =	vperm.xlane v33, v15;
	v40 =	vadd.s32 v6, v63  }
0x941: {  	[tilespmem:s20], [sflag:$0x3] =	stream.indirect_vreg.gather [hbm4b:s15+s4], $0x80, v60, vm0, $0xb8;
	[tilespmem:$0x18C00] =	vst v63  }
0x942: {  	s21 =	simm.s32 $0x9880;
	v43 =	vperm.xlane v33, v16;
	v42 =	vadd.s32 v6, v41  }
0x943: {  	[tilespmem:s21], [sflag:$0x3] =	stream.indirect_vreg.gather [hbm4b:s15+s4], $0x80, v62, vm0, $0xb8;
	[tilespmem:$0x18C00] =	vst v63  }
0x944: {  	v45 =	vperm.xlane v33, v17;
	v44 =	vadd.s32 v6, v43;
	s22 =	simm.s32 $0x9900  }
0x945: {  	[tilespmem:s22], [sflag:$0x3] =	stream.indirect_vreg.gather [hbm4b:s15+s4], $0x80, v40, vm0, $0xb8;
	[tilespmem:$0x18C00] =	vst v63  }
0x946: {  	v46 =	vadd.s32 v6, v45;
	v47 =	vperm.xlane v33, v18;
	s23 =	simm.s32 $0x9980  }
0x947: {  	[tilespmem:s23], [sflag:$0x3] =	stream.indirect_vreg.gather [hbm4b:s15+s4], $0x80, v42, vm0, $0xb8;
	[tilespmem:$0x18C00] =	vst v63  }
0x948: {  	v33 =	vperm.xlane v33, v19;
	v48 =	vadd.s32 v6, v47;
	s24 =	simm.s32 $0x9A00  }
0x949: {  	[tilespmem:s24], [sflag:$0x3] =	stream.indirect_vreg.gather [hbm4b:s15+s4], $0x80, v44, vm0, $0xb8;
	[tilespmem:$0x18C00] =	vst v63  }
0x94a: {  	v33 =	vadd.s32 v6, v33;
	s25 =	simm.s32 $0x9A80  }
0x94b: {  	[tilespmem:s25], [sflag:$0x3] =	stream.indirect_vreg.gather [hbm4b:s15+s4], $0x80, v46, vm0, $0xb8;
	[tilespmem:$0x18C00] =	vst v63  }
0x94c: {  	s26 =	simm.s32 $0x9B00  }
0x94d: {  	[tilespmem:s26], [sflag:$0x3] =	stream.indirect_vreg.gather [hbm4b:s15+s4], $0x80, v48, vm0, $0xb8;
	[tilespmem:$0x18C00] =	vst v63  }
0x94e: {  	s31 =	simm.s32 $0x9B80  }
0x94f: {  	[tilespmem:s31], [sflag:$0x3] =	stream.indirect_vreg.gather [hbm4b:s15+s4], $0x80, v33, vm0, $0xb8;
	[tilespmem:$0x18C00] =	vst v63  }
0x950: {  	v33 =	vld [tilespmem:$0x330];
	_ =	sdelay $0x4  }
0x951: {  	v49 =	vshll.u32 v33, $0x2  }
0x952: {  	v33 =	vand.u32 $0x7, v33;
	v34 =	vand.u32 $0xFFFFFFE0, v49  }
0x953: {  	v33 =	vor.u32 v33, v34  }
0x954: {  	v34 =	vperm.xlane v33, v4;
	_ =	sdelay $0x1  }
0x955: {  	v50 =	vperm.xlane v33, v7;
	v34 =	vadd.s32 v6, v34;
	_ =	sdelay $0x1  }
0x956: {  	v51 =	vperm.xlane v33, v3;
	v35 =	vadd.s32 v6, v50;
	_ =	sdelay $0x1  }
0x957: {  	s18 =	simm.s32 $0x9C00;
	v52 =	vperm.xlane v33, v8;
	v36 =	vadd.s32 v6, v51  }
0x958: {  	[tilespmem:s18], [sflag:$0x3] =	stream.indirect_vreg.gather [hbm4b:s15+s4], $0x80, v34, vm0, $0xb8;
	[tilespmem:$0x18C00] =	vst v63  }
0x959: {  	s19 =	simm.s32 $0x9C80;
	v54 =	vperm.xlane v33, v9;
	v53 =	vadd.s32 v6, v52  }
0x95a: {  	[tilespmem:s19], [sflag:$0x3] =	stream.indirect_vreg.gather [hbm4b:s15+s4], $0x80, v35, vm0, $0xb8;
	[tilespmem:$0x18C00] =	vst v63  }
0x95b: {  	s20 =	simm.s32 $0x9D00;
	v56 =	vperm.xlane v33, v10;
	v55 =	vadd.s32 v6, v54  }
0x95c: {  	[tilespmem:s20], [sflag:$0x3] =	stream.indirect_vreg.gather [hbm4b:s15+s4], $0x80, v36, vm0, $0xb8;
	[tilespmem:$0x18C00] =	vst v63  }
0x95d: {  	s21 =	simm.s32 $0x9D80;
	v58 =	vperm.xlane v33, v11;
	v57 =	vadd.s32 v6, v56  }
0x95e: {  	[tilespmem:s21], [sflag:$0x3] =	stream.indirect_vreg.gather [hbm4b:s15+s4], $0x80, v53, vm0, $0xb8;
	[tilespmem:$0x18C00] =	vst v63  }
0x95f: {  	s22 =	simm.s32 $0x9E00;
	v60 =	vperm.xlane v33, v2;
	v59 =	vadd.s32 v6, v58  }
0x960: {  	[tilespmem:s22], [sflag:$0x3] =	stream.indirect_vreg.gather [hbm4b:s15+s4], $0x80, v55, vm0, $0xb8;
	[tilespmem:$0x18C00] =	vst v63  }
0x961: {  	s23 =	simm.s32 $0x9E80;
	v62 =	vperm.xlane v33, v12;
	v61 =	vadd.s32 v6, v60  }
0x962: {  	[tilespmem:s23], [sflag:$0x3] =	stream.indirect_vreg.gather [hbm4b:s15+s4], $0x80, v57, vm0, $0xb8;
	[tilespmem:$0x18C00] =	vst v63  }
0x963: {  	s24 =	simm.s32 $0x9F00;
	v40 =	vperm.xlane v33, v13;
	v63 =	vadd.s32 v6, v62  }
0x964: {  	[tilespmem:s24], [sflag:$0x3] =	stream.indirect_vreg.gather [hbm4b:s15+s4], $0x80, v59, vm0, $0xb8;
	[tilespmem:$0x18C00] =	vst v63  }
0x965: {  	s25 =	simm.s32 $0x9F80;
	v42 =	vperm.xlane v33, v14;
	v41 =	vadd.s32 v6, v40  }
0x966: {  	[tilespmem:s25], [sflag:$0x3] =	stream.indirect_vreg.gather [hbm4b:s15+s4], $0x80, v61, vm0, $0xb8;
	[tilespmem:$0x18C00] =	vst v63  }
0x967: {  	s26 =	simm.s32 $0xA000;
	v44 =	vperm.xlane v33, v15;
	v43 =	vadd.s32 v6, v42  }
0x968: {  	[tilespmem:s26], [sflag:$0x3] =	stream.indirect_vreg.gather [hbm4b:s15+s4], $0x80, v63, vm0, $0xb8;
	[tilespmem:$0x18C00] =	vst v63  }
0x969: {  	s31 =	simm.s32 $0xA080;
	v46 =	vperm.xlane v33, v16;
	v45 =	vadd.s32 v6, v44  }
0x96a: {  	[tilespmem:s31], [sflag:$0x3] =	stream.indirect_vreg.gather [hbm4b:s15+s4], $0x80, v41, vm0, $0xb8;
	[tilespmem:$0x18C00] =	vst v63  }
0x96b: {  	v48 =	vperm.xlane v33, v17;
	v47 =	vadd.s32 v6, v46;
	s18 =	simm.s32 $0xA100  }
0x96c: {  	[tilespmem:s18], [sflag:$0x3] =	stream.indirect_vreg.gather [hbm4b:s15+s4], $0x80, v43, vm0, $0xb8;
	[tilespmem:$0x18C00] =	vst v63  }
0x96d: {  	v49 =	vadd.s32 v6, v48;
	v50 =	vperm.xlane v33, v18;
	s19 =	simm.s32 $0xA180  }
0x96e: {  	[tilespmem:s19], [sflag:$0x3] =	stream.indirect_vreg.gather [hbm4b:s15+s4], $0x80, v45, vm0, $0xb8;
	[tilespmem:$0x18C00] =	vst v63  }
0x96f: {  	v33 =	vperm.xlane v33, v19;
	v51 =	vadd.s32 v6, v50;
	s20 =	simm.s32 $0xA200  }
0x970: {  	[tilespmem:s20], [sflag:$0x3] =	stream.indirect_vreg.gather [hbm4b:s15+s4], $0x80, v47, vm0, $0xb8;
	[tilespmem:$0x18C00] =	vst v63  }
0x971: {  	v33 =	vadd.s32 v6, v33;
	s21 =	simm.s32 $0xA280  }
0x972: {  	[tilespmem:s21], [sflag:$0x3] =	stream.indirect_vreg.gather [hbm4b:s15+s4], $0x80, v49, vm0, $0xb8;
	[tilespmem:$0x18C00] =	vst v63  }
0x973: {  	s22 =	simm.s32 $0xA300  }
0x974: {  	[tilespmem:s22], [sflag:$0x3] =	stream.indirect_vreg.gather [hbm4b:s15+s4], $0x80, v51, vm0, $0xb8;
	[tilespmem:$0x18C00] =	vst v63  }
0x975: {  	s23 =	simm.s32 $0xA380  }
0x976: {  	[tilespmem:s23], [sflag:$0x3] =	stream.indirect_vreg.gather [hbm4b:s15+s4], $0x80, v33, vm0, $0xb8;
	[tilespmem:$0x18C00] =	vst v63  }
0x977: {  	v33 =	vld [tilespmem:$0x340];
	_ =	sdelay $0x4  }
0x978: {  	v52 =	vshll.u32 v33, $0x2  }
0x979: {  	v33 =	vand.u32 $0x7, v33;
	v34 =	vand.u32 $0xFFFFFFE0, v52  }
0x97a: {  	v33 =	vor.u32 v33, v34  }
0x97b: {  	v34 =	vperm.xlane v33, v4;
	_ =	sdelay $0x1  }
0x97c: {  	v53 =	vperm.xlane v33, v7;
	v34 =	vadd.s32 v6, v34;
	_ =	sdelay $0x1  }
0x97d: {  	v54 =	vperm.xlane v33, v3;
	v35 =	vadd.s32 v6, v53;
	_ =	sdelay $0x1  }
0x97e: {  	s24 =	simm.s32 $0xA400;
	v55 =	vperm.xlane v33, v8;
	v36 =	vadd.s32 v6, v54  }
0x97f: {  	[tilespmem:s24], [sflag:$0x3] =	stream.indirect_vreg.gather [hbm4b:s15+s4], $0x80, v34, vm0, $0xb8;
	[tilespmem:$0x18C00] =	vst v63  }
0x980: {  	s25 =	simm.s32 $0xA480;
	v57 =	vperm.xlane v33, v9;
	v56 =	vadd.s32 v6, v55  }
0x981: {  	[tilespmem:s25], [sflag:$0x3] =	stream.indirect_vreg.gather [hbm4b:s15+s4], $0x80, v35, vm0, $0xb8;
	[tilespmem:$0x18C00] =	vst v63  }
0x982: {  	s26 =	simm.s32 $0xA500;
	v59 =	vperm.xlane v33, v10;
	v58 =	vadd.s32 v6, v57  }
0x983: {  	[tilespmem:s26], [sflag:$0x3] =	stream.indirect_vreg.gather [hbm4b:s15+s4], $0x80, v36, vm0, $0xb8;
	[tilespmem:$0x18C00] =	vst v63  }
0x984: {  	s31 =	simm.s32 $0xA580;
	v61 =	vperm.xlane v33, v11;
	v60 =	vadd.s32 v6, v59  }
0x985: {  	[tilespmem:s31], [sflag:$0x3] =	stream.indirect_vreg.gather [hbm4b:s15+s4], $0x80, v56, vm0, $0xb8;
	[tilespmem:$0x18C00] =	vst v63  }
0x986: {  	s18 =	simm.s32 $0xA600;
	v63 =	vperm.xlane v33, v2;
	v62 =	vadd.s32 v6, v61  }
0x987: {  	[tilespmem:s18], [sflag:$0x3] =	stream.indirect_vreg.gather [hbm4b:s15+s4], $0x80, v58, vm0, $0xb8;
	[tilespmem:$0x18C00] =	vst v63  }
0x988: {  	s19 =	simm.s32 $0xA680;
	v41 =	vperm.xlane v33, v12;
	v40 =	vadd.s32 v6, v63  }
0x989: {  	[tilespmem:s19], [sflag:$0x3] =	stream.indirect_vreg.gather [hbm4b:s15+s4], $0x80, v60, vm0, $0xb8;
	[tilespmem:$0x18C00] =	vst v63  }
0x98a: {  	s20 =	simm.s32 $0xA700;
	v43 =	vperm.xlane v33, v13;
	v42 =	vadd.s32 v6, v41  }
0x98b: {  	[tilespmem:s20], [sflag:$0x3] =	stream.indirect_vreg.gather [hbm4b:s15+s4], $0x80, v62, vm0, $0xb8;
	[tilespmem:$0x18C00] =	vst v63  }
0x98c: {  	s21 =	simm.s32 $0xA780;
	v45 =	vperm.xlane v33, v14;
	v44 =	vadd.s32 v6, v43  }
0x98d: {  	[tilespmem:s21], [sflag:$0x3] =	stream.indirect_vreg.gather [hbm4b:s15+s4], $0x80, v40, vm0, $0xb8;
	[tilespmem:$0x18C00] =	vst v63  }
0x98e: {  	s22 =	simm.s32 $0xA800;
	v47 =	vperm.xlane v33, v15;
	v46 =	vadd.s32 v6, v45  }
0x98f: {  	[tilespmem:s22], [sflag:$0x3] =	stream.indirect_vreg.gather [hbm4b:s15+s4], $0x80, v42, vm0, $0xb8;
	[tilespmem:$0x18C00] =	vst v63  }
0x990: {  	s23 =	simm.s32 $0xA880;
	v49 =	vperm.xlane v33, v16;
	v48 =	vadd.s32 v6, v47  }
0x991: {  	[tilespmem:s23], [sflag:$0x3] =	stream.indirect_vreg.gather [hbm4b:s15+s4], $0x80, v44, vm0, $0xb8;
	[tilespmem:$0x18C00] =	vst v63  }
0x992: {  	v51 =	vperm.xlane v33, v17;
	v50 =	vadd.s32 v6, v49;
	s24 =	simm.s32 $0xA900  }
0x993: {  	[tilespmem:s24], [sflag:$0x3] =	stream.indirect_vreg.gather [hbm4b:s15+s4], $0x80, v46, vm0, $0xb8;
	[tilespmem:$0x18C00] =	vst v63  }
0x994: {  	v52 =	vadd.s32 v6, v51;
	v53 =	vperm.xlane v33, v18;
	s25 =	simm.s32 $0xA980  }
0x995: {  	[tilespmem:s25], [sflag:$0x3] =	stream.indirect_vreg.gather [hbm4b:s15+s4], $0x80, v48, vm0, $0xb8;
	[tilespmem:$0x18C00] =	vst v63  }
0x996: {  	v33 =	vperm.xlane v33, v19;
	v54 =	vadd.s32 v6, v53;
	s26 =	simm.s32 $0xAA00  }
0x997: {  	[tilespmem:s26], [sflag:$0x3] =	stream.indirect_vreg.gather [hbm4b:s15+s4], $0x80, v50, vm0, $0xb8;
	[tilespmem:$0x18C00] =	vst v63  }
0x998: {  	v33 =	vadd.s32 v6, v33;
	s31 =	simm.s32 $0xAA80  }
0x999: {  	[tilespmem:s31], [sflag:$0x3] =	stream.indirect_vreg.gather [hbm4b:s15+s4], $0x80, v52, vm0, $0xb8;
	[tilespmem:$0x18C00] =	vst v63  }
0x99a: {  	s18 =	simm.s32 $0xAB00  }
0x99b: {  	[tilespmem:s18], [sflag:$0x3] =	stream.indirect_vreg.gather [hbm4b:s15+s4], $0x80, v54, vm0, $0xb8;
	[tilespmem:$0x18C00] =	vst v63  }
0x99c: {  	s19 =	simm.s32 $0xAB80  }
0x99d: {  	[tilespmem:s19], [sflag:$0x3] =	stream.indirect_vreg.gather [hbm4b:s15+s4], $0x80, v33, vm0, $0xb8;
	[tilespmem:$0x18C00] =	vst v63  }
0x99e: {  	v33 =	vld [tilespmem:$0x350];
	_ =	sdelay $0x4  }
0x99f: {  	v55 =	vshll.u32 v33, $0x2  }
0x9a0: {  	v33 =	vand.u32 $0x7, v33;
	v34 =	vand.u32 $0xFFFFFFE0, v55  }
0x9a1: {  	v33 =	vor.u32 v33, v34  }
0x9a2: {  	v34 =	vperm.xlane v33, v4;
	_ =	sdelay $0x1  }
0x9a3: {  	v56 =	vperm.xlane v33, v7;
	v34 =	vadd.s32 v6, v34;
	_ =	sdelay $0x1  }
0x9a4: {  	v57 =	vperm.xlane v33, v3;
	v35 =	vadd.s32 v6, v56;
	_ =	sdelay $0x1  }
0x9a5: {  	s20 =	simm.s32 $0xAC00;
	v58 =	vperm.xlane v33, v8;
	v36 =	vadd.s32 v6, v57  }
0x9a6: {  	[tilespmem:s20], [sflag:$0x3] =	stream.indirect_vreg.gather [hbm4b:s15+s4], $0x80, v34, vm0, $0xb8;
	[tilespmem:$0x18C00] =	vst v63  }
0x9a7: {  	s21 =	simm.s32 $0xAC80;
	v60 =	vperm.xlane v33, v9;
	v59 =	vadd.s32 v6, v58  }
0x9a8: {  	[tilespmem:s21], [sflag:$0x3] =	stream.indirect_vreg.gather [hbm4b:s15+s4], $0x80, v35, vm0, $0xb8;
	[tilespmem:$0x18C00] =	vst v63  }
0x9a9: {  	s22 =	simm.s32 $0xAD00;
	v62 =	vperm.xlane v33, v10;
	v61 =	vadd.s32 v6, v60  }
0x9aa: {  	[tilespmem:s22], [sflag:$0x3] =	stream.indirect_vreg.gather [hbm4b:s15+s4], $0x80, v36, vm0, $0xb8;
	[tilespmem:$0x18C00] =	vst v63  }
0x9ab: {  	s23 =	simm.s32 $0xAD80;
	v40 =	vperm.xlane v33, v11;
	v63 =	vadd.s32 v6, v62  }
0x9ac: {  	[tilespmem:s23], [sflag:$0x3] =	stream.indirect_vreg.gather [hbm4b:s15+s4], $0x80, v59, vm0, $0xb8;
	[tilespmem:$0x18C00] =	vst v63  }
0x9ad: {  	s24 =	simm.s32 $0xAE00;
	v42 =	vperm.xlane v33, v2;
	v41 =	vadd.s32 v6, v40  }
0x9ae: {  	[tilespmem:s24], [sflag:$0x3] =	stream.indirect_vreg.gather [hbm4b:s15+s4], $0x80, v61, vm0, $0xb8;
	[tilespmem:$0x18C00] =	vst v63  }
0x9af: {  	s25 =	simm.s32 $0xAE80;
	v44 =	vperm.xlane v33, v12;
	v43 =	vadd.s32 v6, v42  }
0x9b0: {  	[tilespmem:s25], [sflag:$0x3] =	stream.indirect_vreg.gather [hbm4b:s15+s4], $0x80, v63, vm0, $0xb8;
	[tilespmem:$0x18C00] =	vst v63  }
0x9b1: {  	s26 =	simm.s32 $0xAF00;
	v46 =	vperm.xlane v33, v13;
	v45 =	vadd.s32 v6, v44  }
0x9b2: {  	[tilespmem:s26], [sflag:$0x3] =	stream.indirect_vreg.gather [hbm4b:s15+s4], $0x80, v41, vm0, $0xb8;
	[tilespmem:$0x18C00] =	vst v63  }
0x9b3: {  	s31 =	simm.s32 $0xAF80;
	v48 =	vperm.xlane v33, v14;
	v47 =	vadd.s32 v6, v46  }
0x9b4: {  	[tilespmem:s31], [sflag:$0x3] =	stream.indirect_vreg.gather [hbm4b:s15+s4], $0x80, v43, vm0, $0xb8;
	[tilespmem:$0x18C00] =	vst v63  }
0x9b5: {  	s18 =	simm.s32 $0xB000;
	v50 =	vperm.xlane v33, v15;
	v49 =	vadd.s32 v6, v48  }
0x9b6: {  	[tilespmem:s18], [sflag:$0x3] =	stream.indirect_vreg.gather [hbm4b:s15+s4], $0x80, v45, vm0, $0xb8;
	[tilespmem:$0x18C00] =	vst v63  }
0x9b7: {  	s19 =	simm.s32 $0xB080;
	v52 =	vperm.xlane v33, v16;
	v51 =	vadd.s32 v6, v50  }
0x9b8: {  	[tilespmem:s19], [sflag:$0x3] =	stream.indirect_vreg.gather [hbm4b:s15+s4], $0x80, v47, vm0, $0xb8;
	[tilespmem:$0x18C00] =	vst v63  }
0x9b9: {  	v54 =	vperm.xlane v33, v17;
	v53 =	vadd.s32 v6, v52;
	s20 =	simm.s32 $0xB100  }
0x9ba: {  	[tilespmem:s20], [sflag:$0x3] =	stream.indirect_vreg.gather [hbm4b:s15+s4], $0x80, v49, vm0, $0xb8;
	[tilespmem:$0x18C00] =	vst v63  }
0x9bb: {  	v55 =	vadd.s32 v6, v54;
	v56 =	vperm.xlane v33, v18;
	s21 =	simm.s32 $0xB180  }
0x9bc: {  	[tilespmem:s21], [sflag:$0x3] =	stream.indirect_vreg.gather [hbm4b:s15+s4], $0x80, v51, vm0, $0xb8;
	[tilespmem:$0x18C00] =	vst v63  }
0x9bd: {  	v33 =	vperm.xlane v33, v19;
	v57 =	vadd.s32 v6, v56;
	s22 =	simm.s32 $0xB200  }
0x9be: {  	[tilespmem:s22], [sflag:$0x3] =	stream.indirect_vreg.gather [hbm4b:s15+s4], $0x80, v53, vm0, $0xb8;
	[tilespmem:$0x18C00] =	vst v63  }
0x9bf: {  	v33 =	vadd.s32 v6, v33;
	s23 =	simm.s32 $0xB280  }
0x9c0: {  	[tilespmem:s23], [sflag:$0x3] =	stream.indirect_vreg.gather [hbm4b:s15+s4], $0x80, v55, vm0, $0xb8;
	[tilespmem:$0x18C00] =	vst v63  }
0x9c1: {  	s24 =	simm.s32 $0xB300  }
0x9c2: {  	[tilespmem:s24], [sflag:$0x3] =	stream.indirect_vreg.gather [hbm4b:s15+s4], $0x80, v57, vm0, $0xb8;
	[tilespmem:$0x18C00] =	vst v63  }
0x9c3: {  	s25 =	simm.s32 $0xB380  }
0x9c4: {  	[tilespmem:s25], [sflag:$0x3] =	stream.indirect_vreg.gather [hbm4b:s15+s4], $0x80, v33, vm0, $0xb8;
	[tilespmem:$0x18C00] =	vst v63  }
0x9c5: {  	v33 =	vld [tilespmem:$0x360];
	_ =	sdelay $0x4  }
0x9c6: {  	v58 =	vshll.u32 v33, $0x2  }
0x9c7: {  	v33 =	vand.u32 $0x7, v33;
	v34 =	vand.u32 $0xFFFFFFE0, v58  }
0x9c8: {  	v33 =	vor.u32 v33, v34  }
0x9c9: {  	v34 =	vperm.xlane v33, v4;
	_ =	sdelay $0x1  }
0x9ca: {  	v59 =	vperm.xlane v33, v7;
	v34 =	vadd.s32 v6, v34;
	_ =	sdelay $0x1  }
0x9cb: {  	v60 =	vperm.xlane v33, v3;
	v35 =	vadd.s32 v6, v59;
	_ =	sdelay $0x1  }
0x9cc: {  	s26 =	simm.s32 $0xB400;
	v61 =	vperm.xlane v33, v8;
	v36 =	vadd.s32 v6, v60  }
0x9cd: {  	[tilespmem:s26], [sflag:$0x3] =	stream.indirect_vreg.gather [hbm4b:s15+s4], $0x80, v34, vm0, $0xb8;
	[tilespmem:$0x18C00] =	vst v63  }
0x9ce: {  	s31 =	simm.s32 $0xB480;
	v63 =	vperm.xlane v33, v9;
	v62 =	vadd.s32 v6, v61  }
0x9cf: {  	[tilespmem:s31], [sflag:$0x3] =	stream.indirect_vreg.gather [hbm4b:s15+s4], $0x80, v35, vm0, $0xb8;
	[tilespmem:$0x18C00] =	vst v63  }
0x9d0: {  	s18 =	simm.s32 $0xB500;
	v41 =	vperm.xlane v33, v10;
	v40 =	vadd.s32 v6, v63  }
0x9d1: {  	[tilespmem:s18], [sflag:$0x3] =	stream.indirect_vreg.gather [hbm4b:s15+s4], $0x80, v36, vm0, $0xb8;
	[tilespmem:$0x18C00] =	vst v63  }
0x9d2: {  	s19 =	simm.s32 $0xB580;
	v43 =	vperm.xlane v33, v11;
	v42 =	vadd.s32 v6, v41  }
0x9d3: {  	[tilespmem:s19], [sflag:$0x3] =	stream.indirect_vreg.gather [hbm4b:s15+s4], $0x80, v62, vm0, $0xb8;
	[tilespmem:$0x18C00] =	vst v63  }
0x9d4: {  	s20 =	simm.s32 $0xB600;
	v45 =	vperm.xlane v33, v2;
	v44 =	vadd.s32 v6, v43  }
0x9d5: {  	[tilespmem:s20], [sflag:$0x3] =	stream.indirect_vreg.gather [hbm4b:s15+s4], $0x80, v40, vm0, $0xb8;
	[tilespmem:$0x18C00] =	vst v63  }
0x9d6: {  	s21 =	simm.s32 $0xB680;
	v47 =	vperm.xlane v33, v12;
	v46 =	vadd.s32 v6, v45  }
0x9d7: {  	[tilespmem:s21], [sflag:$0x3] =	stream.indirect_vreg.gather [hbm4b:s15+s4], $0x80, v42, vm0, $0xb8;
	[tilespmem:$0x18C00] =	vst v63  }
0x9d8: {  	s22 =	simm.s32 $0xB700;
	v49 =	vperm.xlane v33, v13;
	v48 =	vadd.s32 v6, v47  }
0x9d9: {  	[tilespmem:s22], [sflag:$0x3] =	stream.indirect_vreg.gather [hbm4b:s15+s4], $0x80, v44, vm0, $0xb8;
	[tilespmem:$0x18C00] =	vst v63  }
0x9da: {  	s23 =	simm.s32 $0xB780;
	v51 =	vperm.xlane v33, v14;
	v50 =	vadd.s32 v6, v49  }
0x9db: {  	[tilespmem:s23], [sflag:$0x3] =	stream.indirect_vreg.gather [hbm4b:s15+s4], $0x80, v46, vm0, $0xb8;
	[tilespmem:$0x18C00] =	vst v63  }
0x9dc: {  	s24 =	simm.s32 $0xB800;
	v53 =	vperm.xlane v33, v15;
	v52 =	vadd.s32 v6, v51  }
0x9dd: {  	[tilespmem:s24], [sflag:$0x3] =	stream.indirect_vreg.gather [hbm4b:s15+s4], $0x80, v48, vm0, $0xb8;
	[tilespmem:$0x18C00] =	vst v63  }
0x9de: {  	s25 =	simm.s32 $0xB880;
	v55 =	vperm.xlane v33, v16;
	v54 =	vadd.s32 v6, v53  }
0x9df: {  	[tilespmem:s25], [sflag:$0x3] =	stream.indirect_vreg.gather [hbm4b:s15+s4], $0x80, v50, vm0, $0xb8;
	[tilespmem:$0x18C00] =	vst v63  }
0x9e0: {  	v57 =	vperm.xlane v33, v17;
	v56 =	vadd.s32 v6, v55;
	s26 =	simm.s32 $0xB900  }
0x9e1: {  	[tilespmem:s26], [sflag:$0x3] =	stream.indirect_vreg.gather [hbm4b:s15+s4], $0x80, v52, vm0, $0xb8;
	[tilespmem:$0x18C00] =	vst v63  }
0x9e2: {  	v58 =	vadd.s32 v6, v57;
	v59 =	vperm.xlane v33, v18;
	s31 =	simm.s32 $0xB980  }
0x9e3: {  	[tilespmem:s31], [sflag:$0x3] =	stream.indirect_vreg.gather [hbm4b:s15+s4], $0x80, v54, vm0, $0xb8;
	[tilespmem:$0x18C00] =	vst v63  }
0x9e4: {  	v33 =	vperm.xlane v33, v19;
	v60 =	vadd.s32 v6, v59;
	s18 =	simm.s32 $0xBA00  }
0x9e5: {  	[tilespmem:s18], [sflag:$0x3] =	stream.indirect_vreg.gather [hbm4b:s15+s4], $0x80, v56, vm0, $0xb8;
	[tilespmem:$0x18C00] =	vst v63  }
0x9e6: {  	v33 =	vadd.s32 v6, v33;
	s19 =	simm.s32 $0xBA80  }
0x9e7: {  	[tilespmem:s19], [sflag:$0x3] =	stream.indirect_vreg.gather [hbm4b:s15+s4], $0x80, v58, vm0, $0xb8;
	[tilespmem:$0x18C00] =	vst v63  }
0x9e8: {  	s20 =	simm.s32 $0xBB00  }
0x9e9: {  	[tilespmem:s20], [sflag:$0x3] =	stream.indirect_vreg.gather [hbm4b:s15+s4], $0x80, v60, vm0, $0xb8;
	[tilespmem:$0x18C00] =	vst v63  }
0x9ea: {  	s21 =	simm.s32 $0xBB80  }
0x9eb: {  	[tilespmem:s21], [sflag:$0x3] =	stream.indirect_vreg.gather [hbm4b:s15+s4], $0x80, v33, vm0, $0xb8;
	[tilespmem:$0x18C00] =	vst v63  }
0x9ec: {  	v33 =	vld [tilespmem:$0x370];
	_ =	sdelay $0x4  }
0x9ed: {  	v61 =	vshll.u32 v33, $0x2  }
0x9ee: {  	v33 =	vand.u32 $0x7, v33;
	v34 =	vand.u32 $0xFFFFFFE0, v61  }
0x9ef: {  	v33 =	vor.u32 v33, v34  }
0x9f0: {  	v34 =	vperm.xlane v33, v4;
	_ =	sdelay $0x1  }
0x9f1: {  	v62 =	vperm.xlane v33, v7;
	v34 =	vadd.s32 v6, v34;
	_ =	sdelay $0x1  }
0x9f2: {  	v63 =	vperm.xlane v33, v3;
	v35 =	vadd.s32 v6, v62;
	_ =	sdelay $0x1  }
0x9f3: {  	s22 =	simm.s32 $0xBC00;
	v40 =	vperm.xlane v33, v8;
	v36 =	vadd.s32 v6, v63  }
0x9f4: {  	[tilespmem:s22], [sflag:$0x3] =	stream.indirect_vreg.gather [hbm4b:s15+s4], $0x80, v34, vm0, $0xb8;
	[tilespmem:$0x18C00] =	vst v63  }
0x9f5: {  	s23 =	simm.s32 $0xBC80;
	v42 =	vperm.xlane v33, v9;
	v41 =	vadd.s32 v6, v40  }
0x9f6: {  	[tilespmem:s23], [sflag:$0x3] =	stream.indirect_vreg.gather [hbm4b:s15+s4], $0x80, v35, vm0, $0xb8;
	[tilespmem:$0x18C00] =	vst v63  }
0x9f7: {  	s24 =	simm.s32 $0xBD00;
	v44 =	vperm.xlane v33, v10;
	v43 =	vadd.s32 v6, v42  }
0x9f8: {  	[tilespmem:s24], [sflag:$0x3] =	stream.indirect_vreg.gather [hbm4b:s15+s4], $0x80, v36, vm0, $0xb8;
	[tilespmem:$0x18C00] =	vst v63  }
0x9f9: {  	s25 =	simm.s32 $0xBD80;
	v46 =	vperm.xlane v33, v11;
	v45 =	vadd.s32 v6, v44  }
0x9fa: {  	[tilespmem:s25], [sflag:$0x3] =	stream.indirect_vreg.gather [hbm4b:s15+s4], $0x80, v41, vm0, $0xb8;
	[tilespmem:$0x18C00] =	vst v63  }
0x9fb: {  	s26 =	simm.s32 $0xBE00;
	v48 =	vperm.xlane v33, v2;
	v47 =	vadd.s32 v6, v46  }
0x9fc: {  	[tilespmem:s26], [sflag:$0x3] =	stream.indirect_vreg.gather [hbm4b:s15+s4], $0x80, v43, vm0, $0xb8;
	[tilespmem:$0x18C00] =	vst v63  }
0x9fd: {  	s31 =	simm.s32 $0xBE80;
	v50 =	vperm.xlane v33, v12;
	v49 =	vadd.s32 v6, v48  }
0x9fe: {  	[tilespmem:s31], [sflag:$0x3] =	stream.indirect_vreg.gather [hbm4b:s15+s4], $0x80, v45, vm0, $0xb8;
	[tilespmem:$0x18C00] =	vst v63  }
0x9ff: {  	s18 =	simm.s32 $0xBF00;
	v52 =	vperm.xlane v33, v13;
	v51 =	vadd.s32 v6, v50  }
0xa00: {  	[tilespmem:s18], [sflag:$0x3] =	stream.indirect_vreg.gather [hbm4b:s15+s4], $0x80, v47, vm0, $0xb8;
	[tilespmem:$0x18C00] =	vst v63  }
0xa01: {  	s19 =	simm.s32 $0xBF80;
	v54 =	vperm.xlane v33, v14;
	v53 =	vadd.s32 v6, v52  }
0xa02: {  	[tilespmem:s19], [sflag:$0x3] =	stream.indirect_vreg.gather [hbm4b:s15+s4], $0x80, v49, vm0, $0xb8;
	[tilespmem:$0x18C00] =	vst v63  }
0xa03: {  	s20 =	simm.s32 $0xC000;
	v56 =	vperm.xlane v33, v15;
	v55 =	vadd.s32 v6, v54  }
0xa04: {  	[tilespmem:s20], [sflag:$0x3] =	stream.indirect_vreg.gather [hbm4b:s15+s4], $0x80, v51, vm0, $0xb8;
	[tilespmem:$0x18C00] =	vst v63  }
0xa05: {  	s21 =	simm.s32 $0xC080;
	v58 =	vperm.xlane v33, v16;
	v57 =	vadd.s32 v6, v56  }
0xa06: {  	[tilespmem:s21], [sflag:$0x3] =	stream.indirect_vreg.gather [hbm4b:s15+s4], $0x80, v53, vm0, $0xb8;
	[tilespmem:$0x18C00] =	vst v63  }
0xa07: {  	v60 =	vperm.xlane v33, v17;
	v59 =	vadd.s32 v6, v58;
	s22 =	simm.s32 $0xC100  }
0xa08: {  	[tilespmem:s22], [sflag:$0x3] =	stream.indirect_vreg.gather [hbm4b:s15+s4], $0x80, v55, vm0, $0xb8;
	[tilespmem:$0x18C00] =	vst v63  }
0xa09: {  	v61 =	vadd.s32 v6, v60;
	s23 =	simm.s32 $0xC180  }
0xa0a: {  	v62 =	vperm.xlane v33, v18;
	[tilespmem:s23], [sflag:$0x3] =	stream.indirect_vreg.gather [hbm4b:s15+s4], $0x80, v57, vm0, $0xb8;
	[tilespmem:$0x18C00] =	vst v63  }
0xa0b: {  	s24 =	simm.s32 $0xC200  }
0xa0c: {  	v33 =	vperm.xlane v33, v19;
	v63 =	vadd.s32 v6, v62;
	[tilespmem:s24], [sflag:$0x3] =	stream.indirect_vreg.gather [hbm4b:s15+s4], $0x80, v59, vm0, $0xb8;
	[tilespmem:$0x18C00] =	vst v63  }
0xa0d: {  	s25 =	simm.s32 $0xC280  }
0xa0e: {  	v33 =	vadd.s32 v6, v33;
	[tilespmem:s25], [sflag:$0x3] =	stream.indirect_vreg.gather [hbm4b:s15+s4], $0x80, v61, vm0, $0xb8;
	[tilespmem:$0x18C00] =	vst v63  }
.Ltmp8:
0xa0f: {  	_ = 	snop;
	(pc) =	sbr.rel .LBB2_9-.Ltmp8, $4  }
0xa10: {  	s26 =	simm.s32 $0xC300  }
0xa11: {  	[tilespmem:s26], [sflag:$0x3] =	stream.indirect_vreg.gather [hbm4b:s15+s4], $0x80, v63, vm0, $0xb8;
	[tilespmem:$0x18C00] =	vst v63  }
0xa12: {  	s31 =	simm.s32 $0xC380  }
0xa13: {  	[tilespmem:s31], [sflag:$0x3] =	stream.indirect_vreg.gather [hbm4b:s15+s4], $0x80, v33, vm0, $0xb8;
	[tilespmem:$0x18C00] =	vst v63  }
.LBB2_10:
0xa14: {  	s26 =	sand.u32 $0xC0, s16  }
0xa15: {  	v24 =	vld [tilespmem:s26+$0x0];
	_ =	sdelay $0x1  }
0xa16: {  	s23 =	sshrl.u32 s18, $0x2  }
0xa17: {  	s17 =	sshll.u32 s23, $0x9  }
0xa18: {  	s24 =	sand.u32 $0x40, s16;
	s31 =	sadd.s32 s5, s17  }
0xa19: {  	s21 =	sand.u32 $0x80, s16;
	s20 =	sor.u32 $0x10, s24;
	v25 =	vadd.s32 s31, v24  }
0xa1a: {  	s25 =	sor.u32 s21, s20;
	[tilespmem:$0x200] =	vst v25  }
0xa1b: {  	v26 =	vld [tilespmem:s25+$0x0];
	_ =	sdelay $0x4  }
0xa1c: {  	s19 =	sor.u32 $0x20, s24;
	v26 =	vadd.s32 s31, v26  }
0xa1d: {  	s22 =	sor.u32 s21, s19;
	[tilespmem:$0x210] =	vst v26  }
0xa1e: {  	v26 =	vld [tilespmem:s22+$0x0];
	_ =	sdelay $0x3  }
0xa1f: {  	v25 =	vshll.u32 v25, $0x2  }
0xa20: {  	s17 =	sor.u32 $0x30, s24;
	v24 =	vand.u32 $0x7, v24;
	v25 =	vand.u32 $0xFFFFFFE0, v25;
	v26 =	vadd.s32 s31, v26  }
0xa21: {  	v54 =	vand.u32 $0x7, v5;
	v55 =	vshrl.u32 v5, $0x3;
	s21 =	sor.u32 s21, s17;
	v24 =	vor.u32 v24, v25;
	[tilespmem:$0x220] =	vst v26  }
0xa22: {  	v28 =	vperm.xlane v24, v54;
	v26 =	vmul.u32 $0x8, v55;
	v27 =	vld [tilespmem:s21+$0x0];
	_ =	sdelay $0x1  }
0xa23: {  	v28 =	vadd.s32 v26, v28  }
0xa24: {  	v29 =	vor.u32 $0x8, v5  }
0xa25: {  	v24 =	vperm.xlane v24, v29  }
0xa26: {  	v27 =	vadd.s32 s31, v27  }
0xa27: {  	v24 =	vadd.s32 v26, v24;
	[tilespmem:$0x230] =	vst v27  }
0xa28: {  	[tilespmem:s29], [sflag:$0x1] =	stream.indirect_vreg.gather [hbm4b:s1+s4], $0x80, v28, vm1, $0xb8;
	[tilespmem:$0x18C00] =	vst v63  }
0xa29: {  	s31 =	rddreg [dreg:$0x4]  }
0xa2a: {  	[tilespmem:s31], [sflag:$0x1] =	stream.indirect_vreg.gather [hbm4b:s6+s4], $0x80, v28, vm1, $0xb8;
	[tilespmem:$0x18C00] =	vst v63  }
0xa2b: {  	s0 =	rddreg [dreg:$0x5]  }
0xa2c: {  	[tilespmem:s0], [sflag:$0x1] =	stream.indirect_vreg.gather [hbm4b:s1+s4], $0x80, v24, vm1, $0xb8;
	[tilespmem:$0x18C00] =	vst v63  }
0xa2d: {  	s31 =	rddreg [dreg:$0x6]  }
0xa2e: {  	[tilespmem:s31], [sflag:$0x1] =	stream.indirect_vreg.gather [hbm4b:s6+s4], $0x80, v24, vm1, $0xb8;
	[tilespmem:$0x18C00] =	vst v63  }
0xa2f: {  	v24 =	vld [tilespmem:$0x210];
	_ =	sdelay $0x4  }
0xa30: {  	v56 =	vshll.u32 v24, $0x2  }
0xa31: {  	v24 =	vand.u32 $0x7, v24;
	v27 =	vand.u32 $0xFFFFFFE0, v56  }
0xa32: {  	v24 =	vor.u32 v24, v27  }
0xa33: {  	v27 =	vperm.xlane v24, v54;
	_ =	sdelay $0x1  }
0xa34: {  	v27 =	vadd.s32 v26, v27;
	_ =	sdelay $0x1  }
0xa35: {  	v24 =	vperm.xlane v24, v29;
	_ =	sdelay $0x1  }
0xa36: {  	s0 =	rddreg [dreg:$0x7];
	v24 =	vadd.s32 v26, v24  }
0xa37: {  	[tilespmem:s0], [sflag:$0x1] =	stream.indirect_vreg.gather [hbm4b:s1+s4], $0x80, v27, vm1, $0xb8;
	[tilespmem:$0x18C00] =	vst v63  }
0xa38: {  	s31 =	rddreg [dreg:$0x8]  }
0xa39: {  	[tilespmem:s31], [sflag:$0x1] =	stream.indirect_vreg.gather [hbm4b:s6+s4], $0x80, v27, vm1, $0xb8;
	[tilespmem:$0x18C00] =	vst v63  }
0xa3a: {  	s0 =	rddreg [dreg:$0x9]  }
0xa3b: {  	[tilespmem:s0], [sflag:$0x1] =	stream.indirect_vreg.gather [hbm4b:s1+s4], $0x80, v24, vm1, $0xb8;
	[tilespmem:$0x18C00] =	vst v63  }
0xa3c: {  	s31 =	rddreg [dreg:$0xa]  }
0xa3d: {  	[tilespmem:s31], [sflag:$0x1] =	stream.indirect_vreg.gather [hbm4b:s6+s4], $0x80, v24, vm1, $0xb8;
	[tilespmem:$0x18C00] =	vst v63  }
0xa3e: {  	v24 =	vld [tilespmem:$0x220];
	_ =	sdelay $0x4  }
0xa3f: {  	v57 =	vshll.u32 v24, $0x2  }
0xa40: {  	v24 =	vand.u32 $0x7, v24;
	v27 =	vand.u32 $0xFFFFFFE0, v57  }
0xa41: {  	v24 =	vor.u32 v24, v27  }
0xa42: {  	v27 =	vperm.xlane v24, v54;
	_ =	sdelay $0x1  }
0xa43: {  	v27 =	vadd.s32 v26, v27;
	_ =	sdelay $0x1  }
0xa44: {  	v24 =	vperm.xlane v24, v29;
	_ =	sdelay $0x1  }
0xa45: {  	s0 =	rddreg [dreg:$0xb];
	v24 =	vadd.s32 v26, v24  }
0xa46: {  	[tilespmem:s0], [sflag:$0x1] =	stream.indirect_vreg.gather [hbm4b:s1+s4], $0x80, v27, vm1, $0xb8;
	[tilespmem:$0x18C00] =	vst v63  }
0xa47: {  	s31 =	rddreg [dreg:$0xc]  }
0xa48: {  	[tilespmem:s31], [sflag:$0x1] =	stream.indirect_vreg.gather [hbm4b:s6+s4], $0x80, v27, vm1, $0xb8;
	[tilespmem:$0x18C00] =	vst v63  }
0xa49: {  	s0 =	rddreg [dreg:$0xd]  }
0xa4a: {  	[tilespmem:s0], [sflag:$0x1] =	stream.indirect_vreg.gather [hbm4b:s1+s4], $0x80, v24, vm1, $0xb8;
	[tilespmem:$0x18C00] =	vst v63  }
0xa4b: {  	s31 =	rddreg [dreg:$0xe]  }
0xa4c: {  	[tilespmem:s31], [sflag:$0x1] =	stream.indirect_vreg.gather [hbm4b:s6+s4], $0x80, v24, vm1, $0xb8;
	[tilespmem:$0x18C00] =	vst v63  }
0xa4d: {  	v24 =	vld [tilespmem:$0x230];
	_ =	sdelay $0x4  }
0xa4e: {  	v58 =	vshll.u32 v24, $0x2  }
0xa4f: {  	v24 =	vand.u32 $0x7, v24;
	v27 =	vand.u32 $0xFFFFFFE0, v58  }
0xa50: {  	v24 =	vor.u32 v24, v27  }
0xa51: {  	v25 =	vperm.xlane v24, v54;
	_ =	sdelay $0x1  }
0xa52: {  	v25 =	vadd.s32 v26, v25;
	_ =	sdelay $0x1  }
0xa53: {  	v24 =	vperm.xlane v24, v29;
	_ =	sdelay $0x1  }
0xa54: {  	s31 =	rddreg [dreg:$0xf];
	v24 =	vadd.s32 v26, v24  }
0xa55: {  	[tilespmem:s31], [sflag:$0x1] =	stream.indirect_vreg.gather [hbm4b:s1+s4], $0x80, v25, vm1, $0xb8;
	[tilespmem:$0x18C00] =	vst v63  }
0xa56: {  	s31 =	simm.s32 $0x16C00  }
0xa57: {  	[tilespmem:s31], [sflag:$0x1] =	stream.indirect_vreg.gather [hbm4b:s6+s4], $0x80, v25, vm1, $0xb8;
	[tilespmem:$0x18C00] =	vst v63  }
0xa58: {  	_ = 	snop  }
0xa59: {  	[tilespmem:s12], [sflag:$0x1] =	stream.indirect_vreg.gather [hbm4b:s1+s4], $0x80, v24, vm1, $0xb8;
	[tilespmem:$0x18C00] =	vst v63  }
0xa5a: {  	_ = 	snop  }
0xa5b: {  	[tilespmem:s13], [sflag:$0x1] =	stream.indirect_vreg.gather [hbm4b:s6+s4], $0x80, v24, vm1, $0xb8;
	[tilespmem:$0x18C00] =	vst v63  }
0xa5c: {  	_ =	swait.ge [sflag:s7], $0x8000  }
0xa5d: {  	[sflag:s7] =	ssyncset.done $0x0  }
0xa5e: {  	[sflag:s7] =	ssyncadd.s32 $0xFFFF8000  }
0xa5f: {  	v59 =	vld [tilespmem:s26+$0x100];
	_ =	sdelay $0x4  }
0xa60: {  	v60 =	vshll.u32 v59, $0x3  }
0xa61: {  	v24 =	vand.u32 $0x7F, v59;
	v25 =	vand.u32 $0xFFFFFC00, v60  }
0xa62: {  	v24 =	vor.u32 v24, v25  }
0xa63: {  	v24 =	vadd.s32 v20, v24;
	_ =	sdelay $0x4  }
0xa64: {  	v24 =	vld.idx.msk [tilespmem:v24+s29+$0x0], $0xffff  }
0xa65: {  	s23 =	sshll.u32 s23, $0x7;
	s26 =	sand.u32 $0x400, s15  }
0xa66: {  	s0 =	sadd.s32 s23, s26  }
0xa67: {  	s0 =	sadd.s32 $0x18400, s0  }
0xa68: {  	s31 =	sor.u32 s24, s0  }
0xa69: {  	[tilespmem:s31+$0x0] =	vst v24  }
0xa6a: {  	v24 =	vld [tilespmem:s25+$0x100];
	_ =	sdelay $0x4  }
0xa6b: {  	v61 =	vshll.u32 v24, $0x3  }
0xa6c: {  	v24 =	vand.u32 $0x7F, v24;
	v25 =	vand.u32 $0xFFFFFC00, v61  }
0xa6d: {  	v24 =	vor.u32 v24, v25  }
0xa6e: {  	v24 =	vadd.s32 v21, v24;
	_ =	sdelay $0x4  }
0xa6f: {  	v24 =	vld.idx.msk [tilespmem:v24+s29+$0x0], $0xffff;
	_ =	sdelay $0x3  }
0xa70: {  	s20 =	sor.u32 s20, s0  }
0xa71: {  	[tilespmem:s20+$0x0] =	vst v24  }
0xa72: {  	v24 =	vld [tilespmem:s22+$0x100];
	_ =	sdelay $0x4  }
0xa73: {  	v62 =	vshll.u32 v24, $0x3  }
0xa74: {  	v24 =	vand.u32 $0x7F, v24;
	v25 =	vand.u32 $0xFFFFFC00, v62  }
0xa75: {  	v24 =	vor.u32 v24, v25  }
0xa76: {  	v24 =	vadd.s32 v22, v24;
	_ =	sdelay $0x4  }
0xa77: {  	v24 =	vld.idx.msk [tilespmem:v24+s29+$0x0], $0xffff;
	_ =	sdelay $0x3  }
0xa78: {  	s19 =	sor.u32 s19, s0  }
0xa79: {  	[tilespmem:s19+$0x0] =	vst v24  }
0xa7a: {  	v24 =	vld [tilespmem:s21+$0x100];
	_ =	sdelay $0x4  }
0xa7b: {  	v63 =	vshll.u32 v24, $0x3  }
0xa7c: {  	v24 =	vand.u32 $0x7F, v24;
	v25 =	vand.u32 $0xFFFFFC00, v63  }
0xa7d: {  	v24 =	vor.u32 v24, v25  }
0xa7e: {  	v24 =	vadd.s32 v23, v24;
	_ =	sdelay $0x4  }
0xa7f: {  	p0 =	sne.s32 s18, $0x1F;
	v24 =	vld.idx.msk [tilespmem:v24+s29+$0x0], $0xffff  }
.Ltmp9:
0xa80: {  	_ = 	snop;
	(pc) =	sbr.rel @p0 .LBB2_10-.Ltmp9, $3  }
0xa81: {  	_ =	sdelay $0x1  }
0xa82: {  	s0 =	sor.u32 s17, s0  }
0xa83: {  	s16 =	sadd.s32 $0x40, s16;
	s18 =	sadd.s32 $0x1, s18;
	s15 =	sadd.s32 $0x200, s15;
	[tilespmem:s0+$0x0] =	vst v24  }
.Ltmp10:
0xa84: {  	_ = 	snop;
	(pc) =	sbr.rel .LBB2_11-.Ltmp10, $1  }
0xa85: {  	_ =	sdelay $0x3  }
.LBB2_12:
0xa86: {  	_ =	sfence.sel $0x180000  }
0xa87: {  	[bflag:$0x0] =	sbarrier.arrive $0xFFFF  }
0xa88: {  	_ =	strace $0x90000047  }
0xa89: {  	s0 =	stileid.u32;
	[bflag:$0x2] =	sbarrier.arrive $0xFFFF  }
0xa8a: {  	p0 =	sne.s32 s0, $0x0;
	s0 =	rddreg [dreg:$0x3]  }
0xa8b: {  	s0 =	sadd.s32 @!p0 $0x100000, s0  }
0xa8c: {  	[sflag:s0] =	ssyncadd.tile.s32 @!p0 $0x1;
	_ =	shalt  }
.Lfunc_end2:
_tile_overlayer_lowered:
.L_overlay_start_2:
0xa8d: {  	(tag) =	ssettag $0x2  }
0xa8e: {  	s0 =	rddreg [dreg:$0x0];
	s2 =	stileid.u32  }
0xa8f: {  	s1 =	rddreg [dreg:$0x1];
	p0 =	sne.s32 s2, $0x0  }
0xa90: {  	s3 =	rddreg [dreg:$0x2];
	[bflag:$0x3] =	sbarrier.arrive $0xFFFF;
	s2 =	simm.s32 @!p0 $0x1C05  }
0xa91: {  	[timem:s3], [sflag:s2] =	dma.local @!p0 [hbm:s0], s1  }
0xa92: {  	s0 =	simm.s32 @!p0 $0x5  }
0xa93: {  	_ =	swait.ge @!p0 [sflag:s0], s1  }
0xa94: {  	s1 =	ssub.s32 @!p0 $0x0, s1;
	[sflag:s0] =	ssyncset.done @!p0 $0x0  }
0xa95: {  	[sflag:s0] =	ssyncadd.s32 @!p0 s1  }
0xa96: {  	[bflag:$0x3] =	sbarrier.arrive $0xFFFF  }
0xa97: {  	_ =	shalt  }

</sc_bundles>
